<compile_context>
chip_gen: v7x
topology: tpu7x:2x2x1
jax: 0.10.2.dev20260603
libtpu: 0.0.44.dev20260713+nightly
codegen_flags: <defaults>
</compile_context>

<pallas_src>
import jax
import jax.numpy as jnp
from jax import lax
from jax.experimental import pallas as pl
from jax.experimental.pallas import tpu as pltpu
from jax.experimental.pallas import tpu_sc as plsc

N_NODES = 10000
N_EDGES = 320000
D = 128


_BM = 1000


def _mlp_body(x_ref, w1_ref, b1_ref, w2_ref, b2_ref, h_ref):
    h1 = jnp.dot(x_ref[...], w1_ref[...], preferred_element_type=jnp.float32)
    h1 = jnp.maximum(h1 + b1_ref[...], 0.0)
    h_ref[...] = (
        jnp.dot(h1, w2_ref[...], preferred_element_type=jnp.float32) + b2_ref[...]
    ).astype(jnp.bfloat16)


def _mlp(x, W1, b1, W2, b2):
    return pl.pallas_call(
        _mlp_body,
        grid=(N_NODES // _BM,),
        in_specs=[
            pl.BlockSpec((_BM, D), lambda i: (i, 0)),
            pl.BlockSpec((D, D), lambda i: (0, 0)),
            pl.BlockSpec((1, D), lambda i: (0, 0)),
            pl.BlockSpec((D, D), lambda i: (0, 0)),
            pl.BlockSpec((1, D), lambda i: (0, 0)),
        ],
        out_specs=pl.BlockSpec((_BM, D), lambda i: (i, 0)),
        out_shape=jax.ShapeDtypeStruct((N_NODES, D), jnp.bfloat16),
    )(x, W1, b1.reshape(1, D), W2, b2.reshape(1, D))



_NC = 2
_NS = 16
_NW = _NC * _NS
_EPW = N_EDGES // _NW
_C = 80
_NCHUNK = _EPW // _C
_G = _C // 16
_KU = 8


def _edge_body(h_hbm, src_hbm, dst_hbm, out_hbm,
               idx_u, idx_v, ru0, rv0, ru1, rv1, outb, hsp, sem0, sem1):
    wid = lax.axis_index("s") * _NC + lax.axis_index("c")
    sid = lax.axis_index("s")
    base = wid * _EPW
    lanes = lax.iota(jnp.int32, 16)

    @pl.when(sid == 0)
    def _():
        pltpu.sync_copy(h_hbm, hsp)

    pltpu.sync_copy(src_hbm.at[wid], idx_u)
    pltpu.sync_copy(dst_hbm.at[wid], idx_v)
    plsc.subcore_barrier()

    def fire(g, ru, rv, sem):
        pltpu.async_copy(hsp.at[idx_u.at[g]], ru, sem)
        pltpu.async_copy(hsp.at[idx_v.at[g]], rv, sem)

    def drain(ru, rv, sem):
        pltpu.make_async_copy(hsp.at[idx_u.at[0]], ru, sem).wait()
        pltpu.make_async_copy(hsp.at[idx_v.at[0]], rv, sem).wait()

    def compute(g, ru, rv):
        def group(gi, carry2):
            res = jnp.zeros((16,), jnp.float32)
            for lane in range(16):
                e = gi * 16 + lane
                acc = jnp.zeros((16,), jnp.float32)
                for k32 in range(D // 32):
                    u = plsc.bitcast(ru[e, pl.ds(k32 * 16, 16)], jnp.bfloat16)
                    v = plsc.bitcast(rv[e, pl.ds(k32 * 16, 16)], jnp.bfloat16)
                    pa, pb = plsc.unpack(u * v, format=plsc.PackFormat.INTERLEAVED)
                    acc = acc + pa + pb
                res = jnp.where(lanes == lane, jnp.sum(acc), res)
            outb[pl.ds(g * _C + gi * 16, 16)] = res
            return carry2

        lax.fori_loop(0, _G, group, 0)

    fire(0, ru0, rv0, sem0)

    def pair(p, carry):
        g0 = p * 2
        fire(g0 + 1, ru1, rv1, sem1)
        drain(ru0, rv0, sem0)
        compute(g0, ru0, rv0)
        fire(g0 + 2, ru0, rv0, sem0)
        drain(ru1, rv1, sem1)
        compute(g0 + 1, ru1, rv1)
        return carry

    lax.fori_loop(0, (_NCHUNK - 1) // 2, pair, 0)
    drain(ru0, rv0, sem0)
    compute(_NCHUNK - 1, ru0, rv0)

    pltpu.sync_copy(outb, out_hbm.at[pl.ds(base, _EPW)])


_edge_dot = pl.kernel(
    _edge_body,
    out_type=jax.ShapeDtypeStruct((N_EDGES,), jnp.float32),
    mesh=plsc.VectorSubcoreMesh(core_axis_name="c", subcore_axis_name="s"),
    compiler_params=pltpu.CompilerParams(
        needs_layout_passes=False, use_tc_tiling_on_sc=False
    ),
    scratch_types=[
        pltpu.VMEM((_NCHUNK, _C), jnp.int32),
        pltpu.VMEM((_NCHUNK, _C), jnp.int32),
        pltpu.VMEM((_C, D // 2), jnp.int32),
        pltpu.VMEM((_C, D // 2), jnp.int32),
        pltpu.VMEM((_C, D // 2), jnp.int32),
        pltpu.VMEM((_C, D // 2), jnp.int32),
        pltpu.VMEM((_EPW,), jnp.float32),
        pltpu.VMEM_SHARED((N_NODES, D // 2), jnp.int32),
        pltpu.SemaphoreType.DMA,
        pltpu.SemaphoreType.DMA,
    ],
)


def kernel(x, edge_index, W1, b1, W2, b2):
    h = _mlp(x, W1, b1, W2, b2)
    h = lax.bitcast_convert_type(h.reshape(N_NODES, D // 2, 2), jnp.int32)
    src = edge_index[0].astype(jnp.int32).reshape(_NW, _NCHUNK, _C)
    dst = edge_index[1].astype(jnp.int32).reshape(_NW, _NCHUNK, _C)
    score = _edge_dot(h, src, dst)
    return score.reshape(N_EDGES, 1)

# --- scband reference (transcript-rebuilt; emitter-appended) ---
"""Pipeline reference for scband-hetero-dot-product-predictor-alt-32392643347024 (READ-ONLY COPY).

The authoritative reference and input builder live on the scoring server;
editing this copy changes nothing except your own understanding.
"""

import jax, jax.numpy as jnp
import numpy as np

N_NODES = 10000
N_EDGES = 320000
D = 128

def setup_inputs(seed: int = 0) -> dict:
    key = jax.random.key(seed)
    k_x, k_ei, k_w1, k_b1, k_w2, k_b2 = jax.random.split(key, 6)
    x = jax.random.normal(k_x, (N_NODES, D), dtype=jnp.float32)
    edge_index = jax.random.randint(k_ei, (2, N_EDGES), 0, N_NODES, dtype=jnp.int64)
    # MLP params for the selected etype's projector: Linear(D,D) -> ReLU -> Linear(D,D)
    lim = 1.0 / np.sqrt(D)
    W1 = jax.random.uniform(k_w1, (D, D), dtype=jnp.float32, minval=-lim, maxval=lim)
    b1 = jax.random.uniform(k_b1, (D,), dtype=jnp.float32, minval=-lim, maxval=lim)
    W2 = jax.random.uniform(k_w2, (D, D), dtype=jnp.float32, minval=-lim, maxval=lim)
    b2 = jax.random.uniform(k_b2, (D,), dtype=jnp.float32, minval=-lim, maxval=lim)
    return {"x": x, "edge_index": edge_index, "W1": W1, "b1": b1, "W2": W2, "b2": b2}

def reference(x, edge_index, W1, b1, W2, b2):
    # etype-specific MLP projection of node features
    h = jnp.maximum(x @ W1 + b1, 0.0) @ W2 + b2
    # apply_edges fn.u_dot_v('h','h','score'): per-edge dot product of src/dst node features
    src = edge_index[0]
    dst = edge_index[1]
    h_u = jnp.take(h, src, axis=0)
    h_v = jnp.take(h, dst, axis=0)
    score = jnp.sum(h_u * h_v, axis=-1, keepdims=True)  # [E, 1], matching DGL u_dot_v
    return score

if __name__ == "__main__":
    import jax
    _d = setup_inputs()
    print(jax.jit(kernel)(*tuple(_d.values())))

</pallas_src>

<mosaic_0001>
#map = affine_map<(d0, d1) -> (0, 0)>
#map1 = affine_map<(d0, d1) -> (0, 0, 0)>
#map2 = affine_map<(d0, d1) -> (0)>
module attributes {stable_mosaic.version = 14 : i64} {
  func.func @_edge_body(%arg0: i32, %arg1: i32, %arg2: memref<10000x64xi32, #tpu.memory_space<hbm>>, %arg3: memref<32x125x80xi32, #tpu.memory_space<hbm>>, %arg4: memref<32x125x80xi32, #tpu.memory_space<hbm>>, %arg5: memref<320000xf32, #tpu.memory_space<hbm>>, %arg6: memref<125x80xi32, #tpu.memory_space<vmem>>, %arg7: memref<125x80xi32, #tpu.memory_space<vmem>>, %arg8: memref<80x64xi32, #tpu.memory_space<vmem>>, %arg9: memref<80x64xi32, #tpu.memory_space<vmem>>, %arg10: memref<80x64xi32, #tpu.memory_space<vmem>>, %arg11: memref<80x64xi32, #tpu.memory_space<vmem>>, %arg12: memref<10000xf32, #tpu.memory_space<vmem>>, %arg13: memref<10000x64xi32, #tpu.memory_space<vmem_shared>>, %arg14: memref<!tpu.dma_semaphore, #tpu.memory_space<semaphore_mem>>, %arg15: memref<!tpu.dma_semaphore, #tpu.memory_space<semaphore_mem>>) attributes {dimension_semantics = [#tpu.dimension_semantics<core_parallel>, #tpu.dimension_semantics<subcore_parallel>], iteration_bounds = array<i64: 2, 16>, scalar_prefetch = 0 : i64, scratch_operands = 10 : i64, tpu.core_type = #tpu.core_type<sc_vector_subcore>, window_params = [{transform_indices = #map}, {transform_indices = #map1}, {transform_indices = #map1}, {transform_indices = #map2}]} {
    %mul3A = arith.constant 2 : i32
    %mul3A_0 = arith.muli %arg1, %mul3A : i32
    %add3A = arith.addi %mul3A_0, %arg0 : i32
    %mul3A_1 = arith.constant 10000 : i32
    %mul3A_2 = arith.muli %add3A, %mul3A_1 : i32
    %iota3A = tpu.iota {dimensions = array<i32: 0>} : vector<16xi32>
    %eq3A = arith.constant 0 : i32
    %eq3A_3 = arith.cmpi eq, %arg1, %eq3A : i32
    %convert_element_type3A = arith.extui %eq3A_3 : i1 to i32
    %cond3A = arith.constant 0 : i32
    %cond3A_4 = arith.cmpi ne, %convert_element_type3A, %cond3A : i32
    scf.if %cond3A_4 {
      "tpu.region"() ({
        %run_scoped3A = tpu.sem_alloc : memref<!tpu.dma_semaphore, #tpu.memory_space<semaphore_mem>>
        tpu.enqueue_dma source(%arg2 : memref<10000x64xi32, #tpu.memory_space<hbm>>) target(%arg13 : memref<10000x64xi32, #tpu.memory_space<vmem_shared>>) target_semaphore(%run_scoped3A : memref<!tpu.dma_semaphore, #tpu.memory_space<semaphore_mem>>)
        tpu.wait_dma2 semaphore(%run_scoped3A : memref<!tpu.dma_semaphore, #tpu.memory_space<semaphore_mem>>) src(%arg2 : memref<10000x64xi32, #tpu.memory_space<hbm>>) dst(%arg13 : memref<10000x64xi32, #tpu.memory_space<vmem_shared>>)
        tpu.yield
      }) : () -> ()
    } else {
    }
    "tpu.region"() ({
      %run_scoped3A = tpu.sem_alloc : memref<!tpu.dma_semaphore, #tpu.memory_space<semaphore_mem>>
      %dma_start3A_42 = arith.constant 0 : i32
      %dma_start3A_43 = arith.constant 0 : i32
      %dma_start3A_44 = tpu.memref_slice %arg3[%add3A, %dma_start3A_42, %dma_start3A_43] : memref<32x125x80xi32, #tpu.memory_space<hbm>> -> memref<1x125x80xi32, #tpu.memory_space<hbm>>
      %dma_start3A_45 = tpu.memref_squeeze %dma_start3A_44 : memref<1x125x80xi32, #tpu.memory_space<hbm>> -> memref<125x80xi32, #tpu.memory_space<hbm>>
      %dma_start3A_46 = arith.constant 0 : i32
      %dma_start3A_47 = arith.constant 0 : i32
      %dma_start3A_48 = tpu.memref_slice %arg3[%add3A, %dma_start3A_46, %dma_start3A_47] : memref<32x125x80xi32, #tpu.memory_space<hbm>> -> memref<1x125x80xi32, #tpu.memory_space<hbm>>
      %dma_start3A_49 = tpu.memref_squeeze %dma_start3A_48 : memref<1x125x80xi32, #tpu.memory_space<hbm>> -> memref<125x80xi32, #tpu.memory_space<hbm>>
      tpu.enqueue_dma source(%dma_start3A_49 : memref<125x80xi32, #tpu.memory_space<hbm>>) target(%arg6 : memref<125x80xi32, #tpu.memory_space<vmem>>) target_semaphore(%run_scoped3A : memref<!tpu.dma_semaphore, #tpu.memory_space<semaphore_mem>>)
      %dma_wait3A_50 = arith.constant 0 : i32
      %dma_wait3A_51 = arith.constant 0 : i32
      %dma_wait3A_52 = tpu.memref_slice %arg3[%add3A, %dma_wait3A_50, %dma_wait3A_51] : memref<32x125x80xi32, #tpu.memory_space<hbm>> -> memref<1x125x80xi32, #tpu.memory_space<hbm>>
      %dma_wait3A_53 = tpu.memref_squeeze %dma_wait3A_52 : memref<1x125x80xi32, #tpu.memory_space<hbm>> -> memref<125x80xi32, #tpu.memory_space<hbm>>
      %dma_wait3A_54 = arith.constant 0 : i32
      %dma_wait3A_55 = arith.constant 0 : i32
      %dma_wait3A_56 = tpu.memref_slice %arg3[%add3A, %dma_wait3A_54, %dma_wait3A_55] : memref<32x125x80xi32, #tpu.memory_space<hbm>> -> memref<1x125x80xi32, #tpu.memory_space<hbm>>
      %dma_wait3A_57 = tpu.memref_squeeze %dma_wait3A_56 : memref<1x125x80xi32, #tpu.memory_space<hbm>> -> memref<125x80xi32, #tpu.memory_space<hbm>>
      tpu.wait_dma2 semaphore(%run_scoped3A : memref<!tpu.dma_semaphore, #tpu.memory_space<semaphore_mem>>) src(%dma_wait3A_57 : memref<125x80xi32, #tpu.memory_space<hbm>>) dst(%arg6 : memref<125x80xi32, #tpu.memory_space<vmem>>)
      tpu.yield
    }) : () -> ()
    "tpu.region"() ({
      %run_scoped3A = tpu.sem_alloc : memref<!tpu.dma_semaphore, #tpu.memory_space<semaphore_mem>>
      %dma_start3A_42 = arith.constant 0 : i32
      %dma_start3A_43 = arith.constant 0 : i32
      %dma_start3A_44 = tpu.memref_slice %arg4[%add3A, %dma_start3A_42, %dma_start3A_43] : memref<32x125x80xi32, #tpu.memory_space<hbm>> -> memref<1x125x80xi32, #tpu.memory_space<hbm>>
      %dma_start3A_45 = tpu.memref_squeeze %dma_start3A_44 : memref<1x125x80xi32, #tpu.memory_space<hbm>> -> memref<125x80xi32, #tpu.memory_space<hbm>>
      %dma_start3A_46 = arith.constant 0 : i32
      %dma_start3A_47 = arith.constant 0 : i32
      %dma_start3A_48 = tpu.memref_slice %arg4[%add3A, %dma_start3A_46, %dma_start3A_47] : memref<32x125x80xi32, #tpu.memory_space<hbm>> -> memref<1x125x80xi32, #tpu.memory_space<hbm>>
      %dma_start3A_49 = tpu.memref_squeeze %dma_start3A_48 : memref<1x125x80xi32, #tpu.memory_space<hbm>> -> memref<125x80xi32, #tpu.memory_space<hbm>>
      tpu.enqueue_dma source(%dma_start3A_49 : memref<125x80xi32, #tpu.memory_space<hbm>>) target(%arg7 : memref<125x80xi32, #tpu.memory_space<vmem>>) target_semaphore(%run_scoped3A : memref<!tpu.dma_semaphore, #tpu.memory_space<semaphore_mem>>)
      %dma_wait3A_50 = arith.constant 0 : i32
      %dma_wait3A_51 = arith.constant 0 : i32
      %dma_wait3A_52 = tpu.memref_slice %arg4[%add3A, %dma_wait3A_50, %dma_wait3A_51] : memref<32x125x80xi32, #tpu.memory_space<hbm>> -> memref<1x125x80xi32, #tpu.memory_space<hbm>>
      %dma_wait3A_53 = tpu.memref_squeeze %dma_wait3A_52 : memref<1x125x80xi32, #tpu.memory_space<hbm>> -> memref<125x80xi32, #tpu.memory_space<hbm>>
      %dma_wait3A_54 = arith.constant 0 : i32
      %dma_wait3A_55 = arith.constant 0 : i32
      %dma_wait3A_56 = tpu.memref_slice %arg4[%add3A, %dma_wait3A_54, %dma_wait3A_55] : memref<32x125x80xi32, #tpu.memory_space<hbm>> -> memref<1x125x80xi32, #tpu.memory_space<hbm>>
      %dma_wait3A_57 = tpu.memref_squeeze %dma_wait3A_56 : memref<1x125x80xi32, #tpu.memory_space<hbm>> -> memref<125x80xi32, #tpu.memory_space<hbm>>
      tpu.wait_dma2 semaphore(%run_scoped3A : memref<!tpu.dma_semaphore, #tpu.memory_space<semaphore_mem>>) src(%dma_wait3A_57 : memref<125x80xi32, #tpu.memory_space<hbm>>) dst(%arg7 : memref<125x80xi32, #tpu.memory_space<vmem>>)
      tpu.yield
    }) : () -> ()
    %barrier3A = arith.constant 0 : index
    tpu.barrier barrier_id(%barrier3A)
    %dma_start3A = arith.constant 0 : i32
    %dma_start3A_5 = arith.constant 0 : i32
    %dma_start3A_6 = tpu.memref_slice %arg6[%dma_start3A, %dma_start3A_5] : memref<125x80xi32, #tpu.memory_space<vmem>> -> memref<1x80xi32, #tpu.memory_space<vmem>>
    %dma_start3A_7 = tpu.memref_squeeze %dma_start3A_6 : memref<1x80xi32, #tpu.memory_space<vmem>> -> memref<80xi32, #tpu.memory_space<vmem>>
    %dma_start3A_8 = arith.constant 0 : i32
    %dma_start3A_9 = arith.constant 0 : i32
    %dma_start3A_10 = tpu.memref_slice %arg13[%dma_start3A_8, %dma_start3A_9] : memref<10000x64xi32, #tpu.memory_space<vmem_shared>> -> memref<10000x64xi32, #tpu.memory_space<vmem_shared>>
    tpu.enqueue_indirect_dma source(%dma_start3A_10 : memref<10000x64xi32, #tpu.memory_space<vmem_shared>>) target(%arg8 : memref<80x64xi32, #tpu.memory_space<vmem>>) offsets(%dma_start3A_7 : memref<80xi32, #tpu.memory_space<vmem>>) semaphore(%arg14 : memref<!tpu.dma_semaphore, #tpu.memory_space<semaphore_mem>>)
    %dma_start3A_11 = arith.constant 0 : i32
    %dma_start3A_12 = arith.constant 0 : i32
    %dma_start3A_13 = tpu.memref_slice %arg7[%dma_start3A_11, %dma_start3A_12] : memref<125x80xi32, #tpu.memory_space<vmem>> -> memref<1x80xi32, #tpu.memory_space<vmem>>
    %dma_start3A_14 = tpu.memref_squeeze %dma_start3A_13 : memref<1x80xi32, #tpu.memory_space<vmem>> -> memref<80xi32, #tpu.memory_space<vmem>>
    %dma_start3A_15 = arith.constant 0 : i32
    %dma_start3A_16 = arith.constant 0 : i32
    %dma_start3A_17 = tpu.memref_slice %arg13[%dma_start3A_15, %dma_start3A_16] : memref<10000x64xi32, #tpu.memory_space<vmem_shared>> -> memref<10000x64xi32, #tpu.memory_space<vmem_shared>>
    tpu.enqueue_indirect_dma source(%dma_start3A_17 : memref<10000x64xi32, #tpu.memory_space<vmem_shared>>) target(%arg9 : memref<80x64xi32, #tpu.memory_space<vmem>>) offsets(%dma_start3A_14 : memref<80xi32, #tpu.memory_space<vmem>>) semaphore(%arg14 : memref<!tpu.dma_semaphore, #tpu.memory_space<semaphore_mem>>)
    %scan3A = arith.constant 0 : i32
    %scan3A_18 = arith.constant 0 : i32
    %scan3A_19 = arith.constant 62 : i32
    %scan3A_20 = arith.addi %scan3A_18, %scan3A_19 : i32
    %scan3A_21 = arith.constant 1 : i32
    scf.for %scan3A_42 = %scan3A_18 to %scan3A_20 step %scan3A_21  : i32 {
      %mul3A_43 = arith.constant 2 : i32
      %mul3A_44 = arith.muli %scan3A_42, %mul3A_43 : i32
      %add3A_45 = arith.constant 1 : i32
      %add3A_46 = arith.addi %mul3A_44, %add3A_45 : i32
      %dma_start3A_47 = arith.constant 0 : i32
      %dma_start3A_48 = tpu.memref_slice %arg6[%add3A_46, %dma_start3A_47] : memref<125x80xi32, #tpu.memory_space<vmem>> -> memref<1x80xi32, #tpu.memory_space<vmem>>
      %dma_start3A_49 = tpu.memref_squeeze %dma_start3A_48 : memref<1x80xi32, #tpu.memory_space<vmem>> -> memref<80xi32, #tpu.memory_space<vmem>>
      %dma_start3A_50 = arith.constant 0 : i32
      %dma_start3A_51 = arith.constant 0 : i32
      %dma_start3A_52 = tpu.memref_slice %arg13[%dma_start3A_50, %dma_start3A_51] : memref<10000x64xi32, #tpu.memory_space<vmem_shared>> -> memref<10000x64xi32, #tpu.memory_space<vmem_shared>>
      tpu.enqueue_indirect_dma source(%dma_start3A_52 : memref<10000x64xi32, #tpu.memory_space<vmem_shared>>) target(%arg10 : memref<80x64xi32, #tpu.memory_space<vmem>>) offsets(%dma_start3A_49 : memref<80xi32, #tpu.memory_space<vmem>>) semaphore(%arg15 : memref<!tpu.dma_semaphore, #tpu.memory_space<semaphore_mem>>)
      %dma_start3A_53 = arith.constant 0 : i32
      %dma_start3A_54 = tpu.memref_slice %arg7[%add3A_46, %dma_start3A_53] : memref<125x80xi32, #tpu.memory_space<vmem>> -> memref<1x80xi32, #tpu.memory_space<vmem>>
      %dma_start3A_55 = tpu.memref_squeeze %dma_start3A_54 : memref<1x80xi32, #tpu.memory_space<vmem>> -> memref<80xi32, #tpu.memory_space<vmem>>
      %dma_start3A_56 = arith.constant 0 : i32
      %dma_start3A_57 = arith.constant 0 : i32
      %dma_start3A_58 = tpu.memref_slice %arg13[%dma_start3A_56, %dma_start3A_57] : memref<10000x64xi32, #tpu.memory_space<vmem_shared>> -> memref<10000x64xi32, #tpu.memory_space<vmem_shared>>
      tpu.enqueue_indirect_dma source(%dma_start3A_58 : memref<10000x64xi32, #tpu.memory_space<vmem_shared>>) target(%arg11 : memref<80x64xi32, #tpu.memory_space<vmem>>) offsets(%dma_start3A_55 : memref<80xi32, #tpu.memory_space<vmem>>) semaphore(%arg15 : memref<!tpu.dma_semaphore, #tpu.memory_space<semaphore_mem>>)
      %dma_wait3A_59 = arith.constant 0 : i32
      %dma_wait3A_60 = arith.constant 0 : i32
      %dma_wait3A_61 = tpu.memref_slice %arg6[%dma_wait3A_59, %dma_wait3A_60] : memref<125x80xi32, #tpu.memory_space<vmem>> -> memref<1x80xi32, #tpu.memory_space<vmem>>
      %dma_wait3A_62 = tpu.memref_squeeze %dma_wait3A_61 : memref<1x80xi32, #tpu.memory_space<vmem>> -> memref<80xi32, #tpu.memory_space<vmem>>
      %dma_wait3A_63 = arith.constant 0 : i32
      %dma_wait3A_64 = arith.constant 0 : i32
      %dma_wait3A_65 = tpu.memref_slice %arg13[%dma_wait3A_63, %dma_wait3A_64] : memref<10000x64xi32, #tpu.memory_space<vmem_shared>> -> memref<10000x64xi32, #tpu.memory_space<vmem_shared>>
      tpu.wait_indirect_dma semaphore(%arg14 : memref<!tpu.dma_semaphore, #tpu.memory_space<semaphore_mem>>) src(%dma_wait3A_65 : memref<10000x64xi32, #tpu.memory_space<vmem_shared>>) dst(%arg8 : memref<80x64xi32, #tpu.memory_space<vmem>>)
      %dma_wait3A_66 = arith.constant 0 : i32
      %dma_wait3A_67 = arith.constant 0 : i32
      %dma_wait3A_68 = tpu.memref_slice %arg7[%dma_wait3A_66, %dma_wait3A_67] : memref<125x80xi32, #tpu.memory_space<vmem>> -> memref<1x80xi32, #tpu.memory_space<vmem>>
      %dma_wait3A_69 = tpu.memref_squeeze %dma_wait3A_68 : memref<1x80xi32, #tpu.memory_space<vmem>> -> memref<80xi32, #tpu.memory_space<vmem>>
      %dma_wait3A_70 = arith.constant 0 : i32
      %dma_wait3A_71 = arith.constant 0 : i32
      %dma_wait3A_72 = tpu.memref_slice %arg13[%dma_wait3A_70, %dma_wait3A_71] : memref<10000x64xi32, #tpu.memory_space<vmem_shared>> -> memref<10000x64xi32, #tpu.memory_space<vmem_shared>>
      tpu.wait_indirect_dma semaphore(%arg14 : memref<!tpu.dma_semaphore, #tpu.memory_space<semaphore_mem>>) src(%dma_wait3A_72 : memref<10000x64xi32, #tpu.memory_space<vmem_shared>>) dst(%arg9 : memref<80x64xi32, #tpu.memory_space<vmem>>)
      %scan3A_73 = arith.constant 0 : i32
      %scan3A_74 = arith.constant 0 : i32
      %scan3A_75 = arith.constant 5 : i32
      %scan3A_76 = arith.addi %scan3A_74, %scan3A_75 : i32
      %scan3A_77 = arith.constant 1 : i32
      scf.for %scan3A_115 = %scan3A_74 to %scan3A_76 step %scan3A_77  : i32 {
        %broadcast_in_dim3A = arith.constant 0.000000e+00 : f32
        %broadcast_in_dim3A_116 = vector.broadcast %broadcast_in_dim3A : f32 to vector<16xf32>
        %mul3A_117 = arith.constant 16 : i32
        %mul3A_118 = arith.muli %scan3A_115, %mul3A_117 : i32
        %add3A_119 = arith.constant 0 : i32
        %add3A_120 = arith.addi %mul3A_118, %add3A_119 : i32
        %broadcast_in_dim3A_121 = arith.constant 0.000000e+00 : f32
        %broadcast_in_dim3A_122 = vector.broadcast %broadcast_in_dim3A_121 : f32 to vector<16xf32>
        %get3A = arith.index_cast %add3A_120 : i32 to index
        %get3A_123 = arith.constant 0 : index
        %get3A_124 = tpu.vector_load %arg8[%get3A, %get3A_123] {strides = array<i32>} : memref<80x64xi32, #tpu.memory_space<vmem>>, vector<16xi32>,
        %bitcast3A = vector.bitcast %get3A_124 : vector<16xi32> to vector<32xbf16>
        %get3A_125 = arith.index_cast %add3A_120 : i32 to index
        %get3A_126 = arith.constant 0 : index
        %get3A_127 = tpu.vector_load %arg9[%get3A_125, %get3A_126] {strides = array<i32>} : memref<80x64xi32, #tpu.memory_space<vmem>>, vector<16xi32>,
        %bitcast3A_128 = vector.bitcast %get3A_127 : vector<16xi32> to vector<32xbf16>
        %mul3A_129 = arith.mulf %bitcast3A, %bitcast3A_128 : vector<32xbf16>
        %unpack3A = tpu.unpack_subelements %mul3A_129, 0 {pack_format = #tpu.pack_format<interleaved>} : vector<32xbf16> -> vector<16xf32>
        %unpack3A_130 = tpu.unpack_subelements %mul3A_129, 1 {pack_format = #tpu.pack_format<interleaved>} : vector<32xbf16> -> vector<16xf32>
        %add3A_131 = arith.addf %broadcast_in_dim3A_122, %unpack3A : vector<16xf32>
        %add3A_132 = arith.addf %add3A_131, %unpack3A_130 : vector<16xf32>
        %get3A_133 = arith.index_cast %add3A_120 : i32 to index
        %get3A_134 = arith.constant 16 : index
        %get3A_135 = tpu.vector_load %arg8[%get3A_133, %get3A_134] {strides = array<i32>} : memref<80x64xi32, #tpu.memory_space<vmem>>, vector<16xi32>,
        %bitcast3A_136 = vector.bitcast %get3A_135 : vector<16xi32> to vector<32xbf16>
        %get3A_137 = arith.index_cast %add3A_120 : i32 to index
        %get3A_138 = arith.constant 16 : index
        %get3A_139 = tpu.vector_load %arg9[%get3A_137, %get3A_138] {strides = array<i32>} : memref<80x64xi32, #tpu.memory_space<vmem>>, vector<16xi32>,
        %bitcast3A_140 = vector.bitcast %get3A_139 : vector<16xi32> to vector<32xbf16>
        %mul3A_141 = arith.mulf %bitcast3A_136, %bitcast3A_140 : vector<32xbf16>
        %unpack3A_142 = tpu.unpack_subelements %mul3A_141, 0 {pack_format = #tpu.pack_format<interleaved>} : vector<32xbf16> -> vector<16xf32>
        %unpack3A_143 = tpu.unpack_subelements %mul3A_141, 1 {pack_format = #tpu.pack_format<interleaved>} : vector<32xbf16> -> vector<16xf32>
        %add3A_144 = arith.addf %add3A_132, %unpack3A_142 : vector<16xf32>
        %add3A_145 = arith.addf %add3A_144, %unpack3A_143 : vector<16xf32>
        %get3A_146 = arith.index_cast %add3A_120 : i32 to index
        %get3A_147 = arith.constant 32 : index
        %get3A_148 = tpu.vector_load %arg8[%get3A_146, %get3A_147] {strides = array<i32>} : memref<80x64xi32, #tpu.memory_space<vmem>>, vector<16xi32>,
        %bitcast3A_149 = vector.bitcast %get3A_148 : vector<16xi32> to vector<32xbf16>
        %get3A_150 = arith.index_cast %add3A_120 : i32 to index
        %get3A_151 = arith.constant 32 : index
        %get3A_152 = tpu.vector_load %arg9[%get3A_150, %get3A_151] {strides = array<i32>} : memref<80x64xi32, #tpu.memory_space<vmem>>, vector<16xi32>,
        %bitcast3A_153 = vector.bitcast %get3A_152 : vector<16xi32> to vector<32xbf16>
        %mul3A_154 = arith.mulf %bitcast3A_149, %bitcast3A_153 : vector<32xbf16>
        %unpack3A_155 = tpu.unpack_subelements %mul3A_154, 0 {pack_format = #tpu.pack_format<interleaved>} : vector<32xbf16> -> vector<16xf32>
        %unpack3A_156 = tpu.unpack_subelements %mul3A_154, 1 {pack_format = #tpu.pack_format<interleaved>} : vector<32xbf16> -> vector<16xf32>
        %add3A_157 = arith.addf %add3A_145, %unpack3A_155 : vector<16xf32>
        %add3A_158 = arith.addf %add3A_157, %unpack3A_156 : vector<16xf32>
        %get3A_159 = arith.index_cast %add3A_120 : i32 to index
        %get3A_160 = arith.constant 48 : index
        %get3A_161 = tpu.vector_load %arg8[%get3A_159, %get3A_160] {strides = array<i32>} : memref<80x64xi32, #tpu.memory_space<vmem>>, vector<16xi32>,
        %bitcast3A_162 = vector.bitcast %get3A_161 : vector<16xi32> to vector<32xbf16>
        %get3A_163 = arith.index_cast %add3A_120 : i32 to index
        %get3A_164 = arith.constant 48 : index
        %get3A_165 = tpu.vector_load %arg9[%get3A_163, %get3A_164] {strides = array<i32>} : memref<80x64xi32, #tpu.memory_space<vmem>>, vector<16xi32>,
        %bitcast3A_166 = vector.bitcast %get3A_165 : vector<16xi32> to vector<32xbf16>
        %mul3A_167 = arith.mulf %bitcast3A_162, %bitcast3A_166 : vector<32xbf16>
        %unpack3A_168 = tpu.unpack_subelements %mul3A_167, 0 {pack_format = #tpu.pack_format<interleaved>} : vector<32xbf16> -> vector<16xf32>
        %unpack3A_169 = tpu.unpack_subelements %mul3A_167, 1 {pack_format = #tpu.pack_format<interleaved>} : vector<32xbf16> -> vector<16xf32>
        %add3A_170 = arith.addf %add3A_158, %unpack3A_168 : vector<16xf32>
        %add3A_171 = arith.addf %add3A_170, %unpack3A_169 : vector<16xf32>
        %eq3A_172 = arith.constant 0 : i32
        %eq3A_173 = vector.broadcast %eq3A_172 : i32 to vector<16xi32>
        %eq3A_174 = arith.cmpi eq, %iota3A, %eq3A_173 : vector<16xi32>
        %reduce_sum3A = arith.constant true
        %reduce_sum3A_175 = vector.broadcast %reduce_sum3A : i1 to vector<16xi1>
        %reduce_sum3A_176 = tpu.scan <sum>, %add3A_171 masked %reduce_sum3A_175 : vector<16xf32>, vector<16xi1> -> vector<16xf32>
        %reduce_sum3A_177 = vector.extract %reduce_sum3A_176[15] : f32 from vector<16xf32>
        %broadcast_in_dim3A_178 = vector.broadcast %reduce_sum3A_177 : f32 to vector<16xf32>
        %select_n3A = arith.select %eq3A_174, %broadcast_in_dim3A_178, %broadcast_in_dim3A_116 : vector<16xi1>, vector<16xf32>
        %mul3A_179 = arith.constant 16 : i32
        %mul3A_180 = arith.muli %scan3A_115, %mul3A_179 : i32
        %add3A_181 = arith.constant 1 : i32
        %add3A_182 = arith.addi %mul3A_180, %add3A_181 : i32
        %broadcast_in_dim3A_183 = arith.constant 0.000000e+00 : f32
        %broadcast_in_dim3A_184 = vector.broadcast %broadcast_in_dim3A_183 : f32 to vector<16xf32>
        %get3A_185 = arith.index_cast %add3A_182 : i32 to index
        %get3A_186 = arith.constant 0 : index
        %get3A_187 = tpu.vector_load %arg8[%get3A_185, %get3A_186] {strides = array<i32>} : memref<80x64xi32, #tpu.memory_space<vmem>>, vector<16xi32>,
        %bitcast3A_188 = vector.bitcast %get3A_187 : vector<16xi32> to vector<32xbf16>
        %get3A_189 = arith.index_cast %add3A_182 : i32 to index
        %get3A_190 = arith.constant 0 : index
        %get3A_191 = tpu.vector_load %arg9[%get3A_189, %get3A_190] {strides = array<i32>} : memref<80x64xi32, #tpu.memory_space<vmem>>, vector<16xi32>,
        %bitcast3A_192 = vector.bitcast %get3A_191 : vector<16xi32> to vector<32xbf16>
        %mul3A_193 = arith.mulf %bitcast3A_188, %bitcast3A_192 : vector<32xbf16>
        %unpack3A_194 = tpu.unpack_subelements %mul3A_193, 0 {pack_format = #tpu.pack_format<interleaved>} : vector<32xbf16> -> vector<16xf32>
        %unpack3A_195 = tpu.unpack_subelements %mul3A_193, 1 {pack_format = #tpu.pack_format<interleaved>} : vector<32xbf16> -> vector<16xf32>
        %add3A_196 = arith.addf %broadcast_in_dim3A_184, %unpack3A_194 : vector<16xf32>
        %add3A_197 = arith.addf %add3A_196, %unpack3A_195 : vector<16xf32>
        %get3A_198 = arith.index_cast %add3A_182 : i32 to index
        %get3A_199 = arith.constant 16 : index
        %get3A_200 = tpu.vector_load %arg8[%get3A_198, %get3A_199] {strides = array<i32>} : memref<80x64xi32, #tpu.memory_space<vmem>>, vector<16xi32>,
        %bitcast3A_201 = vector.bitcast %get3A_200 : vector<16xi32> to vector<32xbf16>
        %get3A_202 = arith.index_cast %add3A_182 : i32 to index
        %get3A_203 = arith.constant 16 : index
        %get3A_204 = tpu.vector_load %arg9[%get3A_202, %get3A_203] {strides = array<i32>} : memref<80x64xi32, #tpu.memory_space<vmem>>, vector<16xi32>,
        %bitcast3A_205 = vector.bitcast %get3A_204 : vector<16xi32> to vector<32xbf16>
        %mul3A_206 = arith.mulf %bitcast3A_201, %bitcast3A_205 : vector<32xbf16>
        %unpack3A_207 = tpu.unpack_subelements %mul3A_206, 0 {pack_format = #tpu.pack_format<interleaved>} : vector<32xbf16> -> vector<16xf32>
        %unpack3A_208 = tpu.unpack_subelements %mul3A_206, 1 {pack_format = #tpu.pack_format<interleaved>} : vector<32xbf16> -> vector<16xf32>
        %add3A_209 = arith.addf %add3A_197, %unpack3A_207 : vector<16xf32>
        %add3A_210 = arith.addf %add3A_209, %unpack3A_208 : vector<16xf32>
        %get3A_211 = arith.index_cast %add3A_182 : i32 to index
        %get3A_212 = arith.constant 32 : index
        %get3A_213 = tpu.vector_load %arg8[%get3A_211, %get3A_212] {strides = array<i32>} : memref<80x64xi32, #tpu.memory_space<vmem>>, vector<16xi32>,
        %bitcast3A_214 = vector.bitcast %get3A_213 : vector<16xi32> to vector<32xbf16>
        %get3A_215 = arith.index_cast %add3A_182 : i32 to index
        %get3A_216 = arith.constant 32 : index
        %get3A_217 = tpu.vector_load %arg9[%get3A_215, %get3A_216] {strides = array<i32>} : memref<80x64xi32, #tpu.memory_space<vmem>>, vector<16xi32>,
        %bitcast3A_218 = vector.bitcast %get3A_217 : vector<16xi32> to vector<32xbf16>
        %mul3A_219 = arith.mulf %bitcast3A_214, %bitcast3A_218 : vector<32xbf16>
        %unpack3A_220 = tpu.unpack_subelements %mul3A_219, 0 {pack_format = #tpu.pack_format<interleaved>} : vector<32xbf16> -> vector<16xf32>
        %unpack3A_221 = tpu.unpack_subelements %mul3A_219, 1 {pack_format = #tpu.pack_format<interleaved>} : vector<32xbf16> -> vector<16xf32>
        %add3A_222 = arith.addf %add3A_210, %unpack3A_220 : vector<16xf32>
        %add3A_223 = arith.addf %add3A_222, %unpack3A_221 : vector<16xf32>
        %get3A_224 = arith.index_cast %add3A_182 : i32 to index
        %get3A_225 = arith.constant 48 : index
        %get3A_226 = tpu.vector_load %arg8[%get3A_224, %get3A_225] {strides = array<i32>} : memref<80x64xi32, #tpu.memory_space<vmem>>, vector<16xi32>,
        %bitcast3A_227 = vector.bitcast %get3A_226 : vector<16xi32> to vector<32xbf16>
        %get3A_228 = arith.index_cast %add3A_182 : i32 to index
        %get3A_229 = arith.constant 48 : index
        %get3A_230 = tpu.vector_load %arg9[%get3A_228, %get3A_229] {strides = array<i32>} : memref<80x64xi32, #tpu.memory_space<vmem>>, vector<16xi32>,
        %bitcast3A_231 = vector.bitcast %get3A_230 : vector<16xi32> to vector<32xbf16>
        %mul3A_232 = arith.mulf %bitcast3A_227, %bitcast3A_231 : vector<32xbf16>
        %unpack3A_233 = tpu.unpack_subelements %mul3A_232, 0 {pack_format = #tpu.pack_format<interleaved>} : vector<32xbf16> -> vector<16xf32>
        %unpack3A_234 = tpu.unpack_subelements %mul3A_232, 1 {pack_format = #tpu.pack_format<interleaved>} : vector<32xbf16> -> vector<16xf32>
        %add3A_235 = arith.addf %add3A_223, %unpack3A_233 : vector<16xf32>
        %add3A_236 = arith.addf %add3A_235, %unpack3A_234 : vector<16xf32>
        %eq3A_237 = arith.constant 1 : i32
        %eq3A_238 = vector.broadcast %eq3A_237 : i32 to vector<16xi32>
        %eq3A_239 = arith.cmpi eq, %iota3A, %eq3A_238 : vector<16xi32>
        %reduce_sum3A_240 = arith.constant true
        %reduce_sum3A_241 = vector.broadcast %reduce_sum3A_240 : i1 to vector<16xi1>
        %reduce_sum3A_242 = tpu.scan <sum>, %add3A_236 masked %reduce_sum3A_241 : vector<16xf32>, vector<16xi1> -> vector<16xf32>
        %reduce_sum3A_243 = vector.extract %reduce_sum3A_242[15] : f32 from vector<16xf32>
        %broadcast_in_dim3A_244 = vector.broadcast %reduce_sum3A_243 : f32 to vector<16xf32>
        %select_n3A_245 = arith.select %eq3A_239, %broadcast_in_dim3A_244, %select_n3A : vector<16xi1>, vector<16xf32>
        %mul3A_246 = arith.constant 16 : i32
        %mul3A_247 = arith.muli %scan3A_115, %mul3A_246 : i32
        %add3A_248 = arith.constant 2 : i32
        %add3A_249 = arith.addi %mul3A_247, %add3A_248 : i32
        %broadcast_in_dim3A_250 = arith.constant 0.000000e+00 : f32
        %broadcast_in_dim3A_251 = vector.broadcast %broadcast_in_dim3A_250 : f32 to vector<16xf32>
        %get3A_252 = arith.index_cast %add3A_249 : i32 to index
        %get3A_253 = arith.constant 0 : index
        %get3A_254 = tpu.vector_load %arg8[%get3A_252, %get3A_253] {strides = array<i32>} : memref<80x64xi32, #tpu.memory_space<vmem>>, vector<16xi32>,
        %bitcast3A_255 = vector.bitcast %get3A_254 : vector<16xi32> to vector<32xbf16>
        %get3A_256 = arith.index_cast %add3A_249 : i32 to index
        %get3A_257 = arith.constant 0 : index
        %get3A_258 = tpu.vector_load %arg9[%get3A_256, %get3A_257] {strides = array<i32>} : memref<80x64xi32, #tpu.memory_space<vmem>>, vector<16xi32>,
        %bitcast3A_259 = vector.bitcast %get3A_258 : vector<16xi32> to vector<32xbf16>
        %mul3A_260 = arith.mulf %bitcast3A_255, %bitcast3A_259 : vector<32xbf16>
        %unpack3A_261 = tpu.unpack_subelements %mul3A_260, 0 {pack_format = #tpu.pack_format<interleaved>} : vector<32xbf16> -> vector<16xf32>
        %unpack3A_262 = tpu.unpack_subelements %mul3A_260, 1 {pack_format = #tpu.pack_format<interleaved>} : vector<32xbf16> -> vector<16xf32>
        %add3A_263 = arith.addf %broadcast_in_dim3A_251, %unpack3A_261 : vector<16xf32>
        %add3A_264 = arith.addf %add3A_263, %unpack3A_262 : vector<16xf32>
        %get3A_265 = arith.index_cast %add3A_249 : i32 to index
        %get3A_266 = arith.constant 16 : index
        %get3A_267 = tpu.vector_load %arg8[%get3A_265, %get3A_266] {strides = array<i32>} : memref<80x64xi32, #tpu.memory_space<vmem>>, vector<16xi32>,
        %bitcast3A_268 = vector.bitcast %get3A_267 : vector<16xi32> to vector<32xbf16>
        %get3A_269 = arith.index_cast %add3A_249 : i32 to index
        %get3A_270 = arith.constant 16 : index
        %get3A_271 = tpu.vector_load %arg9[%get3A_269, %get3A_270] {strides = array<i32>} : memref<80x64xi32, #tpu.memory_space<vmem>>, vector<16xi32>,
        %bitcast3A_272 = vector.bitcast %get3A_271 : vector<16xi32> to vector<32xbf16>
        %mul3A_273 = arith.mulf %bitcast3A_268, %bitcast3A_272 : vector<32xbf16>
        %unpack3A_274 = tpu.unpack_subelements %mul3A_273, 0 {pack_format = #tpu.pack_format<interleaved>} : vector<32xbf16> -> vector<16xf32>
        %unpack3A_275 = tpu.unpack_subelements %mul3A_273, 1 {pack_format = #tpu.pack_format<interleaved>} : vector<32xbf16> -> vector<16xf32>
        %add3A_276 = arith.addf %add3A_264, %unpack3A_274 : vector<16xf32>
        %add3A_277 = arith.addf %add3A_276, %unpack3A_275 : vector<16xf32>
        %get3A_278 = arith.index_cast %add3A_249 : i32 to index
        %get3A_279 = arith.constant 32 : index
        %get3A_280 = tpu.vector_load %arg8[%get3A_278, %get3A_279] {strides = array<i32>} : memref<80x64xi32, #tpu.memory_space<vmem>>, vector<16xi32>,
        %bitcast3A_281 = vector.bitcast %get3A_280 : vector<16xi32> to vector<32xbf16>
        %get3A_282 = arith.index_cast %add3A_249 : i32 to index
        %get3A_283 = arith.constant 32 : index
        %get3A_284 = tpu.vector_load %arg9[%get3A_282, %get3A_283] {strides = array<i32>} : memref<80x64xi32, #tpu.memory_space<vmem>>, vector<16xi32>,
        %bitcast3A_285 = vector.bitcast %get3A_284 : vector<16xi32> to vector<32xbf16>
        %mul3A_286 = arith.mulf %bitcast3A_281, %bitcast3A_285 : vector<32xbf16>
        %unpack3A_287 = tpu.unpack_subelements %mul3A_286, 0 {pack_format = #tpu.pack_format<interleaved>} : vector<32xbf16> -> vector<16xf32>
        %unpack3A_288 = tpu.unpack_subelements %mul3A_286, 1 {pack_format = #tpu.pack_format<interleaved>} : vector<32xbf16> -> vector<16xf32>
        %add3A_289 = arith.addf %add3A_277, %unpack3A_287 : vector<16xf32>
        %add3A_290 = arith.addf %add3A_289, %unpack3A_288 : vector<16xf32>
        %get3A_291 = arith.index_cast %add3A_249 : i32 to index
        %get3A_292 = arith.constant 48 : index
        %get3A_293 = tpu.vector_load %arg8[%get3A_291, %get3A_292] {strides = array<i32>} : memref<80x64xi32, #tpu.memory_space<vmem>>, vector<16xi32>,
        %bitcast3A_294 = vector.bitcast %get3A_293 : vector<16xi32> to vector<32xbf16>
        %get3A_295 = arith.index_cast %add3A_249 : i32 to index
        %get3A_296 = arith.constant 48 : index
        %get3A_297 = tpu.vector_load %arg9[%get3A_295, %get3A_296] {strides = array<i32>} : memref<80x64xi32, #tpu.memory_space<vmem>>, vector<16xi32>,
        %bitcast3A_298 = vector.bitcast %get3A_297 : vector<16xi32> to vector<32xbf16>
        %mul3A_299 = arith.mulf %bitcast3A_294, %bitcast3A_298 : vector<32xbf16>
        %unpack3A_300 = tpu.unpack_subelements %mul3A_299, 0 {pack_format = #tpu.pack_format<interleaved>} : vector<32xbf16> -> vector<16xf32>
        %unpack3A_301 = tpu.unpack_subelements %mul3A_299, 1 {pack_format = #tpu.pack_format<interleaved>} : vector<32xbf16> -> vector<16xf32>
        %add3A_302 = arith.addf %add3A_290, %unpack3A_300 : vector<16xf32>
        %add3A_303 = arith.addf %add3A_302, %unpack3A_301 : vector<16xf32>
        %eq3A_304 = arith.constant 2 : i32
        %eq3A_305 = vector.broadcast %eq3A_304 : i32 to vector<16xi32>
        %eq3A_306 = arith.cmpi eq, %iota3A, %eq3A_305 : vector<16xi32>
        %reduce_sum3A_307 = arith.constant true
        %reduce_sum3A_308 = vector.broadcast %reduce_sum3A_307 : i1 to vector<16xi1>
        %reduce_sum3A_309 = tpu.scan <sum>, %add3A_303 masked %reduce_sum3A_308 : vector<16xf32>, vector<16xi1> -> vector<16xf32>
        %reduce_sum3A_310 = vector.extract %reduce_sum3A_309[15] : f32 from vector<16xf32>
        %broadcast_in_dim3A_311 = vector.broadcast %reduce_sum3A_310 : f32 to vector<16xf32>
        %select_n3A_312 = arith.select %eq3A_306, %broadcast_in_dim3A_311, %select_n3A_245 : vector<16xi1>, vector<16xf32>
        %mul3A_313 = arith.constant 16 : i32
        %mul3A_314 = arith.muli %scan3A_115, %mul3A_313 : i32
        %add3A_315 = arith.constant 3 : i32
        %add3A_316 = arith.addi %mul3A_314, %add3A_315 : i32
        %broadcast_in_dim3A_317 = arith.constant 0.000000e+00 : f32
        %broadcast_in_dim3A_318 = vector.broadcast %broadcast_in_dim3A_317 : f32 to vector<16xf32>
        %get3A_319 = arith.index_cast %add3A_316 : i32 to index
        %get3A_320 = arith.constant 0 : index
        %get3A_321 = tpu.vector_load %arg8[%get3A_319, %get3A_320] {strides = array<i32>} : memref<80x64xi32, #tpu.memory_space<vmem>>, vector<16xi32>,
        %bitcast3A_322 = vector.bitcast %get3A_321 : vector<16xi32> to vector<32xbf16>
        %get3A_323 = arith.index_cast %add3A_316 : i32 to index
        %get3A_324 = arith.constant 0 : index
        %get3A_325 = tpu.vector_load %arg9[%get3A_323, %get3A_324] {strides = array<i32>} : memref<80x64xi32, #tpu.memory_space<vmem>>, vector<16xi32>,
        %bitcast3A_326 = vector.bitcast %get3A_325 : vector<16xi32> to vector<32xbf16>
        %mul3A_327 = arith.mulf %bitcast3A_322, %bitcast3A_326 : vector<32xbf16>
        %unpack3A_328 = tpu.unpack_subelements %mul3A_327, 0 {pack_format = #tpu.pack_format<interleaved>} : vector<32xbf16> -> vector<16xf32>
        %unpack3A_329 = tpu.unpack_subelements %mul3A_327, 1 {pack_format = #tpu.pack_format<interleaved>} : vector<32xbf16> -> vector<16xf32>
        %add3A_330 = arith.addf %broadcast_in_dim3A_318, %unpack3A_328 : vector<16xf32>
        %add3A_331 = arith.addf %add3A_330, %unpack3A_329 : vector<16xf32>
        %get3A_332 = arith.index_cast %add3A_316 : i32 to index
        %get3A_333 = arith.constant 16 : index
        %get3A_334 = tpu.vector_load %arg8[%get3A_332, %get3A_333] {strides = array<i32>} : memref<80x64xi32, #tpu.memory_space<vmem>>, vector<16xi32>,
        %bitcast3A_335 = vector.bitcast %get3A_334 : vector<16xi32> to vector<32xbf16>
        %get3A_336 = arith.index_cast %add3A_316 : i32 to index
        %get3A_337 = arith.constant 16 : index
        %get3A_338 = tpu.vector_load %arg9[%get3A_336, %get3A_337] {strides = array<i32>} : memref<80x64xi32, #tpu.memory_space<vmem>>, vector<16xi32>,
        %bitcast3A_339 = vector.bitcast %get3A_338 : vector<16xi32> to vector<32xbf16>
        %mul3A_340 = arith.mulf %bitcast3A_335, %bitcast3A_339 : vector<32xbf16>
        %unpack3A_341 = tpu.unpack_subelements %mul3A_340, 0 {pack_format = #tpu.pack_format<interleaved>} : vector<32xbf16> -> vector<16xf32>
        %unpack3A_342 = tpu.unpack_subelements %mul3A_340, 1 {pack_format = #tpu.pack_format<interleaved>} : vector<32xbf16> -> vector<16xf32>
        %add3A_343 = arith.addf %add3A_331, %unpack3A_341 : vector<16xf32>
        %add3A_344 = arith.addf %add3A_343, %unpack3A_342 : vector<16xf32>
        %get3A_345 = arith.index_cast %add3A_316 : i32 to index
        %get3A_346 = arith.constant 32 : index
        %get3A_347 = tpu.vector_load %arg8[%get3A_345, %get3A_346] {strides = array<i32>} : memref<80x64xi32, #tpu.memory_space<vmem>>, vector<16xi32>,
        %bitcast3A_348 = vector.bitcast %get3A_347 : vector<16xi32> to vector<32xbf16>
        %get3A_349 = arith.index_cast %add3A_316 : i32 to index
        %get3A_350 = arith.constant 32 : index
        %get3A_351 = tpu.vector_load %arg9[%get3A_349, %get3A_350] {strides = array<i32>} : memref<80x64xi32, #tpu.memory_space<vmem>>, vector<16xi32>,
        %bitcast3A_352 = vector.bitcast %get3A_351 : vector<16xi32> to vector<32xbf16>
        %mul3A_353 = arith.mulf %bitcast3A_348, %bitcast3A_352 : vector<32xbf16>
        %unpack3A_354 = tpu.unpack_subelements %mul3A_353, 0 {pack_format = #tpu.pack_format<interleaved>} : vector<32xbf16> -> vector<16xf32>
        %unpack3A_355 = tpu.unpack_subelements %mul3A_353, 1 {pack_format = #tpu.pack_format<interleaved>} : vector<32xbf16> -> vector<16xf32>
        %add3A_356 = arith.addf %add3A_344, %unpack3A_354 : vector<16xf32>
        %add3A_357 = arith.addf %add3A_356, %unpack3A_355 : vector<16xf32>
        %get3A_358 = arith.index_cast %add3A_316 : i32 to index
        %get3A_359 = arith.constant 48 : index
        %get3A_360 = tpu.vector_load %arg8[%get3A_358, %get3A_359] {strides = array<i32>} : memref<80x64xi32, #tpu.memory_space<vmem>>, vector<16xi32>,
        %bitcast3A_361 = vector.bitcast %get3A_360 : vector<16xi32> to vector<32xbf16>
        %get3A_362 = arith.index_cast %add3A_316 : i32 to index
        %get3A_363 = arith.constant 48 : index
        %get3A_364 = tpu.vector_load %arg9[%get3A_362, %get3A_363] {strides = array<i32>} : memref<80x64xi32, #tpu.memory_space<vmem>>, vector<16xi32>,
        %bitcast3A_365 = vector.bitcast %get3A_364 : vector<16xi32> to vector<32xbf16>
        %mul3A_366 = arith.mulf %bitcast3A_361, %bitcast3A_365 : vector<32xbf16>
        %unpack3A_367 = tpu.unpack_subelements %mul3A_366, 0 {pack_format = #tpu.pack_format<interleaved>} : vector<32xbf16> -> vector<16xf32>
        %unpack3A_368 = tpu.unpack_subelements %mul3A_366, 1 {pack_format = #tpu.pack_format<interleaved>} : vector<32xbf16> -> vector<16xf32>
        %add3A_369 = arith.addf %add3A_357, %unpack3A_367 : vector<16xf32>
        %add3A_370 = arith.addf %add3A_369, %unpack3A_368 : vector<16xf32>
        %eq3A_371 = arith.constant 3 : i32
        %eq3A_372 = vector.broadcast %eq3A_371 : i32 to vector<16xi32>
        %eq3A_373 = arith.cmpi eq, %iota3A, %eq3A_372 : vector<16xi32>
        %reduce_sum3A_374 = arith.constant true
        %reduce_sum3A_375 = vector.broadcast %reduce_sum3A_374 : i1 to vector<16xi1>
        %reduce_sum3A_376 = tpu.scan <sum>, %add3A_370 masked %reduce_sum3A_375 : vector<16xf32>, vector<16xi1> -> vector<16xf32>
        %reduce_sum3A_377 = vector.extract %reduce_sum3A_376[15] : f32 from vector<16xf32>
        %broadcast_in_dim3A_378 = vector.broadcast %reduce_sum3A_377 : f32 to vector<16xf32>
        %select_n3A_379 = arith.select %eq3A_373, %broadcast_in_dim3A_378, %select_n3A_312 : vector<16xi1>, vector<16xf32>
        %mul3A_380 = arith.constant 16 : i32
        %mul3A_381 = arith.muli %scan3A_115, %mul3A_380 : i32
        %add3A_382 = arith.constant 4 : i32
        %add3A_383 = arith.addi %mul3A_381, %add3A_382 : i32
        %broadcast_in_dim3A_384 = arith.constant 0.000000e+00 : f32
        %broadcast_in_dim3A_385 = vector.broadcast %broadcast_in_dim3A_384 : f32 to vector<16xf32>
        %get3A_386 = arith.index_cast %add3A_383 : i32 to index
        %get3A_387 = arith.constant 0 : index
        %get3A_388 = tpu.vector_load %arg8[%get3A_386, %get3A_387] {strides = array<i32>} : memref<80x64xi32, #tpu.memory_space<vmem>>, vector<16xi32>,
        %bitcast3A_389 = vector.bitcast %get3A_388 : vector<16xi32> to vector<32xbf16>
        %get3A_390 = arith.index_cast %add3A_383 : i32 to index
        %get3A_391 = arith.constant 0 : index
        %get3A_392 = tpu.vector_load %arg9[%get3A_390, %get3A_391] {strides = array<i32>} : memref<80x64xi32, #tpu.memory_space<vmem>>, vector<16xi32>,
        %bitcast3A_393 = vector.bitcast %get3A_392 : vector<16xi32> to vector<32xbf16>
        %mul3A_394 = arith.mulf %bitcast3A_389, %bitcast3A_393 : vector<32xbf16>
        %unpack3A_395 = tpu.unpack_subelements %mul3A_394, 0 {pack_format = #tpu.pack_format<interleaved>} : vector<32xbf16> -> vector<16xf32>
        %unpack3A_396 = tpu.unpack_subelements %mul3A_394, 1 {pack_format = #tpu.pack_format<interleaved>} : vector<32xbf16> -> vector<16xf32>
        %add3A_397 = arith.addf %broadcast_in_dim3A_385, %unpack3A_395 : vector<16xf32>
        %add3A_398 = arith.addf %add3A_397, %unpack3A_396 : vector<16xf32>
        %get3A_399 = arith.index_cast %add3A_383 : i32 to index
        %get3A_400 = arith.constant 16 : index
        %get3A_401 = tpu.vector_load %arg8[%get3A_399, %get3A_400] {strides = array<i32>} : memref<80x64xi32, #tpu.memory_space<vmem>>, vector<16xi32>,
        %bitcast3A_402 = vector.bitcast %get3A_401 : vector<16xi32> to vector<32xbf16>
        %get3A_403 = arith.index_cast %add3A_383 : i32 to index
        %get3A_404 = arith.constant 16 : index
        %get3A_405 = tpu.vector_load %arg9[%get3A_403, %get3A_404] {strides = array<i32>} : memref<80x64xi32, #tpu.memory_space<vmem>>, vector<16xi32>,
        %bitcast3A_406 = vector.bitcast %get3A_405 : vector<16xi32> to vector<32xbf16>
        %mul3A_407 = arith.mulf %bitcast3A_402, %bitcast3A_406 : vector<32xbf16>
        %unpack3A_408 = tpu.unpack_subelements %mul3A_407, 0 {pack_format = #tpu.pack_format<interleaved>} : vector<32xbf16> -> vector<16xf32>
        %unpack3A_409 = tpu.unpack_subelements %mul3A_407, 1 {pack_format = #tpu.pack_format<interleaved>} : vector<32xbf16> -> vector<16xf32>
        %add3A_410 = arith.addf %add3A_398, %unpack3A_408 : vector<16xf32>
        %add3A_411 = arith.addf %add3A_410, %unpack3A_409 : vector<16xf32>
        %get3A_412 = arith.index_cast %add3A_383 : i32 to index
        %get3A_413 = arith.constant 32 : index
        %get3A_414 = tpu.vector_load %arg8[%get3A_412, %get3A_413] {strides = array<i32>} : memref<80x64xi32, #tpu.memory_space<vmem>>, vector<16xi32>,
        %bitcast3A_415 = vector.bitcast %get3A_414 : vector<16xi32> to vector<32xbf16>
        %get3A_416 = arith.index_cast %add3A_383 : i32 to index
        %get3A_417 = arith.constant 32 : index
        %get3A_418 = tpu.vector_load %arg9[%get3A_416, %get3A_417] {strides = array<i32>} : memref<80x64xi32, #tpu.memory_space<vmem>>, vector<16xi32>,
        %bitcast3A_419 = vector.bitcast %get3A_418 : vector<16xi32> to vector<32xbf16>
        %mul3A_420 = arith.mulf %bitcast3A_415, %bitcast3A_419 : vector<32xbf16>
        %unpack3A_421 = tpu.unpack_subelements %mul3A_420, 0 {pack_format = #tpu.pack_format<interleaved>} : vector<32xbf16> -> vector<16xf32>
        %unpack3A_422 = tpu.unpack_subelements %mul3A_420, 1 {pack_format = #tpu.pack_format<interleaved>} : vector<32xbf16> -> vector<16xf32>
        %add3A_423 = arith.addf %add3A_411, %unpack3A_421 : vector<16xf32>
        %add3A_424 = arith.addf %add3A_423, %unpack3A_422 : vector<16xf32>
        %get3A_425 = arith.index_cast %add3A_383 : i32 to index
        %get3A_426 = arith.constant 48 : index
        %get3A_427 = tpu.vector_load %arg8[%get3A_425, %get3A_426] {strides = array<i32>} : memref<80x64xi32, #tpu.memory_space<vmem>>, vector<16xi32>,
        %bitcast3A_428 = vector.bitcast %get3A_427 : vector<16xi32> to vector<32xbf16>
        %get3A_429 = arith.index_cast %add3A_383 : i32 to index
        %get3A_430 = arith.constant 48 : index
        %get3A_431 = tpu.vector_load %arg9[%get3A_429, %get3A_430] {strides = array<i32>} : memref<80x64xi32, #tpu.memory_space<vmem>>, vector<16xi32>,
        %bitcast3A_432 = vector.bitcast %get3A_431 : vector<16xi32> to vector<32xbf16>
        %mul3A_433 = arith.mulf %bitcast3A_428, %bitcast3A_432 : vector<32xbf16>
        %unpack3A_434 = tpu.unpack_subelements %mul3A_433, 0 {pack_format = #tpu.pack_format<interleaved>} : vector<32xbf16> -> vector<16xf32>
        %unpack3A_435 = tpu.unpack_subelements %mul3A_433, 1 {pack_format = #tpu.pack_format<interleaved>} : vector<32xbf16> -> vector<16xf32>
        %add3A_436 = arith.addf %add3A_424, %unpack3A_434 : vector<16xf32>
        %add3A_437 = arith.addf %add3A_436, %unpack3A_435 : vector<16xf32>
        %eq3A_438 = arith.constant 4 : i32
        %eq3A_439 = vector.broadcast %eq3A_438 : i32 to vector<16xi32>
        %eq3A_440 = arith.cmpi eq, %iota3A, %eq3A_439 : vector<16xi32>
        %reduce_sum3A_441 = arith.constant true
        %reduce_sum3A_442 = vector.broadcast %reduce_sum3A_441 : i1 to vector<16xi1>
        %reduce_sum3A_443 = tpu.scan <sum>, %add3A_437 masked %reduce_sum3A_442 : vector<16xf32>, vector<16xi1> -> vector<16xf32>
        %reduce_sum3A_444 = vector.extract %reduce_sum3A_443[15] : f32 from vector<16xf32>
        %broadcast_in_dim3A_445 = vector.broadcast %reduce_sum3A_444 : f32 to vector<16xf32>
        %select_n3A_446 = arith.select %eq3A_440, %broadcast_in_dim3A_445, %select_n3A_379 : vector<16xi1>, vector<16xf32>
        %mul3A_447 = arith.constant 16 : i32
        %mul3A_448 = arith.muli %scan3A_115, %mul3A_447 : i32
        %add3A_449 = arith.constant 5 : i32
        %add3A_450 = arith.addi %mul3A_448, %add3A_449 : i32
        %broadcast_in_dim3A_451 = arith.constant 0.000000e+00 : f32
        %broadcast_in_dim3A_452 = vector.broadcast %broadcast_in_dim3A_451 : f32 to vector<16xf32>
        %get3A_453 = arith.index_cast %add3A_450 : i32 to index
        %get3A_454 = arith.constant 0 : index
        %get3A_455 = tpu.vector_load %arg8[%get3A_453, %get3A_454] {strides = array<i32>} : memref<80x64xi32, #tpu.memory_space<vmem>>, vector<16xi32>,
        %bitcast3A_456 = vector.bitcast %get3A_455 : vector<16xi32> to vector<32xbf16>
        %get3A_457 = arith.index_cast %add3A_450 : i32 to index
        %get3A_458 = arith.constant 0 : index
        %get3A_459 = tpu.vector_load %arg9[%get3A_457, %get3A_458] {strides = array<i32>} : memref<80x64xi32, #tpu.memory_space<vmem>>, vector<16xi32>,
        %bitcast3A_460 = vector.bitcast %get3A_459 : vector<16xi32> to vector<32xbf16>
        %mul3A_461 = arith.mulf %bitcast3A_456, %bitcast3A_460 : vector<32xbf16>
        %unpack3A_462 = tpu.unpack_subelements %mul3A_461, 0 {pack_format = #tpu.pack_format<interleaved>} : vector<32xbf16> -> vector<16xf32>
        %unpack3A_463 = tpu.unpack_subelements %mul3A_461, 1 {pack_format = #tpu.pack_format<interleaved>} : vector<32xbf16> -> vector<16xf32>
        %add3A_464 = arith.addf %broadcast_in_dim3A_452, %unpack3A_462 : vector<16xf32>
        %add3A_465 = arith.addf %add3A_464, %unpack3A_463 : vector<16xf32>
        %get3A_466 = arith.index_cast %add3A_450 : i32 to index
        %get3A_467 = arith.constant 16 : index
        %get3A_468 = tpu.vector_load %arg8[%get3A_466, %get3A_467] {strides = array<i32>} : memref<80x64xi32, #tpu.memory_space<vmem>>, vector<16xi32>,
        %bitcast3A_469 = vector.bitcast %get3A_468 : vector<16xi32> to vector<32xbf16>
        %get3A_470 = arith.index_cast %add3A_450 : i32 to index
        %get3A_471 = arith.constant 16 : index
        %get3A_472 = tpu.vector_load %arg9[%get3A_470, %get3A_471] {strides = array<i32>} : memref<80x64xi32, #tpu.memory_space<vmem>>, vector<16xi32>,
        %bitcast3A_473 = vector.bitcast %get3A_472 : vector<16xi32> to vector<32xbf16>
        %mul3A_474 = arith.mulf %bitcast3A_469, %bitcast3A_473 : vector<32xbf16>
        %unpack3A_475 = tpu.unpack_subelements %mul3A_474, 0 {pack_format = #tpu.pack_format<interleaved>} : vector<32xbf16> -> vector<16xf32>
        %unpack3A_476 = tpu.unpack_subelements %mul3A_474, 1 {pack_format = #tpu.pack_format<interleaved>} : vector<32xbf16> -> vector<16xf32>
        %add3A_477 = arith.addf %add3A_465, %unpack3A_475 : vector<16xf32>
        %add3A_478 = arith.addf %add3A_477, %unpack3A_476 : vector<16xf32>
        %get3A_479 = arith.index_cast %add3A_450 : i32 to index
        %get3A_480 = arith.constant 32 : index
        %get3A_481 = tpu.vector_load %arg8[%get3A_479, %get3A_480] {strides = array<i32>} : memref<80x64xi32, #tpu.memory_space<vmem>>, vector<16xi32>,
        %bitcast3A_482 = vector.bitcast %get3A_481 : vector<16xi32> to vector<32xbf16>
        %get3A_483 = arith.index_cast %add3A_450 : i32 to index
        %get3A_484 = arith.constant 32 : index
        %get3A_485 = tpu.vector_load %arg9[%get3A_483, %get3A_484] {strides = array<i32>} : memref<80x64xi32, #tpu.memory_space<vmem>>, vector<16xi32>,
        %bitcast3A_486 = vector.bitcast %get3A_485 : vector<16xi32> to vector<32xbf16>
        %mul3A_487 = arith.mulf %bitcast3A_482, %bitcast3A_486 : vector<32xbf16>
        %unpack3A_488 = tpu.unpack_subelements %mul3A_487, 0 {pack_format = #tpu.pack_format<interleaved>} : vector<32xbf16> -> vector<16xf32>
        %unpack3A_489 = tpu.unpack_subelements %mul3A_487, 1 {pack_format = #tpu.pack_format<interleaved>} : vector<32xbf16> -> vector<16xf32>
        %add3A_490 = arith.addf %add3A_478, %unpack3A_488 : vector<16xf32>
        %add3A_491 = arith.addf %add3A_490, %unpack3A_489 : vector<16xf32>
        %get3A_492 = arith.index_cast %add3A_450 : i32 to index
        %get3A_493 = arith.constant 48 : index
        %get3A_494 = tpu.vector_load %arg8[%get3A_492, %get3A_493] {strides = array<i32>} : memref<80x64xi32, #tpu.memory_space<vmem>>, vector<16xi32>,
        %bitcast3A_495 = vector.bitcast %get3A_494 : vector<16xi32> to vector<32xbf16>
        %get3A_496 = arith.index_cast %add3A_450 : i32 to index
        %get3A_497 = arith.constant 48 : index
        %get3A_498 = tpu.vector_load %arg9[%get3A_496, %get3A_497] {strides = array<i32>} : memref<80x64xi32, #tpu.memory_space<vmem>>, vector<16xi32>,
        %bitcast3A_499 = vector.bitcast %get3A_498 : vector<16xi32> to vector<32xbf16>
        %mul3A_500 = arith.mulf %bitcast3A_495, %bitcast3A_499 : vector<32xbf16>
        %unpack3A_501 = tpu.unpack_subelements %mul3A_500, 0 {pack_format = #tpu.pack_format<interleaved>} : vector<32xbf16> -> vector<16xf32>
        %unpack3A_502 = tpu.unpack_subelements %mul3A_500, 1 {pack_format = #tpu.pack_format<interleaved>} : vector<32xbf16> -> vector<16xf32>
        %add3A_503 = arith.addf %add3A_491, %unpack3A_501 : vector<16xf32>
        %add3A_504 = arith.addf %add3A_503, %unpack3A_502 : vector<16xf32>
        %eq3A_505 = arith.constant 5 : i32
        %eq3A_506 = vector.broadcast %eq3A_505 : i32 to vector<16xi32>
        %eq3A_507 = arith.cmpi eq, %iota3A, %eq3A_506 : vector<16xi32>
        %reduce_sum3A_508 = arith.constant true
        %reduce_sum3A_509 = vector.broadcast %reduce_sum3A_508 : i1 to vector<16xi1>
        %reduce_sum3A_510 = tpu.scan <sum>, %add3A_504 masked %reduce_sum3A_509 : vector<16xf32>, vector<16xi1> -> vector<16xf32>
        %reduce_sum3A_511 = vector.extract %reduce_sum3A_510[15] : f32 from vector<16xf32>
        %broadcast_in_dim3A_512 = vector.broadcast %reduce_sum3A_511 : f32 to vector<16xf32>
        %select_n3A_513 = arith.select %eq3A_507, %broadcast_in_dim3A_512, %select_n3A_446 : vector<16xi1>, vector<16xf32>
        %mul3A_514 = arith.constant 16 : i32
        %mul3A_515 = arith.muli %scan3A_115, %mul3A_514 : i32
        %add3A_516 = arith.constant 6 : i32
        %add3A_517 = arith.addi %mul3A_515, %add3A_516 : i32
        %broadcast_in_dim3A_518 = arith.constant 0.000000e+00 : f32
        %broadcast_in_dim3A_519 = vector.broadcast %broadcast_in_dim3A_518 : f32 to vector<16xf32>
        %get3A_520 = arith.index_cast %add3A_517 : i32 to index
        %get3A_521 = arith.constant 0 : index
        %get3A_522 = tpu.vector_load %arg8[%get3A_520, %get3A_521] {strides = array<i32>} : memref<80x64xi32, #tpu.memory_space<vmem>>, vector<16xi32>,
        %bitcast3A_523 = vector.bitcast %get3A_522 : vector<16xi32> to vector<32xbf16>
        %get3A_524 = arith.index_cast %add3A_517 : i32 to index
        %get3A_525 = arith.constant 0 : index
        %get3A_526 = tpu.vector_load %arg9[%get3A_524, %get3A_525] {strides = array<i32>} : memref<80x64xi32, #tpu.memory_space<vmem>>, vector<16xi32>,
        %bitcast3A_527 = vector.bitcast %get3A_526 : vector<16xi32> to vector<32xbf16>
        %mul3A_528 = arith.mulf %bitcast3A_523, %bitcast3A_527 : vector<32xbf16>
        %unpack3A_529 = tpu.unpack_subelements %mul3A_528, 0 {pack_format = #tpu.pack_format<interleaved>} : vector<32xbf16> -> vector<16xf32>
        %unpack3A_530 = tpu.unpack_subelements %mul3A_528, 1 {pack_format = #tpu.pack_format<interleaved>} : vector<32xbf16> -> vector<16xf32>
        %add3A_531 = arith.addf %broadcast_in_dim3A_519, %unpack3A_529 : vector<16xf32>
        %add3A_532 = arith.addf %add3A_531, %unpack3A_530 : vector<16xf32>
        %get3A_533 = arith.index_cast %add3A_517 : i32 to index
        %get3A_534 = arith.constant 16 : index
        %get3A_535 = tpu.vector_load %arg8[%get3A_533, %get3A_534] {strides = array<i32>} : memref<80x64xi32, #tpu.memory_space<vmem>>, vector<16xi32>,
        %bitcast3A_536 = vector.bitcast %get3A_535 : vector<16xi32> to vector<32xbf16>
        %get3A_537 = arith.index_cast %add3A_517 : i32 to index
        %get3A_538 = arith.constant 16 : index
        %get3A_539 = tpu.vector_load %arg9[%get3A_537, %get3A_538] {strides = array<i32>} : memref<80x64xi32, #tpu.memory_space<vmem>>, vector<16xi32>,
        %bitcast3A_540 = vector.bitcast %get3A_539 : vector<16xi32> to vector<32xbf16>
        %mul3A_541 = arith.mulf %bitcast3A_536, %bitcast3A_540 : vector<32xbf16>
        %unpack3A_542 = tpu.unpack_subelements %mul3A_541, 0 {pack_format = #tpu.pack_format<interleaved>} : vector<32xbf16> -> vector<16xf32>
        %unpack3A_543 = tpu.unpack_subelements %mul3A_541, 1 {pack_format = #tpu.pack_format<interleaved>} : vector<32xbf16> -> vector<16xf32>
        %add3A_544 = arith.addf %add3A_532, %unpack3A_542 : vector<16xf32>
        %add3A_545 = arith.addf %add3A_544, %unpack3A_543 : vector<16xf32>
        %get3A_546 = arith.index_cast %add3A_517 : i32 to index
        %get3A_547 = arith.constant 32 : index
        %get3A_548 = tpu.vector_load %arg8[%get3A_546, %get3A_547] {strides = array<i32>} : memref<80x64xi32, #tpu.memory_space<vmem>>, vector<16xi32>,
        %bitcast3A_549 = vector.bitcast %get3A_548 : vector<16xi32> to vector<32xbf16>
        %get3A_550 = arith.index_cast %add3A_517 : i32 to index
        %get3A_551 = arith.constant 32 : index
        %get3A_552 = tpu.vector_load %arg9[%get3A_550, %get3A_551] {strides = array<i32>} : memref<80x64xi32, #tpu.memory_space<vmem>>, vector<16xi32>,
        %bitcast3A_553 = vector.bitcast %get3A_552 : vector<16xi32> to vector<32xbf16>
        %mul3A_554 = arith.mulf %bitcast3A_549, %bitcast3A_553 : vector<32xbf16>
        %unpack3A_555 = tpu.unpack_subelements %mul3A_554, 0 {pack_format = #tpu.pack_format<interleaved>} : vector<32xbf16> -> vector<16xf32>
        %unpack3A_556 = tpu.unpack_subelements %mul3A_554, 1 {pack_format = #tpu.pack_format<interleaved>} : vector<32xbf16> -> vector<16xf32>
        %add3A_557 = arith.addf %add3A_545, %unpack3A_555 : vector<16xf32>
        %add3A_558 = arith.addf %add3A_557, %unpack3A_556 : vector<16xf32>
        %get3A_559 = arith.index_cast %add3A_517 : i32 to index
        %get3A_560 = arith.constant 48 : index
        %get3A_561 = tpu.vector_load %arg8[%get3A_559, %get3A_560] {strides = array<i32>} : memref<80x64xi32, #tpu.memory_space<vmem>>, vector<16xi32>,
        %bitcast3A_562 = vector.bitcast %get3A_561 : vector<16xi32> to vector<32xbf16>
        %get3A_563 = arith.index_cast %add3A_517 : i32 to index
        %get3A_564 = arith.constant 48 : index
        %get3A_565 = tpu.vector_load %arg9[%get3A_563, %get3A_564] {strides = array<i32>} : memref<80x64xi32, #tpu.memory_space<vmem>>, vector<16xi32>,
        %bitcast3A_566 = vector.bitcast %get3A_565 : vector<16xi32> to vector<32xbf16>
        %mul3A_567 = arith.mulf %bitcast3A_562, %bitcast3A_566 : vector<32xbf16>
        %unpack3A_568 = tpu.unpack_subelements %mul3A_567, 0 {pack_format = #tpu.pack_format<interleaved>} : vector<32xbf16> -> vector<16xf32>
        %unpack3A_569 = tpu.unpack_subelements %mul3A_567, 1 {pack_format = #tpu.pack_format<interleaved>} : vector<32xbf16> -> vector<16xf32>
        %add3A_570 = arith.addf %add3A_558, %unpack3A_568 : vector<16xf32>
        %add3A_571 = arith.addf %add3A_570, %unpack3A_569 : vector<16xf32>
        %eq3A_572 = arith.constant 6 : i32
        %eq3A_573 = vector.broadcast %eq3A_572 : i32 to vector<16xi32>
        %eq3A_574 = arith.cmpi eq, %iota3A, %eq3A_573 : vector<16xi32>
        %reduce_sum3A_575 = arith.constant true
        %reduce_sum3A_576 = vector.broadcast %reduce_sum3A_575 : i1 to vector<16xi1>
        %reduce_sum3A_577 = tpu.scan <sum>, %add3A_571 masked %reduce_sum3A_576 : vector<16xf32>, vector<16xi1> -> vector<16xf32>
        %reduce_sum3A_578 = vector.extract %reduce_sum3A_577[15] : f32 from vector<16xf32>
        %broadcast_in_dim3A_579 = vector.broadcast %reduce_sum3A_578 : f32 to vector<16xf32>
        %select_n3A_580 = arith.select %eq3A_574, %broadcast_in_dim3A_579, %select_n3A_513 : vector<16xi1>, vector<16xf32>
        %mul3A_581 = arith.constant 16 : i32
        %mul3A_582 = arith.muli %scan3A_115, %mul3A_581 : i32
        %add3A_583 = arith.constant 7 : i32
        %add3A_584 = arith.addi %mul3A_582, %add3A_583 : i32
        %broadcast_in_dim3A_585 = arith.constant 0.000000e+00 : f32
        %broadcast_in_dim3A_586 = vector.broadcast %broadcast_in_dim3A_585 : f32 to vector<16xf32>
        %get3A_587 = arith.index_cast %add3A_584 : i32 to index
        %get3A_588 = arith.constant 0 : index
        %get3A_589 = tpu.vector_load %arg8[%get3A_587, %get3A_588] {strides = array<i32>} : memref<80x64xi32, #tpu.memory_space<vmem>>, vector<16xi32>,
        %bitcast3A_590 = vector.bitcast %get3A_589 : vector<16xi32> to vector<32xbf16>
        %get3A_591 = arith.index_cast %add3A_584 : i32 to index
        %get3A_592 = arith.constant 0 : index
        %get3A_593 = tpu.vector_load %arg9[%get3A_591, %get3A_592] {strides = array<i32>} : memref<80x64xi32, #tpu.memory_space<vmem>>, vector<16xi32>,
        %bitcast3A_594 = vector.bitcast %get3A_593 : vector<16xi32> to vector<32xbf16>
        %mul3A_595 = arith.mulf %bitcast3A_590, %bitcast3A_594 : vector<32xbf16>
        %unpack3A_596 = tpu.unpack_subelements %mul3A_595, 0 {pack_format = #tpu.pack_format<interleaved>} : vector<32xbf16> -> vector<16xf32>
        %unpack3A_597 = tpu.unpack_subelements %mul3A_595, 1 {pack_format = #tpu.pack_format<interleaved>} : vector<32xbf16> -> vector<16xf32>
        %add3A_598 = arith.addf %broadcast_in_dim3A_586, %unpack3A_596 : vector<16xf32>
        %add3A_599 = arith.addf %add3A_598, %unpack3A_597 : vector<16xf32>
        %get3A_600 = arith.index_cast %add3A_584 : i32 to index
        %get3A_601 = arith.constant 16 : index
        %get3A_602 = tpu.vector_load %arg8[%get3A_600, %get3A_601] {strides = array<i32>} : memref<80x64xi32, #tpu.memory_space<vmem>>, vector<16xi32>,
        %bitcast3A_603 = vector.bitcast %get3A_602 : vector<16xi32> to vector<32xbf16>
        %get3A_604 = arith.index_cast %add3A_584 : i32 to index
        %get3A_605 = arith.constant 16 : index
        %get3A_606 = tpu.vector_load %arg9[%get3A_604, %get3A_605] {strides = array<i32>} : memref<80x64xi32, #tpu.memory_space<vmem>>, vector<16xi32>,
        %bitcast3A_607 = vector.bitcast %get3A_606 : vector<16xi32> to vector<32xbf16>
        %mul3A_608 = arith.mulf %bitcast3A_603, %bitcast3A_607 : vector<32xbf16>
        %unpack3A_609 = tpu.unpack_subelements %mul3A_608, 0 {pack_format = #tpu.pack_format<interleaved>} : vector<32xbf16> -> vector<16xf32>
        %unpack3A_610 = tpu.unpack_subelements %mul3A_608, 1 {pack_format = #tpu.pack_format<interleaved>} : vector<32xbf16> -> vector<16xf32>
        %add3A_611 = arith.addf %add3A_599, %unpack3A_609 : vector<16xf32>
        %add3A_612 = arith.addf %add3A_611, %unpack3A_610 : vector<16xf32>
        %get3A_613 = arith.index_cast %add3A_584 : i32 to index
        %get3A_614 = arith.constant 32 : index
        %get3A_615 = tpu.vector_load %arg8[%get3A_613, %get3A_614] {strides = array<i32>} : memref<80x64xi32, #tpu.memory_space<vmem>>, vector<16xi32>,
        %bitcast3A_616 = vector.bitcast %get3A_615 : vector<16xi32> to vector<32xbf16>
        %get3A_617 = arith.index_cast %add3A_584 : i32 to index
        %get3A_618 = arith.constant 32 : index
        %get3A_619 = tpu.vector_load %arg9[%get3A_617, %get3A_618] {strides = array<i32>} : memref<80x64xi32, #tpu.memory_space<vmem>>, vector<16xi32>,
        %bitcast3A_620 = vector.bitcast %get3A_619 : vector<16xi32> to vector<32xbf16>
        %mul3A_621 = arith.mulf %bitcast3A_616, %bitcast3A_620 : vector<32xbf16>
        %unpack3A_622 = tpu.unpack_subelements %mul3A_621, 0 {pack_format = #tpu.pack_format<interleaved>} : vector<32xbf16> -> vector<16xf32>
        %unpack3A_623 = tpu.unpack_subelements %mul3A_621, 1 {pack_format = #tpu.pack_format<interleaved>} : vector<32xbf16> -> vector<16xf32>
        %add3A_624 = arith.addf %add3A_612, %unpack3A_622 : vector<16xf32>
        %add3A_625 = arith.addf %add3A_624, %unpack3A_623 : vector<16xf32>
        %get3A_626 = arith.index_cast %add3A_584 : i32 to index
        %get3A_627 = arith.constant 48 : index
        %get3A_628 = tpu.vector_load %arg8[%get3A_626, %get3A_627] {strides = array<i32>} : memref<80x64xi32, #tpu.memory_space<vmem>>, vector<16xi32>,
        %bitcast3A_629 = vector.bitcast %get3A_628 : vector<16xi32> to vector<32xbf16>
        %get3A_630 = arith.index_cast %add3A_584 : i32 to index
        %get3A_631 = arith.constant 48 : index
        %get3A_632 = tpu.vector_load %arg9[%get3A_630, %get3A_631] {strides = array<i32>} : memref<80x64xi32, #tpu.memory_space<vmem>>, vector<16xi32>,
        %bitcast3A_633 = vector.bitcast %get3A_632 : vector<16xi32> to vector<32xbf16>
        %mul3A_634 = arith.mulf %bitcast3A_629, %bitcast3A_633 : vector<32xbf16>
        %unpack3A_635 = tpu.unpack_subelements %mul3A_634, 0 {pack_format = #tpu.pack_format<interleaved>} : vector<32xbf16> -> vector<16xf32>
        %unpack3A_636 = tpu.unpack_subelements %mul3A_634, 1 {pack_format = #tpu.pack_format<interleaved>} : vector<32xbf16> -> vector<16xf32>
        %add3A_637 = arith.addf %add3A_625, %unpack3A_635 : vector<16xf32>
        %add3A_638 = arith.addf %add3A_637, %unpack3A_636 : vector<16xf32>
        %eq3A_639 = arith.constant 7 : i32
        %eq3A_640 = vector.broadcast %eq3A_639 : i32 to vector<16xi32>
        %eq3A_641 = arith.cmpi eq, %iota3A, %eq3A_640 : vector<16xi32>
        %reduce_sum3A_642 = arith.constant true
        %reduce_sum3A_643 = vector.broadcast %reduce_sum3A_642 : i1 to vector<16xi1>
        %reduce_sum3A_644 = tpu.scan <sum>, %add3A_638 masked %reduce_sum3A_643 : vector<16xf32>, vector<16xi1> -> vector<16xf32>
        %reduce_sum3A_645 = vector.extract %reduce_sum3A_644[15] : f32 from vector<16xf32>
        %broadcast_in_dim3A_646 = vector.broadcast %reduce_sum3A_645 : f32 to vector<16xf32>
        %select_n3A_647 = arith.select %eq3A_641, %broadcast_in_dim3A_646, %select_n3A_580 : vector<16xi1>, vector<16xf32>
        %mul3A_648 = arith.constant 16 : i32
        %mul3A_649 = arith.muli %scan3A_115, %mul3A_648 : i32
        %add3A_650 = arith.constant 8 : i32
        %add3A_651 = arith.addi %mul3A_649, %add3A_650 : i32
        %broadcast_in_dim3A_652 = arith.constant 0.000000e+00 : f32
        %broadcast_in_dim3A_653 = vector.broadcast %broadcast_in_dim3A_652 : f32 to vector<16xf32>
        %get3A_654 = arith.index_cast %add3A_651 : i32 to index
        %get3A_655 = arith.constant 0 : index
        %get3A_656 = tpu.vector_load %arg8[%get3A_654, %get3A_655] {strides = array<i32>} : memref<80x64xi32, #tpu.memory_space<vmem>>, vector<16xi32>,
        %bitcast3A_657 = vector.bitcast %get3A_656 : vector<16xi32> to vector<32xbf16>
        %get3A_658 = arith.index_cast %add3A_651 : i32 to index
        %get3A_659 = arith.constant 0 : index
        %get3A_660 = tpu.vector_load %arg9[%get3A_658, %get3A_659] {strides = array<i32>} : memref<80x64xi32, #tpu.memory_space<vmem>>, vector<16xi32>,
        %bitcast3A_661 = vector.bitcast %get3A_660 : vector<16xi32> to vector<32xbf16>
        %mul3A_662 = arith.mulf %bitcast3A_657, %bitcast3A_661 : vector<32xbf16>
        %unpack3A_663 = tpu.unpack_subelements %mul3A_662, 0 {pack_format = #tpu.pack_format<interleaved>} : vector<32xbf16> -> vector<16xf32>
        %unpack3A_664 = tpu.unpack_subelements %mul3A_662, 1 {pack_format = #tpu.pack_format<interleaved>} : vector<32xbf16> -> vector<16xf32>
        %add3A_665 = arith.addf %broadcast_in_dim3A_653, %unpack3A_663 : vector<16xf32>
        %add3A_666 = arith.addf %add3A_665, %unpack3A_664 : vector<16xf32>
        %get3A_667 = arith.index_cast %add3A_651 : i32 to index
        %get3A_668 = arith.constant 16 : index
        %get3A_669 = tpu.vector_load %arg8[%get3A_667, %get3A_668] {strides = array<i32>} : memref<80x64xi32, #tpu.memory_space<vmem>>, vector<16xi32>,
        %bitcast3A_670 = vector.bitcast %get3A_669 : vector<16xi32> to vector<32xbf16>
        %get3A_671 = arith.index_cast %add3A_651 : i32 to index
        %get3A_672 = arith.constant 16 : index
        %get3A_673 = tpu.vector_load %arg9[%get3A_671, %get3A_672] {strides = array<i32>} : memref<80x64xi32, #tpu.memory_space<vmem>>, vector<16xi32>,
        %bitcast3A_674 = vector.bitcast %get3A_673 : vector<16xi32> to vector<32xbf16>
        %mul3A_675 = arith.mulf %bitcast3A_670, %bitcast3A_674 : vector<32xbf16>
        %unpack3A_676 = tpu.unpack_subelements %mul3A_675, 0 {pack_format = #tpu.pack_format<interleaved>} : vector<32xbf16> -> vector<16xf32>
        %unpack3A_677 = tpu.unpack_subelements %mul3A_675, 1 {pack_format = #tpu.pack_format<interleaved>} : vector<32xbf16> -> vector<16xf32>
        %add3A_678 = arith.addf %add3A_666, %unpack3A_676 : vector<16xf32>
        %add3A_679 = arith.addf %add3A_678, %unpack3A_677 : vector<16xf32>
        %get3A_680 = arith.index_cast %add3A_651 : i32 to index
        %get3A_681 = arith.constant 32 : index
        %get3A_682 = tpu.vector_load %arg8[%get3A_680, %get3A_681] {strides = array<i32>} : memref<80x64xi32, #tpu.memory_space<vmem>>, vector<16xi32>,
        %bitcast3A_683 = vector.bitcast %get3A_682 : vector<16xi32> to vector<32xbf16>
        %get3A_684 = arith.index_cast %add3A_651 : i32 to index
        %get3A_685 = arith.constant 32 : index
        %get3A_686 = tpu.vector_load %arg9[%get3A_684, %get3A_685] {strides = array<i32>} : memref<80x64xi32, #tpu.memory_space<vmem>>, vector<16xi32>,
        %bitcast3A_687 = vector.bitcast %get3A_686 : vector<16xi32> to vector<32xbf16>
        %mul3A_688 = arith.mulf %bitcast3A_683, %bitcast3A_687 : vector<32xbf16>
        %unpack3A_689 = tpu.unpack_subelements %mul3A_688, 0 {pack_format = #tpu.pack_format<interleaved>} : vector<32xbf16> -> vector<16xf32>
        %unpack3A_690 = tpu.unpack_subelements %mul3A_688, 1 {pack_format = #tpu.pack_format<interleaved>} : vector<32xbf16> -> vector<16xf32>
        %add3A_691 = arith.addf %add3A_679, %unpack3A_689 : vector<16xf32>
        %add3A_692 = arith.addf %add3A_691, %unpack3A_690 : vector<16xf32>
        %get3A_693 = arith.index_cast %add3A_651 : i32 to index
        %get3A_694 = arith.constant 48 : index
        %get3A_695 = tpu.vector_load %arg8[%get3A_693, %get3A_694] {strides = array<i32>} : memref<80x64xi32, #tpu.memory_space<vmem>>, vector<16xi32>,
        %bitcast3A_696 = vector.bitcast %get3A_695 : vector<16xi32> to vector<32xbf16>
        %get3A_697 = arith.index_cast %add3A_651 : i32 to index
        %get3A_698 = arith.constant 48 : index
        %get3A_699 = tpu.vector_load %arg9[%get3A_697, %get3A_698] {strides = array<i32>} : memref<80x64xi32, #tpu.memory_space<vmem>>, vector<16xi32>,
        %bitcast3A_700 = vector.bitcast %get3A_699 : vector<16xi32> to vector<32xbf16>
        %mul3A_701 = arith.mulf %bitcast3A_696, %bitcast3A_700 : vector<32xbf16>
        %unpack3A_702 = tpu.unpack_subelements %mul3A_701, 0 {pack_format = #tpu.pack_format<interleaved>} : vector<32xbf16> -> vector<16xf32>
        %unpack3A_703 = tpu.unpack_subelements %mul3A_701, 1 {pack_format = #tpu.pack_format<interleaved>} : vector<32xbf16> -> vector<16xf32>
        %add3A_704 = arith.addf %add3A_692, %unpack3A_702 : vector<16xf32>
        %add3A_705 = arith.addf %add3A_704, %unpack3A_703 : vector<16xf32>
        %eq3A_706 = arith.constant 8 : i32
        %eq3A_707 = vector.broadcast %eq3A_706 : i32 to vector<16xi32>
        %eq3A_708 = arith.cmpi eq, %iota3A, %eq3A_707 : vector<16xi32>
        %reduce_sum3A_709 = arith.constant true
        %reduce_sum3A_710 = vector.broadcast %reduce_sum3A_709 : i1 to vector<16xi1>
        %reduce_sum3A_711 = tpu.scan <sum>, %add3A_705 masked %reduce_sum3A_710 : vector<16xf32>, vector<16xi1> -> vector<16xf32>
        %reduce_sum3A_712 = vector.extract %reduce_sum3A_711[15] : f32 from vector<16xf32>
        %broadcast_in_dim3A_713 = vector.broadcast %reduce_sum3A_712 : f32 to vector<16xf32>
        %select_n3A_714 = arith.select %eq3A_708, %broadcast_in_dim3A_713, %select_n3A_647 : vector<16xi1>, vector<16xf32>
        %mul3A_715 = arith.constant 16 : i32
        %mul3A_716 = arith.muli %scan3A_115, %mul3A_715 : i32
        %add3A_717 = arith.constant 9 : i32
        %add3A_718 = arith.addi %mul3A_716, %add3A_717 : i32
        %broadcast_in_dim3A_719 = arith.constant 0.000000e+00 : f32
        %broadcast_in_dim3A_720 = vector.broadcast %broadcast_in_dim3A_719 : f32 to vector<16xf32>
        %get3A_721 = arith.index_cast %add3A_718 : i32 to index
        %get3A_722 = arith.constant 0 : index
        %get3A_723 = tpu.vector_load %arg8[%get3A_721, %get3A_722] {strides = array<i32>} : memref<80x64xi32, #tpu.memory_space<vmem>>, vector<16xi32>,
        %bitcast3A_724 = vector.bitcast %get3A_723 : vector<16xi32> to vector<32xbf16>
        %get3A_725 = arith.index_cast %add3A_718 : i32 to index
        %get3A_726 = arith.constant 0 : index
        %get3A_727 = tpu.vector_load %arg9[%get3A_725, %get3A_726] {strides = array<i32>} : memref<80x64xi32, #tpu.memory_space<vmem>>, vector<16xi32>,
        %bitcast3A_728 = vector.bitcast %get3A_727 : vector<16xi32> to vector<32xbf16>
        %mul3A_729 = arith.mulf %bitcast3A_724, %bitcast3A_728 : vector<32xbf16>
        %unpack3A_730 = tpu.unpack_subelements %mul3A_729, 0 {pack_format = #tpu.pack_format<interleaved>} : vector<32xbf16> -> vector<16xf32>
        %unpack3A_731 = tpu.unpack_subelements %mul3A_729, 1 {pack_format = #tpu.pack_format<interleaved>} : vector<32xbf16> -> vector<16xf32>
        %add3A_732 = arith.addf %broadcast_in_dim3A_720, %unpack3A_730 : vector<16xf32>
        %add3A_733 = arith.addf %add3A_732, %unpack3A_731 : vector<16xf32>
        %get3A_734 = arith.index_cast %add3A_718 : i32 to index
        %get3A_735 = arith.constant 16 : index
        %get3A_736 = tpu.vector_load %arg8[%get3A_734, %get3A_735] {strides = array<i32>} : memref<80x64xi32, #tpu.memory_space<vmem>>, vector<16xi32>,
        %bitcast3A_737 = vector.bitcast %get3A_736 : vector<16xi32> to vector<32xbf16>
        %get3A_738 = arith.index_cast %add3A_718 : i32 to index
        %get3A_739 = arith.constant 16 : index
        %get3A_740 = tpu.vector_load %arg9[%get3A_738, %get3A_739] {strides = array<i32>} : memref<80x64xi32, #tpu.memory_space<vmem>>, vector<16xi32>,
        %bitcast3A_741 = vector.bitcast %get3A_740 : vector<16xi32> to vector<32xbf16>
        %mul3A_742 = arith.mulf %bitcast3A_737, %bitcast3A_741 : vector<32xbf16>
        %unpack3A_743 = tpu.unpack_subelements %mul3A_742, 0 {pack_format = #tpu.pack_format<interleaved>} : vector<32xbf16> -> vector<16xf32>
        %unpack3A_744 = tpu.unpack_subelements %mul3A_742, 1 {pack_format = #tpu.pack_format<interleaved>} : vector<32xbf16> -> vector<16xf32>
        %add3A_745 = arith.addf %add3A_733, %unpack3A_743 : vector<16xf32>
        %add3A_746 = arith.addf %add3A_745, %unpack3A_744 : vector<16xf32>
        %get3A_747 = arith.index_cast %add3A_718 : i32 to index
        %get3A_748 = arith.constant 32 : index
        %get3A_749 = tpu.vector_load %arg8[%get3A_747, %get3A_748] {strides = array<i32>} : memref<80x64xi32, #tpu.memory_space<vmem>>, vector<16xi32>,
        %bitcast3A_750 = vector.bitcast %get3A_749 : vector<16xi32> to vector<32xbf16>
        %get3A_751 = arith.index_cast %add3A_718 : i32 to index
        %get3A_752 = arith.constant 32 : index
        %get3A_753 = tpu.vector_load %arg9[%get3A_751, %get3A_752] {strides = array<i32>} : memref<80x64xi32, #tpu.memory_space<vmem>>, vector<16xi32>,
        %bitcast3A_754 = vector.bitcast %get3A_753 : vector<16xi32> to vector<32xbf16>
        %mul3A_755 = arith.mulf %bitcast3A_750, %bitcast3A_754 : vector<32xbf16>
        %unpack3A_756 = tpu.unpack_subelements %mul3A_755, 0 {pack_format = #tpu.pack_format<interleaved>} : vector<32xbf16> -> vector<16xf32>
        %unpack3A_757 = tpu.unpack_subelements %mul3A_755, 1 {pack_format = #tpu.pack_format<interleaved>} : vector<32xbf16> -> vector<16xf32>
        %add3A_758 = arith.addf %add3A_746, %unpack3A_756 : vector<16xf32>
        %add3A_759 = arith.addf %add3A_758, %unpack3A_757 : vector<16xf32>
        %get3A_760 = arith.index_cast %add3A_718 : i32 to index
        %get3A_761 = arith.constant 48 : index
        %get3A_762 = tpu.vector_load %arg8[%get3A_760, %get3A_761] {strides = array<i32>} : memref<80x64xi32, #tpu.memory_space<vmem>>, vector<16xi32>,
        %bitcast3A_763 = vector.bitcast %get3A_762 : vector<16xi32> to vector<32xbf16>
        %get3A_764 = arith.index_cast %add3A_718 : i32 to index
        %get3A_765 = arith.constant 48 : index
        %get3A_766 = tpu.vector_load %arg9[%get3A_764, %get3A_765] {strides = array<i32>} : memref<80x64xi32, #tpu.memory_space<vmem>>, vector<16xi32>,
        %bitcast3A_767 = vector.bitcast %get3A_766 : vector<16xi32> to vector<32xbf16>
        %mul3A_768 = arith.mulf %bitcast3A_763, %bitcast3A_767 : vector<32xbf16>
        %unpack3A_769 = tpu.unpack_subelements %mul3A_768, 0 {pack_format = #tpu.pack_format<interleaved>} : vector<32xbf16> -> vector<16xf32>
        %unpack3A_770 = tpu.unpack_subelements %mul3A_768, 1 {pack_format = #tpu.pack_format<interleaved>} : vector<32xbf16> -> vector<16xf32>
        %add3A_771 = arith.addf %add3A_759, %unpack3A_769 : vector<16xf32>
        %add3A_772 = arith.addf %add3A_771, %unpack3A_770 : vector<16xf32>
        %eq3A_773 = arith.constant 9 : i32
        %eq3A_774 = vector.broadcast %eq3A_773 : i32 to vector<16xi32>
        %eq3A_775 = arith.cmpi eq, %iota3A, %eq3A_774 : vector<16xi32>
        %reduce_sum3A_776 = arith.constant true
        %reduce_sum3A_777 = vector.broadcast %reduce_sum3A_776 : i1 to vector<16xi1>
        %reduce_sum3A_778 = tpu.scan <sum>, %add3A_772 masked %reduce_sum3A_777 : vector<16xf32>, vector<16xi1> -> vector<16xf32>
        %reduce_sum3A_779 = vector.extract %reduce_sum3A_778[15] : f32 from vector<16xf32>
        %broadcast_in_dim3A_780 = vector.broadcast %reduce_sum3A_779 : f32 to vector<16xf32>
        %select_n3A_781 = arith.select %eq3A_775, %broadcast_in_dim3A_780, %select_n3A_714 : vector<16xi1>, vector<16xf32>
        %mul3A_782 = arith.constant 16 : i32
        %mul3A_783 = arith.muli %scan3A_115, %mul3A_782 : i32
        %add3A_784 = arith.constant 10 : i32
        %add3A_785 = arith.addi %mul3A_783, %add3A_784 : i32
        %broadcast_in_dim3A_786 = arith.constant 0.000000e+00 : f32
        %broadcast_in_dim3A_787 = vector.broadcast %broadcast_in_dim3A_786 : f32 to vector<16xf32>
        %get3A_788 = arith.index_cast %add3A_785 : i32 to index
        %get3A_789 = arith.constant 0 : index
        %get3A_790 = tpu.vector_load %arg8[%get3A_788, %get3A_789] {strides = array<i32>} : memref<80x64xi32, #tpu.memory_space<vmem>>, vector<16xi32>,
        %bitcast3A_791 = vector.bitcast %get3A_790 : vector<16xi32> to vector<32xbf16>
        %get3A_792 = arith.index_cast %add3A_785 : i32 to index
        %get3A_793 = arith.constant 0 : index
        %get3A_794 = tpu.vector_load %arg9[%get3A_792, %get3A_793] {strides = array<i32>} : memref<80x64xi32, #tpu.memory_space<vmem>>, vector<16xi32>,
        %bitcast3A_795 = vector.bitcast %get3A_794 : vector<16xi32> to vector<32xbf16>
        %mul3A_796 = arith.mulf %bitcast3A_791, %bitcast3A_795 : vector<32xbf16>
        %unpack3A_797 = tpu.unpack_subelements %mul3A_796, 0 {pack_format = #tpu.pack_format<interleaved>} : vector<32xbf16> -> vector<16xf32>
        %unpack3A_798 = tpu.unpack_subelements %mul3A_796, 1 {pack_format = #tpu.pack_format<interleaved>} : vector<32xbf16> -> vector<16xf32>
        %add3A_799 = arith.addf %broadcast_in_dim3A_787, %unpack3A_797 : vector<16xf32>
        %add3A_800 = arith.addf %add3A_799, %unpack3A_798 : vector<16xf32>
        %get3A_801 = arith.index_cast %add3A_785 : i32 to index
        %get3A_802 = arith.constant 16 : index
        %get3A_803 = tpu.vector_load %arg8[%get3A_801, %get3A_802] {strides = array<i32>} : memref<80x64xi32, #tpu.memory_space<vmem>>, vector<16xi32>,
        %bitcast3A_804 = vector.bitcast %get3A_803 : vector<16xi32> to vector<32xbf16>
        %get3A_805 = arith.index_cast %add3A_785 : i32 to index
        %get3A_806 = arith.constant 16 : index
        %get3A_807 = tpu.vector_load %arg9[%get3A_805, %get3A_806] {strides = array<i32>} : memref<80x64xi32, #tpu.memory_space<vmem>>, vector<16xi32>,
        %bitcast3A_808 = vector.bitcast %get3A_807 : vector<16xi32> to vector<32xbf16>
        %mul3A_809 = arith.mulf %bitcast3A_804, %bitcast3A_808 : vector<32xbf16>
        %unpack3A_810 = tpu.unpack_subelements %mul3A_809, 0 {pack_format = #tpu.pack_format<interleaved>} : vector<32xbf16> -> vector<16xf32>
        %unpack3A_811 = tpu.unpack_subelements %mul3A_809, 1 {pack_format = #tpu.pack_format<interleaved>} : vector<32xbf16> -> vector<16xf32>
        %add3A_812 = arith.addf %add3A_800, %unpack3A_810 : vector<16xf32>
        %add3A_813 = arith.addf %add3A_812, %unpack3A_811 : vector<16xf32>
        %get3A_814 = arith.index_cast %add3A_785 : i32 to index
        %get3A_815 = arith.constant 32 : index
        %get3A_816 = tpu.vector_load %arg8[%get3A_814, %get3A_815] {strides = array<i32>} : memref<80x64xi32, #tpu.memory_space<vmem>>, vector<16xi32>,
        %bitcast3A_817 = vector.bitcast %get3A_816 : vector<16xi32> to vector<32xbf16>
        %get3A_818 = arith.index_cast %add3A_785 : i32 to index
        %get3A_819 = arith.constant 32 : index
        %get3A_820 = tpu.vector_load %arg9[%get3A_818, %get3A_819] {strides = array<i32>} : memref<80x64xi32, #tpu.memory_space<vmem>>, vector<16xi32>,
        %bitcast3A_821 = vector.bitcast %get3A_820 : vector<16xi32> to vector<32xbf16>
        %mul3A_822 = arith.mulf %bitcast3A_817, %bitcast3A_821 : vector<32xbf16>
        %unpack3A_823 = tpu.unpack_subelements %mul3A_822, 0 {pack_format = #tpu.pack_format<interleaved>} : vector<32xbf16> -> vector<16xf32>
        %unpack3A_824 = tpu.unpack_subelements %mul3A_822, 1 {pack_format = #tpu.pack_format<interleaved>} : vector<32xbf16> -> vector<16xf32>
        %add3A_825 = arith.addf %add3A_813, %unpack3A_823 : vector<16xf32>
        %add3A_826 = arith.addf %add3A_825, %unpack3A_824 : vector<16xf32>
        %get3A_827 = arith.index_cast %add3A_785 : i32 to index
        %get3A_828 = arith.constant 48 : index
        %get3A_829 = tpu.vector_load %arg8[%get3A_827, %get3A_828] {strides = array<i32>} : memref<80x64xi32, #tpu.memory_space<vmem>>, vector<16xi32>,
        %bitcast3A_830 = vector.bitcast %get3A_829 : vector<16xi32> to vector<32xbf16>
        %get3A_831 = arith.index_cast %add3A_785 : i32 to index
        %get3A_832 = arith.constant 48 : index
        %get3A_833 = tpu.vector_load %arg9[%get3A_831, %get3A_832] {strides = array<i32>} : memref<80x64xi32, #tpu.memory_space<vmem>>, vector<16xi32>,
        %bitcast3A_834 = vector.bitcast %get3A_833 : vector<16xi32> to vector<32xbf16>
        %mul3A_835 = arith.mulf %bitcast3A_830, %bitcast3A_834 : vector<32xbf16>
        %unpack3A_836 = tpu.unpack_subelements %mul3A_835, 0 {pack_format = #tpu.pack_format<interleaved>} : vector<32xbf16> -> vector<16xf32>
        %unpack3A_837 = tpu.unpack_subelements %mul3A_835, 1 {pack_format = #tpu.pack_format<interleaved>} : vector<32xbf16> -> vector<16xf32>
        %add3A_838 = arith.addf %add3A_826, %unpack3A_836 : vector<16xf32>
        %add3A_839 = arith.addf %add3A_838, %unpack3A_837 : vector<16xf32>
        %eq3A_840 = arith.constant 10 : i32
        %eq3A_841 = vector.broadcast %eq3A_840 : i32 to vector<16xi32>
        %eq3A_842 = arith.cmpi eq, %iota3A, %eq3A_841 : vector<16xi32>
        %reduce_sum3A_843 = arith.constant true
        %reduce_sum3A_844 = vector.broadcast %reduce_sum3A_843 : i1 to vector<16xi1>
        %reduce_sum3A_845 = tpu.scan <sum>, %add3A_839 masked %reduce_sum3A_844 : vector<16xf32>, vector<16xi1> -> vector<16xf32>
        %reduce_sum3A_846 = vector.extract %reduce_sum3A_845[15] : f32 from vector<16xf32>
        %broadcast_in_dim3A_847 = vector.broadcast %reduce_sum3A_846 : f32 to vector<16xf32>
        %select_n3A_848 = arith.select %eq3A_842, %broadcast_in_dim3A_847, %select_n3A_781 : vector<16xi1>, vector<16xf32>
        %mul3A_849 = arith.constant 16 : i32
        %mul3A_850 = arith.muli %scan3A_115, %mul3A_849 : i32
        %add3A_851 = arith.constant 11 : i32
        %add3A_852 = arith.addi %mul3A_850, %add3A_851 : i32
        %broadcast_in_dim3A_853 = arith.constant 0.000000e+00 : f32
        %broadcast_in_dim3A_854 = vector.broadcast %broadcast_in_dim3A_853 : f32 to vector<16xf32>
        %get3A_855 = arith.index_cast %add3A_852 : i32 to index
        %get3A_856 = arith.constant 0 : index
        %get3A_857 = tpu.vector_load %arg8[%get3A_855, %get3A_856] {strides = array<i32>} : memref<80x64xi32, #tpu.memory_space<vmem>>, vector<16xi32>,
        %bitcast3A_858 = vector.bitcast %get3A_857 : vector<16xi32> to vector<32xbf16>
        %get3A_859 = arith.index_cast %add3A_852 : i32 to index
        %get3A_860 = arith.constant 0 : index
        %get3A_861 = tpu.vector_load %arg9[%get3A_859, %get3A_860] {strides = array<i32>} : memref<80x64xi32, #tpu.memory_space<vmem>>, vector<16xi32>,
        %bitcast3A_862 = vector.bitcast %get3A_861 : vector<16xi32> to vector<32xbf16>
        %mul3A_863 = arith.mulf %bitcast3A_858, %bitcast3A_862 : vector<32xbf16>
        %unpack3A_864 = tpu.unpack_subelements %mul3A_863, 0 {pack_format = #tpu.pack_format<interleaved>} : vector<32xbf16> -> vector<16xf32>
        %unpack3A_865 = tpu.unpack_subelements %mul3A_863, 1 {pack_format = #tpu.pack_format<interleaved>} : vector<32xbf16> -> vector<16xf32>
        %add3A_866 = arith.addf %broadcast_in_dim3A_854, %unpack3A_864 : vector<16xf32>
        %add3A_867 = arith.addf %add3A_866, %unpack3A_865 : vector<16xf32>
        %get3A_868 = arith.index_cast %add3A_852 : i32 to index
        %get3A_869 = arith.constant 16 : index
        %get3A_870 = tpu.vector_load %arg8[%get3A_868, %get3A_869] {strides = array<i32>} : memref<80x64xi32, #tpu.memory_space<vmem>>, vector<16xi32>,
        %bitcast3A_871 = vector.bitcast %get3A_870 : vector<16xi32> to vector<32xbf16>
        %get3A_872 = arith.index_cast %add3A_852 : i32 to index
        %get3A_873 = arith.constant 16 : index
        %get3A_874 = tpu.vector_load %arg9[%get3A_872, %get3A_873] {strides = array<i32>} : memref<80x64xi32, #tpu.memory_space<vmem>>, vector<16xi32>,
        %bitcast3A_875 = vector.bitcast %get3A_874 : vector<16xi32> to vector<32xbf16>
        %mul3A_876 = arith.mulf %bitcast3A_871, %bitcast3A_875 : vector<32xbf16>
        %unpack3A_877 = tpu.unpack_subelements %mul3A_876, 0 {pack_format = #tpu.pack_format<interleaved>} : vector<32xbf16> -> vector<16xf32>
        %unpack3A_878 = tpu.unpack_subelements %mul3A_876, 1 {pack_format = #tpu.pack_format<interleaved>} : vector<32xbf16> -> vector<16xf32>
        %add3A_879 = arith.addf %add3A_867, %unpack3A_877 : vector<16xf32>
        %add3A_880 = arith.addf %add3A_879, %unpack3A_878 : vector<16xf32>
        %get3A_881 = arith.index_cast %add3A_852 : i32 to index
        %get3A_882 = arith.constant 32 : index
        %get3A_883 = tpu.vector_load %arg8[%get3A_881, %get3A_882] {strides = array<i32>} : memref<80x64xi32, #tpu.memory_space<vmem>>, vector<16xi32>,
        %bitcast3A_884 = vector.bitcast %get3A_883 : vector<16xi32> to vector<32xbf16>
        %get3A_885 = arith.index_cast %add3A_852 : i32 to index
        %get3A_886 = arith.constant 32 : index
        %get3A_887 = tpu.vector_load %arg9[%get3A_885, %get3A_886] {strides = array<i32>} : memref<80x64xi32, #tpu.memory_space<vmem>>, vector<16xi32>,
        %bitcast3A_888 = vector.bitcast %get3A_887 : vector<16xi32> to vector<32xbf16>
        %mul3A_889 = arith.mulf %bitcast3A_884, %bitcast3A_888 : vector<32xbf16>
        %unpack3A_890 = tpu.unpack_subelements %mul3A_889, 0 {pack_format = #tpu.pack_format<interleaved>} : vector<32xbf16> -> vector<16xf32>
        %unpack3A_891 = tpu.unpack_subelements %mul3A_889, 1 {pack_format = #tpu.pack_format<interleaved>} : vector<32xbf16> -> vector<16xf32>
        %add3A_892 = arith.addf %add3A_880, %unpack3A_890 : vector<16xf32>
        %add3A_893 = arith.addf %add3A_892, %unpack3A_891 : vector<16xf32>
        %get3A_894 = arith.index_cast %add3A_852 : i32 to index
        %get3A_895 = arith.constant 48 : index
        %get3A_896 = tpu.vector_load %arg8[%get3A_894, %get3A_895] {strides = array<i32>} : memref<80x64xi32, #tpu.memory_space<vmem>>, vector<16xi32>,
        %bitcast3A_897 = vector.bitcast %get3A_896 : vector<16xi32> to vector<32xbf16>
        %get3A_898 = arith.index_cast %add3A_852 : i32 to index
        %get3A_899 = arith.constant 48 : index
        %get3A_900 = tpu.vector_load %arg9[%get3A_898, %get3A_899] {strides = array<i32>} : memref<80x64xi32, #tpu.memory_space<vmem>>, vector<16xi32>,
        %bitcast3A_901 = vector.bitcast %get3A_900 : vector<16xi32> to vector<32xbf16>
        %mul3A_902 = arith.mulf %bitcast3A_897, %bitcast3A_901 : vector<32xbf16>
        %unpack3A_903 = tpu.unpack_subelements %mul3A_902, 0 {pack_format = #tpu.pack_format<interleaved>} : vector<32xbf16> -> vector<16xf32>
        %unpack3A_904 = tpu.unpack_subelements %mul3A_902, 1 {pack_format = #tpu.pack_format<interleaved>} : vector<32xbf16> -> vector<16xf32>
        %add3A_905 = arith.addf %add3A_893, %unpack3A_903 : vector<16xf32>
        %add3A_906 = arith.addf %add3A_905, %unpack3A_904 : vector<16xf32>
        %eq3A_907 = arith.constant 11 : i32
        %eq3A_908 = vector.broadcast %eq3A_907 : i32 to vector<16xi32>
        %eq3A_909 = arith.cmpi eq, %iota3A, %eq3A_908 : vector<16xi32>
        %reduce_sum3A_910 = arith.constant true
        %reduce_sum3A_911 = vector.broadcast %reduce_sum3A_910 : i1 to vector<16xi1>
        %reduce_sum3A_912 = tpu.scan <sum>, %add3A_906 masked %reduce_sum3A_911 : vector<16xf32>, vector<16xi1> -> vector<16xf32>
        %reduce_sum3A_913 = vector.extract %reduce_sum3A_912[15] : f32 from vector<16xf32>
        %broadcast_in_dim3A_914 = vector.broadcast %reduce_sum3A_913 : f32 to vector<16xf32>
        %select_n3A_915 = arith.select %eq3A_909, %broadcast_in_dim3A_914, %select_n3A_848 : vector<16xi1>, vector<16xf32>
        %mul3A_916 = arith.constant 16 : i32
        %mul3A_917 = arith.muli %scan3A_115, %mul3A_916 : i32
        %add3A_918 = arith.constant 12 : i32
        %add3A_919 = arith.addi %mul3A_917, %add3A_918 : i32
        %broadcast_in_dim3A_920 = arith.constant 0.000000e+00 : f32
        %broadcast_in_dim3A_921 = vector.broadcast %broadcast_in_dim3A_920 : f32 to vector<16xf32>
        %get3A_922 = arith.index_cast %add3A_919 : i32 to index
        %get3A_923 = arith.constant 0 : index
        %get3A_924 = tpu.vector_load %arg8[%get3A_922, %get3A_923] {strides = array<i32>} : memref<80x64xi32, #tpu.memory_space<vmem>>, vector<16xi32>,
        %bitcast3A_925 = vector.bitcast %get3A_924 : vector<16xi32> to vector<32xbf16>
        %get3A_926 = arith.index_cast %add3A_919 : i32 to index
        %get3A_927 = arith.constant 0 : index
        %get3A_928 = tpu.vector_load %arg9[%get3A_926, %get3A_927] {strides = array<i32>} : memref<80x64xi32, #tpu.memory_space<vmem>>, vector<16xi32>,
        %bitcast3A_929 = vector.bitcast %get3A_928 : vector<16xi32> to vector<32xbf16>
        %mul3A_930 = arith.mulf %bitcast3A_925, %bitcast3A_929 : vector<32xbf16>
        %unpack3A_931 = tpu.unpack_subelements %mul3A_930, 0 {pack_format = #tpu.pack_format<interleaved>} : vector<32xbf16> -> vector<16xf32>
        %unpack3A_932 = tpu.unpack_subelements %mul3A_930, 1 {pack_format = #tpu.pack_format<interleaved>} : vector<32xbf16> -> vector<16xf32>
        %add3A_933 = arith.addf %broadcast_in_dim3A_921, %unpack3A_931 : vector<16xf32>
        %add3A_934 = arith.addf %add3A_933, %unpack3A_932 : vector<16xf32>
        %get3A_935 = arith.index_cast %add3A_919 : i32 to index
        %get3A_936 = arith.constant 16 : index
        %get3A_937 = tpu.vector_load %arg8[%get3A_935, %get3A_936] {strides = array<i32>} : memref<80x64xi32, #tpu.memory_space<vmem>>, vector<16xi32>,
        %bitcast3A_938 = vector.bitcast %get3A_937 : vector<16xi32> to vector<32xbf16>
        %get3A_939 = arith.index_cast %add3A_919 : i32 to index
        %get3A_940 = arith.constant 16 : index
        %get3A_941 = tpu.vector_load %arg9[%get3A_939, %get3A_940] {strides = array<i32>} : memref<80x64xi32, #tpu.memory_space<vmem>>, vector<16xi32>,
        %bitcast3A_942 = vector.bitcast %get3A_941 : vector<16xi32> to vector<32xbf16>
        %mul3A_943 = arith.mulf %bitcast3A_938, %bitcast3A_942 : vector<32xbf16>
        %unpack3A_944 = tpu.unpack_subelements %mul3A_943, 0 {pack_format = #tpu.pack_format<interleaved>} : vector<32xbf16> -> vector<16xf32>
        %unpack3A_945 = tpu.unpack_subelements %mul3A_943, 1 {pack_format = #tpu.pack_format<interleaved>} : vector<32xbf16> -> vector<16xf32>
        %add3A_946 = arith.addf %add3A_934, %unpack3A_944 : vector<16xf32>
        %add3A_947 = arith.addf %add3A_946, %unpack3A_945 : vector<16xf32>
        %get3A_948 = arith.index_cast %add3A_919 : i32 to index
        %get3A_949 = arith.constant 32 : index
        %get3A_950 = tpu.vector_load %arg8[%get3A_948, %get3A_949] {strides = array<i32>} : memref<80x64xi32, #tpu.memory_space<vmem>>, vector<16xi32>,
        %bitcast3A_951 = vector.bitcast %get3A_950 : vector<16xi32> to vector<32xbf16>
        %get3A_952 = arith.index_cast %add3A_919 : i32 to index
        %get3A_953 = arith.constant 32 : index
        %get3A_954 = tpu.vector_load %arg9[%get3A_952, %get3A_953] {strides = array<i32>} : memref<80x64xi32, #tpu.memory_space<vmem>>, vector<16xi32>,
        %bitcast3A_955 = vector.bitcast %get3A_954 : vector<16xi32> to vector<32xbf16>
        %mul3A_956 = arith.mulf %bitcast3A_951, %bitcast3A_955 : vector<32xbf16>
        %unpack3A_957 = tpu.unpack_subelements %mul3A_956, 0 {pack_format = #tpu.pack_format<interleaved>} : vector<32xbf16> -> vector<16xf32>
        %unpack3A_958 = tpu.unpack_subelements %mul3A_956, 1 {pack_format = #tpu.pack_format<interleaved>} : vector<32xbf16> -> vector<16xf32>
        %add3A_959 = arith.addf %add3A_947, %unpack3A_957 : vector<16xf32>
        %add3A_960 = arith.addf %add3A_959, %unpack3A_958 : vector<16xf32>
        %get3A_961 = arith.index_cast %add3A_919 : i32 to index
        %get3A_962 = arith.constant 48 : index
        %get3A_963 = tpu.vector_load %arg8[%get3A_961, %get3A_962] {strides = array<i32>} : memref<80x64xi32, #tpu.memory_space<vmem>>, vector<16xi32>,
        %bitcast3A_964 = vector.bitcast %get3A_963 : vector<16xi32> to vector<32xbf16>
        %get3A_965 = arith.index_cast %add3A_919 : i32 to index
        %get3A_966 = arith.constant 48 : index
        %get3A_967 = tpu.vector_load %arg9[%get3A_965, %get3A_966] {strides = array<i32>} : memref<80x64xi32, #tpu.memory_space<vmem>>, vector<16xi32>,
        %bitcast3A_968 = vector.bitcast %get3A_967 : vector<16xi32> to vector<32xbf16>
        %mul3A_969 = arith.mulf %bitcast3A_964, %bitcast3A_968 : vector<32xbf16>
        %unpack3A_970 = tpu.unpack_subelements %mul3A_969, 0 {pack_format = #tpu.pack_format<interleaved>} : vector<32xbf16> -> vector<16xf32>
        %unpack3A_971 = tpu.unpack_subelements %mul3A_969, 1 {pack_format = #tpu.pack_format<interleaved>} : vector<32xbf16> -> vector<16xf32>
        %add3A_972 = arith.addf %add3A_960, %unpack3A_970 : vector<16xf32>
        %add3A_973 = arith.addf %add3A_972, %unpack3A_971 : vector<16xf32>
        %eq3A_974 = arith.constant 12 : i32
        %eq3A_975 = vector.broadcast %eq3A_974 : i32 to vector<16xi32>
        %eq3A_976 = arith.cmpi eq, %iota3A, %eq3A_975 : vector<16xi32>
        %reduce_sum3A_977 = arith.constant true
        %reduce_sum3A_978 = vector.broadcast %reduce_sum3A_977 : i1 to vector<16xi1>
        %reduce_sum3A_979 = tpu.scan <sum>, %add3A_973 masked %reduce_sum3A_978 : vector<16xf32>, vector<16xi1> -> vector<16xf32>
        %reduce_sum3A_980 = vector.extract %reduce_sum3A_979[15] : f32 from vector<16xf32>
        %broadcast_in_dim3A_981 = vector.broadcast %reduce_sum3A_980 : f32 to vector<16xf32>
        %select_n3A_982 = arith.select %eq3A_976, %broadcast_in_dim3A_981, %select_n3A_915 : vector<16xi1>, vector<16xf32>
        %mul3A_983 = arith.constant 16 : i32
        %mul3A_984 = arith.muli %scan3A_115, %mul3A_983 : i32
        %add3A_985 = arith.constant 13 : i32
        %add3A_986 = arith.addi %mul3A_984, %add3A_985 : i32
        %broadcast_in_dim3A_987 = arith.constant 0.000000e+00 : f32
        %broadcast_in_dim3A_988 = vector.broadcast %broadcast_in_dim3A_987 : f32 to vector<16xf32>
        %get3A_989 = arith.index_cast %add3A_986 : i32 to index
        %get3A_990 = arith.constant 0 : index
        %get3A_991 = tpu.vector_load %arg8[%get3A_989, %get3A_990] {strides = array<i32>} : memref<80x64xi32, #tpu.memory_space<vmem>>, vector<16xi32>,
        %bitcast3A_992 = vector.bitcast %get3A_991 : vector<16xi32> to vector<32xbf16>
        %get3A_993 = arith.index_cast %add3A_986 : i32 to index
        %get3A_994 = arith.constant 0 : index
        %get3A_995 = tpu.vector_load %arg9[%get3A_993, %get3A_994] {strides = array<i32>} : memref<80x64xi32, #tpu.memory_space<vmem>>, vector<16xi32>,
        %bitcast3A_996 = vector.bitcast %get3A_995 : vector<16xi32> to vector<32xbf16>
        %mul3A_997 = arith.mulf %bitcast3A_992, %bitcast3A_996 : vector<32xbf16>
        %unpack3A_998 = tpu.unpack_subelements %mul3A_997, 0 {pack_format = #tpu.pack_format<interleaved>} : vector<32xbf16> -> vector<16xf32>
        %unpack3A_999 = tpu.unpack_subelements %mul3A_997, 1 {pack_format = #tpu.pack_format<interleaved>} : vector<32xbf16> -> vector<16xf32>
        %add3A_1000 = arith.addf %broadcast_in_dim3A_988, %unpack3A_998 : vector<16xf32>
        %add3A_1001 = arith.addf %add3A_1000, %unpack3A_999 : vector<16xf32>
        %get3A_1002 = arith.index_cast %add3A_986 : i32 to index
        %get3A_1003 = arith.constant 16 : index
        %get3A_1004 = tpu.vector_load %arg8[%get3A_1002, %get3A_1003] {strides = array<i32>} : memref<80x64xi32, #tpu.memory_space<vmem>>, vector<16xi32>,
        %bitcast3A_1005 = vector.bitcast %get3A_1004 : vector<16xi32> to vector<32xbf16>
        %get3A_1006 = arith.index_cast %add3A_986 : i32 to index
        %get3A_1007 = arith.constant 16 : index
        %get3A_1008 = tpu.vector_load %arg9[%get3A_1006, %get3A_1007] {strides = array<i32>} : memref<80x64xi32, #tpu.memory_space<vmem>>, vector<16xi32>,
        %bitcast3A_1009 = vector.bitcast %get3A_1008 : vector<16xi32> to vector<32xbf16>
        %mul3A_1010 = arith.mulf %bitcast3A_1005, %bitcast3A_1009 : vector<32xbf16>
        %unpack3A_1011 = tpu.unpack_subelements %mul3A_1010, 0 {pack_format = #tpu.pack_format<interleaved>} : vector<32xbf16> -> vector<16xf32>
        %unpack3A_1012 = tpu.unpack_subelements %mul3A_1010, 1 {pack_format = #tpu.pack_format<interleaved>} : vector<32xbf16> -> vector<16xf32>
        %add3A_1013 = arith.addf %add3A_1001, %unpack3A_1011 : vector<16xf32>
        %add3A_1014 = arith.addf %add3A_1013, %unpack3A_1012 : vector<16xf32>
        %get3A_1015 = arith.index_cast %add3A_986 : i32 to index
        %get3A_1016 = arith.constant 32 : index
        %get3A_1017 = tpu.vector_load %arg8[%get3A_1015, %get3A_1016] {strides = array<i32>} : memref<80x64xi32, #tpu.memory_space<vmem>>, vector<16xi32>,
        %bitcast3A_1018 = vector.bitcast %get3A_1017 : vector<16xi32> to vector<32xbf16>
        %get3A_1019 = arith.index_cast %add3A_986 : i32 to index
        %get3A_1020 = arith.constant 32 : index
        %get3A_1021 = tpu.vector_load %arg9[%get3A_1019, %get3A_1020] {strides = array<i32>} : memref<80x64xi32, #tpu.memory_space<vmem>>, vector<16xi32>,
        %bitcast3A_1022 = vector.bitcast %get3A_1021 : vector<16xi32> to vector<32xbf16>
        %mul3A_1023 = arith.mulf %bitcast3A_1018, %bitcast3A_1022 : vector<32xbf16>
        %unpack3A_1024 = tpu.unpack_subelements %mul3A_1023, 0 {pack_format = #tpu.pack_format<interleaved>} : vector<32xbf16> -> vector<16xf32>
        %unpack3A_1025 = tpu.unpack_subelements %mul3A_1023, 1 {pack_format = #tpu.pack_format<interleaved>} : vector<32xbf16> -> vector<16xf32>
        %add3A_1026 = arith.addf %add3A_1014, %unpack3A_1024 : vector<16xf32>
        %add3A_1027 = arith.addf %add3A_1026, %unpack3A_1025 : vector<16xf32>
        %get3A_1028 = arith.index_cast %add3A_986 : i32 to index
        %get3A_1029 = arith.constant 48 : index
        %get3A_1030 = tpu.vector_load %arg8[%get3A_1028, %get3A_1029] {strides = array<i32>} : memref<80x64xi32, #tpu.memory_space<vmem>>, vector<16xi32>,
        %bitcast3A_1031 = vector.bitcast %get3A_1030 : vector<16xi32> to vector<32xbf16>
        %get3A_1032 = arith.index_cast %add3A_986 : i32 to index
        %get3A_1033 = arith.constant 48 : index
        %get3A_1034 = tpu.vector_load %arg9[%get3A_1032, %get3A_1033] {strides = array<i32>} : memref<80x64xi32, #tpu.memory_space<vmem>>, vector<16xi32>,
        %bitcast3A_1035 = vector.bitcast %get3A_1034 : vector<16xi32> to vector<32xbf16>
        %mul3A_1036 = arith.mulf %bitcast3A_1031, %bitcast3A_1035 : vector<32xbf16>
        %unpack3A_1037 = tpu.unpack_subelements %mul3A_1036, 0 {pack_format = #tpu.pack_format<interleaved>} : vector<32xbf16> -> vector<16xf32>
        %unpack3A_1038 = tpu.unpack_subelements %mul3A_1036, 1 {pack_format = #tpu.pack_format<interleaved>} : vector<32xbf16> -> vector<16xf32>
        %add3A_1039 = arith.addf %add3A_1027, %unpack3A_1037 : vector<16xf32>
        %add3A_1040 = arith.addf %add3A_1039, %unpack3A_1038 : vector<16xf32>
        %eq3A_1041 = arith.constant 13 : i32
        %eq3A_1042 = vector.broadcast %eq3A_1041 : i32 to vector<16xi32>
        %eq3A_1043 = arith.cmpi eq, %iota3A, %eq3A_1042 : vector<16xi32>
        %reduce_sum3A_1044 = arith.constant true
        %reduce_sum3A_1045 = vector.broadcast %reduce_sum3A_1044 : i1 to vector<16xi1>
        %reduce_sum3A_1046 = tpu.scan <sum>, %add3A_1040 masked %reduce_sum3A_1045 : vector<16xf32>, vector<16xi1> -> vector<16xf32>
        %reduce_sum3A_1047 = vector.extract %reduce_sum3A_1046[15] : f32 from vector<16xf32>
        %broadcast_in_dim3A_1048 = vector.broadcast %reduce_sum3A_1047 : f32 to vector<16xf32>
        %select_n3A_1049 = arith.select %eq3A_1043, %broadcast_in_dim3A_1048, %select_n3A_982 : vector<16xi1>, vector<16xf32>
        %mul3A_1050 = arith.constant 16 : i32
        %mul3A_1051 = arith.muli %scan3A_115, %mul3A_1050 : i32
        %add3A_1052 = arith.constant 14 : i32
        %add3A_1053 = arith.addi %mul3A_1051, %add3A_1052 : i32
        %broadcast_in_dim3A_1054 = arith.constant 0.000000e+00 : f32
        %broadcast_in_dim3A_1055 = vector.broadcast %broadcast_in_dim3A_1054 : f32 to vector<16xf32>
        %get3A_1056 = arith.index_cast %add3A_1053 : i32 to index
        %get3A_1057 = arith.constant 0 : index
        %get3A_1058 = tpu.vector_load %arg8[%get3A_1056, %get3A_1057] {strides = array<i32>} : memref<80x64xi32, #tpu.memory_space<vmem>>, vector<16xi32>,
        %bitcast3A_1059 = vector.bitcast %get3A_1058 : vector<16xi32> to vector<32xbf16>
        %get3A_1060 = arith.index_cast %add3A_1053 : i32 to index
        %get3A_1061 = arith.constant 0 : index
        %get3A_1062 = tpu.vector_load %arg9[%get3A_1060, %get3A_1061] {strides = array<i32>} : memref<80x64xi32, #tpu.memory_space<vmem>>, vector<16xi32>,
        %bitcast3A_1063 = vector.bitcast %get3A_1062 : vector<16xi32> to vector<32xbf16>
        %mul3A_1064 = arith.mulf %bitcast3A_1059, %bitcast3A_1063 : vector<32xbf16>
        %unpack3A_1065 = tpu.unpack_subelements %mul3A_1064, 0 {pack_format = #tpu.pack_format<interleaved>} : vector<32xbf16> -> vector<16xf32>
        %unpack3A_1066 = tpu.unpack_subelements %mul3A_1064, 1 {pack_format = #tpu.pack_format<interleaved>} : vector<32xbf16> -> vector<16xf32>
        %add3A_1067 = arith.addf %broadcast_in_dim3A_1055, %unpack3A_1065 : vector<16xf32>
        %add3A_1068 = arith.addf %add3A_1067, %unpack3A_1066 : vector<16xf32>
        %get3A_1069 = arith.index_cast %add3A_1053 : i32 to index
        %get3A_1070 = arith.constant 16 : index
        %get3A_1071 = tpu.vector_load %arg8[%get3A_1069, %get3A_1070] {strides = array<i32>} : memref<80x64xi32, #tpu.memory_space<vmem>>, vector<16xi32>,
        %bitcast3A_1072 = vector.bitcast %get3A_1071 : vector<16xi32> to vector<32xbf16>
        %get3A_1073 = arith.index_cast %add3A_1053 : i32 to index
        %get3A_1074 = arith.constant 16 : index
        %get3A_1075 = tpu.vector_load %arg9[%get3A_1073, %get3A_1074] {strides = array<i32>} : memref<80x64xi32, #tpu.memory_space<vmem>>, vector<16xi32>,
        %bitcast3A_1076 = vector.bitcast %get3A_1075 : vector<16xi32> to vector<32xbf16>
        %mul3A_1077 = arith.mulf %bitcast3A_1072, %bitcast3A_1076 : vector<32xbf16>
        %unpack3A_1078 = tpu.unpack_subelements %mul3A_1077, 0 {pack_format = #tpu.pack_format<interleaved>} : vector<32xbf16> -> vector<16xf32>
        %unpack3A_1079 = tpu.unpack_subelements %mul3A_1077, 1 {pack_format = #tpu.pack_format<interleaved>} : vector<32xbf16> -> vector<16xf32>
        %add3A_1080 = arith.addf %add3A_1068, %unpack3A_1078 : vector<16xf32>
        %add3A_1081 = arith.addf %add3A_1080, %unpack3A_1079 : vector<16xf32>
        %get3A_1082 = arith.index_cast %add3A_1053 : i32 to index
        %get3A_1083 = arith.constant 32 : index
        %get3A_1084 = tpu.vector_load %arg8[%get3A_1082, %get3A_1083] {strides = array<i32>} : memref<80x64xi32, #tpu.memory_space<vmem>>, vector<16xi32>,
        %bitcast3A_1085 = vector.bitcast %get3A_1084 : vector<16xi32> to vector<32xbf16>
        %get3A_1086 = arith.index_cast %add3A_1053 : i32 to index
        %get3A_1087 = arith.constant 32 : index
        %get3A_1088 = tpu.vector_load %arg9[%get3A_1086, %get3A_1087] {strides = array<i32>} : memref<80x64xi32, #tpu.memory_space<vmem>>, vector<16xi32>,
        %bitcast3A_1089 = vector.bitcast %get3A_1088 : vector<16xi32> to vector<32xbf16>
        %mul3A_1090 = arith.mulf %bitcast3A_1085, %bitcast3A_1089 : vector<32xbf16>
        %unpack3A_1091 = tpu.unpack_subelements %mul3A_1090, 0 {pack_format = #tpu.pack_format<interleaved>} : vector<32xbf16> -> vector<16xf32>
        %unpack3A_1092 = tpu.unpack_subelements %mul3A_1090, 1 {pack_format = #tpu.pack_format<interleaved>} : vector<32xbf16> -> vector<16xf32>
        %add3A_1093 = arith.addf %add3A_1081, %unpack3A_1091 : vector<16xf32>
        %add3A_1094 = arith.addf %add3A_1093, %unpack3A_1092 : vector<16xf32>
        %get3A_1095 = arith.index_cast %add3A_1053 : i32 to index
        %get3A_1096 = arith.constant 48 : index
        %get3A_1097 = tpu.vector_load %arg8[%get3A_1095, %get3A_1096] {strides = array<i32>} : memref<80x64xi32, #tpu.memory_space<vmem>>, vector<16xi32>,
        %bitcast3A_1098 = vector.bitcast %get3A_1097 : vector<16xi32> to vector<32xbf16>
        %get3A_1099 = arith.index_cast %add3A_1053 : i32 to index
        %get3A_1100 = arith.constant 48 : index
        %get3A_1101 = tpu.vector_load %arg9[%get3A_1099, %get3A_1100] {strides = array<i32>} : memref<80x64xi32, #tpu.memory_space<vmem>>, vector<16xi32>,
        %bitcast3A_1102 = vector.bitcast %get3A_1101 : vector<16xi32> to vector<32xbf16>
        %mul3A_1103 = arith.mulf %bitcast3A_1098, %bitcast3A_1102 : vector<32xbf16>
        %unpack3A_1104 = tpu.unpack_subelements %mul3A_1103, 0 {pack_format = #tpu.pack_format<interleaved>} : vector<32xbf16> -> vector<16xf32>
        %unpack3A_1105 = tpu.unpack_subelements %mul3A_1103, 1 {pack_format = #tpu.pack_format<interleaved>} : vector<32xbf16> -> vector<16xf32>
        %add3A_1106 = arith.addf %add3A_1094, %unpack3A_1104 : vector<16xf32>
        %add3A_1107 = arith.addf %add3A_1106, %unpack3A_1105 : vector<16xf32>
        %eq3A_1108 = arith.constant 14 : i32
        %eq3A_1109 = vector.broadcast %eq3A_1108 : i32 to vector<16xi32>
        %eq3A_1110 = arith.cmpi eq, %iota3A, %eq3A_1109 : vector<16xi32>
        %reduce_sum3A_1111 = arith.constant true
        %reduce_sum3A_1112 = vector.broadcast %reduce_sum3A_1111 : i1 to vector<16xi1>
        %reduce_sum3A_1113 = tpu.scan <sum>, %add3A_1107 masked %reduce_sum3A_1112 : vector<16xf32>, vector<16xi1> -> vector<16xf32>
        %reduce_sum3A_1114 = vector.extract %reduce_sum3A_1113[15] : f32 from vector<16xf32>
        %broadcast_in_dim3A_1115 = vector.broadcast %reduce_sum3A_1114 : f32 to vector<16xf32>
        %select_n3A_1116 = arith.select %eq3A_1110, %broadcast_in_dim3A_1115, %select_n3A_1049 : vector<16xi1>, vector<16xf32>
        %mul3A_1117 = arith.constant 16 : i32
        %mul3A_1118 = arith.muli %scan3A_115, %mul3A_1117 : i32
        %add3A_1119 = arith.constant 15 : i32
        %add3A_1120 = arith.addi %mul3A_1118, %add3A_1119 : i32
        %broadcast_in_dim3A_1121 = arith.constant 0.000000e+00 : f32
        %broadcast_in_dim3A_1122 = vector.broadcast %broadcast_in_dim3A_1121 : f32 to vector<16xf32>
        %get3A_1123 = arith.index_cast %add3A_1120 : i32 to index
        %get3A_1124 = arith.constant 0 : index
        %get3A_1125 = tpu.vector_load %arg8[%get3A_1123, %get3A_1124] {strides = array<i32>} : memref<80x64xi32, #tpu.memory_space<vmem>>, vector<16xi32>,
        %bitcast3A_1126 = vector.bitcast %get3A_1125 : vector<16xi32> to vector<32xbf16>
        %get3A_1127 = arith.index_cast %add3A_1120 : i32 to index
        %get3A_1128 = arith.constant 0 : index
        %get3A_1129 = tpu.vector_load %arg9[%get3A_1127, %get3A_1128] {strides = array<i32>} : memref<80x64xi32, #tpu.memory_space<vmem>>, vector<16xi32>,
        %bitcast3A_1130 = vector.bitcast %get3A_1129 : vector<16xi32> to vector<32xbf16>
        %mul3A_1131 = arith.mulf %bitcast3A_1126, %bitcast3A_1130 : vector<32xbf16>
        %unpack3A_1132 = tpu.unpack_subelements %mul3A_1131, 0 {pack_format = #tpu.pack_format<interleaved>} : vector<32xbf16> -> vector<16xf32>
        %unpack3A_1133 = tpu.unpack_subelements %mul3A_1131, 1 {pack_format = #tpu.pack_format<interleaved>} : vector<32xbf16> -> vector<16xf32>
        %add3A_1134 = arith.addf %broadcast_in_dim3A_1122, %unpack3A_1132 : vector<16xf32>
        %add3A_1135 = arith.addf %add3A_1134, %unpack3A_1133 : vector<16xf32>
        %get3A_1136 = arith.index_cast %add3A_1120 : i32 to index
        %get3A_1137 = arith.constant 16 : index
        %get3A_1138 = tpu.vector_load %arg8[%get3A_1136, %get3A_1137] {strides = array<i32>} : memref<80x64xi32, #tpu.memory_space<vmem>>, vector<16xi32>,
        %bitcast3A_1139 = vector.bitcast %get3A_1138 : vector<16xi32> to vector<32xbf16>
        %get3A_1140 = arith.index_cast %add3A_1120 : i32 to index
        %get3A_1141 = arith.constant 16 : index
        %get3A_1142 = tpu.vector_load %arg9[%get3A_1140, %get3A_1141] {strides = array<i32>} : memref<80x64xi32, #tpu.memory_space<vmem>>, vector<16xi32>,
        %bitcast3A_1143 = vector.bitcast %get3A_1142 : vector<16xi32> to vector<32xbf16>
        %mul3A_1144 = arith.mulf %bitcast3A_1139, %bitcast3A_1143 : vector<32xbf16>
        %unpack3A_1145 = tpu.unpack_subelements %mul3A_1144, 0 {pack_format = #tpu.pack_format<interleaved>} : vector<32xbf16> -> vector<16xf32>
        %unpack3A_1146 = tpu.unpack_subelements %mul3A_1144, 1 {pack_format = #tpu.pack_format<interleaved>} : vector<32xbf16> -> vector<16xf32>
        %add3A_1147 = arith.addf %add3A_1135, %unpack3A_1145 : vector<16xf32>
        %add3A_1148 = arith.addf %add3A_1147, %unpack3A_1146 : vector<16xf32>
        %get3A_1149 = arith.index_cast %add3A_1120 : i32 to index
        %get3A_1150 = arith.constant 32 : index
        %get3A_1151 = tpu.vector_load %arg8[%get3A_1149, %get3A_1150] {strides = array<i32>} : memref<80x64xi32, #tpu.memory_space<vmem>>, vector<16xi32>,
        %bitcast3A_1152 = vector.bitcast %get3A_1151 : vector<16xi32> to vector<32xbf16>
        %get3A_1153 = arith.index_cast %add3A_1120 : i32 to index
        %get3A_1154 = arith.constant 32 : index
        %get3A_1155 = tpu.vector_load %arg9[%get3A_1153, %get3A_1154] {strides = array<i32>} : memref<80x64xi32, #tpu.memory_space<vmem>>, vector<16xi32>,
        %bitcast3A_1156 = vector.bitcast %get3A_1155 : vector<16xi32> to vector<32xbf16>
        %mul3A_1157 = arith.mulf %bitcast3A_1152, %bitcast3A_1156 : vector<32xbf16>
        %unpack3A_1158 = tpu.unpack_subelements %mul3A_1157, 0 {pack_format = #tpu.pack_format<interleaved>} : vector<32xbf16> -> vector<16xf32>
        %unpack3A_1159 = tpu.unpack_subelements %mul3A_1157, 1 {pack_format = #tpu.pack_format<interleaved>} : vector<32xbf16> -> vector<16xf32>
        %add3A_1160 = arith.addf %add3A_1148, %unpack3A_1158 : vector<16xf32>
        %add3A_1161 = arith.addf %add3A_1160, %unpack3A_1159 : vector<16xf32>
        %get3A_1162 = arith.index_cast %add3A_1120 : i32 to index
        %get3A_1163 = arith.constant 48 : index
        %get3A_1164 = tpu.vector_load %arg8[%get3A_1162, %get3A_1163] {strides = array<i32>} : memref<80x64xi32, #tpu.memory_space<vmem>>, vector<16xi32>,
        %bitcast3A_1165 = vector.bitcast %get3A_1164 : vector<16xi32> to vector<32xbf16>
        %get3A_1166 = arith.index_cast %add3A_1120 : i32 to index
        %get3A_1167 = arith.constant 48 : index
        %get3A_1168 = tpu.vector_load %arg9[%get3A_1166, %get3A_1167] {strides = array<i32>} : memref<80x64xi32, #tpu.memory_space<vmem>>, vector<16xi32>,
        %bitcast3A_1169 = vector.bitcast %get3A_1168 : vector<16xi32> to vector<32xbf16>
        %mul3A_1170 = arith.mulf %bitcast3A_1165, %bitcast3A_1169 : vector<32xbf16>
        %unpack3A_1171 = tpu.unpack_subelements %mul3A_1170, 0 {pack_format = #tpu.pack_format<interleaved>} : vector<32xbf16> -> vector<16xf32>
        %unpack3A_1172 = tpu.unpack_subelements %mul3A_1170, 1 {pack_format = #tpu.pack_format<interleaved>} : vector<32xbf16> -> vector<16xf32>
        %add3A_1173 = arith.addf %add3A_1161, %unpack3A_1171 : vector<16xf32>
        %add3A_1174 = arith.addf %add3A_1173, %unpack3A_1172 : vector<16xf32>
        %eq3A_1175 = arith.constant 15 : i32
        %eq3A_1176 = vector.broadcast %eq3A_1175 : i32 to vector<16xi32>
        %eq3A_1177 = arith.cmpi eq, %iota3A, %eq3A_1176 : vector<16xi32>
        %reduce_sum3A_1178 = arith.constant true
        %reduce_sum3A_1179 = vector.broadcast %reduce_sum3A_1178 : i1 to vector<16xi1>
        %reduce_sum3A_1180 = tpu.scan <sum>, %add3A_1174 masked %reduce_sum3A_1179 : vector<16xf32>, vector<16xi1> -> vector<16xf32>
        %reduce_sum3A_1181 = vector.extract %reduce_sum3A_1180[15] : f32 from vector<16xf32>
        %broadcast_in_dim3A_1182 = vector.broadcast %reduce_sum3A_1181 : f32 to vector<16xf32>
        %select_n3A_1183 = arith.select %eq3A_1177, %broadcast_in_dim3A_1182, %select_n3A_1116 : vector<16xi1>, vector<16xf32>
        %mul3A_1184 = arith.constant 80 : i32
        %mul3A_1185 = arith.muli %mul3A_44, %mul3A_1184 : i32
        %mul3A_1186 = arith.constant 16 : i32
        %mul3A_1187 = arith.muli %scan3A_115, %mul3A_1186 : i32
        %add3A_1188 = arith.addi %mul3A_1185, %mul3A_1187 : i32
        %swap3A = arith.index_cast %add3A_1188 : i32 to index
        %swap3A_1189 = tpu.vector_load %arg12[%swap3A] {strides = array<i32>} : memref<10000xf32, #tpu.memory_space<vmem>>, vector<16xf32>,
        tpu.vector_store %arg12[%swap3A], %select_n3A_1183 {strides = array<i32>} : memref<10000xf32, #tpu.memory_space<vmem>>, vector<16xf32>,
      }
      %scan3A_78 = arith.constant 5 : i32
      %add3A_79 = arith.constant 2 : i32
      %add3A_80 = arith.addi %mul3A_44, %add3A_79 : i32
      %dma_start3A_81 = arith.constant 0 : i32
      %dma_start3A_82 = tpu.memref_slice %arg6[%add3A_80, %dma_start3A_81] : memref<125x80xi32, #tpu.memory_space<vmem>> -> memref<1x80xi32, #tpu.memory_space<vmem>>
      %dma_start3A_83 = tpu.memref_squeeze %dma_start3A_82 : memref<1x80xi32, #tpu.memory_space<vmem>> -> memref<80xi32, #tpu.memory_space<vmem>>
      %dma_start3A_84 = arith.constant 0 : i32
      %dma_start3A_85 = arith.constant 0 : i32
      %dma_start3A_86 = tpu.memref_slice %arg13[%dma_start3A_84, %dma_start3A_85] : memref<10000x64xi32, #tpu.memory_space<vmem_shared>> -> memref<10000x64xi32, #tpu.memory_space<vmem_shared>>
      tpu.enqueue_indirect_dma source(%dma_start3A_86 : memref<10000x64xi32, #tpu.memory_space<vmem_shared>>) target(%arg8 : memref<80x64xi32, #tpu.memory_space<vmem>>) offsets(%dma_start3A_83 : memref<80xi32, #tpu.memory_space<vmem>>) semaphore(%arg14 : memref<!tpu.dma_semaphore, #tpu.memory_space<semaphore_mem>>)
      %dma_start3A_87 = arith.constant 0 : i32
      %dma_start3A_88 = tpu.memref_slice %arg7[%add3A_80, %dma_start3A_87] : memref<125x80xi32, #tpu.memory_space<vmem>> -> memref<1x80xi32, #tpu.memory_space<vmem>>
      %dma_start3A_89 = tpu.memref_squeeze %dma_start3A_88 : memref<1x80xi32, #tpu.memory_space<vmem>> -> memref<80xi32, #tpu.memory_space<vmem>>
      %dma_start3A_90 = arith.constant 0 : i32
      %dma_start3A_91 = arith.constant 0 : i32
      %dma_start3A_92 = tpu.memref_slice %arg13[%dma_start3A_90, %dma_start3A_91] : memref<10000x64xi32, #tpu.memory_space<vmem_shared>> -> memref<10000x64xi32, #tpu.memory_space<vmem_shared>>
      tpu.enqueue_indirect_dma source(%dma_start3A_92 : memref<10000x64xi32, #tpu.memory_space<vmem_shared>>) target(%arg9 : memref<80x64xi32, #tpu.memory_space<vmem>>) offsets(%dma_start3A_89 : memref<80xi32, #tpu.memory_space<vmem>>) semaphore(%arg14 : memref<!tpu.dma_semaphore, #tpu.memory_space<semaphore_mem>>)
      %dma_wait3A_93 = arith.constant 0 : i32
      %dma_wait3A_94 = arith.constant 0 : i32
      %dma_wait3A_95 = tpu.memref_slice %arg6[%dma_wait3A_93, %dma_wait3A_94] : memref<125x80xi32, #tpu.memory_space<vmem>> -> memref<1x80xi32, #tpu.memory_space<vmem>>
      %dma_wait3A_96 = tpu.memref_squeeze %dma_wait3A_95 : memref<1x80xi32, #tpu.memory_space<vmem>> -> memref<80xi32, #tpu.memory_space<vmem>>
      %dma_wait3A_97 = arith.constant 0 : i32
      %dma_wait3A_98 = arith.constant 0 : i32
      %dma_wait3A_99 = tpu.memref_slice %arg13[%dma_wait3A_97, %dma_wait3A_98] : memref<10000x64xi32, #tpu.memory_space<vmem_shared>> -> memref<10000x64xi32, #tpu.memory_space<vmem_shared>>
      tpu.wait_indirect_dma semaphore(%arg15 : memref<!tpu.dma_semaphore, #tpu.memory_space<semaphore_mem>>) src(%dma_wait3A_99 : memref<10000x64xi32, #tpu.memory_space<vmem_shared>>) dst(%arg10 : memref<80x64xi32, #tpu.memory_space<vmem>>)
      %dma_wait3A_100 = arith.constant 0 : i32
      %dma_wait3A_101 = arith.constant 0 : i32
      %dma_wait3A_102 = tpu.memref_slice %arg7[%dma_wait3A_100, %dma_wait3A_101] : memref<125x80xi32, #tpu.memory_space<vmem>> -> memref<1x80xi32, #tpu.memory_space<vmem>>
      %dma_wait3A_103 = tpu.memref_squeeze %dma_wait3A_102 : memref<1x80xi32, #tpu.memory_space<vmem>> -> memref<80xi32, #tpu.memory_space<vmem>>
      %dma_wait3A_104 = arith.constant 0 : i32
      %dma_wait3A_105 = arith.constant 0 : i32
      %dma_wait3A_106 = tpu.memref_slice %arg13[%dma_wait3A_104, %dma_wait3A_105] : memref<10000x64xi32, #tpu.memory_space<vmem_shared>> -> memref<10000x64xi32, #tpu.memory_space<vmem_shared>>
      tpu.wait_indirect_dma semaphore(%arg15 : memref<!tpu.dma_semaphore, #tpu.memory_space<semaphore_mem>>) src(%dma_wait3A_106 : memref<10000x64xi32, #tpu.memory_space<vmem_shared>>) dst(%arg11 : memref<80x64xi32, #tpu.memory_space<vmem>>)
      %add3A_107 = arith.constant 1 : i32
      %add3A_108 = arith.addi %mul3A_44, %add3A_107 : i32
      %scan3A_109 = arith.constant 0 : i32
      %scan3A_110 = arith.constant 0 : i32
      %scan3A_111 = arith.constant 5 : i32
      %scan3A_112 = arith.addi %scan3A_110, %scan3A_111 : i32
      %scan3A_113 = arith.constant 1 : i32
      scf.for %scan3A_115 = %scan3A_110 to %scan3A_112 step %scan3A_113  : i32 {
        %broadcast_in_dim3A = arith.constant 0.000000e+00 : f32
        %broadcast_in_dim3A_116 = vector.broadcast %broadcast_in_dim3A : f32 to vector<16xf32>
        %mul3A_117 = arith.constant 16 : i32
        %mul3A_118 = arith.muli %scan3A_115, %mul3A_117 : i32
        %add3A_119 = arith.constant 0 : i32
        %add3A_120 = arith.addi %mul3A_118, %add3A_119 : i32
        %broadcast_in_dim3A_121 = arith.constant 0.000000e+00 : f32
        %broadcast_in_dim3A_122 = vector.broadcast %broadcast_in_dim3A_121 : f32 to vector<16xf32>
        %get3A = arith.index_cast %add3A_120 : i32 to index
        %get3A_123 = arith.constant 0 : index
        %get3A_124 = tpu.vector_load %arg10[%get3A, %get3A_123] {strides = array<i32>} : memref<80x64xi32, #tpu.memory_space<vmem>>, vector<16xi32>,
        %bitcast3A = vector.bitcast %get3A_124 : vector<16xi32> to vector<32xbf16>
        %get3A_125 = arith.index_cast %add3A_120 : i32 to index
        %get3A_126 = arith.constant 0 : index
        %get3A_127 = tpu.vector_load %arg11[%get3A_125, %get3A_126] {strides = array<i32>} : memref<80x64xi32, #tpu.memory_space<vmem>>, vector<16xi32>,
        %bitcast3A_128 = vector.bitcast %get3A_127 : vector<16xi32> to vector<32xbf16>
        %mul3A_129 = arith.mulf %bitcast3A, %bitcast3A_128 : vector<32xbf16>
        %unpack3A = tpu.unpack_subelements %mul3A_129, 0 {pack_format = #tpu.pack_format<interleaved>} : vector<32xbf16> -> vector<16xf32>
        %unpack3A_130 = tpu.unpack_subelements %mul3A_129, 1 {pack_format = #tpu.pack_format<interleaved>} : vector<32xbf16> -> vector<16xf32>
        %add3A_131 = arith.addf %broadcast_in_dim3A_122, %unpack3A : vector<16xf32>
        %add3A_132 = arith.addf %add3A_131, %unpack3A_130 : vector<16xf32>
        %get3A_133 = arith.index_cast %add3A_120 : i32 to index
        %get3A_134 = arith.constant 16 : index
        %get3A_135 = tpu.vector_load %arg10[%get3A_133, %get3A_134] {strides = array<i32>} : memref<80x64xi32, #tpu.memory_space<vmem>>, vector<16xi32>,
        %bitcast3A_136 = vector.bitcast %get3A_135 : vector<16xi32> to vector<32xbf16>
        %get3A_137 = arith.index_cast %add3A_120 : i32 to index
        %get3A_138 = arith.constant 16 : index
        %get3A_139 = tpu.vector_load %arg11[%get3A_137, %get3A_138] {strides = array<i32>} : memref<80x64xi32, #tpu.memory_space<vmem>>, vector<16xi32>,
        %bitcast3A_140 = vector.bitcast %get3A_139 : vector<16xi32> to vector<32xbf16>
        %mul3A_141 = arith.mulf %bitcast3A_136, %bitcast3A_140 : vector<32xbf16>
        %unpack3A_142 = tpu.unpack_subelements %mul3A_141, 0 {pack_format = #tpu.pack_format<interleaved>} : vector<32xbf16> -> vector<16xf32>
        %unpack3A_143 = tpu.unpack_subelements %mul3A_141, 1 {pack_format = #tpu.pack_format<interleaved>} : vector<32xbf16> -> vector<16xf32>
        %add3A_144 = arith.addf %add3A_132, %unpack3A_142 : vector<16xf32>
        %add3A_145 = arith.addf %add3A_144, %unpack3A_143 : vector<16xf32>
        %get3A_146 = arith.index_cast %add3A_120 : i32 to index
        %get3A_147 = arith.constant 32 : index
        %get3A_148 = tpu.vector_load %arg10[%get3A_146, %get3A_147] {strides = array<i32>} : memref<80x64xi32, #tpu.memory_space<vmem>>, vector<16xi32>,
        %bitcast3A_149 = vector.bitcast %get3A_148 : vector<16xi32> to vector<32xbf16>
        %get3A_150 = arith.index_cast %add3A_120 : i32 to index
        %get3A_151 = arith.constant 32 : index
        %get3A_152 = tpu.vector_load %arg11[%get3A_150, %get3A_151] {strides = array<i32>} : memref<80x64xi32, #tpu.memory_space<vmem>>, vector<16xi32>,
        %bitcast3A_153 = vector.bitcast %get3A_152 : vector<16xi32> to vector<32xbf16>
        %mul3A_154 = arith.mulf %bitcast3A_149, %bitcast3A_153 : vector<32xbf16>
        %unpack3A_155 = tpu.unpack_subelements %mul3A_154, 0 {pack_format = #tpu.pack_format<interleaved>} : vector<32xbf16> -> vector<16xf32>
        %unpack3A_156 = tpu.unpack_subelements %mul3A_154, 1 {pack_format = #tpu.pack_format<interleaved>} : vector<32xbf16> -> vector<16xf32>
        %add3A_157 = arith.addf %add3A_145, %unpack3A_155 : vector<16xf32>
        %add3A_158 = arith.addf %add3A_157, %unpack3A_156 : vector<16xf32>
        %get3A_159 = arith.index_cast %add3A_120 : i32 to index
        %get3A_160 = arith.constant 48 : index
        %get3A_161 = tpu.vector_load %arg10[%get3A_159, %get3A_160] {strides = array<i32>} : memref<80x64xi32, #tpu.memory_space<vmem>>, vector<16xi32>,
        %bitcast3A_162 = vector.bitcast %get3A_161 : vector<16xi32> to vector<32xbf16>
        %get3A_163 = arith.index_cast %add3A_120 : i32 to index
        %get3A_164 = arith.constant 48 : index
        %get3A_165 = tpu.vector_load %arg11[%get3A_163, %get3A_164] {strides = array<i32>} : memref<80x64xi32, #tpu.memory_space<vmem>>, vector<16xi32>,
        %bitcast3A_166 = vector.bitcast %get3A_165 : vector<16xi32> to vector<32xbf16>
        %mul3A_167 = arith.mulf %bitcast3A_162, %bitcast3A_166 : vector<32xbf16>
        %unpack3A_168 = tpu.unpack_subelements %mul3A_167, 0 {pack_format = #tpu.pack_format<interleaved>} : vector<32xbf16> -> vector<16xf32>
        %unpack3A_169 = tpu.unpack_subelements %mul3A_167, 1 {pack_format = #tpu.pack_format<interleaved>} : vector<32xbf16> -> vector<16xf32>
        %add3A_170 = arith.addf %add3A_158, %unpack3A_168 : vector<16xf32>
        %add3A_171 = arith.addf %add3A_170, %unpack3A_169 : vector<16xf32>
        %eq3A_172 = arith.constant 0 : i32
        %eq3A_173 = vector.broadcast %eq3A_172 : i32 to vector<16xi32>
        %eq3A_174 = arith.cmpi eq, %iota3A, %eq3A_173 : vector<16xi32>
        %reduce_sum3A = arith.constant true
        %reduce_sum3A_175 = vector.broadcast %reduce_sum3A : i1 to vector<16xi1>
        %reduce_sum3A_176 = tpu.scan <sum>, %add3A_171 masked %reduce_sum3A_175 : vector<16xf32>, vector<16xi1> -> vector<16xf32>
        %reduce_sum3A_177 = vector.extract %reduce_sum3A_176[15] : f32 from vector<16xf32>
        %broadcast_in_dim3A_178 = vector.broadcast %reduce_sum3A_177 : f32 to vector<16xf32>
        %select_n3A = arith.select %eq3A_174, %broadcast_in_dim3A_178, %broadcast_in_dim3A_116 : vector<16xi1>, vector<16xf32>
        %mul3A_179 = arith.constant 16 : i32
        %mul3A_180 = arith.muli %scan3A_115, %mul3A_179 : i32
        %add3A_181 = arith.constant 1 : i32
        %add3A_182 = arith.addi %mul3A_180, %add3A_181 : i32
        %broadcast_in_dim3A_183 = arith.constant 0.000000e+00 : f32
        %broadcast_in_dim3A_184 = vector.broadcast %broadcast_in_dim3A_183 : f32 to vector<16xf32>
        %get3A_185 = arith.index_cast %add3A_182 : i32 to index
        %get3A_186 = arith.constant 0 : index
        %get3A_187 = tpu.vector_load %arg10[%get3A_185, %get3A_186] {strides = array<i32>} : memref<80x64xi32, #tpu.memory_space<vmem>>, vector<16xi32>,
        %bitcast3A_188 = vector.bitcast %get3A_187 : vector<16xi32> to vector<32xbf16>
        %get3A_189 = arith.index_cast %add3A_182 : i32 to index
        %get3A_190 = arith.constant 0 : index
        %get3A_191 = tpu.vector_load %arg11[%get3A_189, %get3A_190] {strides = array<i32>} : memref<80x64xi32, #tpu.memory_space<vmem>>, vector<16xi32>,
        %bitcast3A_192 = vector.bitcast %get3A_191 : vector<16xi32> to vector<32xbf16>
        %mul3A_193 = arith.mulf %bitcast3A_188, %bitcast3A_192 : vector<32xbf16>
        %unpack3A_194 = tpu.unpack_subelements %mul3A_193, 0 {pack_format = #tpu.pack_format<interleaved>} : vector<32xbf16> -> vector<16xf32>
        %unpack3A_195 = tpu.unpack_subelements %mul3A_193, 1 {pack_format = #tpu.pack_format<interleaved>} : vector<32xbf16> -> vector<16xf32>
        %add3A_196 = arith.addf %broadcast_in_dim3A_184, %unpack3A_194 : vector<16xf32>
        %add3A_197 = arith.addf %add3A_196, %unpack3A_195 : vector<16xf32>
        %get3A_198 = arith.index_cast %add3A_182 : i32 to index
        %get3A_199 = arith.constant 16 : index
        %get3A_200 = tpu.vector_load %arg10[%get3A_198, %get3A_199] {strides = array<i32>} : memref<80x64xi32, #tpu.memory_space<vmem>>, vector<16xi32>,
        %bitcast3A_201 = vector.bitcast %get3A_200 : vector<16xi32> to vector<32xbf16>
        %get3A_202 = arith.index_cast %add3A_182 : i32 to index
        %get3A_203 = arith.constant 16 : index
        %get3A_204 = tpu.vector_load %arg11[%get3A_202, %get3A_203] {strides = array<i32>} : memref<80x64xi32, #tpu.memory_space<vmem>>, vector<16xi32>,
        %bitcast3A_205 = vector.bitcast %get3A_204 : vector<16xi32> to vector<32xbf16>
        %mul3A_206 = arith.mulf %bitcast3A_201, %bitcast3A_205 : vector<32xbf16>
        %unpack3A_207 = tpu.unpack_subelements %mul3A_206, 0 {pack_format = #tpu.pack_format<interleaved>} : vector<32xbf16> -> vector<16xf32>
        %unpack3A_208 = tpu.unpack_subelements %mul3A_206, 1 {pack_format = #tpu.pack_format<interleaved>} : vector<32xbf16> -> vector<16xf32>
        %add3A_209 = arith.addf %add3A_197, %unpack3A_207 : vector<16xf32>
        %add3A_210 = arith.addf %add3A_209, %unpack3A_208 : vector<16xf32>
        %get3A_211 = arith.index_cast %add3A_182 : i32 to index
        %get3A_212 = arith.constant 32 : index
        %get3A_213 = tpu.vector_load %arg10[%get3A_211, %get3A_212] {strides = array<i32>} : memref<80x64xi32, #tpu.memory_space<vmem>>, vector<16xi32>,
        %bitcast3A_214 = vector.bitcast %get3A_213 : vector<16xi32> to vector<32xbf16>
        %get3A_215 = arith.index_cast %add3A_182 : i32 to index
        %get3A_216 = arith.constant 32 : index
        %get3A_217 = tpu.vector_load %arg11[%get3A_215, %get3A_216] {strides = array<i32>} : memref<80x64xi32, #tpu.memory_space<vmem>>, vector<16xi32>,
        %bitcast3A_218 = vector.bitcast %get3A_217 : vector<16xi32> to vector<32xbf16>
        %mul3A_219 = arith.mulf %bitcast3A_214, %bitcast3A_218 : vector<32xbf16>
        %unpack3A_220 = tpu.unpack_subelements %mul3A_219, 0 {pack_format = #tpu.pack_format<interleaved>} : vector<32xbf16> -> vector<16xf32>
        %unpack3A_221 = tpu.unpack_subelements %mul3A_219, 1 {pack_format = #tpu.pack_format<interleaved>} : vector<32xbf16> -> vector<16xf32>
        %add3A_222 = arith.addf %add3A_210, %unpack3A_220 : vector<16xf32>
        %add3A_223 = arith.addf %add3A_222, %unpack3A_221 : vector<16xf32>
        %get3A_224 = arith.index_cast %add3A_182 : i32 to index
        %get3A_225 = arith.constant 48 : index
        %get3A_226 = tpu.vector_load %arg10[%get3A_224, %get3A_225] {strides = array<i32>} : memref<80x64xi32, #tpu.memory_space<vmem>>, vector<16xi32>,
        %bitcast3A_227 = vector.bitcast %get3A_226 : vector<16xi32> to vector<32xbf16>
        %get3A_228 = arith.index_cast %add3A_182 : i32 to index
        %get3A_229 = arith.constant 48 : index
        %get3A_230 = tpu.vector_load %arg11[%get3A_228, %get3A_229] {strides = array<i32>} : memref<80x64xi32, #tpu.memory_space<vmem>>, vector<16xi32>,
        %bitcast3A_231 = vector.bitcast %get3A_230 : vector<16xi32> to vector<32xbf16>
        %mul3A_232 = arith.mulf %bitcast3A_227, %bitcast3A_231 : vector<32xbf16>
        %unpack3A_233 = tpu.unpack_subelements %mul3A_232, 0 {pack_format = #tpu.pack_format<interleaved>} : vector<32xbf16> -> vector<16xf32>
        %unpack3A_234 = tpu.unpack_subelements %mul3A_232, 1 {pack_format = #tpu.pack_format<interleaved>} : vector<32xbf16> -> vector<16xf32>
        %add3A_235 = arith.addf %add3A_223, %unpack3A_233 : vector<16xf32>
        %add3A_236 = arith.addf %add3A_235, %unpack3A_234 : vector<16xf32>
        %eq3A_237 = arith.constant 1 : i32
        %eq3A_238 = vector.broadcast %eq3A_237 : i32 to vector<16xi32>
        %eq3A_239 = arith.cmpi eq, %iota3A, %eq3A_238 : vector<16xi32>
        %reduce_sum3A_240 = arith.constant true
        %reduce_sum3A_241 = vector.broadcast %reduce_sum3A_240 : i1 to vector<16xi1>
        %reduce_sum3A_242 = tpu.scan <sum>, %add3A_236 masked %reduce_sum3A_241 : vector<16xf32>, vector<16xi1> -> vector<16xf32>
        %reduce_sum3A_243 = vector.extract %reduce_sum3A_242[15] : f32 from vector<16xf32>
        %broadcast_in_dim3A_244 = vector.broadcast %reduce_sum3A_243 : f32 to vector<16xf32>
        %select_n3A_245 = arith.select %eq3A_239, %broadcast_in_dim3A_244, %select_n3A : vector<16xi1>, vector<16xf32>
        %mul3A_246 = arith.constant 16 : i32
        %mul3A_247 = arith.muli %scan3A_115, %mul3A_246 : i32
        %add3A_248 = arith.constant 2 : i32
        %add3A_249 = arith.addi %mul3A_247, %add3A_248 : i32
        %broadcast_in_dim3A_250 = arith.constant 0.000000e+00 : f32
        %broadcast_in_dim3A_251 = vector.broadcast %broadcast_in_dim3A_250 : f32 to vector<16xf32>
        %get3A_252 = arith.index_cast %add3A_249 : i32 to index
        %get3A_253 = arith.constant 0 : index
        %get3A_254 = tpu.vector_load %arg10[%get3A_252, %get3A_253] {strides = array<i32>} : memref<80x64xi32, #tpu.memory_space<vmem>>, vector<16xi32>,
        %bitcast3A_255 = vector.bitcast %get3A_254 : vector<16xi32> to vector<32xbf16>
        %get3A_256 = arith.index_cast %add3A_249 : i32 to index
        %get3A_257 = arith.constant 0 : index
        %get3A_258 = tpu.vector_load %arg11[%get3A_256, %get3A_257] {strides = array<i32>} : memref<80x64xi32, #tpu.memory_space<vmem>>, vector<16xi32>,
        %bitcast3A_259 = vector.bitcast %get3A_258 : vector<16xi32> to vector<32xbf16>
        %mul3A_260 = arith.mulf %bitcast3A_255, %bitcast3A_259 : vector<32xbf16>
        %unpack3A_261 = tpu.unpack_subelements %mul3A_260, 0 {pack_format = #tpu.pack_format<interleaved>} : vector<32xbf16> -> vector<16xf32>
        %unpack3A_262 = tpu.unpack_subelements %mul3A_260, 1 {pack_format = #tpu.pack_format<interleaved>} : vector<32xbf16> -> vector<16xf32>
        %add3A_263 = arith.addf %broadcast_in_dim3A_251, %unpack3A_261 : vector<16xf32>
        %add3A_264 = arith.addf %add3A_263, %unpack3A_262 : vector<16xf32>
        %get3A_265 = arith.index_cast %add3A_249 : i32 to index
        %get3A_266 = arith.constant 16 : index
        %get3A_267 = tpu.vector_load %arg10[%get3A_265, %get3A_266] {strides = array<i32>} : memref<80x64xi32, #tpu.memory_space<vmem>>, vector<16xi32>,
        %bitcast3A_268 = vector.bitcast %get3A_267 : vector<16xi32> to vector<32xbf16>
        %get3A_269 = arith.index_cast %add3A_249 : i32 to index
        %get3A_270 = arith.constant 16 : index
        %get3A_271 = tpu.vector_load %arg11[%get3A_269, %get3A_270] {strides = array<i32>} : memref<80x64xi32, #tpu.memory_space<vmem>>, vector<16xi32>,
        %bitcast3A_272 = vector.bitcast %get3A_271 : vector<16xi32> to vector<32xbf16>
        %mul3A_273 = arith.mulf %bitcast3A_268, %bitcast3A_272 : vector<32xbf16>
        %unpack3A_274 = tpu.unpack_subelements %mul3A_273, 0 {pack_format = #tpu.pack_format<interleaved>} : vector<32xbf16> -> vector<16xf32>
        %unpack3A_275 = tpu.unpack_subelements %mul3A_273, 1 {pack_format = #tpu.pack_format<interleaved>} : vector<32xbf16> -> vector<16xf32>
        %add3A_276 = arith.addf %add3A_264, %unpack3A_274 : vector<16xf32>
        %add3A_277 = arith.addf %add3A_276, %unpack3A_275 : vector<16xf32>
        %get3A_278 = arith.index_cast %add3A_249 : i32 to index
        %get3A_279 = arith.constant 32 : index
        %get3A_280 = tpu.vector_load %arg10[%get3A_278, %get3A_279] {strides = array<i32>} : memref<80x64xi32, #tpu.memory_space<vmem>>, vector<16xi32>,
        %bitcast3A_281 = vector.bitcast %get3A_280 : vector<16xi32> to vector<32xbf16>
        %get3A_282 = arith.index_cast %add3A_249 : i32 to index
        %get3A_283 = arith.constant 32 : index
        %get3A_284 = tpu.vector_load %arg11[%get3A_282, %get3A_283] {strides = array<i32>} : memref<80x64xi32, #tpu.memory_space<vmem>>, vector<16xi32>,
        %bitcast3A_285 = vector.bitcast %get3A_284 : vector<16xi32> to vector<32xbf16>
        %mul3A_286 = arith.mulf %bitcast3A_281, %bitcast3A_285 : vector<32xbf16>
        %unpack3A_287 = tpu.unpack_subelements %mul3A_286, 0 {pack_format = #tpu.pack_format<interleaved>} : vector<32xbf16> -> vector<16xf32>
        %unpack3A_288 = tpu.unpack_subelements %mul3A_286, 1 {pack_format = #tpu.pack_format<interleaved>} : vector<32xbf16> -> vector<16xf32>
        %add3A_289 = arith.addf %add3A_277, %unpack3A_287 : vector<16xf32>
        %add3A_290 = arith.addf %add3A_289, %unpack3A_288 : vector<16xf32>
        %get3A_291 = arith.index_cast %add3A_249 : i32 to index
        %get3A_292 = arith.constant 48 : index
        %get3A_293 = tpu.vector_load %arg10[%get3A_291, %get3A_292] {strides = array<i32>} : memref<80x64xi32, #tpu.memory_space<vmem>>, vector<16xi32>,
        %bitcast3A_294 = vector.bitcast %get3A_293 : vector<16xi32> to vector<32xbf16>
        %get3A_295 = arith.index_cast %add3A_249 : i32 to index
        %get3A_296 = arith.constant 48 : index
        %get3A_297 = tpu.vector_load %arg11[%get3A_295, %get3A_296] {strides = array<i32>} : memref<80x64xi32, #tpu.memory_space<vmem>>, vector<16xi32>,
        %bitcast3A_298 = vector.bitcast %get3A_297 : vector<16xi32> to vector<32xbf16>
        %mul3A_299 = arith.mulf %bitcast3A_294, %bitcast3A_298 : vector<32xbf16>
        %unpack3A_300 = tpu.unpack_subelements %mul3A_299, 0 {pack_format = #tpu.pack_format<interleaved>} : vector<32xbf16> -> vector<16xf32>
        %unpack3A_301 = tpu.unpack_subelements %mul3A_299, 1 {pack_format = #tpu.pack_format<interleaved>} : vector<32xbf16> -> vector<16xf32>
        %add3A_302 = arith.addf %add3A_290, %unpack3A_300 : vector<16xf32>
        %add3A_303 = arith.addf %add3A_302, %unpack3A_301 : vector<16xf32>
        %eq3A_304 = arith.constant 2 : i32
        %eq3A_305 = vector.broadcast %eq3A_304 : i32 to vector<16xi32>
        %eq3A_306 = arith.cmpi eq, %iota3A, %eq3A_305 : vector<16xi32>
        %reduce_sum3A_307 = arith.constant true
        %reduce_sum3A_308 = vector.broadcast %reduce_sum3A_307 : i1 to vector<16xi1>
        %reduce_sum3A_309 = tpu.scan <sum>, %add3A_303 masked %reduce_sum3A_308 : vector<16xf32>, vector<16xi1> -> vector<16xf32>
        %reduce_sum3A_310 = vector.extract %reduce_sum3A_309[15] : f32 from vector<16xf32>
        %broadcast_in_dim3A_311 = vector.broadcast %reduce_sum3A_310 : f32 to vector<16xf32>
        %select_n3A_312 = arith.select %eq3A_306, %broadcast_in_dim3A_311, %select_n3A_245 : vector<16xi1>, vector<16xf32>
        %mul3A_313 = arith.constant 16 : i32
        %mul3A_314 = arith.muli %scan3A_115, %mul3A_313 : i32
        %add3A_315 = arith.constant 3 : i32
        %add3A_316 = arith.addi %mul3A_314, %add3A_315 : i32
        %broadcast_in_dim3A_317 = arith.constant 0.000000e+00 : f32
        %broadcast_in_dim3A_318 = vector.broadcast %broadcast_in_dim3A_317 : f32 to vector<16xf32>
        %get3A_319 = arith.index_cast %add3A_316 : i32 to index
        %get3A_320 = arith.constant 0 : index
        %get3A_321 = tpu.vector_load %arg10[%get3A_319, %get3A_320] {strides = array<i32>} : memref<80x64xi32, #tpu.memory_space<vmem>>, vector<16xi32>,
        %bitcast3A_322 = vector.bitcast %get3A_321 : vector<16xi32> to vector<32xbf16>
        %get3A_323 = arith.index_cast %add3A_316 : i32 to index
        %get3A_324 = arith.constant 0 : index
        %get3A_325 = tpu.vector_load %arg11[%get3A_323, %get3A_324] {strides = array<i32>} : memref<80x64xi32, #tpu.memory_space<vmem>>, vector<16xi32>,
        %bitcast3A_326 = vector.bitcast %get3A_325 : vector<16xi32> to vector<32xbf16>
        %mul3A_327 = arith.mulf %bitcast3A_322, %bitcast3A_326 : vector<32xbf16>
        %unpack3A_328 = tpu.unpack_subelements %mul3A_327, 0 {pack_format = #tpu.pack_format<interleaved>} : vector<32xbf16> -> vector<16xf32>
        %unpack3A_329 = tpu.unpack_subelements %mul3A_327, 1 {pack_format = #tpu.pack_format<interleaved>} : vector<32xbf16> -> vector<16xf32>
        %add3A_330 = arith.addf %broadcast_in_dim3A_318, %unpack3A_328 : vector<16xf32>
        %add3A_331 = arith.addf %add3A_330, %unpack3A_329 : vector<16xf32>
        %get3A_332 = arith.index_cast %add3A_316 : i32 to index
        %get3A_333 = arith.constant 16 : index
        %get3A_334 = tpu.vector_load %arg10[%get3A_332, %get3A_333] {strides = array<i32>} : memref<80x64xi32, #tpu.memory_space<vmem>>, vector<16xi32>,
        %bitcast3A_335 = vector.bitcast %get3A_334 : vector<16xi32> to vector<32xbf16>
        %get3A_336 = arith.index_cast %add3A_316 : i32 to index
        %get3A_337 = arith.constant 16 : index
        %get3A_338 = tpu.vector_load %arg11[%get3A_336, %get3A_337] {strides = array<i32>} : memref<80x64xi32, #tpu.memory_space<vmem>>, vector<16xi32>,
        %bitcast3A_339 = vector.bitcast %get3A_338 : vector<16xi32> to vector<32xbf16>
        %mul3A_340 = arith.mulf %bitcast3A_335, %bitcast3A_339 : vector<32xbf16>
        %unpack3A_341 = tpu.unpack_subelements %mul3A_340, 0 {pack_format = #tpu.pack_format<interleaved>} : vector<32xbf16> -> vector<16xf32>
        %unpack3A_342 = tpu.unpack_subelements %mul3A_340, 1 {pack_format = #tpu.pack_format<interleaved>} : vector<32xbf16> -> vector<16xf32>
        %add3A_343 = arith.addf %add3A_331, %unpack3A_341 : vector<16xf32>
        %add3A_344 = arith.addf %add3A_343, %unpack3A_342 : vector<16xf32>
        %get3A_345 = arith.index_cast %add3A_316 : i32 to index
        %get3A_346 = arith.constant 32 : index
        %get3A_347 = tpu.vector_load %arg10[%get3A_345, %get3A_346] {strides = array<i32>} : memref<80x64xi32, #tpu.memory_space<vmem>>, vector<16xi32>,
        %bitcast3A_348 = vector.bitcast %get3A_347 : vector<16xi32> to vector<32xbf16>
        %get3A_349 = arith.index_cast %add3A_316 : i32 to index
        %get3A_350 = arith.constant 32 : index
        %get3A_351 = tpu.vector_load %arg11[%get3A_349, %get3A_350] {strides = array<i32>} : memref<80x64xi32, #tpu.memory_space<vmem>>, vector<16xi32>,
        %bitcast3A_352 = vector.bitcast %get3A_351 : vector<16xi32> to vector<32xbf16>
        %mul3A_353 = arith.mulf %bitcast3A_348, %bitcast3A_352 : vector<32xbf16>
        %unpack3A_354 = tpu.unpack_subelements %mul3A_353, 0 {pack_format = #tpu.pack_format<interleaved>} : vector<32xbf16> -> vector<16xf32>
        %unpack3A_355 = tpu.unpack_subelements %mul3A_353, 1 {pack_format = #tpu.pack_format<interleaved>} : vector<32xbf16> -> vector<16xf32>
        %add3A_356 = arith.addf %add3A_344, %unpack3A_354 : vector<16xf32>
        %add3A_357 = arith.addf %add3A_356, %unpack3A_355 : vector<16xf32>
        %get3A_358 = arith.index_cast %add3A_316 : i32 to index
        %get3A_359 = arith.constant 48 : index
        %get3A_360 = tpu.vector_load %arg10[%get3A_358, %get3A_359] {strides = array<i32>} : memref<80x64xi32, #tpu.memory_space<vmem>>, vector<16xi32>,
        %bitcast3A_361 = vector.bitcast %get3A_360 : vector<16xi32> to vector<32xbf16>
        %get3A_362 = arith.index_cast %add3A_316 : i32 to index
        %get3A_363 = arith.constant 48 : index
        %get3A_364 = tpu.vector_load %arg11[%get3A_362, %get3A_363] {strides = array<i32>} : memref<80x64xi32, #tpu.memory_space<vmem>>, vector<16xi32>,
        %bitcast3A_365 = vector.bitcast %get3A_364 : vector<16xi32> to vector<32xbf16>
        %mul3A_366 = arith.mulf %bitcast3A_361, %bitcast3A_365 : vector<32xbf16>
        %unpack3A_367 = tpu.unpack_subelements %mul3A_366, 0 {pack_format = #tpu.pack_format<interleaved>} : vector<32xbf16> -> vector<16xf32>
        %unpack3A_368 = tpu.unpack_subelements %mul3A_366, 1 {pack_format = #tpu.pack_format<interleaved>} : vector<32xbf16> -> vector<16xf32>
        %add3A_369 = arith.addf %add3A_357, %unpack3A_367 : vector<16xf32>
        %add3A_370 = arith.addf %add3A_369, %unpack3A_368 : vector<16xf32>
        %eq3A_371 = arith.constant 3 : i32
        %eq3A_372 = vector.broadcast %eq3A_371 : i32 to vector<16xi32>
        %eq3A_373 = arith.cmpi eq, %iota3A, %eq3A_372 : vector<16xi32>
        %reduce_sum3A_374 = arith.constant true
        %reduce_sum3A_375 = vector.broadcast %reduce_sum3A_374 : i1 to vector<16xi1>
        %reduce_sum3A_376 = tpu.scan <sum>, %add3A_370 masked %reduce_sum3A_375 : vector<16xf32>, vector<16xi1> -> vector<16xf32>
        %reduce_sum3A_377 = vector.extract %reduce_sum3A_376[15] : f32 from vector<16xf32>
        %broadcast_in_dim3A_378 = vector.broadcast %reduce_sum3A_377 : f32 to vector<16xf32>
        %select_n3A_379 = arith.select %eq3A_373, %broadcast_in_dim3A_378, %select_n3A_312 : vector<16xi1>, vector<16xf32>
        %mul3A_380 = arith.constant 16 : i32
        %mul3A_381 = arith.muli %scan3A_115, %mul3A_380 : i32
        %add3A_382 = arith.constant 4 : i32
        %add3A_383 = arith.addi %mul3A_381, %add3A_382 : i32
        %broadcast_in_dim3A_384 = arith.constant 0.000000e+00 : f32
        %broadcast_in_dim3A_385 = vector.broadcast %broadcast_in_dim3A_384 : f32 to vector<16xf32>
        %get3A_386 = arith.index_cast %add3A_383 : i32 to index
        %get3A_387 = arith.constant 0 : index
        %get3A_388 = tpu.vector_load %arg10[%get3A_386, %get3A_387] {strides = array<i32>} : memref<80x64xi32, #tpu.memory_space<vmem>>, vector<16xi32>,
        %bitcast3A_389 = vector.bitcast %get3A_388 : vector<16xi32> to vector<32xbf16>
        %get3A_390 = arith.index_cast %add3A_383 : i32 to index
        %get3A_391 = arith.constant 0 : index
        %get3A_392 = tpu.vector_load %arg11[%get3A_390, %get3A_391] {strides = array<i32>} : memref<80x64xi32, #tpu.memory_space<vmem>>, vector<16xi32>,
        %bitcast3A_393 = vector.bitcast %get3A_392 : vector<16xi32> to vector<32xbf16>
        %mul3A_394 = arith.mulf %bitcast3A_389, %bitcast3A_393 : vector<32xbf16>
        %unpack3A_395 = tpu.unpack_subelements %mul3A_394, 0 {pack_format = #tpu.pack_format<interleaved>} : vector<32xbf16> -> vector<16xf32>
        %unpack3A_396 = tpu.unpack_subelements %mul3A_394, 1 {pack_format = #tpu.pack_format<interleaved>} : vector<32xbf16> -> vector<16xf32>
        %add3A_397 = arith.addf %broadcast_in_dim3A_385, %unpack3A_395 : vector<16xf32>
        %add3A_398 = arith.addf %add3A_397, %unpack3A_396 : vector<16xf32>
        %get3A_399 = arith.index_cast %add3A_383 : i32 to index
        %get3A_400 = arith.constant 16 : index
        %get3A_401 = tpu.vector_load %arg10[%get3A_399, %get3A_400] {strides = array<i32>} : memref<80x64xi32, #tpu.memory_space<vmem>>, vector<16xi32>,
        %bitcast3A_402 = vector.bitcast %get3A_401 : vector<16xi32> to vector<32xbf16>
        %get3A_403 = arith.index_cast %add3A_383 : i32 to index
        %get3A_404 = arith.constant 16 : index
        %get3A_405 = tpu.vector_load %arg11[%get3A_403, %get3A_404] {strides = array<i32>} : memref<80x64xi32, #tpu.memory_space<vmem>>, vector<16xi32>,
        %bitcast3A_406 = vector.bitcast %get3A_405 : vector<16xi32> to vector<32xbf16>
        %mul3A_407 = arith.mulf %bitcast3A_402, %bitcast3A_406 : vector<32xbf16>
        %unpack3A_408 = tpu.unpack_subelements %mul3A_407, 0 {pack_format = #tpu.pack_format<interleaved>} : vector<32xbf16> -> vector<16xf32>
        %unpack3A_409 = tpu.unpack_subelements %mul3A_407, 1 {pack_format = #tpu.pack_format<interleaved>} : vector<32xbf16> -> vector<16xf32>
        %add3A_410 = arith.addf %add3A_398, %unpack3A_408 : vector<16xf32>
        %add3A_411 = arith.addf %add3A_410, %unpack3A_409 : vector<16xf32>
        %get3A_412 = arith.index_cast %add3A_383 : i32 to index
        %get3A_413 = arith.constant 32 : index
        %get3A_414 = tpu.vector_load %arg10[%get3A_412, %get3A_413] {strides = array<i32>} : memref<80x64xi32, #tpu.memory_space<vmem>>, vector<16xi32>,
        %bitcast3A_415 = vector.bitcast %get3A_414 : vector<16xi32> to vector<32xbf16>
        %get3A_416 = arith.index_cast %add3A_383 : i32 to index
        %get3A_417 = arith.constant 32 : index
        %get3A_418 = tpu.vector_load %arg11[%get3A_416, %get3A_417] {strides = array<i32>} : memref<80x64xi32, #tpu.memory_space<vmem>>, vector<16xi32>,
        %bitcast3A_419 = vector.bitcast %get3A_418 : vector<16xi32> to vector<32xbf16>
        %mul3A_420 = arith.mulf %bitcast3A_415, %bitcast3A_419 : vector<32xbf16>
        %unpack3A_421 = tpu.unpack_subelements %mul3A_420, 0 {pack_format = #tpu.pack_format<interleaved>} : vector<32xbf16> -> vector<16xf32>
        %unpack3A_422 = tpu.unpack_subelements %mul3A_420, 1 {pack_format = #tpu.pack_format<interleaved>} : vector<32xbf16> -> vector<16xf32>
        %add3A_423 = arith.addf %add3A_411, %unpack3A_421 : vector<16xf32>
        %add3A_424 = arith.addf %add3A_423, %unpack3A_422 : vector<16xf32>
        %get3A_425 = arith.index_cast %add3A_383 : i32 to index
        %get3A_426 = arith.constant 48 : index
        %get3A_427 = tpu.vector_load %arg10[%get3A_425, %get3A_426] {strides = array<i32>} : memref<80x64xi32, #tpu.memory_space<vmem>>, vector<16xi32>,
        %bitcast3A_428 = vector.bitcast %get3A_427 : vector<16xi32> to vector<32xbf16>
        %get3A_429 = arith.index_cast %add3A_383 : i32 to index
        %get3A_430 = arith.constant 48 : index
        %get3A_431 = tpu.vector_load %arg11[%get3A_429, %get3A_430] {strides = array<i32>} : memref<80x64xi32, #tpu.memory_space<vmem>>, vector<16xi32>,
        %bitcast3A_432 = vector.bitcast %get3A_431 : vector<16xi32> to vector<32xbf16>
        %mul3A_433 = arith.mulf %bitcast3A_428, %bitcast3A_432 : vector<32xbf16>
        %unpack3A_434 = tpu.unpack_subelements %mul3A_433, 0 {pack_format = #tpu.pack_format<interleaved>} : vector<32xbf16> -> vector<16xf32>
        %unpack3A_435 = tpu.unpack_subelements %mul3A_433, 1 {pack_format = #tpu.pack_format<interleaved>} : vector<32xbf16> -> vector<16xf32>
        %add3A_436 = arith.addf %add3A_424, %unpack3A_434 : vector<16xf32>
        %add3A_437 = arith.addf %add3A_436, %unpack3A_435 : vector<16xf32>
        %eq3A_438 = arith.constant 4 : i32
        %eq3A_439 = vector.broadcast %eq3A_438 : i32 to vector<16xi32>
        %eq3A_440 = arith.cmpi eq, %iota3A, %eq3A_439 : vector<16xi32>
        %reduce_sum3A_441 = arith.constant true
        %reduce_sum3A_442 = vector.broadcast %reduce_sum3A_441 : i1 to vector<16xi1>
        %reduce_sum3A_443 = tpu.scan <sum>, %add3A_437 masked %reduce_sum3A_442 : vector<16xf32>, vector<16xi1> -> vector<16xf32>
        %reduce_sum3A_444 = vector.extract %reduce_sum3A_443[15] : f32 from vector<16xf32>
        %broadcast_in_dim3A_445 = vector.broadcast %reduce_sum3A_444 : f32 to vector<16xf32>
        %select_n3A_446 = arith.select %eq3A_440, %broadcast_in_dim3A_445, %select_n3A_379 : vector<16xi1>, vector<16xf32>
        %mul3A_447 = arith.constant 16 : i32
        %mul3A_448 = arith.muli %scan3A_115, %mul3A_447 : i32
        %add3A_449 = arith.constant 5 : i32
        %add3A_450 = arith.addi %mul3A_448, %add3A_449 : i32
        %broadcast_in_dim3A_451 = arith.constant 0.000000e+00 : f32
        %broadcast_in_dim3A_452 = vector.broadcast %broadcast_in_dim3A_451 : f32 to vector<16xf32>
        %get3A_453 = arith.index_cast %add3A_450 : i32 to index
        %get3A_454 = arith.constant 0 : index
        %get3A_455 = tpu.vector_load %arg10[%get3A_453, %get3A_454] {strides = array<i32>} : memref<80x64xi32, #tpu.memory_space<vmem>>, vector<16xi32>,
        %bitcast3A_456 = vector.bitcast %get3A_455 : vector<16xi32> to vector<32xbf16>
        %get3A_457 = arith.index_cast %add3A_450 : i32 to index
        %get3A_458 = arith.constant 0 : index
        %get3A_459 = tpu.vector_load %arg11[%get3A_457, %get3A_458] {strides = array<i32>} : memref<80x64xi32, #tpu.memory_space<vmem>>, vector<16xi32>,
        %bitcast3A_460 = vector.bitcast %get3A_459 : vector<16xi32> to vector<32xbf16>
        %mul3A_461 = arith.mulf %bitcast3A_456, %bitcast3A_460 : vector<32xbf16>
        %unpack3A_462 = tpu.unpack_subelements %mul3A_461, 0 {pack_format = #tpu.pack_format<interleaved>} : vector<32xbf16> -> vector<16xf32>
        %unpack3A_463 = tpu.unpack_subelements %mul3A_461, 1 {pack_format = #tpu.pack_format<interleaved>} : vector<32xbf16> -> vector<16xf32>
        %add3A_464 = arith.addf %broadcast_in_dim3A_452, %unpack3A_462 : vector<16xf32>
        %add3A_465 = arith.addf %add3A_464, %unpack3A_463 : vector<16xf32>
        %get3A_466 = arith.index_cast %add3A_450 : i32 to index
        %get3A_467 = arith.constant 16 : index
        %get3A_468 = tpu.vector_load %arg10[%get3A_466, %get3A_467] {strides = array<i32>} : memref<80x64xi32, #tpu.memory_space<vmem>>, vector<16xi32>,
        %bitcast3A_469 = vector.bitcast %get3A_468 : vector<16xi32> to vector<32xbf16>
        %get3A_470 = arith.index_cast %add3A_450 : i32 to index
        %get3A_471 = arith.constant 16 : index
        %get3A_472 = tpu.vector_load %arg11[%get3A_470, %get3A_471] {strides = array<i32>} : memref<80x64xi32, #tpu.memory_space<vmem>>, vector<16xi32>,
        %bitcast3A_473 = vector.bitcast %get3A_472 : vector<16xi32> to vector<32xbf16>
        %mul3A_474 = arith.mulf %bitcast3A_469, %bitcast3A_473 : vector<32xbf16>
        %unpack3A_475 = tpu.unpack_subelements %mul3A_474, 0 {pack_format = #tpu.pack_format<interleaved>} : vector<32xbf16> -> vector<16xf32>
        %unpack3A_476 = tpu.unpack_subelements %mul3A_474, 1 {pack_format = #tpu.pack_format<interleaved>} : vector<32xbf16> -> vector<16xf32>
        %add3A_477 = arith.addf %add3A_465, %unpack3A_475 : vector<16xf32>
        %add3A_478 = arith.addf %add3A_477, %unpack3A_476 : vector<16xf32>
        %get3A_479 = arith.index_cast %add3A_450 : i32 to index
        %get3A_480 = arith.constant 32 : index
        %get3A_481 = tpu.vector_load %arg10[%get3A_479, %get3A_480] {strides = array<i32>} : memref<80x64xi32, #tpu.memory_space<vmem>>, vector<16xi32>,
        %bitcast3A_482 = vector.bitcast %get3A_481 : vector<16xi32> to vector<32xbf16>
        %get3A_483 = arith.index_cast %add3A_450 : i32 to index
        %get3A_484 = arith.constant 32 : index
        %get3A_485 = tpu.vector_load %arg11[%get3A_483, %get3A_484] {strides = array<i32>} : memref<80x64xi32, #tpu.memory_space<vmem>>, vector<16xi32>,
        %bitcast3A_486 = vector.bitcast %get3A_485 : vector<16xi32> to vector<32xbf16>
        %mul3A_487 = arith.mulf %bitcast3A_482, %bitcast3A_486 : vector<32xbf16>
        %unpack3A_488 = tpu.unpack_subelements %mul3A_487, 0 {pack_format = #tpu.pack_format<interleaved>} : vector<32xbf16> -> vector<16xf32>
        %unpack3A_489 = tpu.unpack_subelements %mul3A_487, 1 {pack_format = #tpu.pack_format<interleaved>} : vector<32xbf16> -> vector<16xf32>
        %add3A_490 = arith.addf %add3A_478, %unpack3A_488 : vector<16xf32>
        %add3A_491 = arith.addf %add3A_490, %unpack3A_489 : vector<16xf32>
        %get3A_492 = arith.index_cast %add3A_450 : i32 to index
        %get3A_493 = arith.constant 48 : index
        %get3A_494 = tpu.vector_load %arg10[%get3A_492, %get3A_493] {strides = array<i32>} : memref<80x64xi32, #tpu.memory_space<vmem>>, vector<16xi32>,
        %bitcast3A_495 = vector.bitcast %get3A_494 : vector<16xi32> to vector<32xbf16>
        %get3A_496 = arith.index_cast %add3A_450 : i32 to index
        %get3A_497 = arith.constant 48 : index
        %get3A_498 = tpu.vector_load %arg11[%get3A_496, %get3A_497] {strides = array<i32>} : memref<80x64xi32, #tpu.memory_space<vmem>>, vector<16xi32>,
        %bitcast3A_499 = vector.bitcast %get3A_498 : vector<16xi32> to vector<32xbf16>
        %mul3A_500 = arith.mulf %bitcast3A_495, %bitcast3A_499 : vector<32xbf16>
        %unpack3A_501 = tpu.unpack_subelements %mul3A_500, 0 {pack_format = #tpu.pack_format<interleaved>} : vector<32xbf16> -> vector<16xf32>
        %unpack3A_502 = tpu.unpack_subelements %mul3A_500, 1 {pack_format = #tpu.pack_format<interleaved>} : vector<32xbf16> -> vector<16xf32>
        %add3A_503 = arith.addf %add3A_491, %unpack3A_501 : vector<16xf32>
        %add3A_504 = arith.addf %add3A_503, %unpack3A_502 : vector<16xf32>
        %eq3A_505 = arith.constant 5 : i32
        %eq3A_506 = vector.broadcast %eq3A_505 : i32 to vector<16xi32>
        %eq3A_507 = arith.cmpi eq, %iota3A, %eq3A_506 : vector<16xi32>
        %reduce_sum3A_508 = arith.constant true
        %reduce_sum3A_509 = vector.broadcast %reduce_sum3A_508 : i1 to vector<16xi1>
        %reduce_sum3A_510 = tpu.scan <sum>, %add3A_504 masked %reduce_sum3A_509 : vector<16xf32>, vector<16xi1> -> vector<16xf32>
        %reduce_sum3A_511 = vector.extract %reduce_sum3A_510[15] : f32 from vector<16xf32>
        %broadcast_in_dim3A_512 = vector.broadcast %reduce_sum3A_511 : f32 to vector<16xf32>
        %select_n3A_513 = arith.select %eq3A_507, %broadcast_in_dim3A_512, %select_n3A_446 : vector<16xi1>, vector<16xf32>
        %mul3A_514 = arith.constant 16 : i32
        %mul3A_515 = arith.muli %scan3A_115, %mul3A_514 : i32
        %add3A_516 = arith.constant 6 : i32
        %add3A_517 = arith.addi %mul3A_515, %add3A_516 : i32
        %broadcast_in_dim3A_518 = arith.constant 0.000000e+00 : f32
        %broadcast_in_dim3A_519 = vector.broadcast %broadcast_in_dim3A_518 : f32 to vector<16xf32>
        %get3A_520 = arith.index_cast %add3A_517 : i32 to index
        %get3A_521 = arith.constant 0 : index
        %get3A_522 = tpu.vector_load %arg10[%get3A_520, %get3A_521] {strides = array<i32>} : memref<80x64xi32, #tpu.memory_space<vmem>>, vector<16xi32>,
        %bitcast3A_523 = vector.bitcast %get3A_522 : vector<16xi32> to vector<32xbf16>
        %get3A_524 = arith.index_cast %add3A_517 : i32 to index
        %get3A_525 = arith.constant 0 : index
        %get3A_526 = tpu.vector_load %arg11[%get3A_524, %get3A_525] {strides = array<i32>} : memref<80x64xi32, #tpu.memory_space<vmem>>, vector<16xi32>,
        %bitcast3A_527 = vector.bitcast %get3A_526 : vector<16xi32> to vector<32xbf16>
        %mul3A_528 = arith.mulf %bitcast3A_523, %bitcast3A_527 : vector<32xbf16>
        %unpack3A_529 = tpu.unpack_subelements %mul3A_528, 0 {pack_format = #tpu.pack_format<interleaved>} : vector<32xbf16> -> vector<16xf32>
        %unpack3A_530 = tpu.unpack_subelements %mul3A_528, 1 {pack_format = #tpu.pack_format<interleaved>} : vector<32xbf16> -> vector<16xf32>
        %add3A_531 = arith.addf %broadcast_in_dim3A_519, %unpack3A_529 : vector<16xf32>
        %add3A_532 = arith.addf %add3A_531, %unpack3A_530 : vector<16xf32>
        %get3A_533 = arith.index_cast %add3A_517 : i32 to index
        %get3A_534 = arith.constant 16 : index
        %get3A_535 = tpu.vector_load %arg10[%get3A_533, %get3A_534] {strides = array<i32>} : memref<80x64xi32, #tpu.memory_space<vmem>>, vector<16xi32>,
        %bitcast3A_536 = vector.bitcast %get3A_535 : vector<16xi32> to vector<32xbf16>
        %get3A_537 = arith.index_cast %add3A_517 : i32 to index
        %get3A_538 = arith.constant 16 : index
        %get3A_539 = tpu.vector_load %arg11[%get3A_537, %get3A_538] {strides = array<i32>} : memref<80x64xi32, #tpu.memory_space<vmem>>, vector<16xi32>,
        %bitcast3A_540 = vector.bitcast %get3A_539 : vector<16xi32> to vector<32xbf16>
        %mul3A_541 = arith.mulf %bitcast3A_536, %bitcast3A_540 : vector<32xbf16>
        %unpack3A_542 = tpu.unpack_subelements %mul3A_541, 0 {pack_format = #tpu.pack_format<interleaved>} : vector<32xbf16> -> vector<16xf32>
        %unpack3A_543 = tpu.unpack_subelements %mul3A_541, 1 {pack_format = #tpu.pack_format<interleaved>} : vector<32xbf16> -> vector<16xf32>
        %add3A_544 = arith.addf %add3A_532, %unpack3A_542 : vector<16xf32>
        %add3A_545 = arith.addf %add3A_544, %unpack3A_543 : vector<16xf32>
        %get3A_546 = arith.index_cast %add3A_517 : i32 to index
        %get3A_547 = arith.constant 32 : index
        %get3A_548 = tpu.vector_load %arg10[%get3A_546, %get3A_547] {strides = array<i32>} : memref<80x64xi32, #tpu.memory_space<vmem>>, vector<16xi32>,
        %bitcast3A_549 = vector.bitcast %get3A_548 : vector<16xi32> to vector<32xbf16>
        %get3A_550 = arith.index_cast %add3A_517 : i32 to index
        %get3A_551 = arith.constant 32 : index
        %get3A_552 = tpu.vector_load %arg11[%get3A_550, %get3A_551] {strides = array<i32>} : memref<80x64xi32, #tpu.memory_space<vmem>>, vector<16xi32>,
        %bitcast3A_553 = vector.bitcast %get3A_552 : vector<16xi32> to vector<32xbf16>
        %mul3A_554 = arith.mulf %bitcast3A_549, %bitcast3A_553 : vector<32xbf16>
        %unpack3A_555 = tpu.unpack_subelements %mul3A_554, 0 {pack_format = #tpu.pack_format<interleaved>} : vector<32xbf16> -> vector<16xf32>
        %unpack3A_556 = tpu.unpack_subelements %mul3A_554, 1 {pack_format = #tpu.pack_format<interleaved>} : vector<32xbf16> -> vector<16xf32>
        %add3A_557 = arith.addf %add3A_545, %unpack3A_555 : vector<16xf32>
        %add3A_558 = arith.addf %add3A_557, %unpack3A_556 : vector<16xf32>
        %get3A_559 = arith.index_cast %add3A_517 : i32 to index
        %get3A_560 = arith.constant 48 : index
        %get3A_561 = tpu.vector_load %arg10[%get3A_559, %get3A_560] {strides = array<i32>} : memref<80x64xi32, #tpu.memory_space<vmem>>, vector<16xi32>,
        %bitcast3A_562 = vector.bitcast %get3A_561 : vector<16xi32> to vector<32xbf16>
        %get3A_563 = arith.index_cast %add3A_517 : i32 to index
        %get3A_564 = arith.constant 48 : index
        %get3A_565 = tpu.vector_load %arg11[%get3A_563, %get3A_564] {strides = array<i32>} : memref<80x64xi32, #tpu.memory_space<vmem>>, vector<16xi32>,
        %bitcast3A_566 = vector.bitcast %get3A_565 : vector<16xi32> to vector<32xbf16>
        %mul3A_567 = arith.mulf %bitcast3A_562, %bitcast3A_566 : vector<32xbf16>
        %unpack3A_568 = tpu.unpack_subelements %mul3A_567, 0 {pack_format = #tpu.pack_format<interleaved>} : vector<32xbf16> -> vector<16xf32>
        %unpack3A_569 = tpu.unpack_subelements %mul3A_567, 1 {pack_format = #tpu.pack_format<interleaved>} : vector<32xbf16> -> vector<16xf32>
        %add3A_570 = arith.addf %add3A_558, %unpack3A_568 : vector<16xf32>
        %add3A_571 = arith.addf %add3A_570, %unpack3A_569 : vector<16xf32>
        %eq3A_572 = arith.constant 6 : i32
        %eq3A_573 = vector.broadcast %eq3A_572 : i32 to vector<16xi32>
        %eq3A_574 = arith.cmpi eq, %iota3A, %eq3A_573 : vector<16xi32>
        %reduce_sum3A_575 = arith.constant true
        %reduce_sum3A_576 = vector.broadcast %reduce_sum3A_575 : i1 to vector<16xi1>
        %reduce_sum3A_577 = tpu.scan <sum>, %add3A_571 masked %reduce_sum3A_576 : vector<16xf32>, vector<16xi1> -> vector<16xf32>
        %reduce_sum3A_578 = vector.extract %reduce_sum3A_577[15] : f32 from vector<16xf32>
        %broadcast_in_dim3A_579 = vector.broadcast %reduce_sum3A_578 : f32 to vector<16xf32>
        %select_n3A_580 = arith.select %eq3A_574, %broadcast_in_dim3A_579, %select_n3A_513 : vector<16xi1>, vector<16xf32>
        %mul3A_581 = arith.constant 16 : i32
        %mul3A_582 = arith.muli %scan3A_115, %mul3A_581 : i32
        %add3A_583 = arith.constant 7 : i32
        %add3A_584 = arith.addi %mul3A_582, %add3A_583 : i32
        %broadcast_in_dim3A_585 = arith.constant 0.000000e+00 : f32
        %broadcast_in_dim3A_586 = vector.broadcast %broadcast_in_dim3A_585 : f32 to vector<16xf32>
        %get3A_587 = arith.index_cast %add3A_584 : i32 to index
        %get3A_588 = arith.constant 0 : index
        %get3A_589 = tpu.vector_load %arg10[%get3A_587, %get3A_588] {strides = array<i32>} : memref<80x64xi32, #tpu.memory_space<vmem>>, vector<16xi32>,
        %bitcast3A_590 = vector.bitcast %get3A_589 : vector<16xi32> to vector<32xbf16>
        %get3A_591 = arith.index_cast %add3A_584 : i32 to index
        %get3A_592 = arith.constant 0 : index
        %get3A_593 = tpu.vector_load %arg11[%get3A_591, %get3A_592] {strides = array<i32>} : memref<80x64xi32, #tpu.memory_space<vmem>>, vector<16xi32>,
        %bitcast3A_594 = vector.bitcast %get3A_593 : vector<16xi32> to vector<32xbf16>
        %mul3A_595 = arith.mulf %bitcast3A_590, %bitcast3A_594 : vector<32xbf16>
        %unpack3A_596 = tpu.unpack_subelements %mul3A_595, 0 {pack_format = #tpu.pack_format<interleaved>} : vector<32xbf16> -> vector<16xf32>
        %unpack3A_597 = tpu.unpack_subelements %mul3A_595, 1 {pack_format = #tpu.pack_format<interleaved>} : vector<32xbf16> -> vector<16xf32>
        %add3A_598 = arith.addf %broadcast_in_dim3A_586, %unpack3A_596 : vector<16xf32>
        %add3A_599 = arith.addf %add3A_598, %unpack3A_597 : vector<16xf32>
        %get3A_600 = arith.index_cast %add3A_584 : i32 to index
        %get3A_601 = arith.constant 16 : index
        %get3A_602 = tpu.vector_load %arg10[%get3A_600, %get3A_601] {strides = array<i32>} : memref<80x64xi32, #tpu.memory_space<vmem>>, vector<16xi32>,
        %bitcast3A_603 = vector.bitcast %get3A_602 : vector<16xi32> to vector<32xbf16>
        %get3A_604 = arith.index_cast %add3A_584 : i32 to index
        %get3A_605 = arith.constant 16 : index
        %get3A_606 = tpu.vector_load %arg11[%get3A_604, %get3A_605] {strides = array<i32>} : memref<80x64xi32, #tpu.memory_space<vmem>>, vector<16xi32>,
        %bitcast3A_607 = vector.bitcast %get3A_606 : vector<16xi32> to vector<32xbf16>
        %mul3A_608 = arith.mulf %bitcast3A_603, %bitcast3A_607 : vector<32xbf16>
        %unpack3A_609 = tpu.unpack_subelements %mul3A_608, 0 {pack_format = #tpu.pack_format<interleaved>} : vector<32xbf16> -> vector<16xf32>
        %unpack3A_610 = tpu.unpack_subelements %mul3A_608, 1 {pack_format = #tpu.pack_format<interleaved>} : vector<32xbf16> -> vector<16xf32>
        %add3A_611 = arith.addf %add3A_599, %unpack3A_609 : vector<16xf32>
        %add3A_612 = arith.addf %add3A_611, %unpack3A_610 : vector<16xf32>
        %get3A_613 = arith.index_cast %add3A_584 : i32 to index
        %get3A_614 = arith.constant 32 : index
        %get3A_615 = tpu.vector_load %arg10[%get3A_613, %get3A_614] {strides = array<i32>} : memref<80x64xi32, #tpu.memory_space<vmem>>, vector<16xi32>,
        %bitcast3A_616 = vector.bitcast %get3A_615 : vector<16xi32> to vector<32xbf16>
        %get3A_617 = arith.index_cast %add3A_584 : i32 to index
        %get3A_618 = arith.constant 32 : index
        %get3A_619 = tpu.vector_load %arg11[%get3A_617, %get3A_618] {strides = array<i32>} : memref<80x64xi32, #tpu.memory_space<vmem>>, vector<16xi32>,
        %bitcast3A_620 = vector.bitcast %get3A_619 : vector<16xi32> to vector<32xbf16>
        %mul3A_621 = arith.mulf %bitcast3A_616, %bitcast3A_620 : vector<32xbf16>
        %unpack3A_622 = tpu.unpack_subelements %mul3A_621, 0 {pack_format = #tpu.pack_format<interleaved>} : vector<32xbf16> -> vector<16xf32>
        %unpack3A_623 = tpu.unpack_subelements %mul3A_621, 1 {pack_format = #tpu.pack_format<interleaved>} : vector<32xbf16> -> vector<16xf32>
        %add3A_624 = arith.addf %add3A_612, %unpack3A_622 : vector<16xf32>
        %add3A_625 = arith.addf %add3A_624, %unpack3A_623 : vector<16xf32>
        %get3A_626 = arith.index_cast %add3A_584 : i32 to index
        %get3A_627 = arith.constant 48 : index
        %get3A_628 = tpu.vector_load %arg10[%get3A_626, %get3A_627] {strides = array<i32>} : memref<80x64xi32, #tpu.memory_space<vmem>>, vector<16xi32>,
        %bitcast3A_629 = vector.bitcast %get3A_628 : vector<16xi32> to vector<32xbf16>
        %get3A_630 = arith.index_cast %add3A_584 : i32 to index
        %get3A_631 = arith.constant 48 : index
        %get3A_632 = tpu.vector_load %arg11[%get3A_630, %get3A_631] {strides = array<i32>} : memref<80x64xi32, #tpu.memory_space<vmem>>, vector<16xi32>,
        %bitcast3A_633 = vector.bitcast %get3A_632 : vector<16xi32> to vector<32xbf16>
        %mul3A_634 = arith.mulf %bitcast3A_629, %bitcast3A_633 : vector<32xbf16>
        %unpack3A_635 = tpu.unpack_subelements %mul3A_634, 0 {pack_format = #tpu.pack_format<interleaved>} : vector<32xbf16> -> vector<16xf32>
        %unpack3A_636 = tpu.unpack_subelements %mul3A_634, 1 {pack_format = #tpu.pack_format<interleaved>} : vector<32xbf16> -> vector<16xf32>
        %add3A_637 = arith.addf %add3A_625, %unpack3A_635 : vector<16xf32>
        %add3A_638 = arith.addf %add3A_637, %unpack3A_636 : vector<16xf32>
        %eq3A_639 = arith.constant 7 : i32
        %eq3A_640 = vector.broadcast %eq3A_639 : i32 to vector<16xi32>
        %eq3A_641 = arith.cmpi eq, %iota3A, %eq3A_640 : vector<16xi32>
        %reduce_sum3A_642 = arith.constant true
        %reduce_sum3A_643 = vector.broadcast %reduce_sum3A_642 : i1 to vector<16xi1>
        %reduce_sum3A_644 = tpu.scan <sum>, %add3A_638 masked %reduce_sum3A_643 : vector<16xf32>, vector<16xi1> -> vector<16xf32>
        %reduce_sum3A_645 = vector.extract %reduce_sum3A_644[15] : f32 from vector<16xf32>
        %broadcast_in_dim3A_646 = vector.broadcast %reduce_sum3A_645 : f32 to vector<16xf32>
        %select_n3A_647 = arith.select %eq3A_641, %broadcast_in_dim3A_646, %select_n3A_580 : vector<16xi1>, vector<16xf32>
        %mul3A_648 = arith.constant 16 : i32
        %mul3A_649 = arith.muli %scan3A_115, %mul3A_648 : i32
        %add3A_650 = arith.constant 8 : i32
        %add3A_651 = arith.addi %mul3A_649, %add3A_650 : i32
        %broadcast_in_dim3A_652 = arith.constant 0.000000e+00 : f32
        %broadcast_in_dim3A_653 = vector.broadcast %broadcast_in_dim3A_652 : f32 to vector<16xf32>
        %get3A_654 = arith.index_cast %add3A_651 : i32 to index
        %get3A_655 = arith.constant 0 : index
        %get3A_656 = tpu.vector_load %arg10[%get3A_654, %get3A_655] {strides = array<i32>} : memref<80x64xi32, #tpu.memory_space<vmem>>, vector<16xi32>,
        %bitcast3A_657 = vector.bitcast %get3A_656 : vector<16xi32> to vector<32xbf16>
        %get3A_658 = arith.index_cast %add3A_651 : i32 to index
        %get3A_659 = arith.constant 0 : index
        %get3A_660 = tpu.vector_load %arg11[%get3A_658, %get3A_659] {strides = array<i32>} : memref<80x64xi32, #tpu.memory_space<vmem>>, vector<16xi32>,
        %bitcast3A_661 = vector.bitcast %get3A_660 : vector<16xi32> to vector<32xbf16>
        %mul3A_662 = arith.mulf %bitcast3A_657, %bitcast3A_661 : vector<32xbf16>
        %unpack3A_663 = tpu.unpack_subelements %mul3A_662, 0 {pack_format = #tpu.pack_format<interleaved>} : vector<32xbf16> -> vector<16xf32>
        %unpack3A_664 = tpu.unpack_subelements %mul3A_662, 1 {pack_format = #tpu.pack_format<interleaved>} : vector<32xbf16> -> vector<16xf32>
        %add3A_665 = arith.addf %broadcast_in_dim3A_653, %unpack3A_663 : vector<16xf32>
        %add3A_666 = arith.addf %add3A_665, %unpack3A_664 : vector<16xf32>
        %get3A_667 = arith.index_cast %add3A_651 : i32 to index
        %get3A_668 = arith.constant 16 : index
        %get3A_669 = tpu.vector_load %arg10[%get3A_667, %get3A_668] {strides = array<i32>} : memref<80x64xi32, #tpu.memory_space<vmem>>, vector<16xi32>,
        %bitcast3A_670 = vector.bitcast %get3A_669 : vector<16xi32> to vector<32xbf16>
        %get3A_671 = arith.index_cast %add3A_651 : i32 to index
        %get3A_672 = arith.constant 16 : index
        %get3A_673 = tpu.vector_load %arg11[%get3A_671, %get3A_672] {strides = array<i32>} : memref<80x64xi32, #tpu.memory_space<vmem>>, vector<16xi32>,
        %bitcast3A_674 = vector.bitcast %get3A_673 : vector<16xi32> to vector<32xbf16>
        %mul3A_675 = arith.mulf %bitcast3A_670, %bitcast3A_674 : vector<32xbf16>
        %unpack3A_676 = tpu.unpack_subelements %mul3A_675, 0 {pack_format = #tpu.pack_format<interleaved>} : vector<32xbf16> -> vector<16xf32>
        %unpack3A_677 = tpu.unpack_subelements %mul3A_675, 1 {pack_format = #tpu.pack_format<interleaved>} : vector<32xbf16> -> vector<16xf32>
        %add3A_678 = arith.addf %add3A_666, %unpack3A_676 : vector<16xf32>
        %add3A_679 = arith.addf %add3A_678, %unpack3A_677 : vector<16xf32>
        %get3A_680 = arith.index_cast %add3A_651 : i32 to index
        %get3A_681 = arith.constant 32 : index
        %get3A_682 = tpu.vector_load %arg10[%get3A_680, %get3A_681] {strides = array<i32>} : memref<80x64xi32, #tpu.memory_space<vmem>>, vector<16xi32>,
        %bitcast3A_683 = vector.bitcast %get3A_682 : vector<16xi32> to vector<32xbf16>
        %get3A_684 = arith.index_cast %add3A_651 : i32 to index
        %get3A_685 = arith.constant 32 : index
        %get3A_686 = tpu.vector_load %arg11[%get3A_684, %get3A_685] {strides = array<i32>} : memref<80x64xi32, #tpu.memory_space<vmem>>, vector<16xi32>,
        %bitcast3A_687 = vector.bitcast %get3A_686 : vector<16xi32> to vector<32xbf16>
        %mul3A_688 = arith.mulf %bitcast3A_683, %bitcast3A_687 : vector<32xbf16>
        %unpack3A_689 = tpu.unpack_subelements %mul3A_688, 0 {pack_format = #tpu.pack_format<interleaved>} : vector<32xbf16> -> vector<16xf32>
        %unpack3A_690 = tpu.unpack_subelements %mul3A_688, 1 {pack_format = #tpu.pack_format<interleaved>} : vector<32xbf16> -> vector<16xf32>
        %add3A_691 = arith.addf %add3A_679, %unpack3A_689 : vector<16xf32>
        %add3A_692 = arith.addf %add3A_691, %unpack3A_690 : vector<16xf32>
        %get3A_693 = arith.index_cast %add3A_651 : i32 to index
        %get3A_694 = arith.constant 48 : index
        %get3A_695 = tpu.vector_load %arg10[%get3A_693, %get3A_694] {strides = array<i32>} : memref<80x64xi32, #tpu.memory_space<vmem>>, vector<16xi32>,
        %bitcast3A_696 = vector.bitcast %get3A_695 : vector<16xi32> to vector<32xbf16>
        %get3A_697 = arith.index_cast %add3A_651 : i32 to index
        %get3A_698 = arith.constant 48 : index
        %get3A_699 = tpu.vector_load %arg11[%get3A_697, %get3A_698] {strides = array<i32>} : memref<80x64xi32, #tpu.memory_space<vmem>>, vector<16xi32>,
        %bitcast3A_700 = vector.bitcast %get3A_699 : vector<16xi32> to vector<32xbf16>
        %mul3A_701 = arith.mulf %bitcast3A_696, %bitcast3A_700 : vector<32xbf16>
        %unpack3A_702 = tpu.unpack_subelements %mul3A_701, 0 {pack_format = #tpu.pack_format<interleaved>} : vector<32xbf16> -> vector<16xf32>
        %unpack3A_703 = tpu.unpack_subelements %mul3A_701, 1 {pack_format = #tpu.pack_format<interleaved>} : vector<32xbf16> -> vector<16xf32>
        %add3A_704 = arith.addf %add3A_692, %unpack3A_702 : vector<16xf32>
        %add3A_705 = arith.addf %add3A_704, %unpack3A_703 : vector<16xf32>
        %eq3A_706 = arith.constant 8 : i32
        %eq3A_707 = vector.broadcast %eq3A_706 : i32 to vector<16xi32>
        %eq3A_708 = arith.cmpi eq, %iota3A, %eq3A_707 : vector<16xi32>
        %reduce_sum3A_709 = arith.constant true
        %reduce_sum3A_710 = vector.broadcast %reduce_sum3A_709 : i1 to vector<16xi1>
        %reduce_sum3A_711 = tpu.scan <sum>, %add3A_705 masked %reduce_sum3A_710 : vector<16xf32>, vector<16xi1> -> vector<16xf32>
        %reduce_sum3A_712 = vector.extract %reduce_sum3A_711[15] : f32 from vector<16xf32>
        %broadcast_in_dim3A_713 = vector.broadcast %reduce_sum3A_712 : f32 to vector<16xf32>
        %select_n3A_714 = arith.select %eq3A_708, %broadcast_in_dim3A_713, %select_n3A_647 : vector<16xi1>, vector<16xf32>
        %mul3A_715 = arith.constant 16 : i32
        %mul3A_716 = arith.muli %scan3A_115, %mul3A_715 : i32
        %add3A_717 = arith.constant 9 : i32
        %add3A_718 = arith.addi %mul3A_716, %add3A_717 : i32
        %broadcast_in_dim3A_719 = arith.constant 0.000000e+00 : f32
        %broadcast_in_dim3A_720 = vector.broadcast %broadcast_in_dim3A_719 : f32 to vector<16xf32>
        %get3A_721 = arith.index_cast %add3A_718 : i32 to index
        %get3A_722 = arith.constant 0 : index
        %get3A_723 = tpu.vector_load %arg10[%get3A_721, %get3A_722] {strides = array<i32>} : memref<80x64xi32, #tpu.memory_space<vmem>>, vector<16xi32>,
        %bitcast3A_724 = vector.bitcast %get3A_723 : vector<16xi32> to vector<32xbf16>
        %get3A_725 = arith.index_cast %add3A_718 : i32 to index
        %get3A_726 = arith.constant 0 : index
        %get3A_727 = tpu.vector_load %arg11[%get3A_725, %get3A_726] {strides = array<i32>} : memref<80x64xi32, #tpu.memory_space<vmem>>, vector<16xi32>,
        %bitcast3A_728 = vector.bitcast %get3A_727 : vector<16xi32> to vector<32xbf16>
        %mul3A_729 = arith.mulf %bitcast3A_724, %bitcast3A_728 : vector<32xbf16>
        %unpack3A_730 = tpu.unpack_subelements %mul3A_729, 0 {pack_format = #tpu.pack_format<interleaved>} : vector<32xbf16> -> vector<16xf32>
        %unpack3A_731 = tpu.unpack_subelements %mul3A_729, 1 {pack_format = #tpu.pack_format<interleaved>} : vector<32xbf16> -> vector<16xf32>
        %add3A_732 = arith.addf %broadcast_in_dim3A_720, %unpack3A_730 : vector<16xf32>
        %add3A_733 = arith.addf %add3A_732, %unpack3A_731 : vector<16xf32>
        %get3A_734 = arith.index_cast %add3A_718 : i32 to index
        %get3A_735 = arith.constant 16 : index
        %get3A_736 = tpu.vector_load %arg10[%get3A_734, %get3A_735] {strides = array<i32>} : memref<80x64xi32, #tpu.memory_space<vmem>>, vector<16xi32>,
        %bitcast3A_737 = vector.bitcast %get3A_736 : vector<16xi32> to vector<32xbf16>
        %get3A_738 = arith.index_cast %add3A_718 : i32 to index
        %get3A_739 = arith.constant 16 : index
        %get3A_740 = tpu.vector_load %arg11[%get3A_738, %get3A_739] {strides = array<i32>} : memref<80x64xi32, #tpu.memory_space<vmem>>, vector<16xi32>,
        %bitcast3A_741 = vector.bitcast %get3A_740 : vector<16xi32> to vector<32xbf16>
        %mul3A_742 = arith.mulf %bitcast3A_737, %bitcast3A_741 : vector<32xbf16>
        %unpack3A_743 = tpu.unpack_subelements %mul3A_742, 0 {pack_format = #tpu.pack_format<interleaved>} : vector<32xbf16> -> vector<16xf32>
        %unpack3A_744 = tpu.unpack_subelements %mul3A_742, 1 {pack_format = #tpu.pack_format<interleaved>} : vector<32xbf16> -> vector<16xf32>
        %add3A_745 = arith.addf %add3A_733, %unpack3A_743 : vector<16xf32>
        %add3A_746 = arith.addf %add3A_745, %unpack3A_744 : vector<16xf32>
        %get3A_747 = arith.index_cast %add3A_718 : i32 to index
        %get3A_748 = arith.constant 32 : index
        %get3A_749 = tpu.vector_load %arg10[%get3A_747, %get3A_748] {strides = array<i32>} : memref<80x64xi32, #tpu.memory_space<vmem>>, vector<16xi32>,
        %bitcast3A_750 = vector.bitcast %get3A_749 : vector<16xi32> to vector<32xbf16>
        %get3A_751 = arith.index_cast %add3A_718 : i32 to index
        %get3A_752 = arith.constant 32 : index
        %get3A_753 = tpu.vector_load %arg11[%get3A_751, %get3A_752] {strides = array<i32>} : memref<80x64xi32, #tpu.memory_space<vmem>>, vector<16xi32>,
        %bitcast3A_754 = vector.bitcast %get3A_753 : vector<16xi32> to vector<32xbf16>
        %mul3A_755 = arith.mulf %bitcast3A_750, %bitcast3A_754 : vector<32xbf16>
        %unpack3A_756 = tpu.unpack_subelements %mul3A_755, 0 {pack_format = #tpu.pack_format<interleaved>} : vector<32xbf16> -> vector<16xf32>
        %unpack3A_757 = tpu.unpack_subelements %mul3A_755, 1 {pack_format = #tpu.pack_format<interleaved>} : vector<32xbf16> -> vector<16xf32>
        %add3A_758 = arith.addf %add3A_746, %unpack3A_756 : vector<16xf32>
        %add3A_759 = arith.addf %add3A_758, %unpack3A_757 : vector<16xf32>
        %get3A_760 = arith.index_cast %add3A_718 : i32 to index
        %get3A_761 = arith.constant 48 : index
        %get3A_762 = tpu.vector_load %arg10[%get3A_760, %get3A_761] {strides = array<i32>} : memref<80x64xi32, #tpu.memory_space<vmem>>, vector<16xi32>,
        %bitcast3A_763 = vector.bitcast %get3A_762 : vector<16xi32> to vector<32xbf16>
        %get3A_764 = arith.index_cast %add3A_718 : i32 to index
        %get3A_765 = arith.constant 48 : index
        %get3A_766 = tpu.vector_load %arg11[%get3A_764, %get3A_765] {strides = array<i32>} : memref<80x64xi32, #tpu.memory_space<vmem>>, vector<16xi32>,
        %bitcast3A_767 = vector.bitcast %get3A_766 : vector<16xi32> to vector<32xbf16>
        %mul3A_768 = arith.mulf %bitcast3A_763, %bitcast3A_767 : vector<32xbf16>
        %unpack3A_769 = tpu.unpack_subelements %mul3A_768, 0 {pack_format = #tpu.pack_format<interleaved>} : vector<32xbf16> -> vector<16xf32>
        %unpack3A_770 = tpu.unpack_subelements %mul3A_768, 1 {pack_format = #tpu.pack_format<interleaved>} : vector<32xbf16> -> vector<16xf32>
        %add3A_771 = arith.addf %add3A_759, %unpack3A_769 : vector<16xf32>
        %add3A_772 = arith.addf %add3A_771, %unpack3A_770 : vector<16xf32>
        %eq3A_773 = arith.constant 9 : i32
        %eq3A_774 = vector.broadcast %eq3A_773 : i32 to vector<16xi32>
        %eq3A_775 = arith.cmpi eq, %iota3A, %eq3A_774 : vector<16xi32>
        %reduce_sum3A_776 = arith.constant true
        %reduce_sum3A_777 = vector.broadcast %reduce_sum3A_776 : i1 to vector<16xi1>
        %reduce_sum3A_778 = tpu.scan <sum>, %add3A_772 masked %reduce_sum3A_777 : vector<16xf32>, vector<16xi1> -> vector<16xf32>
        %reduce_sum3A_779 = vector.extract %reduce_sum3A_778[15] : f32 from vector<16xf32>
        %broadcast_in_dim3A_780 = vector.broadcast %reduce_sum3A_779 : f32 to vector<16xf32>
        %select_n3A_781 = arith.select %eq3A_775, %broadcast_in_dim3A_780, %select_n3A_714 : vector<16xi1>, vector<16xf32>
        %mul3A_782 = arith.constant 16 : i32
        %mul3A_783 = arith.muli %scan3A_115, %mul3A_782 : i32
        %add3A_784 = arith.constant 10 : i32
        %add3A_785 = arith.addi %mul3A_783, %add3A_784 : i32
        %broadcast_in_dim3A_786 = arith.constant 0.000000e+00 : f32
        %broadcast_in_dim3A_787 = vector.broadcast %broadcast_in_dim3A_786 : f32 to vector<16xf32>
        %get3A_788 = arith.index_cast %add3A_785 : i32 to index
        %get3A_789 = arith.constant 0 : index
        %get3A_790 = tpu.vector_load %arg10[%get3A_788, %get3A_789] {strides = array<i32>} : memref<80x64xi32, #tpu.memory_space<vmem>>, vector<16xi32>,
        %bitcast3A_791 = vector.bitcast %get3A_790 : vector<16xi32> to vector<32xbf16>
        %get3A_792 = arith.index_cast %add3A_785 : i32 to index
        %get3A_793 = arith.constant 0 : index
        %get3A_794 = tpu.vector_load %arg11[%get3A_792, %get3A_793] {strides = array<i32>} : memref<80x64xi32, #tpu.memory_space<vmem>>, vector<16xi32>,
        %bitcast3A_795 = vector.bitcast %get3A_794 : vector<16xi32> to vector<32xbf16>
        %mul3A_796 = arith.mulf %bitcast3A_791, %bitcast3A_795 : vector<32xbf16>
        %unpack3A_797 = tpu.unpack_subelements %mul3A_796, 0 {pack_format = #tpu.pack_format<interleaved>} : vector<32xbf16> -> vector<16xf32>
        %unpack3A_798 = tpu.unpack_subelements %mul3A_796, 1 {pack_format = #tpu.pack_format<interleaved>} : vector<32xbf16> -> vector<16xf32>
        %add3A_799 = arith.addf %broadcast_in_dim3A_787, %unpack3A_797 : vector<16xf32>
        %add3A_800 = arith.addf %add3A_799, %unpack3A_798 : vector<16xf32>
        %get3A_801 = arith.index_cast %add3A_785 : i32 to index
        %get3A_802 = arith.constant 16 : index
        %get3A_803 = tpu.vector_load %arg10[%get3A_801, %get3A_802] {strides = array<i32>} : memref<80x64xi32, #tpu.memory_space<vmem>>, vector<16xi32>,
        %bitcast3A_804 = vector.bitcast %get3A_803 : vector<16xi32> to vector<32xbf16>
        %get3A_805 = arith.index_cast %add3A_785 : i32 to index
        %get3A_806 = arith.constant 16 : index
        %get3A_807 = tpu.vector_load %arg11[%get3A_805, %get3A_806] {strides = array<i32>} : memref<80x64xi32, #tpu.memory_space<vmem>>, vector<16xi32>,
        %bitcast3A_808 = vector.bitcast %get3A_807 : vector<16xi32> to vector<32xbf16>
        %mul3A_809 = arith.mulf %bitcast3A_804, %bitcast3A_808 : vector<32xbf16>
        %unpack3A_810 = tpu.unpack_subelements %mul3A_809, 0 {pack_format = #tpu.pack_format<interleaved>} : vector<32xbf16> -> vector<16xf32>
        %unpack3A_811 = tpu.unpack_subelements %mul3A_809, 1 {pack_format = #tpu.pack_format<interleaved>} : vector<32xbf16> -> vector<16xf32>
        %add3A_812 = arith.addf %add3A_800, %unpack3A_810 : vector<16xf32>
        %add3A_813 = arith.addf %add3A_812, %unpack3A_811 : vector<16xf32>
        %get3A_814 = arith.index_cast %add3A_785 : i32 to index
        %get3A_815 = arith.constant 32 : index
        %get3A_816 = tpu.vector_load %arg10[%get3A_814, %get3A_815] {strides = array<i32>} : memref<80x64xi32, #tpu.memory_space<vmem>>, vector<16xi32>,
        %bitcast3A_817 = vector.bitcast %get3A_816 : vector<16xi32> to vector<32xbf16>
        %get3A_818 = arith.index_cast %add3A_785 : i32 to index
        %get3A_819 = arith.constant 32 : index
        %get3A_820 = tpu.vector_load %arg11[%get3A_818, %get3A_819] {strides = array<i32>} : memref<80x64xi32, #tpu.memory_space<vmem>>, vector<16xi32>,
        %bitcast3A_821 = vector.bitcast %get3A_820 : vector<16xi32> to vector<32xbf16>
        %mul3A_822 = arith.mulf %bitcast3A_817, %bitcast3A_821 : vector<32xbf16>
        %unpack3A_823 = tpu.unpack_subelements %mul3A_822, 0 {pack_format = #tpu.pack_format<interleaved>} : vector<32xbf16> -> vector<16xf32>
        %unpack3A_824 = tpu.unpack_subelements %mul3A_822, 1 {pack_format = #tpu.pack_format<interleaved>} : vector<32xbf16> -> vector<16xf32>
        %add3A_825 = arith.addf %add3A_813, %unpack3A_823 : vector<16xf32>
        %add3A_826 = arith.addf %add3A_825, %unpack3A_824 : vector<16xf32>
        %get3A_827 = arith.index_cast %add3A_785 : i32 to index
        %get3A_828 = arith.constant 48 : index
        %get3A_829 = tpu.vector_load %arg10[%get3A_827, %get3A_828] {strides = array<i32>} : memref<80x64xi32, #tpu.memory_space<vmem>>, vector<16xi32>,
        %bitcast3A_830 = vector.bitcast %get3A_829 : vector<16xi32> to vector<32xbf16>
        %get3A_831 = arith.index_cast %add3A_785 : i32 to index
        %get3A_832 = arith.constant 48 : index
        %get3A_833 = tpu.vector_load %arg11[%get3A_831, %get3A_832] {strides = array<i32>} : memref<80x64xi32, #tpu.memory_space<vmem>>, vector<16xi32>,
        %bitcast3A_834 = vector.bitcast %get3A_833 : vector<16xi32> to vector<32xbf16>
        %mul3A_835 = arith.mulf %bitcast3A_830, %bitcast3A_834 : vector<32xbf16>
        %unpack3A_836 = tpu.unpack_subelements %mul3A_835, 0 {pack_format = #tpu.pack_format<interleaved>} : vector<32xbf16> -> vector<16xf32>
        %unpack3A_837 = tpu.unpack_subelements %mul3A_835, 1 {pack_format = #tpu.pack_format<interleaved>} : vector<32xbf16> -> vector<16xf32>
        %add3A_838 = arith.addf %add3A_826, %unpack3A_836 : vector<16xf32>
        %add3A_839 = arith.addf %add3A_838, %unpack3A_837 : vector<16xf32>
        %eq3A_840 = arith.constant 10 : i32
        %eq3A_841 = vector.broadcast %eq3A_840 : i32 to vector<16xi32>
        %eq3A_842 = arith.cmpi eq, %iota3A, %eq3A_841 : vector<16xi32>
        %reduce_sum3A_843 = arith.constant true
        %reduce_sum3A_844 = vector.broadcast %reduce_sum3A_843 : i1 to vector<16xi1>
        %reduce_sum3A_845 = tpu.scan <sum>, %add3A_839 masked %reduce_sum3A_844 : vector<16xf32>, vector<16xi1> -> vector<16xf32>
        %reduce_sum3A_846 = vector.extract %reduce_sum3A_845[15] : f32 from vector<16xf32>
        %broadcast_in_dim3A_847 = vector.broadcast %reduce_sum3A_846 : f32 to vector<16xf32>
        %select_n3A_848 = arith.select %eq3A_842, %broadcast_in_dim3A_847, %select_n3A_781 : vector<16xi1>, vector<16xf32>
        %mul3A_849 = arith.constant 16 : i32
        %mul3A_850 = arith.muli %scan3A_115, %mul3A_849 : i32
        %add3A_851 = arith.constant 11 : i32
        %add3A_852 = arith.addi %mul3A_850, %add3A_851 : i32
        %broadcast_in_dim3A_853 = arith.constant 0.000000e+00 : f32
        %broadcast_in_dim3A_854 = vector.broadcast %broadcast_in_dim3A_853 : f32 to vector<16xf32>
        %get3A_855 = arith.index_cast %add3A_852 : i32 to index
        %get3A_856 = arith.constant 0 : index
        %get3A_857 = tpu.vector_load %arg10[%get3A_855, %get3A_856] {strides = array<i32>} : memref<80x64xi32, #tpu.memory_space<vmem>>, vector<16xi32>,
        %bitcast3A_858 = vector.bitcast %get3A_857 : vector<16xi32> to vector<32xbf16>
        %get3A_859 = arith.index_cast %add3A_852 : i32 to index
        %get3A_860 = arith.constant 0 : index
        %get3A_861 = tpu.vector_load %arg11[%get3A_859, %get3A_860] {strides = array<i32>} : memref<80x64xi32, #tpu.memory_space<vmem>>, vector<16xi32>,
        %bitcast3A_862 = vector.bitcast %get3A_861 : vector<16xi32> to vector<32xbf16>
        %mul3A_863 = arith.mulf %bitcast3A_858, %bitcast3A_862 : vector<32xbf16>
        %unpack3A_864 = tpu.unpack_subelements %mul3A_863, 0 {pack_format = #tpu.pack_format<interleaved>} : vector<32xbf16> -> vector<16xf32>
        %unpack3A_865 = tpu.unpack_subelements %mul3A_863, 1 {pack_format = #tpu.pack_format<interleaved>} : vector<32xbf16> -> vector<16xf32>
        %add3A_866 = arith.addf %broadcast_in_dim3A_854, %unpack3A_864 : vector<16xf32>
        %add3A_867 = arith.addf %add3A_866, %unpack3A_865 : vector<16xf32>
        %get3A_868 = arith.index_cast %add3A_852 : i32 to index
        %get3A_869 = arith.constant 16 : index
        %get3A_870 = tpu.vector_load %arg10[%get3A_868, %get3A_869] {strides = array<i32>} : memref<80x64xi32, #tpu.memory_space<vmem>>, vector<16xi32>,
        %bitcast3A_871 = vector.bitcast %get3A_870 : vector<16xi32> to vector<32xbf16>
        %get3A_872 = arith.index_cast %add3A_852 : i32 to index
        %get3A_873 = arith.constant 16 : index
        %get3A_874 = tpu.vector_load %arg11[%get3A_872, %get3A_873] {strides = array<i32>} : memref<80x64xi32, #tpu.memory_space<vmem>>, vector<16xi32>,
        %bitcast3A_875 = vector.bitcast %get3A_874 : vector<16xi32> to vector<32xbf16>
        %mul3A_876 = arith.mulf %bitcast3A_871, %bitcast3A_875 : vector<32xbf16>
        %unpack3A_877 = tpu.unpack_subelements %mul3A_876, 0 {pack_format = #tpu.pack_format<interleaved>} : vector<32xbf16> -> vector<16xf32>
        %unpack3A_878 = tpu.unpack_subelements %mul3A_876, 1 {pack_format = #tpu.pack_format<interleaved>} : vector<32xbf16> -> vector<16xf32>
        %add3A_879 = arith.addf %add3A_867, %unpack3A_877 : vector<16xf32>
        %add3A_880 = arith.addf %add3A_879, %unpack3A_878 : vector<16xf32>
        %get3A_881 = arith.index_cast %add3A_852 : i32 to index
        %get3A_882 = arith.constant 32 : index
        %get3A_883 = tpu.vector_load %arg10[%get3A_881, %get3A_882] {strides = array<i32>} : memref<80x64xi32, #tpu.memory_space<vmem>>, vector<16xi32>,
        %bitcast3A_884 = vector.bitcast %get3A_883 : vector<16xi32> to vector<32xbf16>
        %get3A_885 = arith.index_cast %add3A_852 : i32 to index
        %get3A_886 = arith.constant 32 : index
        %get3A_887 = tpu.vector_load %arg11[%get3A_885, %get3A_886] {strides = array<i32>} : memref<80x64xi32, #tpu.memory_space<vmem>>, vector<16xi32>,
        %bitcast3A_888 = vector.bitcast %get3A_887 : vector<16xi32> to vector<32xbf16>
        %mul3A_889 = arith.mulf %bitcast3A_884, %bitcast3A_888 : vector<32xbf16>
        %unpack3A_890 = tpu.unpack_subelements %mul3A_889, 0 {pack_format = #tpu.pack_format<interleaved>} : vector<32xbf16> -> vector<16xf32>
        %unpack3A_891 = tpu.unpack_subelements %mul3A_889, 1 {pack_format = #tpu.pack_format<interleaved>} : vector<32xbf16> -> vector<16xf32>
        %add3A_892 = arith.addf %add3A_880, %unpack3A_890 : vector<16xf32>
        %add3A_893 = arith.addf %add3A_892, %unpack3A_891 : vector<16xf32>
        %get3A_894 = arith.index_cast %add3A_852 : i32 to index
        %get3A_895 = arith.constant 48 : index
        %get3A_896 = tpu.vector_load %arg10[%get3A_894, %get3A_895] {strides = array<i32>} : memref<80x64xi32, #tpu.memory_space<vmem>>, vector<16xi32>,
        %bitcast3A_897 = vector.bitcast %get3A_896 : vector<16xi32> to vector<32xbf16>
        %get3A_898 = arith.index_cast %add3A_852 : i32 to index
        %get3A_899 = arith.constant 48 : index
        %get3A_900 = tpu.vector_load %arg11[%get3A_898, %get3A_899] {strides = array<i32>} : memref<80x64xi32, #tpu.memory_space<vmem>>, vector<16xi32>,
        %bitcast3A_901 = vector.bitcast %get3A_900 : vector<16xi32> to vector<32xbf16>
        %mul3A_902 = arith.mulf %bitcast3A_897, %bitcast3A_901 : vector<32xbf16>
        %unpack3A_903 = tpu.unpack_subelements %mul3A_902, 0 {pack_format = #tpu.pack_format<interleaved>} : vector<32xbf16> -> vector<16xf32>
        %unpack3A_904 = tpu.unpack_subelements %mul3A_902, 1 {pack_format = #tpu.pack_format<interleaved>} : vector<32xbf16> -> vector<16xf32>
        %add3A_905 = arith.addf %add3A_893, %unpack3A_903 : vector<16xf32>
        %add3A_906 = arith.addf %add3A_905, %unpack3A_904 : vector<16xf32>
        %eq3A_907 = arith.constant 11 : i32
        %eq3A_908 = vector.broadcast %eq3A_907 : i32 to vector<16xi32>
        %eq3A_909 = arith.cmpi eq, %iota3A, %eq3A_908 : vector<16xi32>
        %reduce_sum3A_910 = arith.constant true
        %reduce_sum3A_911 = vector.broadcast %reduce_sum3A_910 : i1 to vector<16xi1>
        %reduce_sum3A_912 = tpu.scan <sum>, %add3A_906 masked %reduce_sum3A_911 : vector<16xf32>, vector<16xi1> -> vector<16xf32>
        %reduce_sum3A_913 = vector.extract %reduce_sum3A_912[15] : f32 from vector<16xf32>
        %broadcast_in_dim3A_914 = vector.broadcast %reduce_sum3A_913 : f32 to vector<16xf32>
        %select_n3A_915 = arith.select %eq3A_909, %broadcast_in_dim3A_914, %select_n3A_848 : vector<16xi1>, vector<16xf32>
        %mul3A_916 = arith.constant 16 : i32
        %mul3A_917 = arith.muli %scan3A_115, %mul3A_916 : i32
        %add3A_918 = arith.constant 12 : i32
        %add3A_919 = arith.addi %mul3A_917, %add3A_918 : i32
        %broadcast_in_dim3A_920 = arith.constant 0.000000e+00 : f32
        %broadcast_in_dim3A_921 = vector.broadcast %broadcast_in_dim3A_920 : f32 to vector<16xf32>
        %get3A_922 = arith.index_cast %add3A_919 : i32 to index
        %get3A_923 = arith.constant 0 : index
        %get3A_924 = tpu.vector_load %arg10[%get3A_922, %get3A_923] {strides = array<i32>} : memref<80x64xi32, #tpu.memory_space<vmem>>, vector<16xi32>,
        %bitcast3A_925 = vector.bitcast %get3A_924 : vector<16xi32> to vector<32xbf16>
        %get3A_926 = arith.index_cast %add3A_919 : i32 to index
        %get3A_927 = arith.constant 0 : index
        %get3A_928 = tpu.vector_load %arg11[%get3A_926, %get3A_927] {strides = array<i32>} : memref<80x64xi32, #tpu.memory_space<vmem>>, vector<16xi32>,
        %bitcast3A_929 = vector.bitcast %get3A_928 : vector<16xi32> to vector<32xbf16>
        %mul3A_930 = arith.mulf %bitcast3A_925, %bitcast3A_929 : vector<32xbf16>
        %unpack3A_931 = tpu.unpack_subelements %mul3A_930, 0 {pack_format = #tpu.pack_format<interleaved>} : vector<32xbf16> -> vector<16xf32>
        %unpack3A_932 = tpu.unpack_subelements %mul3A_930, 1 {pack_format = #tpu.pack_format<interleaved>} : vector<32xbf16> -> vector<16xf32>
        %add3A_933 = arith.addf %broadcast_in_dim3A_921, %unpack3A_931 : vector<16xf32>
        %add3A_934 = arith.addf %add3A_933, %unpack3A_932 : vector<16xf32>
        %get3A_935 = arith.index_cast %add3A_919 : i32 to index
        %get3A_936 = arith.constant 16 : index
        %get3A_937 = tpu.vector_load %arg10[%get3A_935, %get3A_936] {strides = array<i32>} : memref<80x64xi32, #tpu.memory_space<vmem>>, vector<16xi32>,
        %bitcast3A_938 = vector.bitcast %get3A_937 : vector<16xi32> to vector<32xbf16>
        %get3A_939 = arith.index_cast %add3A_919 : i32 to index
        %get3A_940 = arith.constant 16 : index
        %get3A_941 = tpu.vector_load %arg11[%get3A_939, %get3A_940] {strides = array<i32>} : memref<80x64xi32, #tpu.memory_space<vmem>>, vector<16xi32>,
        %bitcast3A_942 = vector.bitcast %get3A_941 : vector<16xi32> to vector<32xbf16>
        %mul3A_943 = arith.mulf %bitcast3A_938, %bitcast3A_942 : vector<32xbf16>
        %unpack3A_944 = tpu.unpack_subelements %mul3A_943, 0 {pack_format = #tpu.pack_format<interleaved>} : vector<32xbf16> -> vector<16xf32>
        %unpack3A_945 = tpu.unpack_subelements %mul3A_943, 1 {pack_format = #tpu.pack_format<interleaved>} : vector<32xbf16> -> vector<16xf32>
        %add3A_946 = arith.addf %add3A_934, %unpack3A_944 : vector<16xf32>
        %add3A_947 = arith.addf %add3A_946, %unpack3A_945 : vector<16xf32>
        %get3A_948 = arith.index_cast %add3A_919 : i32 to index
        %get3A_949 = arith.constant 32 : index
        %get3A_950 = tpu.vector_load %arg10[%get3A_948, %get3A_949] {strides = array<i32>} : memref<80x64xi32, #tpu.memory_space<vmem>>, vector<16xi32>,
        %bitcast3A_951 = vector.bitcast %get3A_950 : vector<16xi32> to vector<32xbf16>
        %get3A_952 = arith.index_cast %add3A_919 : i32 to index
        %get3A_953 = arith.constant 32 : index
        %get3A_954 = tpu.vector_load %arg11[%get3A_952, %get3A_953] {strides = array<i32>} : memref<80x64xi32, #tpu.memory_space<vmem>>, vector<16xi32>,
        %bitcast3A_955 = vector.bitcast %get3A_954 : vector<16xi32> to vector<32xbf16>
        %mul3A_956 = arith.mulf %bitcast3A_951, %bitcast3A_955 : vector<32xbf16>
        %unpack3A_957 = tpu.unpack_subelements %mul3A_956, 0 {pack_format = #tpu.pack_format<interleaved>} : vector<32xbf16> -> vector<16xf32>
        %unpack3A_958 = tpu.unpack_subelements %mul3A_956, 1 {pack_format = #tpu.pack_format<interleaved>} : vector<32xbf16> -> vector<16xf32>
        %add3A_959 = arith.addf %add3A_947, %unpack3A_957 : vector<16xf32>
        %add3A_960 = arith.addf %add3A_959, %unpack3A_958 : vector<16xf32>
        %get3A_961 = arith.index_cast %add3A_919 : i32 to index
        %get3A_962 = arith.constant 48 : index
        %get3A_963 = tpu.vector_load %arg10[%get3A_961, %get3A_962] {strides = array<i32>} : memref<80x64xi32, #tpu.memory_space<vmem>>, vector<16xi32>,
        %bitcast3A_964 = vector.bitcast %get3A_963 : vector<16xi32> to vector<32xbf16>
        %get3A_965 = arith.index_cast %add3A_919 : i32 to index
        %get3A_966 = arith.constant 48 : index
        %get3A_967 = tpu.vector_load %arg11[%get3A_965, %get3A_966] {strides = array<i32>} : memref<80x64xi32, #tpu.memory_space<vmem>>, vector<16xi32>,
        %bitcast3A_968 = vector.bitcast %get3A_967 : vector<16xi32> to vector<32xbf16>
        %mul3A_969 = arith.mulf %bitcast3A_964, %bitcast3A_968 : vector<32xbf16>
        %unpack3A_970 = tpu.unpack_subelements %mul3A_969, 0 {pack_format = #tpu.pack_format<interleaved>} : vector<32xbf16> -> vector<16xf32>
        %unpack3A_971 = tpu.unpack_subelements %mul3A_969, 1 {pack_format = #tpu.pack_format<interleaved>} : vector<32xbf16> -> vector<16xf32>
        %add3A_972 = arith.addf %add3A_960, %unpack3A_970 : vector<16xf32>
        %add3A_973 = arith.addf %add3A_972, %unpack3A_971 : vector<16xf32>
        %eq3A_974 = arith.constant 12 : i32
        %eq3A_975 = vector.broadcast %eq3A_974 : i32 to vector<16xi32>
        %eq3A_976 = arith.cmpi eq, %iota3A, %eq3A_975 : vector<16xi32>
        %reduce_sum3A_977 = arith.constant true
        %reduce_sum3A_978 = vector.broadcast %reduce_sum3A_977 : i1 to vector<16xi1>
        %reduce_sum3A_979 = tpu.scan <sum>, %add3A_973 masked %reduce_sum3A_978 : vector<16xf32>, vector<16xi1> -> vector<16xf32>
        %reduce_sum3A_980 = vector.extract %reduce_sum3A_979[15] : f32 from vector<16xf32>
        %broadcast_in_dim3A_981 = vector.broadcast %reduce_sum3A_980 : f32 to vector<16xf32>
        %select_n3A_982 = arith.select %eq3A_976, %broadcast_in_dim3A_981, %select_n3A_915 : vector<16xi1>, vector<16xf32>
        %mul3A_983 = arith.constant 16 : i32
        %mul3A_984 = arith.muli %scan3A_115, %mul3A_983 : i32
        %add3A_985 = arith.constant 13 : i32
        %add3A_986 = arith.addi %mul3A_984, %add3A_985 : i32
        %broadcast_in_dim3A_987 = arith.constant 0.000000e+00 : f32
        %broadcast_in_dim3A_988 = vector.broadcast %broadcast_in_dim3A_987 : f32 to vector<16xf32>
        %get3A_989 = arith.index_cast %add3A_986 : i32 to index
        %get3A_990 = arith.constant 0 : index
        %get3A_991 = tpu.vector_load %arg10[%get3A_989, %get3A_990] {strides = array<i32>} : memref<80x64xi32, #tpu.memory_space<vmem>>, vector<16xi32>,
        %bitcast3A_992 = vector.bitcast %get3A_991 : vector<16xi32> to vector<32xbf16>
        %get3A_993 = arith.index_cast %add3A_986 : i32 to index
        %get3A_994 = arith.constant 0 : index
        %get3A_995 = tpu.vector_load %arg11[%get3A_993, %get3A_994] {strides = array<i32>} : memref<80x64xi32, #tpu.memory_space<vmem>>, vector<16xi32>,
        %bitcast3A_996 = vector.bitcast %get3A_995 : vector<16xi32> to vector<32xbf16>
        %mul3A_997 = arith.mulf %bitcast3A_992, %bitcast3A_996 : vector<32xbf16>
        %unpack3A_998 = tpu.unpack_subelements %mul3A_997, 0 {pack_format = #tpu.pack_format<interleaved>} : vector<32xbf16> -> vector<16xf32>
        %unpack3A_999 = tpu.unpack_subelements %mul3A_997, 1 {pack_format = #tpu.pack_format<interleaved>} : vector<32xbf16> -> vector<16xf32>
        %add3A_1000 = arith.addf %broadcast_in_dim3A_988, %unpack3A_998 : vector<16xf32>
        %add3A_1001 = arith.addf %add3A_1000, %unpack3A_999 : vector<16xf32>
        %get3A_1002 = arith.index_cast %add3A_986 : i32 to index
        %get3A_1003 = arith.constant 16 : index
        %get3A_1004 = tpu.vector_load %arg10[%get3A_1002, %get3A_1003] {strides = array<i32>} : memref<80x64xi32, #tpu.memory_space<vmem>>, vector<16xi32>,
        %bitcast3A_1005 = vector.bitcast %get3A_1004 : vector<16xi32> to vector<32xbf16>
        %get3A_1006 = arith.index_cast %add3A_986 : i32 to index
        %get3A_1007 = arith.constant 16 : index
        %get3A_1008 = tpu.vector_load %arg11[%get3A_1006, %get3A_1007] {strides = array<i32>} : memref<80x64xi32, #tpu.memory_space<vmem>>, vector<16xi32>,
        %bitcast3A_1009 = vector.bitcast %get3A_1008 : vector<16xi32> to vector<32xbf16>
        %mul3A_1010 = arith.mulf %bitcast3A_1005, %bitcast3A_1009 : vector<32xbf16>
        %unpack3A_1011 = tpu.unpack_subelements %mul3A_1010, 0 {pack_format = #tpu.pack_format<interleaved>} : vector<32xbf16> -> vector<16xf32>
        %unpack3A_1012 = tpu.unpack_subelements %mul3A_1010, 1 {pack_format = #tpu.pack_format<interleaved>} : vector<32xbf16> -> vector<16xf32>
        %add3A_1013 = arith.addf %add3A_1001, %unpack3A_1011 : vector<16xf32>
        %add3A_1014 = arith.addf %add3A_1013, %unpack3A_1012 : vector<16xf32>
        %get3A_1015 = arith.index_cast %add3A_986 : i32 to index
        %get3A_1016 = arith.constant 32 : index
        %get3A_1017 = tpu.vector_load %arg10[%get3A_1015, %get3A_1016] {strides = array<i32>} : memref<80x64xi32, #tpu.memory_space<vmem>>, vector<16xi32>,
        %bitcast3A_1018 = vector.bitcast %get3A_1017 : vector<16xi32> to vector<32xbf16>
        %get3A_1019 = arith.index_cast %add3A_986 : i32 to index
        %get3A_1020 = arith.constant 32 : index
        %get3A_1021 = tpu.vector_load %arg11[%get3A_1019, %get3A_1020] {strides = array<i32>} : memref<80x64xi32, #tpu.memory_space<vmem>>, vector<16xi32>,
        %bitcast3A_1022 = vector.bitcast %get3A_1021 : vector<16xi32> to vector<32xbf16>
        %mul3A_1023 = arith.mulf %bitcast3A_1018, %bitcast3A_1022 : vector<32xbf16>
        %unpack3A_1024 = tpu.unpack_subelements %mul3A_1023, 0 {pack_format = #tpu.pack_format<interleaved>} : vector<32xbf16> -> vector<16xf32>
        %unpack3A_1025 = tpu.unpack_subelements %mul3A_1023, 1 {pack_format = #tpu.pack_format<interleaved>} : vector<32xbf16> -> vector<16xf32>
        %add3A_1026 = arith.addf %add3A_1014, %unpack3A_1024 : vector<16xf32>
        %add3A_1027 = arith.addf %add3A_1026, %unpack3A_1025 : vector<16xf32>
        %get3A_1028 = arith.index_cast %add3A_986 : i32 to index
        %get3A_1029 = arith.constant 48 : index
        %get3A_1030 = tpu.vector_load %arg10[%get3A_1028, %get3A_1029] {strides = array<i32>} : memref<80x64xi32, #tpu.memory_space<vmem>>, vector<16xi32>,
        %bitcast3A_1031 = vector.bitcast %get3A_1030 : vector<16xi32> to vector<32xbf16>
        %get3A_1032 = arith.index_cast %add3A_986 : i32 to index
        %get3A_1033 = arith.constant 48 : index
        %get3A_1034 = tpu.vector_load %arg11[%get3A_1032, %get3A_1033] {strides = array<i32>} : memref<80x64xi32, #tpu.memory_space<vmem>>, vector<16xi32>,
        %bitcast3A_1035 = vector.bitcast %get3A_1034 : vector<16xi32> to vector<32xbf16>
        %mul3A_1036 = arith.mulf %bitcast3A_1031, %bitcast3A_1035 : vector<32xbf16>
        %unpack3A_1037 = tpu.unpack_subelements %mul3A_1036, 0 {pack_format = #tpu.pack_format<interleaved>} : vector<32xbf16> -> vector<16xf32>
        %unpack3A_1038 = tpu.unpack_subelements %mul3A_1036, 1 {pack_format = #tpu.pack_format<interleaved>} : vector<32xbf16> -> vector<16xf32>
        %add3A_1039 = arith.addf %add3A_1027, %unpack3A_1037 : vector<16xf32>
        %add3A_1040 = arith.addf %add3A_1039, %unpack3A_1038 : vector<16xf32>
        %eq3A_1041 = arith.constant 13 : i32
        %eq3A_1042 = vector.broadcast %eq3A_1041 : i32 to vector<16xi32>
        %eq3A_1043 = arith.cmpi eq, %iota3A, %eq3A_1042 : vector<16xi32>
        %reduce_sum3A_1044 = arith.constant true
        %reduce_sum3A_1045 = vector.broadcast %reduce_sum3A_1044 : i1 to vector<16xi1>
        %reduce_sum3A_1046 = tpu.scan <sum>, %add3A_1040 masked %reduce_sum3A_1045 : vector<16xf32>, vector<16xi1> -> vector<16xf32>
        %reduce_sum3A_1047 = vector.extract %reduce_sum3A_1046[15] : f32 from vector<16xf32>
        %broadcast_in_dim3A_1048 = vector.broadcast %reduce_sum3A_1047 : f32 to vector<16xf32>
        %select_n3A_1049 = arith.select %eq3A_1043, %broadcast_in_dim3A_1048, %select_n3A_982 : vector<16xi1>, vector<16xf32>
        %mul3A_1050 = arith.constant 16 : i32
        %mul3A_1051 = arith.muli %scan3A_115, %mul3A_1050 : i32
        %add3A_1052 = arith.constant 14 : i32
        %add3A_1053 = arith.addi %mul3A_1051, %add3A_1052 : i32
        %broadcast_in_dim3A_1054 = arith.constant 0.000000e+00 : f32
        %broadcast_in_dim3A_1055 = vector.broadcast %broadcast_in_dim3A_1054 : f32 to vector<16xf32>
        %get3A_1056 = arith.index_cast %add3A_1053 : i32 to index
        %get3A_1057 = arith.constant 0 : index
        %get3A_1058 = tpu.vector_load %arg10[%get3A_1056, %get3A_1057] {strides = array<i32>} : memref<80x64xi32, #tpu.memory_space<vmem>>, vector<16xi32>,
        %bitcast3A_1059 = vector.bitcast %get3A_1058 : vector<16xi32> to vector<32xbf16>
        %get3A_1060 = arith.index_cast %add3A_1053 : i32 to index
        %get3A_1061 = arith.constant 0 : index
        %get3A_1062 = tpu.vector_load %arg11[%get3A_1060, %get3A_1061] {strides = array<i32>} : memref<80x64xi32, #tpu.memory_space<vmem>>, vector<16xi32>,
        %bitcast3A_1063 = vector.bitcast %get3A_1062 : vector<16xi32> to vector<32xbf16>
        %mul3A_1064 = arith.mulf %bitcast3A_1059, %bitcast3A_1063 : vector<32xbf16>
        %unpack3A_1065 = tpu.unpack_subelements %mul3A_1064, 0 {pack_format = #tpu.pack_format<interleaved>} : vector<32xbf16> -> vector<16xf32>
        %unpack3A_1066 = tpu.unpack_subelements %mul3A_1064, 1 {pack_format = #tpu.pack_format<interleaved>} : vector<32xbf16> -> vector<16xf32>
        %add3A_1067 = arith.addf %broadcast_in_dim3A_1055, %unpack3A_1065 : vector<16xf32>
        %add3A_1068 = arith.addf %add3A_1067, %unpack3A_1066 : vector<16xf32>
        %get3A_1069 = arith.index_cast %add3A_1053 : i32 to index
        %get3A_1070 = arith.constant 16 : index
        %get3A_1071 = tpu.vector_load %arg10[%get3A_1069, %get3A_1070] {strides = array<i32>} : memref<80x64xi32, #tpu.memory_space<vmem>>, vector<16xi32>,
        %bitcast3A_1072 = vector.bitcast %get3A_1071 : vector<16xi32> to vector<32xbf16>
        %get3A_1073 = arith.index_cast %add3A_1053 : i32 to index
        %get3A_1074 = arith.constant 16 : index
        %get3A_1075 = tpu.vector_load %arg11[%get3A_1073, %get3A_1074] {strides = array<i32>} : memref<80x64xi32, #tpu.memory_space<vmem>>, vector<16xi32>,
        %bitcast3A_1076 = vector.bitcast %get3A_1075 : vector<16xi32> to vector<32xbf16>
        %mul3A_1077 = arith.mulf %bitcast3A_1072, %bitcast3A_1076 : vector<32xbf16>
        %unpack3A_1078 = tpu.unpack_subelements %mul3A_1077, 0 {pack_format = #tpu.pack_format<interleaved>} : vector<32xbf16> -> vector<16xf32>
        %unpack3A_1079 = tpu.unpack_subelements %mul3A_1077, 1 {pack_format = #tpu.pack_format<interleaved>} : vector<32xbf16> -> vector<16xf32>
        %add3A_1080 = arith.addf %add3A_1068, %unpack3A_1078 : vector<16xf32>
        %add3A_1081 = arith.addf %add3A_1080, %unpack3A_1079 : vector<16xf32>
        %get3A_1082 = arith.index_cast %add3A_1053 : i32 to index
        %get3A_1083 = arith.constant 32 : index
        %get3A_1084 = tpu.vector_load %arg10[%get3A_1082, %get3A_1083] {strides = array<i32>} : memref<80x64xi32, #tpu.memory_space<vmem>>, vector<16xi32>,
        %bitcast3A_1085 = vector.bitcast %get3A_1084 : vector<16xi32> to vector<32xbf16>
        %get3A_1086 = arith.index_cast %add3A_1053 : i32 to index
        %get3A_1087 = arith.constant 32 : index
        %get3A_1088 = tpu.vector_load %arg11[%get3A_1086, %get3A_1087] {strides = array<i32>} : memref<80x64xi32, #tpu.memory_space<vmem>>, vector<16xi32>,
        %bitcast3A_1089 = vector.bitcast %get3A_1088 : vector<16xi32> to vector<32xbf16>
        %mul3A_1090 = arith.mulf %bitcast3A_1085, %bitcast3A_1089 : vector<32xbf16>
        %unpack3A_1091 = tpu.unpack_subelements %mul3A_1090, 0 {pack_format = #tpu.pack_format<interleaved>} : vector<32xbf16> -> vector<16xf32>
        %unpack3A_1092 = tpu.unpack_subelements %mul3A_1090, 1 {pack_format = #tpu.pack_format<interleaved>} : vector<32xbf16> -> vector<16xf32>
        %add3A_1093 = arith.addf %add3A_1081, %unpack3A_1091 : vector<16xf32>
        %add3A_1094 = arith.addf %add3A_1093, %unpack3A_1092 : vector<16xf32>
        %get3A_1095 = arith.index_cast %add3A_1053 : i32 to index
        %get3A_1096 = arith.constant 48 : index
        %get3A_1097 = tpu.vector_load %arg10[%get3A_1095, %get3A_1096] {strides = array<i32>} : memref<80x64xi32, #tpu.memory_space<vmem>>, vector<16xi32>,
        %bitcast3A_1098 = vector.bitcast %get3A_1097 : vector<16xi32> to vector<32xbf16>
        %get3A_1099 = arith.index_cast %add3A_1053 : i32 to index
        %get3A_1100 = arith.constant 48 : index
        %get3A_1101 = tpu.vector_load %arg11[%get3A_1099, %get3A_1100] {strides = array<i32>} : memref<80x64xi32, #tpu.memory_space<vmem>>, vector<16xi32>,
        %bitcast3A_1102 = vector.bitcast %get3A_1101 : vector<16xi32> to vector<32xbf16>
        %mul3A_1103 = arith.mulf %bitcast3A_1098, %bitcast3A_1102 : vector<32xbf16>
        %unpack3A_1104 = tpu.unpack_subelements %mul3A_1103, 0 {pack_format = #tpu.pack_format<interleaved>} : vector<32xbf16> -> vector<16xf32>
        %unpack3A_1105 = tpu.unpack_subelements %mul3A_1103, 1 {pack_format = #tpu.pack_format<interleaved>} : vector<32xbf16> -> vector<16xf32>
        %add3A_1106 = arith.addf %add3A_1094, %unpack3A_1104 : vector<16xf32>
        %add3A_1107 = arith.addf %add3A_1106, %unpack3A_1105 : vector<16xf32>
        %eq3A_1108 = arith.constant 14 : i32
        %eq3A_1109 = vector.broadcast %eq3A_1108 : i32 to vector<16xi32>
        %eq3A_1110 = arith.cmpi eq, %iota3A, %eq3A_1109 : vector<16xi32>
        %reduce_sum3A_1111 = arith.constant true
        %reduce_sum3A_1112 = vector.broadcast %reduce_sum3A_1111 : i1 to vector<16xi1>
        %reduce_sum3A_1113 = tpu.scan <sum>, %add3A_1107 masked %reduce_sum3A_1112 : vector<16xf32>, vector<16xi1> -> vector<16xf32>
        %reduce_sum3A_1114 = vector.extract %reduce_sum3A_1113[15] : f32 from vector<16xf32>
        %broadcast_in_dim3A_1115 = vector.broadcast %reduce_sum3A_1114 : f32 to vector<16xf32>
        %select_n3A_1116 = arith.select %eq3A_1110, %broadcast_in_dim3A_1115, %select_n3A_1049 : vector<16xi1>, vector<16xf32>
        %mul3A_1117 = arith.constant 16 : i32
        %mul3A_1118 = arith.muli %scan3A_115, %mul3A_1117 : i32
        %add3A_1119 = arith.constant 15 : i32
        %add3A_1120 = arith.addi %mul3A_1118, %add3A_1119 : i32
        %broadcast_in_dim3A_1121 = arith.constant 0.000000e+00 : f32
        %broadcast_in_dim3A_1122 = vector.broadcast %broadcast_in_dim3A_1121 : f32 to vector<16xf32>
        %get3A_1123 = arith.index_cast %add3A_1120 : i32 to index
        %get3A_1124 = arith.constant 0 : index
        %get3A_1125 = tpu.vector_load %arg10[%get3A_1123, %get3A_1124] {strides = array<i32>} : memref<80x64xi32, #tpu.memory_space<vmem>>, vector<16xi32>,
        %bitcast3A_1126 = vector.bitcast %get3A_1125 : vector<16xi32> to vector<32xbf16>
        %get3A_1127 = arith.index_cast %add3A_1120 : i32 to index
        %get3A_1128 = arith.constant 0 : index
        %get3A_1129 = tpu.vector_load %arg11[%get3A_1127, %get3A_1128] {strides = array<i32>} : memref<80x64xi32, #tpu.memory_space<vmem>>, vector<16xi32>,
        %bitcast3A_1130 = vector.bitcast %get3A_1129 : vector<16xi32> to vector<32xbf16>
        %mul3A_1131 = arith.mulf %bitcast3A_1126, %bitcast3A_1130 : vector<32xbf16>
        %unpack3A_1132 = tpu.unpack_subelements %mul3A_1131, 0 {pack_format = #tpu.pack_format<interleaved>} : vector<32xbf16> -> vector<16xf32>
        %unpack3A_1133 = tpu.unpack_subelements %mul3A_1131, 1 {pack_format = #tpu.pack_format<interleaved>} : vector<32xbf16> -> vector<16xf32>
        %add3A_1134 = arith.addf %broadcast_in_dim3A_1122, %unpack3A_1132 : vector<16xf32>
        %add3A_1135 = arith.addf %add3A_1134, %unpack3A_1133 : vector<16xf32>
        %get3A_1136 = arith.index_cast %add3A_1120 : i32 to index
        %get3A_1137 = arith.constant 16 : index
        %get3A_1138 = tpu.vector_load %arg10[%get3A_1136, %get3A_1137] {strides = array<i32>} : memref<80x64xi32, #tpu.memory_space<vmem>>, vector<16xi32>,
        %bitcast3A_1139 = vector.bitcast %get3A_1138 : vector<16xi32> to vector<32xbf16>
        %get3A_1140 = arith.index_cast %add3A_1120 : i32 to index
        %get3A_1141 = arith.constant 16 : index
        %get3A_1142 = tpu.vector_load %arg11[%get3A_1140, %get3A_1141] {strides = array<i32>} : memref<80x64xi32, #tpu.memory_space<vmem>>, vector<16xi32>,
        %bitcast3A_1143 = vector.bitcast %get3A_1142 : vector<16xi32> to vector<32xbf16>
        %mul3A_1144 = arith.mulf %bitcast3A_1139, %bitcast3A_1143 : vector<32xbf16>
        %unpack3A_1145 = tpu.unpack_subelements %mul3A_1144, 0 {pack_format = #tpu.pack_format<interleaved>} : vector<32xbf16> -> vector<16xf32>
        %unpack3A_1146 = tpu.unpack_subelements %mul3A_1144, 1 {pack_format = #tpu.pack_format<interleaved>} : vector<32xbf16> -> vector<16xf32>
        %add3A_1147 = arith.addf %add3A_1135, %unpack3A_1145 : vector<16xf32>
        %add3A_1148 = arith.addf %add3A_1147, %unpack3A_1146 : vector<16xf32>
        %get3A_1149 = arith.index_cast %add3A_1120 : i32 to index
        %get3A_1150 = arith.constant 32 : index
        %get3A_1151 = tpu.vector_load %arg10[%get3A_1149, %get3A_1150] {strides = array<i32>} : memref<80x64xi32, #tpu.memory_space<vmem>>, vector<16xi32>,
        %bitcast3A_1152 = vector.bitcast %get3A_1151 : vector<16xi32> to vector<32xbf16>
        %get3A_1153 = arith.index_cast %add3A_1120 : i32 to index
        %get3A_1154 = arith.constant 32 : index
        %get3A_1155 = tpu.vector_load %arg11[%get3A_1153, %get3A_1154] {strides = array<i32>} : memref<80x64xi32, #tpu.memory_space<vmem>>, vector<16xi32>,
        %bitcast3A_1156 = vector.bitcast %get3A_1155 : vector<16xi32> to vector<32xbf16>
        %mul3A_1157 = arith.mulf %bitcast3A_1152, %bitcast3A_1156 : vector<32xbf16>
        %unpack3A_1158 = tpu.unpack_subelements %mul3A_1157, 0 {pack_format = #tpu.pack_format<interleaved>} : vector<32xbf16> -> vector<16xf32>
        %unpack3A_1159 = tpu.unpack_subelements %mul3A_1157, 1 {pack_format = #tpu.pack_format<interleaved>} : vector<32xbf16> -> vector<16xf32>
        %add3A_1160 = arith.addf %add3A_1148, %unpack3A_1158 : vector<16xf32>
        %add3A_1161 = arith.addf %add3A_1160, %unpack3A_1159 : vector<16xf32>
        %get3A_1162 = arith.index_cast %add3A_1120 : i32 to index
        %get3A_1163 = arith.constant 48 : index
        %get3A_1164 = tpu.vector_load %arg10[%get3A_1162, %get3A_1163] {strides = array<i32>} : memref<80x64xi32, #tpu.memory_space<vmem>>, vector<16xi32>,
        %bitcast3A_1165 = vector.bitcast %get3A_1164 : vector<16xi32> to vector<32xbf16>
        %get3A_1166 = arith.index_cast %add3A_1120 : i32 to index
        %get3A_1167 = arith.constant 48 : index
        %get3A_1168 = tpu.vector_load %arg11[%get3A_1166, %get3A_1167] {strides = array<i32>} : memref<80x64xi32, #tpu.memory_space<vmem>>, vector<16xi32>,
        %bitcast3A_1169 = vector.bitcast %get3A_1168 : vector<16xi32> to vector<32xbf16>
        %mul3A_1170 = arith.mulf %bitcast3A_1165, %bitcast3A_1169 : vector<32xbf16>
        %unpack3A_1171 = tpu.unpack_subelements %mul3A_1170, 0 {pack_format = #tpu.pack_format<interleaved>} : vector<32xbf16> -> vector<16xf32>
        %unpack3A_1172 = tpu.unpack_subelements %mul3A_1170, 1 {pack_format = #tpu.pack_format<interleaved>} : vector<32xbf16> -> vector<16xf32>
        %add3A_1173 = arith.addf %add3A_1161, %unpack3A_1171 : vector<16xf32>
        %add3A_1174 = arith.addf %add3A_1173, %unpack3A_1172 : vector<16xf32>
        %eq3A_1175 = arith.constant 15 : i32
        %eq3A_1176 = vector.broadcast %eq3A_1175 : i32 to vector<16xi32>
        %eq3A_1177 = arith.cmpi eq, %iota3A, %eq3A_1176 : vector<16xi32>
        %reduce_sum3A_1178 = arith.constant true
        %reduce_sum3A_1179 = vector.broadcast %reduce_sum3A_1178 : i1 to vector<16xi1>
        %reduce_sum3A_1180 = tpu.scan <sum>, %add3A_1174 masked %reduce_sum3A_1179 : vector<16xf32>, vector<16xi1> -> vector<16xf32>
        %reduce_sum3A_1181 = vector.extract %reduce_sum3A_1180[15] : f32 from vector<16xf32>
        %broadcast_in_dim3A_1182 = vector.broadcast %reduce_sum3A_1181 : f32 to vector<16xf32>
        %select_n3A_1183 = arith.select %eq3A_1177, %broadcast_in_dim3A_1182, %select_n3A_1116 : vector<16xi1>, vector<16xf32>
        %mul3A_1184 = arith.constant 80 : i32
        %mul3A_1185 = arith.muli %add3A_108, %mul3A_1184 : i32
        %mul3A_1186 = arith.constant 16 : i32
        %mul3A_1187 = arith.muli %scan3A_115, %mul3A_1186 : i32
        %add3A_1188 = arith.addi %mul3A_1185, %mul3A_1187 : i32
        %swap3A = arith.index_cast %add3A_1188 : i32 to index
        %swap3A_1189 = tpu.vector_load %arg12[%swap3A] {strides = array<i32>} : memref<10000xf32, #tpu.memory_space<vmem>>, vector<16xf32>,
        tpu.vector_store %arg12[%swap3A], %select_n3A_1183 {strides = array<i32>} : memref<10000xf32, #tpu.memory_space<vmem>>, vector<16xf32>,
      }
      %scan3A_114 = arith.constant 5 : i32
    }
    %scan3A_22 = arith.constant 62 : i32
    %dma_wait3A = arith.constant 0 : i32
    %dma_wait3A_23 = arith.constant 0 : i32
    %dma_wait3A_24 = tpu.memref_slice %arg6[%dma_wait3A, %dma_wait3A_23] : memref<125x80xi32, #tpu.memory_space<vmem>> -> memref<1x80xi32, #tpu.memory_space<vmem>>
    %dma_wait3A_25 = tpu.memref_squeeze %dma_wait3A_24 : memref<1x80xi32, #tpu.memory_space<vmem>> -> memref<80xi32, #tpu.memory_space<vmem>>
    %dma_wait3A_26 = arith.constant 0 : i32
    %dma_wait3A_27 = arith.constant 0 : i32
    %dma_wait3A_28 = tpu.memref_slice %arg13[%dma_wait3A_26, %dma_wait3A_27] : memref<10000x64xi32, #tpu.memory_space<vmem_shared>> -> memref<10000x64xi32, #tpu.memory_space<vmem_shared>>
    tpu.wait_indirect_dma semaphore(%arg14 : memref<!tpu.dma_semaphore, #tpu.memory_space<semaphore_mem>>) src(%dma_wait3A_28 : memref<10000x64xi32, #tpu.memory_space<vmem_shared>>) dst(%arg8 : memref<80x64xi32, #tpu.memory_space<vmem>>)
    %dma_wait3A_29 = arith.constant 0 : i32
    %dma_wait3A_30 = arith.constant 0 : i32
    %dma_wait3A_31 = tpu.memref_slice %arg7[%dma_wait3A_29, %dma_wait3A_30] : memref<125x80xi32, #tpu.memory_space<vmem>> -> memref<1x80xi32, #tpu.memory_space<vmem>>
    %dma_wait3A_32 = tpu.memref_squeeze %dma_wait3A_31 : memref<1x80xi32, #tpu.memory_space<vmem>> -> memref<80xi32, #tpu.memory_space<vmem>>
    %dma_wait3A_33 = arith.constant 0 : i32
    %dma_wait3A_34 = arith.constant 0 : i32
    %dma_wait3A_35 = tpu.memref_slice %arg13[%dma_wait3A_33, %dma_wait3A_34] : memref<10000x64xi32, #tpu.memory_space<vmem_shared>> -> memref<10000x64xi32, #tpu.memory_space<vmem_shared>>
    tpu.wait_indirect_dma semaphore(%arg14 : memref<!tpu.dma_semaphore, #tpu.memory_space<semaphore_mem>>) src(%dma_wait3A_35 : memref<10000x64xi32, #tpu.memory_space<vmem_shared>>) dst(%arg9 : memref<80x64xi32, #tpu.memory_space<vmem>>)
    %scan3A_36 = arith.constant 0 : i32
    %scan3A_37 = arith.constant 0 : i32
    %scan3A_38 = arith.constant 5 : i32
    %scan3A_39 = arith.addi %scan3A_37, %scan3A_38 : i32
    %scan3A_40 = arith.constant 1 : i32
    scf.for %scan3A_42 = %scan3A_37 to %scan3A_39 step %scan3A_40  : i32 {
      %broadcast_in_dim3A = arith.constant 0.000000e+00 : f32
      %broadcast_in_dim3A_43 = vector.broadcast %broadcast_in_dim3A : f32 to vector<16xf32>
      %mul3A_44 = arith.constant 16 : i32
      %mul3A_45 = arith.muli %scan3A_42, %mul3A_44 : i32
      %add3A_46 = arith.constant 0 : i32
      %add3A_47 = arith.addi %mul3A_45, %add3A_46 : i32
      %broadcast_in_dim3A_48 = arith.constant 0.000000e+00 : f32
      %broadcast_in_dim3A_49 = vector.broadcast %broadcast_in_dim3A_48 : f32 to vector<16xf32>
      %get3A = arith.index_cast %add3A_47 : i32 to index
      %get3A_50 = arith.constant 0 : index
      %get3A_51 = tpu.vector_load %arg8[%get3A, %get3A_50] {strides = array<i32>} : memref<80x64xi32, #tpu.memory_space<vmem>>, vector<16xi32>,
      %bitcast3A = vector.bitcast %get3A_51 : vector<16xi32> to vector<32xbf16>
      %get3A_52 = arith.index_cast %add3A_47 : i32 to index
      %get3A_53 = arith.constant 0 : index
      %get3A_54 = tpu.vector_load %arg9[%get3A_52, %get3A_53] {strides = array<i32>} : memref<80x64xi32, #tpu.memory_space<vmem>>, vector<16xi32>,
      %bitcast3A_55 = vector.bitcast %get3A_54 : vector<16xi32> to vector<32xbf16>
      %mul3A_56 = arith.mulf %bitcast3A, %bitcast3A_55 : vector<32xbf16>
      %unpack3A = tpu.unpack_subelements %mul3A_56, 0 {pack_format = #tpu.pack_format<interleaved>} : vector<32xbf16> -> vector<16xf32>
      %unpack3A_57 = tpu.unpack_subelements %mul3A_56, 1 {pack_format = #tpu.pack_format<interleaved>} : vector<32xbf16> -> vector<16xf32>
      %add3A_58 = arith.addf %broadcast_in_dim3A_49, %unpack3A : vector<16xf32>
      %add3A_59 = arith.addf %add3A_58, %unpack3A_57 : vector<16xf32>
      %get3A_60 = arith.index_cast %add3A_47 : i32 to index
      %get3A_61 = arith.constant 16 : index
      %get3A_62 = tpu.vector_load %arg8[%get3A_60, %get3A_61] {strides = array<i32>} : memref<80x64xi32, #tpu.memory_space<vmem>>, vector<16xi32>,
      %bitcast3A_63 = vector.bitcast %get3A_62 : vector<16xi32> to vector<32xbf16>
      %get3A_64 = arith.index_cast %add3A_47 : i32 to index
      %get3A_65 = arith.constant 16 : index
      %get3A_66 = tpu.vector_load %arg9[%get3A_64, %get3A_65] {strides = array<i32>} : memref<80x64xi32, #tpu.memory_space<vmem>>, vector<16xi32>,
      %bitcast3A_67 = vector.bitcast %get3A_66 : vector<16xi32> to vector<32xbf16>
      %mul3A_68 = arith.mulf %bitcast3A_63, %bitcast3A_67 : vector<32xbf16>
      %unpack3A_69 = tpu.unpack_subelements %mul3A_68, 0 {pack_format = #tpu.pack_format<interleaved>} : vector<32xbf16> -> vector<16xf32>
      %unpack3A_70 = tpu.unpack_subelements %mul3A_68, 1 {pack_format = #tpu.pack_format<interleaved>} : vector<32xbf16> -> vector<16xf32>
      %add3A_71 = arith.addf %add3A_59, %unpack3A_69 : vector<16xf32>
      %add3A_72 = arith.addf %add3A_71, %unpack3A_70 : vector<16xf32>
      %get3A_73 = arith.index_cast %add3A_47 : i32 to index
      %get3A_74 = arith.constant 32 : index
      %get3A_75 = tpu.vector_load %arg8[%get3A_73, %get3A_74] {strides = array<i32>} : memref<80x64xi32, #tpu.memory_space<vmem>>, vector<16xi32>,
      %bitcast3A_76 = vector.bitcast %get3A_75 : vector<16xi32> to vector<32xbf16>
      %get3A_77 = arith.index_cast %add3A_47 : i32 to index
      %get3A_78 = arith.constant 32 : index
      %get3A_79 = tpu.vector_load %arg9[%get3A_77, %get3A_78] {strides = array<i32>} : memref<80x64xi32, #tpu.memory_space<vmem>>, vector<16xi32>,
      %bitcast3A_80 = vector.bitcast %get3A_79 : vector<16xi32> to vector<32xbf16>
      %mul3A_81 = arith.mulf %bitcast3A_76, %bitcast3A_80 : vector<32xbf16>
      %unpack3A_82 = tpu.unpack_subelements %mul3A_81, 0 {pack_format = #tpu.pack_format<interleaved>} : vector<32xbf16> -> vector<16xf32>
      %unpack3A_83 = tpu.unpack_subelements %mul3A_81, 1 {pack_format = #tpu.pack_format<interleaved>} : vector<32xbf16> -> vector<16xf32>
      %add3A_84 = arith.addf %add3A_72, %unpack3A_82 : vector<16xf32>
      %add3A_85 = arith.addf %add3A_84, %unpack3A_83 : vector<16xf32>
      %get3A_86 = arith.index_cast %add3A_47 : i32 to index
      %get3A_87 = arith.constant 48 : index
      %get3A_88 = tpu.vector_load %arg8[%get3A_86, %get3A_87] {strides = array<i32>} : memref<80x64xi32, #tpu.memory_space<vmem>>, vector<16xi32>,
      %bitcast3A_89 = vector.bitcast %get3A_88 : vector<16xi32> to vector<32xbf16>
      %get3A_90 = arith.index_cast %add3A_47 : i32 to index
      %get3A_91 = arith.constant 48 : index
      %get3A_92 = tpu.vector_load %arg9[%get3A_90, %get3A_91] {strides = array<i32>} : memref<80x64xi32, #tpu.memory_space<vmem>>, vector<16xi32>,
      %bitcast3A_93 = vector.bitcast %get3A_92 : vector<16xi32> to vector<32xbf16>
      %mul3A_94 = arith.mulf %bitcast3A_89, %bitcast3A_93 : vector<32xbf16>
      %unpack3A_95 = tpu.unpack_subelements %mul3A_94, 0 {pack_format = #tpu.pack_format<interleaved>} : vector<32xbf16> -> vector<16xf32>
      %unpack3A_96 = tpu.unpack_subelements %mul3A_94, 1 {pack_format = #tpu.pack_format<interleaved>} : vector<32xbf16> -> vector<16xf32>
      %add3A_97 = arith.addf %add3A_85, %unpack3A_95 : vector<16xf32>
      %add3A_98 = arith.addf %add3A_97, %unpack3A_96 : vector<16xf32>
      %eq3A_99 = arith.constant 0 : i32
      %eq3A_100 = vector.broadcast %eq3A_99 : i32 to vector<16xi32>
      %eq3A_101 = arith.cmpi eq, %iota3A, %eq3A_100 : vector<16xi32>
      %reduce_sum3A = arith.constant true
      %reduce_sum3A_102 = vector.broadcast %reduce_sum3A : i1 to vector<16xi1>
      %reduce_sum3A_103 = tpu.scan <sum>, %add3A_98 masked %reduce_sum3A_102 : vector<16xf32>, vector<16xi1> -> vector<16xf32>
      %reduce_sum3A_104 = vector.extract %reduce_sum3A_103[15] : f32 from vector<16xf32>
      %broadcast_in_dim3A_105 = vector.broadcast %reduce_sum3A_104 : f32 to vector<16xf32>
      %select_n3A = arith.select %eq3A_101, %broadcast_in_dim3A_105, %broadcast_in_dim3A_43 : vector<16xi1>, vector<16xf32>
      %mul3A_106 = arith.constant 16 : i32
      %mul3A_107 = arith.muli %scan3A_42, %mul3A_106 : i32
      %add3A_108 = arith.constant 1 : i32
      %add3A_109 = arith.addi %mul3A_107, %add3A_108 : i32
      %broadcast_in_dim3A_110 = arith.constant 0.000000e+00 : f32
      %broadcast_in_dim3A_111 = vector.broadcast %broadcast_in_dim3A_110 : f32 to vector<16xf32>
      %get3A_112 = arith.index_cast %add3A_109 : i32 to index
      %get3A_113 = arith.constant 0 : index
      %get3A_114 = tpu.vector_load %arg8[%get3A_112, %get3A_113] {strides = array<i32>} : memref<80x64xi32, #tpu.memory_space<vmem>>, vector<16xi32>,
      %bitcast3A_115 = vector.bitcast %get3A_114 : vector<16xi32> to vector<32xbf16>
      %get3A_116 = arith.index_cast %add3A_109 : i32 to index
      %get3A_117 = arith.constant 0 : index
      %get3A_118 = tpu.vector_load %arg9[%get3A_116, %get3A_117] {strides = array<i32>} : memref<80x64xi32, #tpu.memory_space<vmem>>, vector<16xi32>,
      %bitcast3A_119 = vector.bitcast %get3A_118 : vector<16xi32> to vector<32xbf16>
      %mul3A_120 = arith.mulf %bitcast3A_115, %bitcast3A_119 : vector<32xbf16>
      %unpack3A_121 = tpu.unpack_subelements %mul3A_120, 0 {pack_format = #tpu.pack_format<interleaved>} : vector<32xbf16> -> vector<16xf32>
      %unpack3A_122 = tpu.unpack_subelements %mul3A_120, 1 {pack_format = #tpu.pack_format<interleaved>} : vector<32xbf16> -> vector<16xf32>
      %add3A_123 = arith.addf %broadcast_in_dim3A_111, %unpack3A_121 : vector<16xf32>
      %add3A_124 = arith.addf %add3A_123, %unpack3A_122 : vector<16xf32>
      %get3A_125 = arith.index_cast %add3A_109 : i32 to index
      %get3A_126 = arith.constant 16 : index
      %get3A_127 = tpu.vector_load %arg8[%get3A_125, %get3A_126] {strides = array<i32>} : memref<80x64xi32, #tpu.memory_space<vmem>>, vector<16xi32>,
      %bitcast3A_128 = vector.bitcast %get3A_127 : vector<16xi32> to vector<32xbf16>
      %get3A_129 = arith.index_cast %add3A_109 : i32 to index
      %get3A_130 = arith.constant 16 : index
      %get3A_131 = tpu.vector_load %arg9[%get3A_129, %get3A_130] {strides = array<i32>} : memref<80x64xi32, #tpu.memory_space<vmem>>, vector<16xi32>,
      %bitcast3A_132 = vector.bitcast %get3A_131 : vector<16xi32> to vector<32xbf16>
      %mul3A_133 = arith.mulf %bitcast3A_128, %bitcast3A_132 : vector<32xbf16>
      %unpack3A_134 = tpu.unpack_subelements %mul3A_133, 0 {pack_format = #tpu.pack_format<interleaved>} : vector<32xbf16> -> vector<16xf32>
      %unpack3A_135 = tpu.unpack_subelements %mul3A_133, 1 {pack_format = #tpu.pack_format<interleaved>} : vector<32xbf16> -> vector<16xf32>
      %add3A_136 = arith.addf %add3A_124, %unpack3A_134 : vector<16xf32>
      %add3A_137 = arith.addf %add3A_136, %unpack3A_135 : vector<16xf32>
      %get3A_138 = arith.index_cast %add3A_109 : i32 to index
      %get3A_139 = arith.constant 32 : index
      %get3A_140 = tpu.vector_load %arg8[%get3A_138, %get3A_139] {strides = array<i32>} : memref<80x64xi32, #tpu.memory_space<vmem>>, vector<16xi32>,
      %bitcast3A_141 = vector.bitcast %get3A_140 : vector<16xi32> to vector<32xbf16>
      %get3A_142 = arith.index_cast %add3A_109 : i32 to index
      %get3A_143 = arith.constant 32 : index
      %get3A_144 = tpu.vector_load %arg9[%get3A_142, %get3A_143] {strides = array<i32>} : memref<80x64xi32, #tpu.memory_space<vmem>>, vector<16xi32>,
      %bitcast3A_145 = vector.bitcast %get3A_144 : vector<16xi32> to vector<32xbf16>
      %mul3A_146 = arith.mulf %bitcast3A_141, %bitcast3A_145 : vector<32xbf16>
      %unpack3A_147 = tpu.unpack_subelements %mul3A_146, 0 {pack_format = #tpu.pack_format<interleaved>} : vector<32xbf16> -> vector<16xf32>
      %unpack3A_148 = tpu.unpack_subelements %mul3A_146, 1 {pack_format = #tpu.pack_format<interleaved>} : vector<32xbf16> -> vector<16xf32>
      %add3A_149 = arith.addf %add3A_137, %unpack3A_147 : vector<16xf32>
      %add3A_150 = arith.addf %add3A_149, %unpack3A_148 : vector<16xf32>
      %get3A_151 = arith.index_cast %add3A_109 : i32 to index
      %get3A_152 = arith.constant 48 : index
      %get3A_153 = tpu.vector_load %arg8[%get3A_151, %get3A_152] {strides = array<i32>} : memref<80x64xi32, #tpu.memory_space<vmem>>, vector<16xi32>,
      %bitcast3A_154 = vector.bitcast %get3A_153 : vector<16xi32> to vector<32xbf16>
      %get3A_155 = arith.index_cast %add3A_109 : i32 to index
      %get3A_156 = arith.constant 48 : index
      %get3A_157 = tpu.vector_load %arg9[%get3A_155, %get3A_156] {strides = array<i32>} : memref<80x64xi32, #tpu.memory_space<vmem>>, vector<16xi32>,
      %bitcast3A_158 = vector.bitcast %get3A_157 : vector<16xi32> to vector<32xbf16>
      %mul3A_159 = arith.mulf %bitcast3A_154, %bitcast3A_158 : vector<32xbf16>
      %unpack3A_160 = tpu.unpack_subelements %mul3A_159, 0 {pack_format = #tpu.pack_format<interleaved>} : vector<32xbf16> -> vector<16xf32>
      %unpack3A_161 = tpu.unpack_subelements %mul3A_159, 1 {pack_format = #tpu.pack_format<interleaved>} : vector<32xbf16> -> vector<16xf32>
      %add3A_162 = arith.addf %add3A_150, %unpack3A_160 : vector<16xf32>
      %add3A_163 = arith.addf %add3A_162, %unpack3A_161 : vector<16xf32>
      %eq3A_164 = arith.constant 1 : i32
      %eq3A_165 = vector.broadcast %eq3A_164 : i32 to vector<16xi32>
      %eq3A_166 = arith.cmpi eq, %iota3A, %eq3A_165 : vector<16xi32>
      %reduce_sum3A_167 = arith.constant true
      %reduce_sum3A_168 = vector.broadcast %reduce_sum3A_167 : i1 to vector<16xi1>
      %reduce_sum3A_169 = tpu.scan <sum>, %add3A_163 masked %reduce_sum3A_168 : vector<16xf32>, vector<16xi1> -> vector<16xf32>
      %reduce_sum3A_170 = vector.extract %reduce_sum3A_169[15] : f32 from vector<16xf32>
      %broadcast_in_dim3A_171 = vector.broadcast %reduce_sum3A_170 : f32 to vector<16xf32>
      %select_n3A_172 = arith.select %eq3A_166, %broadcast_in_dim3A_171, %select_n3A : vector<16xi1>, vector<16xf32>
      %mul3A_173 = arith.constant 16 : i32
      %mul3A_174 = arith.muli %scan3A_42, %mul3A_173 : i32
      %add3A_175 = arith.constant 2 : i32
      %add3A_176 = arith.addi %mul3A_174, %add3A_175 : i32
      %broadcast_in_dim3A_177 = arith.constant 0.000000e+00 : f32
      %broadcast_in_dim3A_178 = vector.broadcast %broadcast_in_dim3A_177 : f32 to vector<16xf32>
      %get3A_179 = arith.index_cast %add3A_176 : i32 to index
      %get3A_180 = arith.constant 0 : index
      %get3A_181 = tpu.vector_load %arg8[%get3A_179, %get3A_180] {strides = array<i32>} : memref<80x64xi32, #tpu.memory_space<vmem>>, vector<16xi32>,
      %bitcast3A_182 = vector.bitcast %get3A_181 : vector<16xi32> to vector<32xbf16>
      %get3A_183 = arith.index_cast %add3A_176 : i32 to index
      %get3A_184 = arith.constant 0 : index
      %get3A_185 = tpu.vector_load %arg9[%get3A_183, %get3A_184] {strides = array<i32>} : memref<80x64xi32, #tpu.memory_space<vmem>>, vector<16xi32>,
      %bitcast3A_186 = vector.bitcast %get3A_185 : vector<16xi32> to vector<32xbf16>
      %mul3A_187 = arith.mulf %bitcast3A_182, %bitcast3A_186 : vector<32xbf16>
      %unpack3A_188 = tpu.unpack_subelements %mul3A_187, 0 {pack_format = #tpu.pack_format<interleaved>} : vector<32xbf16> -> vector<16xf32>
      %unpack3A_189 = tpu.unpack_subelements %mul3A_187, 1 {pack_format = #tpu.pack_format<interleaved>} : vector<32xbf16> -> vector<16xf32>
      %add3A_190 = arith.addf %broadcast_in_dim3A_178, %unpack3A_188 : vector<16xf32>
      %add3A_191 = arith.addf %add3A_190, %unpack3A_189 : vector<16xf32>
      %get3A_192 = arith.index_cast %add3A_176 : i32 to index
      %get3A_193 = arith.constant 16 : index
      %get3A_194 = tpu.vector_load %arg8[%get3A_192, %get3A_193] {strides = array<i32>} : memref<80x64xi32, #tpu.memory_space<vmem>>, vector<16xi32>,
      %bitcast3A_195 = vector.bitcast %get3A_194 : vector<16xi32> to vector<32xbf16>
      %get3A_196 = arith.index_cast %add3A_176 : i32 to index
      %get3A_197 = arith.constant 16 : index
      %get3A_198 = tpu.vector_load %arg9[%get3A_196, %get3A_197] {strides = array<i32>} : memref<80x64xi32, #tpu.memory_space<vmem>>, vector<16xi32>,
      %bitcast3A_199 = vector.bitcast %get3A_198 : vector<16xi32> to vector<32xbf16>
      %mul3A_200 = arith.mulf %bitcast3A_195, %bitcast3A_199 : vector<32xbf16>
      %unpack3A_201 = tpu.unpack_subelements %mul3A_200, 0 {pack_format = #tpu.pack_format<interleaved>} : vector<32xbf16> -> vector<16xf32>
      %unpack3A_202 = tpu.unpack_subelements %mul3A_200, 1 {pack_format = #tpu.pack_format<interleaved>} : vector<32xbf16> -> vector<16xf32>
      %add3A_203 = arith.addf %add3A_191, %unpack3A_201 : vector<16xf32>
      %add3A_204 = arith.addf %add3A_203, %unpack3A_202 : vector<16xf32>
      %get3A_205 = arith.index_cast %add3A_176 : i32 to index
      %get3A_206 = arith.constant 32 : index
      %get3A_207 = tpu.vector_load %arg8[%get3A_205, %get3A_206] {strides = array<i32>} : memref<80x64xi32, #tpu.memory_space<vmem>>, vector<16xi32>,
      %bitcast3A_208 = vector.bitcast %get3A_207 : vector<16xi32> to vector<32xbf16>
      %get3A_209 = arith.index_cast %add3A_176 : i32 to index
      %get3A_210 = arith.constant 32 : index
      %get3A_211 = tpu.vector_load %arg9[%get3A_209, %get3A_210] {strides = array<i32>} : memref<80x64xi32, #tpu.memory_space<vmem>>, vector<16xi32>,
      %bitcast3A_212 = vector.bitcast %get3A_211 : vector<16xi32> to vector<32xbf16>
      %mul3A_213 = arith.mulf %bitcast3A_208, %bitcast3A_212 : vector<32xbf16>
      %unpack3A_214 = tpu.unpack_subelements %mul3A_213, 0 {pack_format = #tpu.pack_format<interleaved>} : vector<32xbf16> -> vector<16xf32>
      %unpack3A_215 = tpu.unpack_subelements %mul3A_213, 1 {pack_format = #tpu.pack_format<interleaved>} : vector<32xbf16> -> vector<16xf32>
      %add3A_216 = arith.addf %add3A_204, %unpack3A_214 : vector<16xf32>
      %add3A_217 = arith.addf %add3A_216, %unpack3A_215 : vector<16xf32>
      %get3A_218 = arith.index_cast %add3A_176 : i32 to index
      %get3A_219 = arith.constant 48 : index
      %get3A_220 = tpu.vector_load %arg8[%get3A_218, %get3A_219] {strides = array<i32>} : memref<80x64xi32, #tpu.memory_space<vmem>>, vector<16xi32>,
      %bitcast3A_221 = vector.bitcast %get3A_220 : vector<16xi32> to vector<32xbf16>
      %get3A_222 = arith.index_cast %add3A_176 : i32 to index
      %get3A_223 = arith.constant 48 : index
      %get3A_224 = tpu.vector_load %arg9[%get3A_222, %get3A_223] {strides = array<i32>} : memref<80x64xi32, #tpu.memory_space<vmem>>, vector<16xi32>,
      %bitcast3A_225 = vector.bitcast %get3A_224 : vector<16xi32> to vector<32xbf16>
      %mul3A_226 = arith.mulf %bitcast3A_221, %bitcast3A_225 : vector<32xbf16>
      %unpack3A_227 = tpu.unpack_subelements %mul3A_226, 0 {pack_format = #tpu.pack_format<interleaved>} : vector<32xbf16> -> vector<16xf32>
      %unpack3A_228 = tpu.unpack_subelements %mul3A_226, 1 {pack_format = #tpu.pack_format<interleaved>} : vector<32xbf16> -> vector<16xf32>
      %add3A_229 = arith.addf %add3A_217, %unpack3A_227 : vector<16xf32>
      %add3A_230 = arith.addf %add3A_229, %unpack3A_228 : vector<16xf32>
      %eq3A_231 = arith.constant 2 : i32
      %eq3A_232 = vector.broadcast %eq3A_231 : i32 to vector<16xi32>
      %eq3A_233 = arith.cmpi eq, %iota3A, %eq3A_232 : vector<16xi32>
      %reduce_sum3A_234 = arith.constant true
      %reduce_sum3A_235 = vector.broadcast %reduce_sum3A_234 : i1 to vector<16xi1>
      %reduce_sum3A_236 = tpu.scan <sum>, %add3A_230 masked %reduce_sum3A_235 : vector<16xf32>, vector<16xi1> -> vector<16xf32>
      %reduce_sum3A_237 = vector.extract %reduce_sum3A_236[15] : f32 from vector<16xf32>
      %broadcast_in_dim3A_238 = vector.broadcast %reduce_sum3A_237 : f32 to vector<16xf32>
      %select_n3A_239 = arith.select %eq3A_233, %broadcast_in_dim3A_238, %select_n3A_172 : vector<16xi1>, vector<16xf32>
      %mul3A_240 = arith.constant 16 : i32
      %mul3A_241 = arith.muli %scan3A_42, %mul3A_240 : i32
      %add3A_242 = arith.constant 3 : i32
      %add3A_243 = arith.addi %mul3A_241, %add3A_242 : i32
      %broadcast_in_dim3A_244 = arith.constant 0.000000e+00 : f32
      %broadcast_in_dim3A_245 = vector.broadcast %broadcast_in_dim3A_244 : f32 to vector<16xf32>
      %get3A_246 = arith.index_cast %add3A_243 : i32 to index
      %get3A_247 = arith.constant 0 : index
      %get3A_248 = tpu.vector_load %arg8[%get3A_246, %get3A_247] {strides = array<i32>} : memref<80x64xi32, #tpu.memory_space<vmem>>, vector<16xi32>,
      %bitcast3A_249 = vector.bitcast %get3A_248 : vector<16xi32> to vector<32xbf16>
      %get3A_250 = arith.index_cast %add3A_243 : i32 to index
      %get3A_251 = arith.constant 0 : index
      %get3A_252 = tpu.vector_load %arg9[%get3A_250, %get3A_251] {strides = array<i32>} : memref<80x64xi32, #tpu.memory_space<vmem>>, vector<16xi32>,
      %bitcast3A_253 = vector.bitcast %get3A_252 : vector<16xi32> to vector<32xbf16>
      %mul3A_254 = arith.mulf %bitcast3A_249, %bitcast3A_253 : vector<32xbf16>
      %unpack3A_255 = tpu.unpack_subelements %mul3A_254, 0 {pack_format = #tpu.pack_format<interleaved>} : vector<32xbf16> -> vector<16xf32>
      %unpack3A_256 = tpu.unpack_subelements %mul3A_254, 1 {pack_format = #tpu.pack_format<interleaved>} : vector<32xbf16> -> vector<16xf32>
      %add3A_257 = arith.addf %broadcast_in_dim3A_245, %unpack3A_255 : vector<16xf32>
      %add3A_258 = arith.addf %add3A_257, %unpack3A_256 : vector<16xf32>
      %get3A_259 = arith.index_cast %add3A_243 : i32 to index
      %get3A_260 = arith.constant 16 : index
      %get3A_261 = tpu.vector_load %arg8[%get3A_259, %get3A_260] {strides = array<i32>} : memref<80x64xi32, #tpu.memory_space<vmem>>, vector<16xi32>,
      %bitcast3A_262 = vector.bitcast %get3A_261 : vector<16xi32> to vector<32xbf16>
      %get3A_263 = arith.index_cast %add3A_243 : i32 to index
      %get3A_264 = arith.constant 16 : index
      %get3A_265 = tpu.vector_load %arg9[%get3A_263, %get3A_264] {strides = array<i32>} : memref<80x64xi32, #tpu.memory_space<vmem>>, vector<16xi32>,
      %bitcast3A_266 = vector.bitcast %get3A_265 : vector<16xi32> to vector<32xbf16>
      %mul3A_267 = arith.mulf %bitcast3A_262, %bitcast3A_266 : vector<32xbf16>
      %unpack3A_268 = tpu.unpack_subelements %mul3A_267, 0 {pack_format = #tpu.pack_format<interleaved>} : vector<32xbf16> -> vector<16xf32>
      %unpack3A_269 = tpu.unpack_subelements %mul3A_267, 1 {pack_format = #tpu.pack_format<interleaved>} : vector<32xbf16> -> vector<16xf32>
      %add3A_270 = arith.addf %add3A_258, %unpack3A_268 : vector<16xf32>
      %add3A_271 = arith.addf %add3A_270, %unpack3A_269 : vector<16xf32>
      %get3A_272 = arith.index_cast %add3A_243 : i32 to index
      %get3A_273 = arith.constant 32 : index
      %get3A_274 = tpu.vector_load %arg8[%get3A_272, %get3A_273] {strides = array<i32>} : memref<80x64xi32, #tpu.memory_space<vmem>>, vector<16xi32>,
      %bitcast3A_275 = vector.bitcast %get3A_274 : vector<16xi32> to vector<32xbf16>
      %get3A_276 = arith.index_cast %add3A_243 : i32 to index
      %get3A_277 = arith.constant 32 : index
      %get3A_278 = tpu.vector_load %arg9[%get3A_276, %get3A_277] {strides = array<i32>} : memref<80x64xi32, #tpu.memory_space<vmem>>, vector<16xi32>,
      %bitcast3A_279 = vector.bitcast %get3A_278 : vector<16xi32> to vector<32xbf16>
      %mul3A_280 = arith.mulf %bitcast3A_275, %bitcast3A_279 : vector<32xbf16>
      %unpack3A_281 = tpu.unpack_subelements %mul3A_280, 0 {pack_format = #tpu.pack_format<interleaved>} : vector<32xbf16> -> vector<16xf32>
      %unpack3A_282 = tpu.unpack_subelements %mul3A_280, 1 {pack_format = #tpu.pack_format<interleaved>} : vector<32xbf16> -> vector<16xf32>
      %add3A_283 = arith.addf %add3A_271, %unpack3A_281 : vector<16xf32>
      %add3A_284 = arith.addf %add3A_283, %unpack3A_282 : vector<16xf32>
      %get3A_285 = arith.index_cast %add3A_243 : i32 to index
      %get3A_286 = arith.constant 48 : index
      %get3A_287 = tpu.vector_load %arg8[%get3A_285, %get3A_286] {strides = array<i32>} : memref<80x64xi32, #tpu.memory_space<vmem>>, vector<16xi32>,
      %bitcast3A_288 = vector.bitcast %get3A_287 : vector<16xi32> to vector<32xbf16>
      %get3A_289 = arith.index_cast %add3A_243 : i32 to index
      %get3A_290 = arith.constant 48 : index
      %get3A_291 = tpu.vector_load %arg9[%get3A_289, %get3A_290] {strides = array<i32>} : memref<80x64xi32, #tpu.memory_space<vmem>>, vector<16xi32>,
      %bitcast3A_292 = vector.bitcast %get3A_291 : vector<16xi32> to vector<32xbf16>
      %mul3A_293 = arith.mulf %bitcast3A_288, %bitcast3A_292 : vector<32xbf16>
      %unpack3A_294 = tpu.unpack_subelements %mul3A_293, 0 {pack_format = #tpu.pack_format<interleaved>} : vector<32xbf16> -> vector<16xf32>
      %unpack3A_295 = tpu.unpack_subelements %mul3A_293, 1 {pack_format = #tpu.pack_format<interleaved>} : vector<32xbf16> -> vector<16xf32>
      %add3A_296 = arith.addf %add3A_284, %unpack3A_294 : vector<16xf32>
      %add3A_297 = arith.addf %add3A_296, %unpack3A_295 : vector<16xf32>
      %eq3A_298 = arith.constant 3 : i32
      %eq3A_299 = vector.broadcast %eq3A_298 : i32 to vector<16xi32>
      %eq3A_300 = arith.cmpi eq, %iota3A, %eq3A_299 : vector<16xi32>
      %reduce_sum3A_301 = arith.constant true
      %reduce_sum3A_302 = vector.broadcast %reduce_sum3A_301 : i1 to vector<16xi1>
      %reduce_sum3A_303 = tpu.scan <sum>, %add3A_297 masked %reduce_sum3A_302 : vector<16xf32>, vector<16xi1> -> vector<16xf32>
      %reduce_sum3A_304 = vector.extract %reduce_sum3A_303[15] : f32 from vector<16xf32>
      %broadcast_in_dim3A_305 = vector.broadcast %reduce_sum3A_304 : f32 to vector<16xf32>
      %select_n3A_306 = arith.select %eq3A_300, %broadcast_in_dim3A_305, %select_n3A_239 : vector<16xi1>, vector<16xf32>
      %mul3A_307 = arith.constant 16 : i32
      %mul3A_308 = arith.muli %scan3A_42, %mul3A_307 : i32
      %add3A_309 = arith.constant 4 : i32
      %add3A_310 = arith.addi %mul3A_308, %add3A_309 : i32
      %broadcast_in_dim3A_311 = arith.constant 0.000000e+00 : f32
      %broadcast_in_dim3A_312 = vector.broadcast %broadcast_in_dim3A_311 : f32 to vector<16xf32>
      %get3A_313 = arith.index_cast %add3A_310 : i32 to index
      %get3A_314 = arith.constant 0 : index
      %get3A_315 = tpu.vector_load %arg8[%get3A_313, %get3A_314] {strides = array<i32>} : memref<80x64xi32, #tpu.memory_space<vmem>>, vector<16xi32>,
      %bitcast3A_316 = vector.bitcast %get3A_315 : vector<16xi32> to vector<32xbf16>
      %get3A_317 = arith.index_cast %add3A_310 : i32 to index
      %get3A_318 = arith.constant 0 : index
      %get3A_319 = tpu.vector_load %arg9[%get3A_317, %get3A_318] {strides = array<i32>} : memref<80x64xi32, #tpu.memory_space<vmem>>, vector<16xi32>,
      %bitcast3A_320 = vector.bitcast %get3A_319 : vector<16xi32> to vector<32xbf16>
      %mul3A_321 = arith.mulf %bitcast3A_316, %bitcast3A_320 : vector<32xbf16>
      %unpack3A_322 = tpu.unpack_subelements %mul3A_321, 0 {pack_format = #tpu.pack_format<interleaved>} : vector<32xbf16> -> vector<16xf32>
      %unpack3A_323 = tpu.unpack_subelements %mul3A_321, 1 {pack_format = #tpu.pack_format<interleaved>} : vector<32xbf16> -> vector<16xf32>
      %add3A_324 = arith.addf %broadcast_in_dim3A_312, %unpack3A_322 : vector<16xf32>
      %add3A_325 = arith.addf %add3A_324, %unpack3A_323 : vector<16xf32>
      %get3A_326 = arith.index_cast %add3A_310 : i32 to index
      %get3A_327 = arith.constant 16 : index
      %get3A_328 = tpu.vector_load %arg8[%get3A_326, %get3A_327] {strides = array<i32>} : memref<80x64xi32, #tpu.memory_space<vmem>>, vector<16xi32>,
      %bitcast3A_329 = vector.bitcast %get3A_328 : vector<16xi32> to vector<32xbf16>
      %get3A_330 = arith.index_cast %add3A_310 : i32 to index
      %get3A_331 = arith.constant 16 : index
      %get3A_332 = tpu.vector_load %arg9[%get3A_330, %get3A_331] {strides = array<i32>} : memref<80x64xi32, #tpu.memory_space<vmem>>, vector<16xi32>,
      %bitcast3A_333 = vector.bitcast %get3A_332 : vector<16xi32> to vector<32xbf16>
      %mul3A_334 = arith.mulf %bitcast3A_329, %bitcast3A_333 : vector<32xbf16>
      %unpack3A_335 = tpu.unpack_subelements %mul3A_334, 0 {pack_format = #tpu.pack_format<interleaved>} : vector<32xbf16> -> vector<16xf32>
      %unpack3A_336 = tpu.unpack_subelements %mul3A_334, 1 {pack_format = #tpu.pack_format<interleaved>} : vector<32xbf16> -> vector<16xf32>
      %add3A_337 = arith.addf %add3A_325, %unpack3A_335 : vector<16xf32>
      %add3A_338 = arith.addf %add3A_337, %unpack3A_336 : vector<16xf32>
      %get3A_339 = arith.index_cast %add3A_310 : i32 to index
      %get3A_340 = arith.constant 32 : index
      %get3A_341 = tpu.vector_load %arg8[%get3A_339, %get3A_340] {strides = array<i32>} : memref<80x64xi32, #tpu.memory_space<vmem>>, vector<16xi32>,
      %bitcast3A_342 = vector.bitcast %get3A_341 : vector<16xi32> to vector<32xbf16>
      %get3A_343 = arith.index_cast %add3A_310 : i32 to index
      %get3A_344 = arith.constant 32 : index
      %get3A_345 = tpu.vector_load %arg9[%get3A_343, %get3A_344] {strides = array<i32>} : memref<80x64xi32, #tpu.memory_space<vmem>>, vector<16xi32>,
      %bitcast3A_346 = vector.bitcast %get3A_345 : vector<16xi32> to vector<32xbf16>
      %mul3A_347 = arith.mulf %bitcast3A_342, %bitcast3A_346 : vector<32xbf16>
      %unpack3A_348 = tpu.unpack_subelements %mul3A_347, 0 {pack_format = #tpu.pack_format<interleaved>} : vector<32xbf16> -> vector<16xf32>
      %unpack3A_349 = tpu.unpack_subelements %mul3A_347, 1 {pack_format = #tpu.pack_format<interleaved>} : vector<32xbf16> -> vector<16xf32>
      %add3A_350 = arith.addf %add3A_338, %unpack3A_348 : vector<16xf32>
      %add3A_351 = arith.addf %add3A_350, %unpack3A_349 : vector<16xf32>
      %get3A_352 = arith.index_cast %add3A_310 : i32 to index
      %get3A_353 = arith.constant 48 : index
      %get3A_354 = tpu.vector_load %arg8[%get3A_352, %get3A_353] {strides = array<i32>} : memref<80x64xi32, #tpu.memory_space<vmem>>, vector<16xi32>,
      %bitcast3A_355 = vector.bitcast %get3A_354 : vector<16xi32> to vector<32xbf16>
      %get3A_356 = arith.index_cast %add3A_310 : i32 to index
      %get3A_357 = arith.constant 48 : index
      %get3A_358 = tpu.vector_load %arg9[%get3A_356, %get3A_357] {strides = array<i32>} : memref<80x64xi32, #tpu.memory_space<vmem>>, vector<16xi32>,
      %bitcast3A_359 = vector.bitcast %get3A_358 : vector<16xi32> to vector<32xbf16>
      %mul3A_360 = arith.mulf %bitcast3A_355, %bitcast3A_359 : vector<32xbf16>
      %unpack3A_361 = tpu.unpack_subelements %mul3A_360, 0 {pack_format = #tpu.pack_format<interleaved>} : vector<32xbf16> -> vector<16xf32>
      %unpack3A_362 = tpu.unpack_subelements %mul3A_360, 1 {pack_format = #tpu.pack_format<interleaved>} : vector<32xbf16> -> vector<16xf32>
      %add3A_363 = arith.addf %add3A_351, %unpack3A_361 : vector<16xf32>
      %add3A_364 = arith.addf %add3A_363, %unpack3A_362 : vector<16xf32>
      %eq3A_365 = arith.constant 4 : i32
      %eq3A_366 = vector.broadcast %eq3A_365 : i32 to vector<16xi32>
      %eq3A_367 = arith.cmpi eq, %iota3A, %eq3A_366 : vector<16xi32>
      %reduce_sum3A_368 = arith.constant true
      %reduce_sum3A_369 = vector.broadcast %reduce_sum3A_368 : i1 to vector<16xi1>
      %reduce_sum3A_370 = tpu.scan <sum>, %add3A_364 masked %reduce_sum3A_369 : vector<16xf32>, vector<16xi1> -> vector<16xf32>
      %reduce_sum3A_371 = vector.extract %reduce_sum3A_370[15] : f32 from vector<16xf32>
      %broadcast_in_dim3A_372 = vector.broadcast %reduce_sum3A_371 : f32 to vector<16xf32>
      %select_n3A_373 = arith.select %eq3A_367, %broadcast_in_dim3A_372, %select_n3A_306 : vector<16xi1>, vector<16xf32>
      %mul3A_374 = arith.constant 16 : i32
      %mul3A_375 = arith.muli %scan3A_42, %mul3A_374 : i32
      %add3A_376 = arith.constant 5 : i32
      %add3A_377 = arith.addi %mul3A_375, %add3A_376 : i32
      %broadcast_in_dim3A_378 = arith.constant 0.000000e+00 : f32
      %broadcast_in_dim3A_379 = vector.broadcast %broadcast_in_dim3A_378 : f32 to vector<16xf32>
      %get3A_380 = arith.index_cast %add3A_377 : i32 to index
      %get3A_381 = arith.constant 0 : index
      %get3A_382 = tpu.vector_load %arg8[%get3A_380, %get3A_381] {strides = array<i32>} : memref<80x64xi32, #tpu.memory_space<vmem>>, vector<16xi32>,
      %bitcast3A_383 = vector.bitcast %get3A_382 : vector<16xi32> to vector<32xbf16>
      %get3A_384 = arith.index_cast %add3A_377 : i32 to index
      %get3A_385 = arith.constant 0 : index
      %get3A_386 = tpu.vector_load %arg9[%get3A_384, %get3A_385] {strides = array<i32>} : memref<80x64xi32, #tpu.memory_space<vmem>>, vector<16xi32>,
      %bitcast3A_387 = vector.bitcast %get3A_386 : vector<16xi32> to vector<32xbf16>
      %mul3A_388 = arith.mulf %bitcast3A_383, %bitcast3A_387 : vector<32xbf16>
      %unpack3A_389 = tpu.unpack_subelements %mul3A_388, 0 {pack_format = #tpu.pack_format<interleaved>} : vector<32xbf16> -> vector<16xf32>
      %unpack3A_390 = tpu.unpack_subelements %mul3A_388, 1 {pack_format = #tpu.pack_format<interleaved>} : vector<32xbf16> -> vector<16xf32>
      %add3A_391 = arith.addf %broadcast_in_dim3A_379, %unpack3A_389 : vector<16xf32>
      %add3A_392 = arith.addf %add3A_391, %unpack3A_390 : vector<16xf32>
      %get3A_393 = arith.index_cast %add3A_377 : i32 to index
      %get3A_394 = arith.constant 16 : index
      %get3A_395 = tpu.vector_load %arg8[%get3A_393, %get3A_394] {strides = array<i32>} : memref<80x64xi32, #tpu.memory_space<vmem>>, vector<16xi32>,
      %bitcast3A_396 = vector.bitcast %get3A_395 : vector<16xi32> to vector<32xbf16>
      %get3A_397 = arith.index_cast %add3A_377 : i32 to index
      %get3A_398 = arith.constant 16 : index
      %get3A_399 = tpu.vector_load %arg9[%get3A_397, %get3A_398] {strides = array<i32>} : memref<80x64xi32, #tpu.memory_space<vmem>>, vector<16xi32>,
      %bitcast3A_400 = vector.bitcast %get3A_399 : vector<16xi32> to vector<32xbf16>
      %mul3A_401 = arith.mulf %bitcast3A_396, %bitcast3A_400 : vector<32xbf16>
      %unpack3A_402 = tpu.unpack_subelements %mul3A_401, 0 {pack_format = #tpu.pack_format<interleaved>} : vector<32xbf16> -> vector<16xf32>
      %unpack3A_403 = tpu.unpack_subelements %mul3A_401, 1 {pack_format = #tpu.pack_format<interleaved>} : vector<32xbf16> -> vector<16xf32>
      %add3A_404 = arith.addf %add3A_392, %unpack3A_402 : vector<16xf32>
      %add3A_405 = arith.addf %add3A_404, %unpack3A_403 : vector<16xf32>
      %get3A_406 = arith.index_cast %add3A_377 : i32 to index
      %get3A_407 = arith.constant 32 : index
      %get3A_408 = tpu.vector_load %arg8[%get3A_406, %get3A_407] {strides = array<i32>} : memref<80x64xi32, #tpu.memory_space<vmem>>, vector<16xi32>,
      %bitcast3A_409 = vector.bitcast %get3A_408 : vector<16xi32> to vector<32xbf16>
      %get3A_410 = arith.index_cast %add3A_377 : i32 to index
      %get3A_411 = arith.constant 32 : index
      %get3A_412 = tpu.vector_load %arg9[%get3A_410, %get3A_411] {strides = array<i32>} : memref<80x64xi32, #tpu.memory_space<vmem>>, vector<16xi32>,
      %bitcast3A_413 = vector.bitcast %get3A_412 : vector<16xi32> to vector<32xbf16>
      %mul3A_414 = arith.mulf %bitcast3A_409, %bitcast3A_413 : vector<32xbf16>
      %unpack3A_415 = tpu.unpack_subelements %mul3A_414, 0 {pack_format = #tpu.pack_format<interleaved>} : vector<32xbf16> -> vector<16xf32>
      %unpack3A_416 = tpu.unpack_subelements %mul3A_414, 1 {pack_format = #tpu.pack_format<interleaved>} : vector<32xbf16> -> vector<16xf32>
      %add3A_417 = arith.addf %add3A_405, %unpack3A_415 : vector<16xf32>
      %add3A_418 = arith.addf %add3A_417, %unpack3A_416 : vector<16xf32>
      %get3A_419 = arith.index_cast %add3A_377 : i32 to index
      %get3A_420 = arith.constant 48 : index
      %get3A_421 = tpu.vector_load %arg8[%get3A_419, %get3A_420] {strides = array<i32>} : memref<80x64xi32, #tpu.memory_space<vmem>>, vector<16xi32>,
      %bitcast3A_422 = vector.bitcast %get3A_421 : vector<16xi32> to vector<32xbf16>
      %get3A_423 = arith.index_cast %add3A_377 : i32 to index
      %get3A_424 = arith.constant 48 : index
      %get3A_425 = tpu.vector_load %arg9[%get3A_423, %get3A_424] {strides = array<i32>} : memref<80x64xi32, #tpu.memory_space<vmem>>, vector<16xi32>,
      %bitcast3A_426 = vector.bitcast %get3A_425 : vector<16xi32> to vector<32xbf16>
      %mul3A_427 = arith.mulf %bitcast3A_422, %bitcast3A_426 : vector<32xbf16>
      %unpack3A_428 = tpu.unpack_subelements %mul3A_427, 0 {pack_format = #tpu.pack_format<interleaved>} : vector<32xbf16> -> vector<16xf32>
      %unpack3A_429 = tpu.unpack_subelements %mul3A_427, 1 {pack_format = #tpu.pack_format<interleaved>} : vector<32xbf16> -> vector<16xf32>
      %add3A_430 = arith.addf %add3A_418, %unpack3A_428 : vector<16xf32>
      %add3A_431 = arith.addf %add3A_430, %unpack3A_429 : vector<16xf32>
      %eq3A_432 = arith.constant 5 : i32
      %eq3A_433 = vector.broadcast %eq3A_432 : i32 to vector<16xi32>
      %eq3A_434 = arith.cmpi eq, %iota3A, %eq3A_433 : vector<16xi32>
      %reduce_sum3A_435 = arith.constant true
      %reduce_sum3A_436 = vector.broadcast %reduce_sum3A_435 : i1 to vector<16xi1>
      %reduce_sum3A_437 = tpu.scan <sum>, %add3A_431 masked %reduce_sum3A_436 : vector<16xf32>, vector<16xi1> -> vector<16xf32>
      %reduce_sum3A_438 = vector.extract %reduce_sum3A_437[15] : f32 from vector<16xf32>
      %broadcast_in_dim3A_439 = vector.broadcast %reduce_sum3A_438 : f32 to vector<16xf32>
      %select_n3A_440 = arith.select %eq3A_434, %broadcast_in_dim3A_439, %select_n3A_373 : vector<16xi1>, vector<16xf32>
      %mul3A_441 = arith.constant 16 : i32
      %mul3A_442 = arith.muli %scan3A_42, %mul3A_441 : i32
      %add3A_443 = arith.constant 6 : i32
      %add3A_444 = arith.addi %mul3A_442, %add3A_443 : i32
      %broadcast_in_dim3A_445 = arith.constant 0.000000e+00 : f32
      %broadcast_in_dim3A_446 = vector.broadcast %broadcast_in_dim3A_445 : f32 to vector<16xf32>
      %get3A_447 = arith.index_cast %add3A_444 : i32 to index
      %get3A_448 = arith.constant 0 : index
      %get3A_449 = tpu.vector_load %arg8[%get3A_447, %get3A_448] {strides = array<i32>} : memref<80x64xi32, #tpu.memory_space<vmem>>, vector<16xi32>,
      %bitcast3A_450 = vector.bitcast %get3A_449 : vector<16xi32> to vector<32xbf16>
      %get3A_451 = arith.index_cast %add3A_444 : i32 to index
      %get3A_452 = arith.constant 0 : index
      %get3A_453 = tpu.vector_load %arg9[%get3A_451, %get3A_452] {strides = array<i32>} : memref<80x64xi32, #tpu.memory_space<vmem>>, vector<16xi32>,
      %bitcast3A_454 = vector.bitcast %get3A_453 : vector<16xi32> to vector<32xbf16>
      %mul3A_455 = arith.mulf %bitcast3A_450, %bitcast3A_454 : vector<32xbf16>
      %unpack3A_456 = tpu.unpack_subelements %mul3A_455, 0 {pack_format = #tpu.pack_format<interleaved>} : vector<32xbf16> -> vector<16xf32>
      %unpack3A_457 = tpu.unpack_subelements %mul3A_455, 1 {pack_format = #tpu.pack_format<interleaved>} : vector<32xbf16> -> vector<16xf32>
      %add3A_458 = arith.addf %broadcast_in_dim3A_446, %unpack3A_456 : vector<16xf32>
      %add3A_459 = arith.addf %add3A_458, %unpack3A_457 : vector<16xf32>
      %get3A_460 = arith.index_cast %add3A_444 : i32 to index
      %get3A_461 = arith.constant 16 : index
      %get3A_462 = tpu.vector_load %arg8[%get3A_460, %get3A_461] {strides = array<i32>} : memref<80x64xi32, #tpu.memory_space<vmem>>, vector<16xi32>,
      %bitcast3A_463 = vector.bitcast %get3A_462 : vector<16xi32> to vector<32xbf16>
      %get3A_464 = arith.index_cast %add3A_444 : i32 to index
      %get3A_465 = arith.constant 16 : index
      %get3A_466 = tpu.vector_load %arg9[%get3A_464, %get3A_465] {strides = array<i32>} : memref<80x64xi32, #tpu.memory_space<vmem>>, vector<16xi32>,
      %bitcast3A_467 = vector.bitcast %get3A_466 : vector<16xi32> to vector<32xbf16>
      %mul3A_468 = arith.mulf %bitcast3A_463, %bitcast3A_467 : vector<32xbf16>
      %unpack3A_469 = tpu.unpack_subelements %mul3A_468, 0 {pack_format = #tpu.pack_format<interleaved>} : vector<32xbf16> -> vector<16xf32>
      %unpack3A_470 = tpu.unpack_subelements %mul3A_468, 1 {pack_format = #tpu.pack_format<interleaved>} : vector<32xbf16> -> vector<16xf32>
      %add3A_471 = arith.addf %add3A_459, %unpack3A_469 : vector<16xf32>
      %add3A_472 = arith.addf %add3A_471, %unpack3A_470 : vector<16xf32>
      %get3A_473 = arith.index_cast %add3A_444 : i32 to index
      %get3A_474 = arith.constant 32 : index
      %get3A_475 = tpu.vector_load %arg8[%get3A_473, %get3A_474] {strides = array<i32>} : memref<80x64xi32, #tpu.memory_space<vmem>>, vector<16xi32>,
      %bitcast3A_476 = vector.bitcast %get3A_475 : vector<16xi32> to vector<32xbf16>
      %get3A_477 = arith.index_cast %add3A_444 : i32 to index
      %get3A_478 = arith.constant 32 : index
      %get3A_479 = tpu.vector_load %arg9[%get3A_477, %get3A_478] {strides = array<i32>} : memref<80x64xi32, #tpu.memory_space<vmem>>, vector<16xi32>,
      %bitcast3A_480 = vector.bitcast %get3A_479 : vector<16xi32> to vector<32xbf16>
      %mul3A_481 = arith.mulf %bitcast3A_476, %bitcast3A_480 : vector<32xbf16>
      %unpack3A_482 = tpu.unpack_subelements %mul3A_481, 0 {pack_format = #tpu.pack_format<interleaved>} : vector<32xbf16> -> vector<16xf32>
      %unpack3A_483 = tpu.unpack_subelements %mul3A_481, 1 {pack_format = #tpu.pack_format<interleaved>} : vector<32xbf16> -> vector<16xf32>
      %add3A_484 = arith.addf %add3A_472, %unpack3A_482 : vector<16xf32>
      %add3A_485 = arith.addf %add3A_484, %unpack3A_483 : vector<16xf32>
      %get3A_486 = arith.index_cast %add3A_444 : i32 to index
      %get3A_487 = arith.constant 48 : index
      %get3A_488 = tpu.vector_load %arg8[%get3A_486, %get3A_487] {strides = array<i32>} : memref<80x64xi32, #tpu.memory_space<vmem>>, vector<16xi32>,
      %bitcast3A_489 = vector.bitcast %get3A_488 : vector<16xi32> to vector<32xbf16>
      %get3A_490 = arith.index_cast %add3A_444 : i32 to index
      %get3A_491 = arith.constant 48 : index
      %get3A_492 = tpu.vector_load %arg9[%get3A_490, %get3A_491] {strides = array<i32>} : memref<80x64xi32, #tpu.memory_space<vmem>>, vector<16xi32>,
      %bitcast3A_493 = vector.bitcast %get3A_492 : vector<16xi32> to vector<32xbf16>
      %mul3A_494 = arith.mulf %bitcast3A_489, %bitcast3A_493 : vector<32xbf16>
      %unpack3A_495 = tpu.unpack_subelements %mul3A_494, 0 {pack_format = #tpu.pack_format<interleaved>} : vector<32xbf16> -> vector<16xf32>
      %unpack3A_496 = tpu.unpack_subelements %mul3A_494, 1 {pack_format = #tpu.pack_format<interleaved>} : vector<32xbf16> -> vector<16xf32>
      %add3A_497 = arith.addf %add3A_485, %unpack3A_495 : vector<16xf32>
      %add3A_498 = arith.addf %add3A_497, %unpack3A_496 : vector<16xf32>
      %eq3A_499 = arith.constant 6 : i32
      %eq3A_500 = vector.broadcast %eq3A_499 : i32 to vector<16xi32>
      %eq3A_501 = arith.cmpi eq, %iota3A, %eq3A_500 : vector<16xi32>
      %reduce_sum3A_502 = arith.constant true
      %reduce_sum3A_503 = vector.broadcast %reduce_sum3A_502 : i1 to vector<16xi1>
      %reduce_sum3A_504 = tpu.scan <sum>, %add3A_498 masked %reduce_sum3A_503 : vector<16xf32>, vector<16xi1> -> vector<16xf32>
      %reduce_sum3A_505 = vector.extract %reduce_sum3A_504[15] : f32 from vector<16xf32>
      %broadcast_in_dim3A_506 = vector.broadcast %reduce_sum3A_505 : f32 to vector<16xf32>
      %select_n3A_507 = arith.select %eq3A_501, %broadcast_in_dim3A_506, %select_n3A_440 : vector<16xi1>, vector<16xf32>
      %mul3A_508 = arith.constant 16 : i32
      %mul3A_509 = arith.muli %scan3A_42, %mul3A_508 : i32
      %add3A_510 = arith.constant 7 : i32
      %add3A_511 = arith.addi %mul3A_509, %add3A_510 : i32
      %broadcast_in_dim3A_512 = arith.constant 0.000000e+00 : f32
      %broadcast_in_dim3A_513 = vector.broadcast %broadcast_in_dim3A_512 : f32 to vector<16xf32>
      %get3A_514 = arith.index_cast %add3A_511 : i32 to index
      %get3A_515 = arith.constant 0 : index
      %get3A_516 = tpu.vector_load %arg8[%get3A_514, %get3A_515] {strides = array<i32>} : memref<80x64xi32, #tpu.memory_space<vmem>>, vector<16xi32>,
      %bitcast3A_517 = vector.bitcast %get3A_516 : vector<16xi32> to vector<32xbf16>
      %get3A_518 = arith.index_cast %add3A_511 : i32 to index
      %get3A_519 = arith.constant 0 : index
      %get3A_520 = tpu.vector_load %arg9[%get3A_518, %get3A_519] {strides = array<i32>} : memref<80x64xi32, #tpu.memory_space<vmem>>, vector<16xi32>,
      %bitcast3A_521 = vector.bitcast %get3A_520 : vector<16xi32> to vector<32xbf16>
      %mul3A_522 = arith.mulf %bitcast3A_517, %bitcast3A_521 : vector<32xbf16>
      %unpack3A_523 = tpu.unpack_subelements %mul3A_522, 0 {pack_format = #tpu.pack_format<interleaved>} : vector<32xbf16> -> vector<16xf32>
      %unpack3A_524 = tpu.unpack_subelements %mul3A_522, 1 {pack_format = #tpu.pack_format<interleaved>} : vector<32xbf16> -> vector<16xf32>
      %add3A_525 = arith.addf %broadcast_in_dim3A_513, %unpack3A_523 : vector<16xf32>
      %add3A_526 = arith.addf %add3A_525, %unpack3A_524 : vector<16xf32>
      %get3A_527 = arith.index_cast %add3A_511 : i32 to index
      %get3A_528 = arith.constant 16 : index
      %get3A_529 = tpu.vector_load %arg8[%get3A_527, %get3A_528] {strides = array<i32>} : memref<80x64xi32, #tpu.memory_space<vmem>>, vector<16xi32>,
      %bitcast3A_530 = vector.bitcast %get3A_529 : vector<16xi32> to vector<32xbf16>
      %get3A_531 = arith.index_cast %add3A_511 : i32 to index
      %get3A_532 = arith.constant 16 : index
      %get3A_533 = tpu.vector_load %arg9[%get3A_531, %get3A_532] {strides = array<i32>} : memref<80x64xi32, #tpu.memory_space<vmem>>, vector<16xi32>,
      %bitcast3A_534 = vector.bitcast %get3A_533 : vector<16xi32> to vector<32xbf16>
      %mul3A_535 = arith.mulf %bitcast3A_530, %bitcast3A_534 : vector<32xbf16>
      %unpack3A_536 = tpu.unpack_subelements %mul3A_535, 0 {pack_format = #tpu.pack_format<interleaved>} : vector<32xbf16> -> vector<16xf32>
      %unpack3A_537 = tpu.unpack_subelements %mul3A_535, 1 {pack_format = #tpu.pack_format<interleaved>} : vector<32xbf16> -> vector<16xf32>
      %add3A_538 = arith.addf %add3A_526, %unpack3A_536 : vector<16xf32>
      %add3A_539 = arith.addf %add3A_538, %unpack3A_537 : vector<16xf32>
      %get3A_540 = arith.index_cast %add3A_511 : i32 to index
      %get3A_541 = arith.constant 32 : index
      %get3A_542 = tpu.vector_load %arg8[%get3A_540, %get3A_541] {strides = array<i32>} : memref<80x64xi32, #tpu.memory_space<vmem>>, vector<16xi32>,
      %bitcast3A_543 = vector.bitcast %get3A_542 : vector<16xi32> to vector<32xbf16>
      %get3A_544 = arith.index_cast %add3A_511 : i32 to index
      %get3A_545 = arith.constant 32 : index
      %get3A_546 = tpu.vector_load %arg9[%get3A_544, %get3A_545] {strides = array<i32>} : memref<80x64xi32, #tpu.memory_space<vmem>>, vector<16xi32>,
      %bitcast3A_547 = vector.bitcast %get3A_546 : vector<16xi32> to vector<32xbf16>
      %mul3A_548 = arith.mulf %bitcast3A_543, %bitcast3A_547 : vector<32xbf16>
      %unpack3A_549 = tpu.unpack_subelements %mul3A_548, 0 {pack_format = #tpu.pack_format<interleaved>} : vector<32xbf16> -> vector<16xf32>
      %unpack3A_550 = tpu.unpack_subelements %mul3A_548, 1 {pack_format = #tpu.pack_format<interleaved>} : vector<32xbf16> -> vector<16xf32>
      %add3A_551 = arith.addf %add3A_539, %unpack3A_549 : vector<16xf32>
      %add3A_552 = arith.addf %add3A_551, %unpack3A_550 : vector<16xf32>
      %get3A_553 = arith.index_cast %add3A_511 : i32 to index
      %get3A_554 = arith.constant 48 : index
      %get3A_555 = tpu.vector_load %arg8[%get3A_553, %get3A_554] {strides = array<i32>} : memref<80x64xi32, #tpu.memory_space<vmem>>, vector<16xi32>,
      %bitcast3A_556 = vector.bitcast %get3A_555 : vector<16xi32> to vector<32xbf16>
      %get3A_557 = arith.index_cast %add3A_511 : i32 to index
      %get3A_558 = arith.constant 48 : index
      %get3A_559 = tpu.vector_load %arg9[%get3A_557, %get3A_558] {strides = array<i32>} : memref<80x64xi32, #tpu.memory_space<vmem>>, vector<16xi32>,
      %bitcast3A_560 = vector.bitcast %get3A_559 : vector<16xi32> to vector<32xbf16>
      %mul3A_561 = arith.mulf %bitcast3A_556, %bitcast3A_560 : vector<32xbf16>
      %unpack3A_562 = tpu.unpack_subelements %mul3A_561, 0 {pack_format = #tpu.pack_format<interleaved>} : vector<32xbf16> -> vector<16xf32>
      %unpack3A_563 = tpu.unpack_subelements %mul3A_561, 1 {pack_format = #tpu.pack_format<interleaved>} : vector<32xbf16> -> vector<16xf32>
      %add3A_564 = arith.addf %add3A_552, %unpack3A_562 : vector<16xf32>
      %add3A_565 = arith.addf %add3A_564, %unpack3A_563 : vector<16xf32>
      %eq3A_566 = arith.constant 7 : i32
      %eq3A_567 = vector.broadcast %eq3A_566 : i32 to vector<16xi32>
      %eq3A_568 = arith.cmpi eq, %iota3A, %eq3A_567 : vector<16xi32>
      %reduce_sum3A_569 = arith.constant true
      %reduce_sum3A_570 = vector.broadcast %reduce_sum3A_569 : i1 to vector<16xi1>
      %reduce_sum3A_571 = tpu.scan <sum>, %add3A_565 masked %reduce_sum3A_570 : vector<16xf32>, vector<16xi1> -> vector<16xf32>
      %reduce_sum3A_572 = vector.extract %reduce_sum3A_571[15] : f32 from vector<16xf32>
      %broadcast_in_dim3A_573 = vector.broadcast %reduce_sum3A_572 : f32 to vector<16xf32>
      %select_n3A_574 = arith.select %eq3A_568, %broadcast_in_dim3A_573, %select_n3A_507 : vector<16xi1>, vector<16xf32>
      %mul3A_575 = arith.constant 16 : i32
      %mul3A_576 = arith.muli %scan3A_42, %mul3A_575 : i32
      %add3A_577 = arith.constant 8 : i32
      %add3A_578 = arith.addi %mul3A_576, %add3A_577 : i32
      %broadcast_in_dim3A_579 = arith.constant 0.000000e+00 : f32
      %broadcast_in_dim3A_580 = vector.broadcast %broadcast_in_dim3A_579 : f32 to vector<16xf32>
      %get3A_581 = arith.index_cast %add3A_578 : i32 to index
      %get3A_582 = arith.constant 0 : index
      %get3A_583 = tpu.vector_load %arg8[%get3A_581, %get3A_582] {strides = array<i32>} : memref<80x64xi32, #tpu.memory_space<vmem>>, vector<16xi32>,
      %bitcast3A_584 = vector.bitcast %get3A_583 : vector<16xi32> to vector<32xbf16>
      %get3A_585 = arith.index_cast %add3A_578 : i32 to index
      %get3A_586 = arith.constant 0 : index
      %get3A_587 = tpu.vector_load %arg9[%get3A_585, %get3A_586] {strides = array<i32>} : memref<80x64xi32, #tpu.memory_space<vmem>>, vector<16xi32>,
      %bitcast3A_588 = vector.bitcast %get3A_587 : vector<16xi32> to vector<32xbf16>
      %mul3A_589 = arith.mulf %bitcast3A_584, %bitcast3A_588 : vector<32xbf16>
      %unpack3A_590 = tpu.unpack_subelements %mul3A_589, 0 {pack_format = #tpu.pack_format<interleaved>} : vector<32xbf16> -> vector<16xf32>
      %unpack3A_591 = tpu.unpack_subelements %mul3A_589, 1 {pack_format = #tpu.pack_format<interleaved>} : vector<32xbf16> -> vector<16xf32>
      %add3A_592 = arith.addf %broadcast_in_dim3A_580, %unpack3A_590 : vector<16xf32>
      %add3A_593 = arith.addf %add3A_592, %unpack3A_591 : vector<16xf32>
      %get3A_594 = arith.index_cast %add3A_578 : i32 to index
      %get3A_595 = arith.constant 16 : index
      %get3A_596 = tpu.vector_load %arg8[%get3A_594, %get3A_595] {strides = array<i32>} : memref<80x64xi32, #tpu.memory_space<vmem>>, vector<16xi32>,
      %bitcast3A_597 = vector.bitcast %get3A_596 : vector<16xi32> to vector<32xbf16>
      %get3A_598 = arith.index_cast %add3A_578 : i32 to index
      %get3A_599 = arith.constant 16 : index
      %get3A_600 = tpu.vector_load %arg9[%get3A_598, %get3A_599] {strides = array<i32>} : memref<80x64xi32, #tpu.memory_space<vmem>>, vector<16xi32>,
      %bitcast3A_601 = vector.bitcast %get3A_600 : vector<16xi32> to vector<32xbf16>
      %mul3A_602 = arith.mulf %bitcast3A_597, %bitcast3A_601 : vector<32xbf16>
      %unpack3A_603 = tpu.unpack_subelements %mul3A_602, 0 {pack_format = #tpu.pack_format<interleaved>} : vector<32xbf16> -> vector<16xf32>
      %unpack3A_604 = tpu.unpack_subelements %mul3A_602, 1 {pack_format = #tpu.pack_format<interleaved>} : vector<32xbf16> -> vector<16xf32>
      %add3A_605 = arith.addf %add3A_593, %unpack3A_603 : vector<16xf32>
      %add3A_606 = arith.addf %add3A_605, %unpack3A_604 : vector<16xf32>
      %get3A_607 = arith.index_cast %add3A_578 : i32 to index
      %get3A_608 = arith.constant 32 : index
      %get3A_609 = tpu.vector_load %arg8[%get3A_607, %get3A_608] {strides = array<i32>} : memref<80x64xi32, #tpu.memory_space<vmem>>, vector<16xi32>,
      %bitcast3A_610 = vector.bitcast %get3A_609 : vector<16xi32> to vector<32xbf16>
      %get3A_611 = arith.index_cast %add3A_578 : i32 to index
      %get3A_612 = arith.constant 32 : index
      %get3A_613 = tpu.vector_load %arg9[%get3A_611, %get3A_612] {strides = array<i32>} : memref<80x64xi32, #tpu.memory_space<vmem>>, vector<16xi32>,
      %bitcast3A_614 = vector.bitcast %get3A_613 : vector<16xi32> to vector<32xbf16>
      %mul3A_615 = arith.mulf %bitcast3A_610, %bitcast3A_614 : vector<32xbf16>
      %unpack3A_616 = tpu.unpack_subelements %mul3A_615, 0 {pack_format = #tpu.pack_format<interleaved>} : vector<32xbf16> -> vector<16xf32>
      %unpack3A_617 = tpu.unpack_subelements %mul3A_615, 1 {pack_format = #tpu.pack_format<interleaved>} : vector<32xbf16> -> vector<16xf32>
      %add3A_618 = arith.addf %add3A_606, %unpack3A_616 : vector<16xf32>
      %add3A_619 = arith.addf %add3A_618, %unpack3A_617 : vector<16xf32>
      %get3A_620 = arith.index_cast %add3A_578 : i32 to index
      %get3A_621 = arith.constant 48 : index
      %get3A_622 = tpu.vector_load %arg8[%get3A_620, %get3A_621] {strides = array<i32>} : memref<80x64xi32, #tpu.memory_space<vmem>>, vector<16xi32>,
      %bitcast3A_623 = vector.bitcast %get3A_622 : vector<16xi32> to vector<32xbf16>
      %get3A_624 = arith.index_cast %add3A_578 : i32 to index
      %get3A_625 = arith.constant 48 : index
      %get3A_626 = tpu.vector_load %arg9[%get3A_624, %get3A_625] {strides = array<i32>} : memref<80x64xi32, #tpu.memory_space<vmem>>, vector<16xi32>,
      %bitcast3A_627 = vector.bitcast %get3A_626 : vector<16xi32> to vector<32xbf16>
      %mul3A_628 = arith.mulf %bitcast3A_623, %bitcast3A_627 : vector<32xbf16>
      %unpack3A_629 = tpu.unpack_subelements %mul3A_628, 0 {pack_format = #tpu.pack_format<interleaved>} : vector<32xbf16> -> vector<16xf32>
      %unpack3A_630 = tpu.unpack_subelements %mul3A_628, 1 {pack_format = #tpu.pack_format<interleaved>} : vector<32xbf16> -> vector<16xf32>
      %add3A_631 = arith.addf %add3A_619, %unpack3A_629 : vector<16xf32>
      %add3A_632 = arith.addf %add3A_631, %unpack3A_630 : vector<16xf32>
      %eq3A_633 = arith.constant 8 : i32
      %eq3A_634 = vector.broadcast %eq3A_633 : i32 to vector<16xi32>
      %eq3A_635 = arith.cmpi eq, %iota3A, %eq3A_634 : vector<16xi32>
      %reduce_sum3A_636 = arith.constant true
      %reduce_sum3A_637 = vector.broadcast %reduce_sum3A_636 : i1 to vector<16xi1>
      %reduce_sum3A_638 = tpu.scan <sum>, %add3A_632 masked %reduce_sum3A_637 : vector<16xf32>, vector<16xi1> -> vector<16xf32>
      %reduce_sum3A_639 = vector.extract %reduce_sum3A_638[15] : f32 from vector<16xf32>
      %broadcast_in_dim3A_640 = vector.broadcast %reduce_sum3A_639 : f32 to vector<16xf32>
      %select_n3A_641 = arith.select %eq3A_635, %broadcast_in_dim3A_640, %select_n3A_574 : vector<16xi1>, vector<16xf32>
      %mul3A_642 = arith.constant 16 : i32
      %mul3A_643 = arith.muli %scan3A_42, %mul3A_642 : i32
      %add3A_644 = arith.constant 9 : i32
      %add3A_645 = arith.addi %mul3A_643, %add3A_644 : i32
      %broadcast_in_dim3A_646 = arith.constant 0.000000e+00 : f32
      %broadcast_in_dim3A_647 = vector.broadcast %broadcast_in_dim3A_646 : f32 to vector<16xf32>
      %get3A_648 = arith.index_cast %add3A_645 : i32 to index
      %get3A_649 = arith.constant 0 : index
      %get3A_650 = tpu.vector_load %arg8[%get3A_648, %get3A_649] {strides = array<i32>} : memref<80x64xi32, #tpu.memory_space<vmem>>, vector<16xi32>,
      %bitcast3A_651 = vector.bitcast %get3A_650 : vector<16xi32> to vector<32xbf16>
      %get3A_652 = arith.index_cast %add3A_645 : i32 to index
      %get3A_653 = arith.constant 0 : index
      %get3A_654 = tpu.vector_load %arg9[%get3A_652, %get3A_653] {strides = array<i32>} : memref<80x64xi32, #tpu.memory_space<vmem>>, vector<16xi32>,
      %bitcast3A_655 = vector.bitcast %get3A_654 : vector<16xi32> to vector<32xbf16>
      %mul3A_656 = arith.mulf %bitcast3A_651, %bitcast3A_655 : vector<32xbf16>
      %unpack3A_657 = tpu.unpack_subelements %mul3A_656, 0 {pack_format = #tpu.pack_format<interleaved>} : vector<32xbf16> -> vector<16xf32>
      %unpack3A_658 = tpu.unpack_subelements %mul3A_656, 1 {pack_format = #tpu.pack_format<interleaved>} : vector<32xbf16> -> vector<16xf32>
      %add3A_659 = arith.addf %broadcast_in_dim3A_647, %unpack3A_657 : vector<16xf32>
      %add3A_660 = arith.addf %add3A_659, %unpack3A_658 : vector<16xf32>
      %get3A_661 = arith.index_cast %add3A_645 : i32 to index
      %get3A_662 = arith.constant 16 : index
      %get3A_663 = tpu.vector_load %arg8[%get3A_661, %get3A_662] {strides = array<i32>} : memref<80x64xi32, #tpu.memory_space<vmem>>, vector<16xi32>,
      %bitcast3A_664 = vector.bitcast %get3A_663 : vector<16xi32> to vector<32xbf16>
      %get3A_665 = arith.index_cast %add3A_645 : i32 to index
      %get3A_666 = arith.constant 16 : index
      %get3A_667 = tpu.vector_load %arg9[%get3A_665, %get3A_666] {strides = array<i32>} : memref<80x64xi32, #tpu.memory_space<vmem>>, vector<16xi32>,
      %bitcast3A_668 = vector.bitcast %get3A_667 : vector<16xi32> to vector<32xbf16>
      %mul3A_669 = arith.mulf %bitcast3A_664, %bitcast3A_668 : vector<32xbf16>
      %unpack3A_670 = tpu.unpack_subelements %mul3A_669, 0 {pack_format = #tpu.pack_format<interleaved>} : vector<32xbf16> -> vector<16xf32>
      %unpack3A_671 = tpu.unpack_subelements %mul3A_669, 1 {pack_format = #tpu.pack_format<interleaved>} : vector<32xbf16> -> vector<16xf32>
      %add3A_672 = arith.addf %add3A_660, %unpack3A_670 : vector<16xf32>
      %add3A_673 = arith.addf %add3A_672, %unpack3A_671 : vector<16xf32>
      %get3A_674 = arith.index_cast %add3A_645 : i32 to index
      %get3A_675 = arith.constant 32 : index
      %get3A_676 = tpu.vector_load %arg8[%get3A_674, %get3A_675] {strides = array<i32>} : memref<80x64xi32, #tpu.memory_space<vmem>>, vector<16xi32>,
      %bitcast3A_677 = vector.bitcast %get3A_676 : vector<16xi32> to vector<32xbf16>
      %get3A_678 = arith.index_cast %add3A_645 : i32 to index
      %get3A_679 = arith.constant 32 : index
      %get3A_680 = tpu.vector_load %arg9[%get3A_678, %get3A_679] {strides = array<i32>} : memref<80x64xi32, #tpu.memory_space<vmem>>, vector<16xi32>,
      %bitcast3A_681 = vector.bitcast %get3A_680 : vector<16xi32> to vector<32xbf16>
      %mul3A_682 = arith.mulf %bitcast3A_677, %bitcast3A_681 : vector<32xbf16>
      %unpack3A_683 = tpu.unpack_subelements %mul3A_682, 0 {pack_format = #tpu.pack_format<interleaved>} : vector<32xbf16> -> vector<16xf32>
      %unpack3A_684 = tpu.unpack_subelements %mul3A_682, 1 {pack_format = #tpu.pack_format<interleaved>} : vector<32xbf16> -> vector<16xf32>
      %add3A_685 = arith.addf %add3A_673, %unpack3A_683 : vector<16xf32>
      %add3A_686 = arith.addf %add3A_685, %unpack3A_684 : vector<16xf32>
      %get3A_687 = arith.index_cast %add3A_645 : i32 to index
      %get3A_688 = arith.constant 48 : index
      %get3A_689 = tpu.vector_load %arg8[%get3A_687, %get3A_688] {strides = array<i32>} : memref<80x64xi32, #tpu.memory_space<vmem>>, vector<16xi32>,
      %bitcast3A_690 = vector.bitcast %get3A_689 : vector<16xi32> to vector<32xbf16>
      %get3A_691 = arith.index_cast %add3A_645 : i32 to index
      %get3A_692 = arith.constant 48 : index
      %get3A_693 = tpu.vector_load %arg9[%get3A_691, %get3A_692] {strides = array<i32>} : memref<80x64xi32, #tpu.memory_space<vmem>>, vector<16xi32>,
      %bitcast3A_694 = vector.bitcast %get3A_693 : vector<16xi32> to vector<32xbf16>
      %mul3A_695 = arith.mulf %bitcast3A_690, %bitcast3A_694 : vector<32xbf16>
      %unpack3A_696 = tpu.unpack_subelements %mul3A_695, 0 {pack_format = #tpu.pack_format<interleaved>} : vector<32xbf16> -> vector<16xf32>
      %unpack3A_697 = tpu.unpack_subelements %mul3A_695, 1 {pack_format = #tpu.pack_format<interleaved>} : vector<32xbf16> -> vector<16xf32>
      %add3A_698 = arith.addf %add3A_686, %unpack3A_696 : vector<16xf32>
      %add3A_699 = arith.addf %add3A_698, %unpack3A_697 : vector<16xf32>
      %eq3A_700 = arith.constant 9 : i32
      %eq3A_701 = vector.broadcast %eq3A_700 : i32 to vector<16xi32>
      %eq3A_702 = arith.cmpi eq, %iota3A, %eq3A_701 : vector<16xi32>
      %reduce_sum3A_703 = arith.constant true
      %reduce_sum3A_704 = vector.broadcast %reduce_sum3A_703 : i1 to vector<16xi1>
      %reduce_sum3A_705 = tpu.scan <sum>, %add3A_699 masked %reduce_sum3A_704 : vector<16xf32>, vector<16xi1> -> vector<16xf32>
      %reduce_sum3A_706 = vector.extract %reduce_sum3A_705[15] : f32 from vector<16xf32>
      %broadcast_in_dim3A_707 = vector.broadcast %reduce_sum3A_706 : f32 to vector<16xf32>
      %select_n3A_708 = arith.select %eq3A_702, %broadcast_in_dim3A_707, %select_n3A_641 : vector<16xi1>, vector<16xf32>
      %mul3A_709 = arith.constant 16 : i32
      %mul3A_710 = arith.muli %scan3A_42, %mul3A_709 : i32
      %add3A_711 = arith.constant 10 : i32
      %add3A_712 = arith.addi %mul3A_710, %add3A_711 : i32
      %broadcast_in_dim3A_713 = arith.constant 0.000000e+00 : f32
      %broadcast_in_dim3A_714 = vector.broadcast %broadcast_in_dim3A_713 : f32 to vector<16xf32>
      %get3A_715 = arith.index_cast %add3A_712 : i32 to index
      %get3A_716 = arith.constant 0 : index
      %get3A_717 = tpu.vector_load %arg8[%get3A_715, %get3A_716] {strides = array<i32>} : memref<80x64xi32, #tpu.memory_space<vmem>>, vector<16xi32>,
      %bitcast3A_718 = vector.bitcast %get3A_717 : vector<16xi32> to vector<32xbf16>
      %get3A_719 = arith.index_cast %add3A_712 : i32 to index
      %get3A_720 = arith.constant 0 : index
      %get3A_721 = tpu.vector_load %arg9[%get3A_719, %get3A_720] {strides = array<i32>} : memref<80x64xi32, #tpu.memory_space<vmem>>, vector<16xi32>,
      %bitcast3A_722 = vector.bitcast %get3A_721 : vector<16xi32> to vector<32xbf16>
      %mul3A_723 = arith.mulf %bitcast3A_718, %bitcast3A_722 : vector<32xbf16>
      %unpack3A_724 = tpu.unpack_subelements %mul3A_723, 0 {pack_format = #tpu.pack_format<interleaved>} : vector<32xbf16> -> vector<16xf32>
      %unpack3A_725 = tpu.unpack_subelements %mul3A_723, 1 {pack_format = #tpu.pack_format<interleaved>} : vector<32xbf16> -> vector<16xf32>
      %add3A_726 = arith.addf %broadcast_in_dim3A_714, %unpack3A_724 : vector<16xf32>
      %add3A_727 = arith.addf %add3A_726, %unpack3A_725 : vector<16xf32>
      %get3A_728 = arith.index_cast %add3A_712 : i32 to index
      %get3A_729 = arith.constant 16 : index
      %get3A_730 = tpu.vector_load %arg8[%get3A_728, %get3A_729] {strides = array<i32>} : memref<80x64xi32, #tpu.memory_space<vmem>>, vector<16xi32>,
      %bitcast3A_731 = vector.bitcast %get3A_730 : vector<16xi32> to vector<32xbf16>
      %get3A_732 = arith.index_cast %add3A_712 : i32 to index
      %get3A_733 = arith.constant 16 : index
      %get3A_734 = tpu.vector_load %arg9[%get3A_732, %get3A_733] {strides = array<i32>} : memref<80x64xi32, #tpu.memory_space<vmem>>, vector<16xi32>,
      %bitcast3A_735 = vector.bitcast %get3A_734 : vector<16xi32> to vector<32xbf16>
      %mul3A_736 = arith.mulf %bitcast3A_731, %bitcast3A_735 : vector<32xbf16>
      %unpack3A_737 = tpu.unpack_subelements %mul3A_736, 0 {pack_format = #tpu.pack_format<interleaved>} : vector<32xbf16> -> vector<16xf32>
      %unpack3A_738 = tpu.unpack_subelements %mul3A_736, 1 {pack_format = #tpu.pack_format<interleaved>} : vector<32xbf16> -> vector<16xf32>
      %add3A_739 = arith.addf %add3A_727, %unpack3A_737 : vector<16xf32>
      %add3A_740 = arith.addf %add3A_739, %unpack3A_738 : vector<16xf32>
      %get3A_741 = arith.index_cast %add3A_712 : i32 to index
      %get3A_742 = arith.constant 32 : index
      %get3A_743 = tpu.vector_load %arg8[%get3A_741, %get3A_742] {strides = array<i32>} : memref<80x64xi32, #tpu.memory_space<vmem>>, vector<16xi32>,
      %bitcast3A_744 = vector.bitcast %get3A_743 : vector<16xi32> to vector<32xbf16>
      %get3A_745 = arith.index_cast %add3A_712 : i32 to index
      %get3A_746 = arith.constant 32 : index
      %get3A_747 = tpu.vector_load %arg9[%get3A_745, %get3A_746] {strides = array<i32>} : memref<80x64xi32, #tpu.memory_space<vmem>>, vector<16xi32>,
      %bitcast3A_748 = vector.bitcast %get3A_747 : vector<16xi32> to vector<32xbf16>
      %mul3A_749 = arith.mulf %bitcast3A_744, %bitcast3A_748 : vector<32xbf16>
      %unpack3A_750 = tpu.unpack_subelements %mul3A_749, 0 {pack_format = #tpu.pack_format<interleaved>} : vector<32xbf16> -> vector<16xf32>
      %unpack3A_751 = tpu.unpack_subelements %mul3A_749, 1 {pack_format = #tpu.pack_format<interleaved>} : vector<32xbf16> -> vector<16xf32>
      %add3A_752 = arith.addf %add3A_740, %unpack3A_750 : vector<16xf32>
      %add3A_753 = arith.addf %add3A_752, %unpack3A_751 : vector<16xf32>
      %get3A_754 = arith.index_cast %add3A_712 : i32 to index
      %get3A_755 = arith.constant 48 : index
      %get3A_756 = tpu.vector_load %arg8[%get3A_754, %get3A_755] {strides = array<i32>} : memref<80x64xi32, #tpu.memory_space<vmem>>, vector<16xi32>,
      %bitcast3A_757 = vector.bitcast %get3A_756 : vector<16xi32> to vector<32xbf16>
      %get3A_758 = arith.index_cast %add3A_712 : i32 to index
      %get3A_759 = arith.constant 48 : index
      %get3A_760 = tpu.vector_load %arg9[%get3A_758, %get3A_759] {strides = array<i32>} : memref<80x64xi32, #tpu.memory_space<vmem>>, vector<16xi32>,
      %bitcast3A_761 = vector.bitcast %get3A_760 : vector<16xi32> to vector<32xbf16>
      %mul3A_762 = arith.mulf %bitcast3A_757, %bitcast3A_761 : vector<32xbf16>
      %unpack3A_763 = tpu.unpack_subelements %mul3A_762, 0 {pack_format = #tpu.pack_format<interleaved>} : vector<32xbf16> -> vector<16xf32>
      %unpack3A_764 = tpu.unpack_subelements %mul3A_762, 1 {pack_format = #tpu.pack_format<interleaved>} : vector<32xbf16> -> vector<16xf32>
      %add3A_765 = arith.addf %add3A_753, %unpack3A_763 : vector<16xf32>
      %add3A_766 = arith.addf %add3A_765, %unpack3A_764 : vector<16xf32>
      %eq3A_767 = arith.constant 10 : i32
      %eq3A_768 = vector.broadcast %eq3A_767 : i32 to vector<16xi32>
      %eq3A_769 = arith.cmpi eq, %iota3A, %eq3A_768 : vector<16xi32>
      %reduce_sum3A_770 = arith.constant true
      %reduce_sum3A_771 = vector.broadcast %reduce_sum3A_770 : i1 to vector<16xi1>
      %reduce_sum3A_772 = tpu.scan <sum>, %add3A_766 masked %reduce_sum3A_771 : vector<16xf32>, vector<16xi1> -> vector<16xf32>
      %reduce_sum3A_773 = vector.extract %reduce_sum3A_772[15] : f32 from vector<16xf32>
      %broadcast_in_dim3A_774 = vector.broadcast %reduce_sum3A_773 : f32 to vector<16xf32>
      %select_n3A_775 = arith.select %eq3A_769, %broadcast_in_dim3A_774, %select_n3A_708 : vector<16xi1>, vector<16xf32>
      %mul3A_776 = arith.constant 16 : i32
      %mul3A_777 = arith.muli %scan3A_42, %mul3A_776 : i32
      %add3A_778 = arith.constant 11 : i32
      %add3A_779 = arith.addi %mul3A_777, %add3A_778 : i32
      %broadcast_in_dim3A_780 = arith.constant 0.000000e+00 : f32
      %broadcast_in_dim3A_781 = vector.broadcast %broadcast_in_dim3A_780 : f32 to vector<16xf32>
      %get3A_782 = arith.index_cast %add3A_779 : i32 to index
      %get3A_783 = arith.constant 0 : index
      %get3A_784 = tpu.vector_load %arg8[%get3A_782, %get3A_783] {strides = array<i32>} : memref<80x64xi32, #tpu.memory_space<vmem>>, vector<16xi32>,
      %bitcast3A_785 = vector.bitcast %get3A_784 : vector<16xi32> to vector<32xbf16>
      %get3A_786 = arith.index_cast %add3A_779 : i32 to index
      %get3A_787 = arith.constant 0 : index
      %get3A_788 = tpu.vector_load %arg9[%get3A_786, %get3A_787] {strides = array<i32>} : memref<80x64xi32, #tpu.memory_space<vmem>>, vector<16xi32>,
      %bitcast3A_789 = vector.bitcast %get3A_788 : vector<16xi32> to vector<32xbf16>
      %mul3A_790 = arith.mulf %bitcast3A_785, %bitcast3A_789 : vector<32xbf16>
      %unpack3A_791 = tpu.unpack_subelements %mul3A_790, 0 {pack_format = #tpu.pack_format<interleaved>} : vector<32xbf16> -> vector<16xf32>
      %unpack3A_792 = tpu.unpack_subelements %mul3A_790, 1 {pack_format = #tpu.pack_format<interleaved>} : vector<32xbf16> -> vector<16xf32>
      %add3A_793 = arith.addf %broadcast_in_dim3A_781, %unpack3A_791 : vector<16xf32>
      %add3A_794 = arith.addf %add3A_793, %unpack3A_792 : vector<16xf32>
      %get3A_795 = arith.index_cast %add3A_779 : i32 to index
      %get3A_796 = arith.constant 16 : index
      %get3A_797 = tpu.vector_load %arg8[%get3A_795, %get3A_796] {strides = array<i32>} : memref<80x64xi32, #tpu.memory_space<vmem>>, vector<16xi32>,
      %bitcast3A_798 = vector.bitcast %get3A_797 : vector<16xi32> to vector<32xbf16>
      %get3A_799 = arith.index_cast %add3A_779 : i32 to index
      %get3A_800 = arith.constant 16 : index
      %get3A_801 = tpu.vector_load %arg9[%get3A_799, %get3A_800] {strides = array<i32>} : memref<80x64xi32, #tpu.memory_space<vmem>>, vector<16xi32>,
      %bitcast3A_802 = vector.bitcast %get3A_801 : vector<16xi32> to vector<32xbf16>
      %mul3A_803 = arith.mulf %bitcast3A_798, %bitcast3A_802 : vector<32xbf16>
      %unpack3A_804 = tpu.unpack_subelements %mul3A_803, 0 {pack_format = #tpu.pack_format<interleaved>} : vector<32xbf16> -> vector<16xf32>
      %unpack3A_805 = tpu.unpack_subelements %mul3A_803, 1 {pack_format = #tpu.pack_format<interleaved>} : vector<32xbf16> -> vector<16xf32>
      %add3A_806 = arith.addf %add3A_794, %unpack3A_804 : vector<16xf32>
      %add3A_807 = arith.addf %add3A_806, %unpack3A_805 : vector<16xf32>
      %get3A_808 = arith.index_cast %add3A_779 : i32 to index
      %get3A_809 = arith.constant 32 : index
      %get3A_810 = tpu.vector_load %arg8[%get3A_808, %get3A_809] {strides = array<i32>} : memref<80x64xi32, #tpu.memory_space<vmem>>, vector<16xi32>,
      %bitcast3A_811 = vector.bitcast %get3A_810 : vector<16xi32> to vector<32xbf16>
      %get3A_812 = arith.index_cast %add3A_779 : i32 to index
      %get3A_813 = arith.constant 32 : index
      %get3A_814 = tpu.vector_load %arg9[%get3A_812, %get3A_813] {strides = array<i32>} : memref<80x64xi32, #tpu.memory_space<vmem>>, vector<16xi32>,
      %bitcast3A_815 = vector.bitcast %get3A_814 : vector<16xi32> to vector<32xbf16>
      %mul3A_816 = arith.mulf %bitcast3A_811, %bitcast3A_815 : vector<32xbf16>
      %unpack3A_817 = tpu.unpack_subelements %mul3A_816, 0 {pack_format = #tpu.pack_format<interleaved>} : vector<32xbf16> -> vector<16xf32>
      %unpack3A_818 = tpu.unpack_subelements %mul3A_816, 1 {pack_format = #tpu.pack_format<interleaved>} : vector<32xbf16> -> vector<16xf32>
      %add3A_819 = arith.addf %add3A_807, %unpack3A_817 : vector<16xf32>
      %add3A_820 = arith.addf %add3A_819, %unpack3A_818 : vector<16xf32>
      %get3A_821 = arith.index_cast %add3A_779 : i32 to index
      %get3A_822 = arith.constant 48 : index
      %get3A_823 = tpu.vector_load %arg8[%get3A_821, %get3A_822] {strides = array<i32>} : memref<80x64xi32, #tpu.memory_space<vmem>>, vector<16xi32>,
      %bitcast3A_824 = vector.bitcast %get3A_823 : vector<16xi32> to vector<32xbf16>
      %get3A_825 = arith.index_cast %add3A_779 : i32 to index
      %get3A_826 = arith.constant 48 : index
      %get3A_827 = tpu.vector_load %arg9[%get3A_825, %get3A_826] {strides = array<i32>} : memref<80x64xi32, #tpu.memory_space<vmem>>, vector<16xi32>,
      %bitcast3A_828 = vector.bitcast %get3A_827 : vector<16xi32> to vector<32xbf16>
      %mul3A_829 = arith.mulf %bitcast3A_824, %bitcast3A_828 : vector<32xbf16>
      %unpack3A_830 = tpu.unpack_subelements %mul3A_829, 0 {pack_format = #tpu.pack_format<interleaved>} : vector<32xbf16> -> vector<16xf32>
      %unpack3A_831 = tpu.unpack_subelements %mul3A_829, 1 {pack_format = #tpu.pack_format<interleaved>} : vector<32xbf16> -> vector<16xf32>
      %add3A_832 = arith.addf %add3A_820, %unpack3A_830 : vector<16xf32>
      %add3A_833 = arith.addf %add3A_832, %unpack3A_831 : vector<16xf32>
      %eq3A_834 = arith.constant 11 : i32
      %eq3A_835 = vector.broadcast %eq3A_834 : i32 to vector<16xi32>
      %eq3A_836 = arith.cmpi eq, %iota3A, %eq3A_835 : vector<16xi32>
      %reduce_sum3A_837 = arith.constant true
      %reduce_sum3A_838 = vector.broadcast %reduce_sum3A_837 : i1 to vector<16xi1>
      %reduce_sum3A_839 = tpu.scan <sum>, %add3A_833 masked %reduce_sum3A_838 : vector<16xf32>, vector<16xi1> -> vector<16xf32>
      %reduce_sum3A_840 = vector.extract %reduce_sum3A_839[15] : f32 from vector<16xf32>
      %broadcast_in_dim3A_841 = vector.broadcast %reduce_sum3A_840 : f32 to vector<16xf32>
      %select_n3A_842 = arith.select %eq3A_836, %broadcast_in_dim3A_841, %select_n3A_775 : vector<16xi1>, vector<16xf32>
      %mul3A_843 = arith.constant 16 : i32
      %mul3A_844 = arith.muli %scan3A_42, %mul3A_843 : i32
      %add3A_845 = arith.constant 12 : i32
      %add3A_846 = arith.addi %mul3A_844, %add3A_845 : i32
      %broadcast_in_dim3A_847 = arith.constant 0.000000e+00 : f32
      %broadcast_in_dim3A_848 = vector.broadcast %broadcast_in_dim3A_847 : f32 to vector<16xf32>
      %get3A_849 = arith.index_cast %add3A_846 : i32 to index
      %get3A_850 = arith.constant 0 : index
      %get3A_851 = tpu.vector_load %arg8[%get3A_849, %get3A_850] {strides = array<i32>} : memref<80x64xi32, #tpu.memory_space<vmem>>, vector<16xi32>,
      %bitcast3A_852 = vector.bitcast %get3A_851 : vector<16xi32> to vector<32xbf16>
      %get3A_853 = arith.index_cast %add3A_846 : i32 to index
      %get3A_854 = arith.constant 0 : index
      %get3A_855 = tpu.vector_load %arg9[%get3A_853, %get3A_854] {strides = array<i32>} : memref<80x64xi32, #tpu.memory_space<vmem>>, vector<16xi32>,
      %bitcast3A_856 = vector.bitcast %get3A_855 : vector<16xi32> to vector<32xbf16>
      %mul3A_857 = arith.mulf %bitcast3A_852, %bitcast3A_856 : vector<32xbf16>
      %unpack3A_858 = tpu.unpack_subelements %mul3A_857, 0 {pack_format = #tpu.pack_format<interleaved>} : vector<32xbf16> -> vector<16xf32>
      %unpack3A_859 = tpu.unpack_subelements %mul3A_857, 1 {pack_format = #tpu.pack_format<interleaved>} : vector<32xbf16> -> vector<16xf32>
      %add3A_860 = arith.addf %broadcast_in_dim3A_848, %unpack3A_858 : vector<16xf32>
      %add3A_861 = arith.addf %add3A_860, %unpack3A_859 : vector<16xf32>
      %get3A_862 = arith.index_cast %add3A_846 : i32 to index
      %get3A_863 = arith.constant 16 : index
      %get3A_864 = tpu.vector_load %arg8[%get3A_862, %get3A_863] {strides = array<i32>} : memref<80x64xi32, #tpu.memory_space<vmem>>, vector<16xi32>,
      %bitcast3A_865 = vector.bitcast %get3A_864 : vector<16xi32> to vector<32xbf16>
      %get3A_866 = arith.index_cast %add3A_846 : i32 to index
      %get3A_867 = arith.constant 16 : index
      %get3A_868 = tpu.vector_load %arg9[%get3A_866, %get3A_867] {strides = array<i32>} : memref<80x64xi32, #tpu.memory_space<vmem>>, vector<16xi32>,
      %bitcast3A_869 = vector.bitcast %get3A_868 : vector<16xi32> to vector<32xbf16>
      %mul3A_870 = arith.mulf %bitcast3A_865, %bitcast3A_869 : vector<32xbf16>
      %unpack3A_871 = tpu.unpack_subelements %mul3A_870, 0 {pack_format = #tpu.pack_format<interleaved>} : vector<32xbf16> -> vector<16xf32>
      %unpack3A_872 = tpu.unpack_subelements %mul3A_870, 1 {pack_format = #tpu.pack_format<interleaved>} : vector<32xbf16> -> vector<16xf32>
      %add3A_873 = arith.addf %add3A_861, %unpack3A_871 : vector<16xf32>
      %add3A_874 = arith.addf %add3A_873, %unpack3A_872 : vector<16xf32>
      %get3A_875 = arith.index_cast %add3A_846 : i32 to index
      %get3A_876 = arith.constant 32 : index
      %get3A_877 = tpu.vector_load %arg8[%get3A_875, %get3A_876] {strides = array<i32>} : memref<80x64xi32, #tpu.memory_space<vmem>>, vector<16xi32>,
      %bitcast3A_878 = vector.bitcast %get3A_877 : vector<16xi32> to vector<32xbf16>
      %get3A_879 = arith.index_cast %add3A_846 : i32 to index
      %get3A_880 = arith.constant 32 : index
      %get3A_881 = tpu.vector_load %arg9[%get3A_879, %get3A_880] {strides = array<i32>} : memref<80x64xi32, #tpu.memory_space<vmem>>, vector<16xi32>,
      %bitcast3A_882 = vector.bitcast %get3A_881 : vector<16xi32> to vector<32xbf16>
      %mul3A_883 = arith.mulf %bitcast3A_878, %bitcast3A_882 : vector<32xbf16>
      %unpack3A_884 = tpu.unpack_subelements %mul3A_883, 0 {pack_format = #tpu.pack_format<interleaved>} : vector<32xbf16> -> vector<16xf32>
      %unpack3A_885 = tpu.unpack_subelements %mul3A_883, 1 {pack_format = #tpu.pack_format<interleaved>} : vector<32xbf16> -> vector<16xf32>
      %add3A_886 = arith.addf %add3A_874, %unpack3A_884 : vector<16xf32>
      %add3A_887 = arith.addf %add3A_886, %unpack3A_885 : vector<16xf32>
      %get3A_888 = arith.index_cast %add3A_846 : i32 to index
      %get3A_889 = arith.constant 48 : index
      %get3A_890 = tpu.vector_load %arg8[%get3A_888, %get3A_889] {strides = array<i32>} : memref<80x64xi32, #tpu.memory_space<vmem>>, vector<16xi32>,
      %bitcast3A_891 = vector.bitcast %get3A_890 : vector<16xi32> to vector<32xbf16>
      %get3A_892 = arith.index_cast %add3A_846 : i32 to index
      %get3A_893 = arith.constant 48 : index
      %get3A_894 = tpu.vector_load %arg9[%get3A_892, %get3A_893] {strides = array<i32>} : memref<80x64xi32, #tpu.memory_space<vmem>>, vector<16xi32>,
      %bitcast3A_895 = vector.bitcast %get3A_894 : vector<16xi32> to vector<32xbf16>
      %mul3A_896 = arith.mulf %bitcast3A_891, %bitcast3A_895 : vector<32xbf16>
      %unpack3A_897 = tpu.unpack_subelements %mul3A_896, 0 {pack_format = #tpu.pack_format<interleaved>} : vector<32xbf16> -> vector<16xf32>
      %unpack3A_898 = tpu.unpack_subelements %mul3A_896, 1 {pack_format = #tpu.pack_format<interleaved>} : vector<32xbf16> -> vector<16xf32>
      %add3A_899 = arith.addf %add3A_887, %unpack3A_897 : vector<16xf32>
      %add3A_900 = arith.addf %add3A_899, %unpack3A_898 : vector<16xf32>
      %eq3A_901 = arith.constant 12 : i32
      %eq3A_902 = vector.broadcast %eq3A_901 : i32 to vector<16xi32>
      %eq3A_903 = arith.cmpi eq, %iota3A, %eq3A_902 : vector<16xi32>
      %reduce_sum3A_904 = arith.constant true
      %reduce_sum3A_905 = vector.broadcast %reduce_sum3A_904 : i1 to vector<16xi1>
      %reduce_sum3A_906 = tpu.scan <sum>, %add3A_900 masked %reduce_sum3A_905 : vector<16xf32>, vector<16xi1> -> vector<16xf32>
      %reduce_sum3A_907 = vector.extract %reduce_sum3A_906[15] : f32 from vector<16xf32>
      %broadcast_in_dim3A_908 = vector.broadcast %reduce_sum3A_907 : f32 to vector<16xf32>
      %select_n3A_909 = arith.select %eq3A_903, %broadcast_in_dim3A_908, %select_n3A_842 : vector<16xi1>, vector<16xf32>
      %mul3A_910 = arith.constant 16 : i32
      %mul3A_911 = arith.muli %scan3A_42, %mul3A_910 : i32
      %add3A_912 = arith.constant 13 : i32
      %add3A_913 = arith.addi %mul3A_911, %add3A_912 : i32
      %broadcast_in_dim3A_914 = arith.constant 0.000000e+00 : f32
      %broadcast_in_dim3A_915 = vector.broadcast %broadcast_in_dim3A_914 : f32 to vector<16xf32>
      %get3A_916 = arith.index_cast %add3A_913 : i32 to index
      %get3A_917 = arith.constant 0 : index
      %get3A_918 = tpu.vector_load %arg8[%get3A_916, %get3A_917] {strides = array<i32>} : memref<80x64xi32, #tpu.memory_space<vmem>>, vector<16xi32>,
      %bitcast3A_919 = vector.bitcast %get3A_918 : vector<16xi32> to vector<32xbf16>
      %get3A_920 = arith.index_cast %add3A_913 : i32 to index
      %get3A_921 = arith.constant 0 : index
      %get3A_922 = tpu.vector_load %arg9[%get3A_920, %get3A_921] {strides = array<i32>} : memref<80x64xi32, #tpu.memory_space<vmem>>, vector<16xi32>,
      %bitcast3A_923 = vector.bitcast %get3A_922 : vector<16xi32> to vector<32xbf16>
      %mul3A_924 = arith.mulf %bitcast3A_919, %bitcast3A_923 : vector<32xbf16>
      %unpack3A_925 = tpu.unpack_subelements %mul3A_924, 0 {pack_format = #tpu.pack_format<interleaved>} : vector<32xbf16> -> vector<16xf32>
      %unpack3A_926 = tpu.unpack_subelements %mul3A_924, 1 {pack_format = #tpu.pack_format<interleaved>} : vector<32xbf16> -> vector<16xf32>
      %add3A_927 = arith.addf %broadcast_in_dim3A_915, %unpack3A_925 : vector<16xf32>
      %add3A_928 = arith.addf %add3A_927, %unpack3A_926 : vector<16xf32>
      %get3A_929 = arith.index_cast %add3A_913 : i32 to index
      %get3A_930 = arith.constant 16 : index
      %get3A_931 = tpu.vector_load %arg8[%get3A_929, %get3A_930] {strides = array<i32>} : memref<80x64xi32, #tpu.memory_space<vmem>>, vector<16xi32>,
      %bitcast3A_932 = vector.bitcast %get3A_931 : vector<16xi32> to vector<32xbf16>
      %get3A_933 = arith.index_cast %add3A_913 : i32 to index
      %get3A_934 = arith.constant 16 : index
      %get3A_935 = tpu.vector_load %arg9[%get3A_933, %get3A_934] {strides = array<i32>} : memref<80x64xi32, #tpu.memory_space<vmem>>, vector<16xi32>,
      %bitcast3A_936 = vector.bitcast %get3A_935 : vector<16xi32> to vector<32xbf16>
      %mul3A_937 = arith.mulf %bitcast3A_932, %bitcast3A_936 : vector<32xbf16>
      %unpack3A_938 = tpu.unpack_subelements %mul3A_937, 0 {pack_format = #tpu.pack_format<interleaved>} : vector<32xbf16> -> vector<16xf32>
      %unpack3A_939 = tpu.unpack_subelements %mul3A_937, 1 {pack_format = #tpu.pack_format<interleaved>} : vector<32xbf16> -> vector<16xf32>
      %add3A_940 = arith.addf %add3A_928, %unpack3A_938 : vector<16xf32>
      %add3A_941 = arith.addf %add3A_940, %unpack3A_939 : vector<16xf32>
      %get3A_942 = arith.index_cast %add3A_913 : i32 to index
      %get3A_943 = arith.constant 32 : index
      %get3A_944 = tpu.vector_load %arg8[%get3A_942, %get3A_943] {strides = array<i32>} : memref<80x64xi32, #tpu.memory_space<vmem>>, vector<16xi32>,
      %bitcast3A_945 = vector.bitcast %get3A_944 : vector<16xi32> to vector<32xbf16>
      %get3A_946 = arith.index_cast %add3A_913 : i32 to index
      %get3A_947 = arith.constant 32 : index
      %get3A_948 = tpu.vector_load %arg9[%get3A_946, %get3A_947] {strides = array<i32>} : memref<80x64xi32, #tpu.memory_space<vmem>>, vector<16xi32>,
      %bitcast3A_949 = vector.bitcast %get3A_948 : vector<16xi32> to vector<32xbf16>
      %mul3A_950 = arith.mulf %bitcast3A_945, %bitcast3A_949 : vector<32xbf16>
      %unpack3A_951 = tpu.unpack_subelements %mul3A_950, 0 {pack_format = #tpu.pack_format<interleaved>} : vector<32xbf16> -> vector<16xf32>
      %unpack3A_952 = tpu.unpack_subelements %mul3A_950, 1 {pack_format = #tpu.pack_format<interleaved>} : vector<32xbf16> -> vector<16xf32>
      %add3A_953 = arith.addf %add3A_941, %unpack3A_951 : vector<16xf32>
      %add3A_954 = arith.addf %add3A_953, %unpack3A_952 : vector<16xf32>
      %get3A_955 = arith.index_cast %add3A_913 : i32 to index
      %get3A_956 = arith.constant 48 : index
      %get3A_957 = tpu.vector_load %arg8[%get3A_955, %get3A_956] {strides = array<i32>} : memref<80x64xi32, #tpu.memory_space<vmem>>, vector<16xi32>,
      %bitcast3A_958 = vector.bitcast %get3A_957 : vector<16xi32> to vector<32xbf16>
      %get3A_959 = arith.index_cast %add3A_913 : i32 to index
      %get3A_960 = arith.constant 48 : index
      %get3A_961 = tpu.vector_load %arg9[%get3A_959, %get3A_960] {strides = array<i32>} : memref<80x64xi32, #tpu.memory_space<vmem>>, vector<16xi32>,
      %bitcast3A_962 = vector.bitcast %get3A_961 : vector<16xi32> to vector<32xbf16>
      %mul3A_963 = arith.mulf %bitcast3A_958, %bitcast3A_962 : vector<32xbf16>
      %unpack3A_964 = tpu.unpack_subelements %mul3A_963, 0 {pack_format = #tpu.pack_format<interleaved>} : vector<32xbf16> -> vector<16xf32>
      %unpack3A_965 = tpu.unpack_subelements %mul3A_963, 1 {pack_format = #tpu.pack_format<interleaved>} : vector<32xbf16> -> vector<16xf32>
      %add3A_966 = arith.addf %add3A_954, %unpack3A_964 : vector<16xf32>
      %add3A_967 = arith.addf %add3A_966, %unpack3A_965 : vector<16xf32>
      %eq3A_968 = arith.constant 13 : i32
      %eq3A_969 = vector.broadcast %eq3A_968 : i32 to vector<16xi32>
      %eq3A_970 = arith.cmpi eq, %iota3A, %eq3A_969 : vector<16xi32>
      %reduce_sum3A_971 = arith.constant true
      %reduce_sum3A_972 = vector.broadcast %reduce_sum3A_971 : i1 to vector<16xi1>
      %reduce_sum3A_973 = tpu.scan <sum>, %add3A_967 masked %reduce_sum3A_972 : vector<16xf32>, vector<16xi1> -> vector<16xf32>
      %reduce_sum3A_974 = vector.extract %reduce_sum3A_973[15] : f32 from vector<16xf32>
      %broadcast_in_dim3A_975 = vector.broadcast %reduce_sum3A_974 : f32 to vector<16xf32>
      %select_n3A_976 = arith.select %eq3A_970, %broadcast_in_dim3A_975, %select_n3A_909 : vector<16xi1>, vector<16xf32>
      %mul3A_977 = arith.constant 16 : i32
      %mul3A_978 = arith.muli %scan3A_42, %mul3A_977 : i32
      %add3A_979 = arith.constant 14 : i32
      %add3A_980 = arith.addi %mul3A_978, %add3A_979 : i32
      %broadcast_in_dim3A_981 = arith.constant 0.000000e+00 : f32
      %broadcast_in_dim3A_982 = vector.broadcast %broadcast_in_dim3A_981 : f32 to vector<16xf32>
      %get3A_983 = arith.index_cast %add3A_980 : i32 to index
      %get3A_984 = arith.constant 0 : index
      %get3A_985 = tpu.vector_load %arg8[%get3A_983, %get3A_984] {strides = array<i32>} : memref<80x64xi32, #tpu.memory_space<vmem>>, vector<16xi32>,
      %bitcast3A_986 = vector.bitcast %get3A_985 : vector<16xi32> to vector<32xbf16>
      %get3A_987 = arith.index_cast %add3A_980 : i32 to index
      %get3A_988 = arith.constant 0 : index
      %get3A_989 = tpu.vector_load %arg9[%get3A_987, %get3A_988] {strides = array<i32>} : memref<80x64xi32, #tpu.memory_space<vmem>>, vector<16xi32>,
      %bitcast3A_990 = vector.bitcast %get3A_989 : vector<16xi32> to vector<32xbf16>
      %mul3A_991 = arith.mulf %bitcast3A_986, %bitcast3A_990 : vector<32xbf16>
      %unpack3A_992 = tpu.unpack_subelements %mul3A_991, 0 {pack_format = #tpu.pack_format<interleaved>} : vector<32xbf16> -> vector<16xf32>
      %unpack3A_993 = tpu.unpack_subelements %mul3A_991, 1 {pack_format = #tpu.pack_format<interleaved>} : vector<32xbf16> -> vector<16xf32>
      %add3A_994 = arith.addf %broadcast_in_dim3A_982, %unpack3A_992 : vector<16xf32>
      %add3A_995 = arith.addf %add3A_994, %unpack3A_993 : vector<16xf32>
      %get3A_996 = arith.index_cast %add3A_980 : i32 to index
      %get3A_997 = arith.constant 16 : index
      %get3A_998 = tpu.vector_load %arg8[%get3A_996, %get3A_997] {strides = array<i32>} : memref<80x64xi32, #tpu.memory_space<vmem>>, vector<16xi32>,
      %bitcast3A_999 = vector.bitcast %get3A_998 : vector<16xi32> to vector<32xbf16>
      %get3A_1000 = arith.index_cast %add3A_980 : i32 to index
      %get3A_1001 = arith.constant 16 : index
      %get3A_1002 = tpu.vector_load %arg9[%get3A_1000, %get3A_1001] {strides = array<i32>} : memref<80x64xi32, #tpu.memory_space<vmem>>, vector<16xi32>,
      %bitcast3A_1003 = vector.bitcast %get3A_1002 : vector<16xi32> to vector<32xbf16>
      %mul3A_1004 = arith.mulf %bitcast3A_999, %bitcast3A_1003 : vector<32xbf16>
      %unpack3A_1005 = tpu.unpack_subelements %mul3A_1004, 0 {pack_format = #tpu.pack_format<interleaved>} : vector<32xbf16> -> vector<16xf32>
      %unpack3A_1006 = tpu.unpack_subelements %mul3A_1004, 1 {pack_format = #tpu.pack_format<interleaved>} : vector<32xbf16> -> vector<16xf32>
      %add3A_1007 = arith.addf %add3A_995, %unpack3A_1005 : vector<16xf32>
      %add3A_1008 = arith.addf %add3A_1007, %unpack3A_1006 : vector<16xf32>
      %get3A_1009 = arith.index_cast %add3A_980 : i32 to index
      %get3A_1010 = arith.constant 32 : index
      %get3A_1011 = tpu.vector_load %arg8[%get3A_1009, %get3A_1010] {strides = array<i32>} : memref<80x64xi32, #tpu.memory_space<vmem>>, vector<16xi32>,
      %bitcast3A_1012 = vector.bitcast %get3A_1011 : vector<16xi32> to vector<32xbf16>
      %get3A_1013 = arith.index_cast %add3A_980 : i32 to index
      %get3A_1014 = arith.constant 32 : index
      %get3A_1015 = tpu.vector_load %arg9[%get3A_1013, %get3A_1014] {strides = array<i32>} : memref<80x64xi32, #tpu.memory_space<vmem>>, vector<16xi32>,
      %bitcast3A_1016 = vector.bitcast %get3A_1015 : vector<16xi32> to vector<32xbf16>
      %mul3A_1017 = arith.mulf %bitcast3A_1012, %bitcast3A_1016 : vector<32xbf16>
      %unpack3A_1018 = tpu.unpack_subelements %mul3A_1017, 0 {pack_format = #tpu.pack_format<interleaved>} : vector<32xbf16> -> vector<16xf32>
      %unpack3A_1019 = tpu.unpack_subelements %mul3A_1017, 1 {pack_format = #tpu.pack_format<interleaved>} : vector<32xbf16> -> vector<16xf32>
      %add3A_1020 = arith.addf %add3A_1008, %unpack3A_1018 : vector<16xf32>
      %add3A_1021 = arith.addf %add3A_1020, %unpack3A_1019 : vector<16xf32>
      %get3A_1022 = arith.index_cast %add3A_980 : i32 to index
      %get3A_1023 = arith.constant 48 : index
      %get3A_1024 = tpu.vector_load %arg8[%get3A_1022, %get3A_1023] {strides = array<i32>} : memref<80x64xi32, #tpu.memory_space<vmem>>, vector<16xi32>,
      %bitcast3A_1025 = vector.bitcast %get3A_1024 : vector<16xi32> to vector<32xbf16>
      %get3A_1026 = arith.index_cast %add3A_980 : i32 to index
      %get3A_1027 = arith.constant 48 : index
      %get3A_1028 = tpu.vector_load %arg9[%get3A_1026, %get3A_1027] {strides = array<i32>} : memref<80x64xi32, #tpu.memory_space<vmem>>, vector<16xi32>,
      %bitcast3A_1029 = vector.bitcast %get3A_1028 : vector<16xi32> to vector<32xbf16>
      %mul3A_1030 = arith.mulf %bitcast3A_1025, %bitcast3A_1029 : vector<32xbf16>
      %unpack3A_1031 = tpu.unpack_subelements %mul3A_1030, 0 {pack_format = #tpu.pack_format<interleaved>} : vector<32xbf16> -> vector<16xf32>
      %unpack3A_1032 = tpu.unpack_subelements %mul3A_1030, 1 {pack_format = #tpu.pack_format<interleaved>} : vector<32xbf16> -> vector<16xf32>
      %add3A_1033 = arith.addf %add3A_1021, %unpack3A_1031 : vector<16xf32>
      %add3A_1034 = arith.addf %add3A_1033, %unpack3A_1032 : vector<16xf32>
      %eq3A_1035 = arith.constant 14 : i32
      %eq3A_1036 = vector.broadcast %eq3A_1035 : i32 to vector<16xi32>
      %eq3A_1037 = arith.cmpi eq, %iota3A, %eq3A_1036 : vector<16xi32>
      %reduce_sum3A_1038 = arith.constant true
      %reduce_sum3A_1039 = vector.broadcast %reduce_sum3A_1038 : i1 to vector<16xi1>
      %reduce_sum3A_1040 = tpu.scan <sum>, %add3A_1034 masked %reduce_sum3A_1039 : vector<16xf32>, vector<16xi1> -> vector<16xf32>
      %reduce_sum3A_1041 = vector.extract %reduce_sum3A_1040[15] : f32 from vector<16xf32>
      %broadcast_in_dim3A_1042 = vector.broadcast %reduce_sum3A_1041 : f32 to vector<16xf32>
      %select_n3A_1043 = arith.select %eq3A_1037, %broadcast_in_dim3A_1042, %select_n3A_976 : vector<16xi1>, vector<16xf32>
      %mul3A_1044 = arith.constant 16 : i32
      %mul3A_1045 = arith.muli %scan3A_42, %mul3A_1044 : i32
      %add3A_1046 = arith.constant 15 : i32
      %add3A_1047 = arith.addi %mul3A_1045, %add3A_1046 : i32
      %broadcast_in_dim3A_1048 = arith.constant 0.000000e+00 : f32
      %broadcast_in_dim3A_1049 = vector.broadcast %broadcast_in_dim3A_1048 : f32 to vector<16xf32>
      %get3A_1050 = arith.index_cast %add3A_1047 : i32 to index
      %get3A_1051 = arith.constant 0 : index
      %get3A_1052 = tpu.vector_load %arg8[%get3A_1050, %get3A_1051] {strides = array<i32>} : memref<80x64xi32, #tpu.memory_space<vmem>>, vector<16xi32>,
      %bitcast3A_1053 = vector.bitcast %get3A_1052 : vector<16xi32> to vector<32xbf16>
      %get3A_1054 = arith.index_cast %add3A_1047 : i32 to index
      %get3A_1055 = arith.constant 0 : index
      %get3A_1056 = tpu.vector_load %arg9[%get3A_1054, %get3A_1055] {strides = array<i32>} : memref<80x64xi32, #tpu.memory_space<vmem>>, vector<16xi32>,
      %bitcast3A_1057 = vector.bitcast %get3A_1056 : vector<16xi32> to vector<32xbf16>
      %mul3A_1058 = arith.mulf %bitcast3A_1053, %bitcast3A_1057 : vector<32xbf16>
      %unpack3A_1059 = tpu.unpack_subelements %mul3A_1058, 0 {pack_format = #tpu.pack_format<interleaved>} : vector<32xbf16> -> vector<16xf32>
      %unpack3A_1060 = tpu.unpack_subelements %mul3A_1058, 1 {pack_format = #tpu.pack_format<interleaved>} : vector<32xbf16> -> vector<16xf32>
      %add3A_1061 = arith.addf %broadcast_in_dim3A_1049, %unpack3A_1059 : vector<16xf32>
      %add3A_1062 = arith.addf %add3A_1061, %unpack3A_1060 : vector<16xf32>
      %get3A_1063 = arith.index_cast %add3A_1047 : i32 to index
      %get3A_1064 = arith.constant 16 : index
      %get3A_1065 = tpu.vector_load %arg8[%get3A_1063, %get3A_1064] {strides = array<i32>} : memref<80x64xi32, #tpu.memory_space<vmem>>, vector<16xi32>,
      %bitcast3A_1066 = vector.bitcast %get3A_1065 : vector<16xi32> to vector<32xbf16>
      %get3A_1067 = arith.index_cast %add3A_1047 : i32 to index
      %get3A_1068 = arith.constant 16 : index
      %get3A_1069 = tpu.vector_load %arg9[%get3A_1067, %get3A_1068] {strides = array<i32>} : memref<80x64xi32, #tpu.memory_space<vmem>>, vector<16xi32>,
      %bitcast3A_1070 = vector.bitcast %get3A_1069 : vector<16xi32> to vector<32xbf16>
      %mul3A_1071 = arith.mulf %bitcast3A_1066, %bitcast3A_1070 : vector<32xbf16>
      %unpack3A_1072 = tpu.unpack_subelements %mul3A_1071, 0 {pack_format = #tpu.pack_format<interleaved>} : vector<32xbf16> -> vector<16xf32>
      %unpack3A_1073 = tpu.unpack_subelements %mul3A_1071, 1 {pack_format = #tpu.pack_format<interleaved>} : vector<32xbf16> -> vector<16xf32>
      %add3A_1074 = arith.addf %add3A_1062, %unpack3A_1072 : vector<16xf32>
      %add3A_1075 = arith.addf %add3A_1074, %unpack3A_1073 : vector<16xf32>
      %get3A_1076 = arith.index_cast %add3A_1047 : i32 to index
      %get3A_1077 = arith.constant 32 : index
      %get3A_1078 = tpu.vector_load %arg8[%get3A_1076, %get3A_1077] {strides = array<i32>} : memref<80x64xi32, #tpu.memory_space<vmem>>, vector<16xi32>,
      %bitcast3A_1079 = vector.bitcast %get3A_1078 : vector<16xi32> to vector<32xbf16>
      %get3A_1080 = arith.index_cast %add3A_1047 : i32 to index
      %get3A_1081 = arith.constant 32 : index
      %get3A_1082 = tpu.vector_load %arg9[%get3A_1080, %get3A_1081] {strides = array<i32>} : memref<80x64xi32, #tpu.memory_space<vmem>>, vector<16xi32>,
      %bitcast3A_1083 = vector.bitcast %get3A_1082 : vector<16xi32> to vector<32xbf16>
      %mul3A_1084 = arith.mulf %bitcast3A_1079, %bitcast3A_1083 : vector<32xbf16>
      %unpack3A_1085 = tpu.unpack_subelements %mul3A_1084, 0 {pack_format = #tpu.pack_format<interleaved>} : vector<32xbf16> -> vector<16xf32>
      %unpack3A_1086 = tpu.unpack_subelements %mul3A_1084, 1 {pack_format = #tpu.pack_format<interleaved>} : vector<32xbf16> -> vector<16xf32>
      %add3A_1087 = arith.addf %add3A_1075, %unpack3A_1085 : vector<16xf32>
      %add3A_1088 = arith.addf %add3A_1087, %unpack3A_1086 : vector<16xf32>
      %get3A_1089 = arith.index_cast %add3A_1047 : i32 to index
      %get3A_1090 = arith.constant 48 : index
      %get3A_1091 = tpu.vector_load %arg8[%get3A_1089, %get3A_1090] {strides = array<i32>} : memref<80x64xi32, #tpu.memory_space<vmem>>, vector<16xi32>,
      %bitcast3A_1092 = vector.bitcast %get3A_1091 : vector<16xi32> to vector<32xbf16>
      %get3A_1093 = arith.index_cast %add3A_1047 : i32 to index
      %get3A_1094 = arith.constant 48 : index
      %get3A_1095 = tpu.vector_load %arg9[%get3A_1093, %get3A_1094] {strides = array<i32>} : memref<80x64xi32, #tpu.memory_space<vmem>>, vector<16xi32>,
      %bitcast3A_1096 = vector.bitcast %get3A_1095 : vector<16xi32> to vector<32xbf16>
      %mul3A_1097 = arith.mulf %bitcast3A_1092, %bitcast3A_1096 : vector<32xbf16>
      %unpack3A_1098 = tpu.unpack_subelements %mul3A_1097, 0 {pack_format = #tpu.pack_format<interleaved>} : vector<32xbf16> -> vector<16xf32>
      %unpack3A_1099 = tpu.unpack_subelements %mul3A_1097, 1 {pack_format = #tpu.pack_format<interleaved>} : vector<32xbf16> -> vector<16xf32>
      %add3A_1100 = arith.addf %add3A_1088, %unpack3A_1098 : vector<16xf32>
      %add3A_1101 = arith.addf %add3A_1100, %unpack3A_1099 : vector<16xf32>
      %eq3A_1102 = arith.constant 15 : i32
      %eq3A_1103 = vector.broadcast %eq3A_1102 : i32 to vector<16xi32>
      %eq3A_1104 = arith.cmpi eq, %iota3A, %eq3A_1103 : vector<16xi32>
      %reduce_sum3A_1105 = arith.constant true
      %reduce_sum3A_1106 = vector.broadcast %reduce_sum3A_1105 : i1 to vector<16xi1>
      %reduce_sum3A_1107 = tpu.scan <sum>, %add3A_1101 masked %reduce_sum3A_1106 : vector<16xf32>, vector<16xi1> -> vector<16xf32>
      %reduce_sum3A_1108 = vector.extract %reduce_sum3A_1107[15] : f32 from vector<16xf32>
      %broadcast_in_dim3A_1109 = vector.broadcast %reduce_sum3A_1108 : f32 to vector<16xf32>
      %select_n3A_1110 = arith.select %eq3A_1104, %broadcast_in_dim3A_1109, %select_n3A_1043 : vector<16xi1>, vector<16xf32>
      %mul3A_1111 = arith.constant 16 : i32
      %mul3A_1112 = arith.muli %scan3A_42, %mul3A_1111 : i32
      %add3A_1113 = arith.constant 9920 : i32
      %add3A_1114 = arith.addi %add3A_1113, %mul3A_1112 : i32
      %swap3A = arith.index_cast %add3A_1114 : i32 to index
      %swap3A_1115 = tpu.vector_load %arg12[%swap3A] {strides = array<i32>} : memref<10000xf32, #tpu.memory_space<vmem>>, vector<16xf32>,
      tpu.vector_store %arg12[%swap3A], %select_n3A_1110 {strides = array<i32>} : memref<10000xf32, #tpu.memory_space<vmem>>, vector<16xf32>,
    }
    %scan3A_41 = arith.constant 5 : i32
    "tpu.region"() ({
      %run_scoped3A = tpu.sem_alloc : memref<!tpu.dma_semaphore, #tpu.memory_space<semaphore_mem>>
      %dma_start3A_42 = tpu.memref_slice %arg5[%mul3A_2] : memref<320000xf32, #tpu.memory_space<hbm>> -> memref<10000xf32, #tpu.memory_space<hbm>>
      %dma_start3A_43 = tpu.memref_slice %arg5[%mul3A_2] : memref<320000xf32, #tpu.memory_space<hbm>> -> memref<10000xf32, #tpu.memory_space<hbm>>
      tpu.enqueue_dma source(%arg12 : memref<10000xf32, #tpu.memory_space<vmem>>) target(%dma_start3A_43 : memref<10000xf32, #tpu.memory_space<hbm>>) target_semaphore(%run_scoped3A : memref<!tpu.dma_semaphore, #tpu.memory_space<semaphore_mem>>)
      %dma_wait3A_44 = tpu.memref_slice %arg5[%mul3A_2] : memref<320000xf32, #tpu.memory_space<hbm>> -> memref<10000xf32, #tpu.memory_space<hbm>>
      %dma_wait3A_45 = tpu.memref_slice %arg5[%mul3A_2] : memref<320000xf32, #tpu.memory_space<hbm>> -> memref<10000xf32, #tpu.memory_space<hbm>>
      tpu.wait_dma2 semaphore(%run_scoped3A : memref<!tpu.dma_semaphore, #tpu.memory_space<semaphore_mem>>) src(%arg12 : memref<10000xf32, #tpu.memory_space<vmem>>) dst(%dma_wait3A_45 : memref<10000xf32, #tpu.memory_space<hbm>>)
      tpu.yield
    }) : () -> ()
    return
  }
}

module attributes {stable_mosaic.version = 14 : i64} {
  func.func @_mlp_body(%arg0: i32, %arg1: memref<1000x128xf32, #tpu.memory_space<vmem>>, %arg2: memref<128x128xf32, #tpu.memory_space<vmem>>, %arg3: memref<1x128xf32, #tpu.memory_space<vmem>>, %arg4: memref<128x128xf32, #tpu.memory_space<vmem>>, %arg5: memref<1x128xf32, #tpu.memory_space<vmem>>, %arg6: memref<1000x128xbf16, #tpu.memory_space<vmem>>) attributes {dimension_semantics = [#tpu.dimension_semantics<arbitrary>], iteration_bounds = array<i64: 10>, scalar_prefetch = 0 : i64, scratch_operands = 0 : i64, tpu.core_type = #tpu.core_type<tc>, window_params = [{transform_indices = @transform_0, window_bounds = array<i64: 1000, 128>}, {pipeline_mode = #tpu.pipeline_mode<synchronous>, transform_indices = @transform_1, window_bounds = array<i64: 128, 128>}, {pipeline_mode = #tpu.pipeline_mode<synchronous>, transform_indices = @transform_2, window_bounds = array<i64: 1, 128>}, {pipeline_mode = #tpu.pipeline_mode<synchronous>, transform_indices = @transform_3, window_bounds = array<i64: 128, 128>}, {pipeline_mode = #tpu.pipeline_mode<synchronous>, transform_indices = @transform_4, window_bounds = array<i64: 1, 128>}, {transform_indices = @transform_5, window_bounds = array<i64: 1000, 128>}]} {
    %get3A = arith.constant 0 : index
    %get3A_0 = arith.constant 0 : index
    %get3A_1 = vector.load %arg1[%get3A, %get3A_0] : memref<1000x128xf32, #tpu.memory_space<vmem>>, vector<1000x128xf32>
    %get3A_2 = arith.constant 0 : index
    %get3A_3 = arith.constant 0 : index
    %get3A_4 = vector.load %arg2[%get3A_2, %get3A_3] : memref<128x128xf32, #tpu.memory_space<vmem>>, vector<128x128xf32>
    %dot_general3A = arith.constant dense<0.000000e+00> : vector<1000x128xf32>
    %dot_general3A_5 = tpu.matmul %get3A_1, %get3A_4, %dot_general3A {dimension_numbers = #tpu.dot_dimension_numbers<[1], [0], [0], [1], [0, 0, 1, 1], [], []>, transpose_lhs_hint = false} : vector<1000x128xf32>, vector<128x128xf32>, vector<1000x128xf32> -> vector<1000x128xf32>
    %get3A_6 = arith.constant 0 : index
    %get3A_7 = arith.constant 0 : index
    %get3A_8 = vector.load %arg3[%get3A_6, %get3A_7] : memref<1x128xf32, #tpu.memory_space<vmem>>, vector<1x128xf32>
    %add3A = vector.broadcast %get3A_8 : vector<1x128xf32> to vector<1000x128xf32>
    %add3A_9 = arith.addf %dot_general3A_5, %add3A : vector<1000x128xf32>
    %max3A = arith.constant 0.000000e+00 : f32
    %max3A_10 = vector.broadcast %max3A : f32 to vector<1000x128xf32>
    %max3A_11 = arith.maximumf %add3A_9, %max3A_10 : vector<1000x128xf32>
    %get3A_12 = arith.constant 0 : index
    %get3A_13 = arith.constant 0 : index
    %get3A_14 = vector.load %arg4[%get3A_12, %get3A_13] : memref<128x128xf32, #tpu.memory_space<vmem>>, vector<128x128xf32>
    %dot_general3A_15 = arith.constant dense<0.000000e+00> : vector<1000x128xf32>
    %dot_general3A_16 = tpu.matmul %max3A_11, %get3A_14, %dot_general3A_15 {dimension_numbers = #tpu.dot_dimension_numbers<[1], [0], [0], [1], [0, 0, 1, 1], [], []>, transpose_lhs_hint = false} : vector<1000x128xf32>, vector<128x128xf32>, vector<1000x128xf32> -> vector<1000x128xf32>
    %get3A_17 = arith.constant 0 : index
    %get3A_18 = arith.constant 0 : index
    %get3A_19 = vector.load %arg5[%get3A_17, %get3A_18] : memref<1x128xf32, #tpu.memory_space<vmem>>, vector<1x128xf32>
    %add3A_20 = vector.broadcast %get3A_19 : vector<1x128xf32> to vector<1000x128xf32>
    %add3A_21 = arith.addf %dot_general3A_16, %add3A_20 : vector<1000x128xf32>
    %convert_element_type3A = arith.truncf %add3A_21 : vector<1000x128xf32> to vector<1000x128xbf16>
    %swap3A = arith.constant 0 : index
    %swap3A_22 = arith.constant 0 : index
    %swap3A_23 = vector.load %arg6[%swap3A, %swap3A_22] : memref<1000x128xbf16, #tpu.memory_space<vmem>>, vector<1000x128xbf16>
    tpu.vector_store %arg6[%swap3A, %swap3A_22], %convert_element_type3A {strides = array<i32>} : memref<1000x128xbf16, #tpu.memory_space<vmem>>, vector<1000x128xbf16>,
    return
  }
  func.func @transform_0(%arg0: i32) -> (i32, i32) {
    %c0_i32 = arith.constant 0 : i32
    %c0_i32_0 = arith.constant 0 : i32
    return %arg0, %c0_i32 : i32, i32
  }
  func.func @transform_1(%arg0: i32) -> (i32, i32) {
    %c0_i32 = arith.constant 0 : i32
    %c0_i32_0 = arith.constant 0 : i32
    %c0_i32_1 = arith.constant 0 : i32
    return %c0_i32, %c0_i32_0 : i32, i32
  }
  func.func @transform_2(%arg0: i32) -> (i32, i32) {
    %c0_i32 = arith.constant 0 : i32
    %c0_i32_0 = arith.constant 0 : i32
    %c0_i32_1 = arith.constant 0 : i32
    return %c0_i32, %c0_i32_0 : i32, i32
  }
  func.func @transform_3(%arg0: i32) -> (i32, i32) {
    %c0_i32 = arith.constant 0 : i32
    %c0_i32_0 = arith.constant 0 : i32
    %c0_i32_1 = arith.constant 0 : i32
    return %c0_i32, %c0_i32_0 : i32, i32
  }
  func.func @transform_4(%arg0: i32) -> (i32, i32) {
    %c0_i32 = arith.constant 0 : i32
    %c0_i32_0 = arith.constant 0 : i32
    %c0_i32_1 = arith.constant 0 : i32
    return %c0_i32, %c0_i32_0 : i32, i32
  }
  func.func @transform_5(%arg0: i32) -> (i32, i32) {
    %c0_i32 = arith.constant 0 : i32
    %c0_i32_0 = arith.constant 0 : i32
    return %arg0, %c0_i32 : i32, i32
  }
}

</mosaic_0001>

<sc_bundles>
// kernel: kernel.4.cloned.1.call-start
scs
__scs_entry_jumppad:
0x0: {  	(pc) =	sbr.rel $0x88, $3  }
0x1: {  	(tag) =	ssettag $0x0;
	lr =	simm.s32 $0x1  }
0x2: {  	[smem:$0x3F9B] =	sst lr;
	_ =	strace $0xD0000000  }
0x3: {  	_ = 	snop  }
0x4: {  	_ = 	snop  }
0x5: {  	_ = 	snop  }
0x6: {  	_ = 	snop  }
0x7: {  	_ = 	snop  }
__scs_overlays_trampoline_lowered:
0x8: {  	[smem:$0x3FAA] =	sst s0  }
0x9: {  	[smem:$0x3FAB] =	sst s1  }
0xa: {  	[smem:$0x3FAC] =	sst s2  }
0xb: {  	[smem:$0x3FAD] =	sst s3  }
0xc: {  	[smem:$0x3FAE] =	sst s4  }
0xd: {  	[smem:$0x3FAF] =	sst s5  }
0xe: {  	[smem:$0x3FB0] =	sst s6  }
0xf: {  	[smem:$0x3FB1] =	sst s7  }
0x10: {  	[smem:$0x3FB2] =	sst s8  }
0x11: {  	[smem:$0x3FB3] =	sst s9;
	s0 =	simm.s32 @!p0 $0x0  }
0x12: {  	s1 =	sld [smem:$0x3F99];
	s0 =	simm.s32 @p0 $0x1  }
0x13: {  	[smem:$0x3FB4] =	sst s0;
	s0 =	simm.s32 @!p1 $0x0  }
0x14: {  	s2 =	sld [smem:$0x3F98];
	s0 =	simm.s32 @p1 $0x1  }
0x15: {  	[smem:$0x3FB5] =	sst s0;
	s0 =	simm.s32 @!p2 $0x0  }
0x16: {  	s3 =	sld [smem:$0x3FDB];
	s0 =	simm.s32 @p2 $0x1  }
0x17: {  	s4 =	simm.s32 $0x1BF5;
	[smem:$0x3FB7] =	sst s0  }
0x18: {  	s0 =	sld [smem:$0x3F9A];
	_ =	swait.ge [sflag:s4], $0x0  }
0x19: {  	s7 =	sld [smem:$0x3F9B]  }
0x1a: {  	s8 =	sadd.s32 $0xFFFFE003, lr  }
0x1b: {  	s9 =	sadd.s32 $0xFFFFFEF7, lr;
	s5 =	simm.s32 $0xFFFFFFFF;
	p2 =	slt.u32 s8, $0xFFFFF086  }
0x1c: {  	p1 =	slt.u32 s9, $0xF7A;
	s5 =	simm.s32 @!p2 $0x0  }
0x1d: {  	s5 =	simm.s32 @p1 $0x1;
	p0 =	seq.s32 s7, s2  }
0x1e: {  	s7 =	smul.u32 @!p0 $0xF7A, s2;
	p2 =	seq.s32 @!p0 s5, $0x0  }
0x1f: {  	s9 =	smul.u32 $0xF7A, s1;
	s8 =	simm.s32 @!p0 $0x1BF5;
	p2 =	por !p2, p0  }
0x20: {  	[sflag:s8] =	ssyncset.s32 @!p0 $0xFFFFF086;
	s6 =	sadd.s32 @!p0 s3, s7;
	s7 =	simm.s32 @!p0 $0x108  }
0x21: {  	s3 =	sadd.s32 s3, s9;
	s6 =	sadd.s32 @!p0 $0x88, s6;
	s7 =	simm.s32 @p2 $0x1082  }
0x22: {  	[simem:s7], [sflag:s8] =	dma.local @!p0 [hbm:s6], $0xF7A  }
0x23: {  	s9 =	sor.u32 $0xD0000000, s2;
	s6 =	simm.s32 $0x108;
	_ =	swait.ge @!p0 [sflag:s8], $0x0  }
0x24: {  	s3 =	sadd.s32 $0x88, s3;
	s6 =	simm.s32 @!p1 $0x1082;
	[sflag:s4] =	ssyncset.s32 $0xFFFFF086  }
0x25: {  	[simem:s6], [sflag:s4] =	dma.local [hbm:s3], $0xF7A  }
0x26: {  	[smem:$0x3F9B] =	sst s1;
	(tag) =	ssettag s2;
	_ =	strace s9  }
0x27: {  	s1 =	sld [smem:$0x3FAB]  }
0x28: {  	s2 =	sld [smem:$0x3FAC]  }
0x29: {  	s4 =	sld [smem:$0x3FAE]  }
0x2a: {  	p0 =	seq.s32 s5, $0x0;
	s5 =	sld [smem:$0x3FAF]  }
0x2b: {  	s6 =	sld [smem:$0x3FB0]  }
0x2c: {  	s7 =	sld [smem:$0x3FB1]  }
0x2d: {  	s3 =	simm.s32 $0x108;
	s8 =	sld [smem:$0x3FB2]  }
0x2e: {  	s3 =	simm.s32 @!p0 $0x1082;
	s9 =	sld [smem:$0x3FB3]  }
0x2f: {  	lr =	sadd.s32 s0, s3;
	s0 =	sld [smem:$0x3FAA]  }
0x30: {  	s3 =	sld [smem:$0x3FAD]  }
0x31: {  	[smem:$0x3FB6] =	sst s10  }
0x32: {  	s10 =	sld [smem:$0x3FB4];
	_ =	sdelay $0x3  }
0x33: {  	p0 =	seq.s32 s10, $0x1;
	s10 =	sld [smem:$0x3FB6];
	_ =	sdelay $0x3  }
0x34: {  	[smem:$0x3FB6] =	sst s10  }
0x35: {  	s10 =	sld [smem:$0x3FB5];
	_ =	sdelay $0x3  }
0x36: {  	p1 =	seq.s32 s10, $0x1;
	s10 =	sld [smem:$0x3FB6];
	_ =	sdelay $0x3  }
0x37: {  	[smem:$0x3FB6] =	sst s10  }
0x38: {  	s10 =	sld [smem:$0x3FB7]  }
0x39: {  	_ = 	snop;
	(pc) =	sbr.ind lr, $3  }
0x3a: {  	_ = 	snop  }
0x3b: {  	_ = 	snop  }
0x3c: {  	p2 =	seq.s32 s10, $0x1;
	s10 =	sld [smem:$0x3FB6]  }
0x3d: {  	_ =	shalt  }
0x3e: {  	_ =	shalt  }
0x3f: {  	_ =	shalt  }
0x40: {  	_ =	shalt  }
0x41: {  	_ =	shalt  }
0x42: {  	_ =	shalt  }
0x43: {  	_ =	shalt  }
0x44: {  	_ =	shalt  }
0x45: {  	_ =	shalt  }
0x46: {  	_ =	shalt  }
0x47: {  	_ =	shalt  }
0x48: {  	_ =	shalt  }
0x49: {  	_ =	shalt  }
0x4a: {  	_ =	shalt  }
0x4b: {  	_ =	shalt  }
0x4c: {  	_ =	shalt  }
0x4d: {  	_ =	shalt  }
0x4e: {  	_ =	shalt  }
0x4f: {  	_ =	shalt  }
0x50: {  	_ =	shalt  }
0x51: {  	_ =	shalt  }
0x52: {  	_ =	shalt  }
0x53: {  	_ =	shalt  }
0x54: {  	_ =	shalt  }
0x55: {  	_ =	shalt  }
0x56: {  	_ =	shalt  }
0x57: {  	_ =	shalt  }
0x58: {  	_ =	shalt  }
0x59: {  	_ =	shalt  }
0x5a: {  	_ =	shalt  }
0x5b: {  	_ =	shalt  }
0x5c: {  	_ =	shalt  }
0x5d: {  	_ =	shalt  }
0x5e: {  	_ =	shalt  }
0x5f: {  	_ =	shalt  }
0x60: {  	_ =	shalt  }
0x61: {  	_ =	shalt  }
0x62: {  	_ =	shalt  }
0x63: {  	_ =	shalt  }
0x64: {  	_ =	shalt  }
0x65: {  	_ =	shalt  }
0x66: {  	_ =	shalt  }
0x67: {  	_ =	shalt  }
0x68: {  	_ =	shalt  }
0x69: {  	_ =	shalt  }
0x6a: {  	_ =	shalt  }
0x6b: {  	_ =	shalt  }
0x6c: {  	_ =	shalt  }
0x6d: {  	_ =	shalt  }
0x6e: {  	_ =	shalt  }
0x6f: {  	_ =	shalt  }
0x70: {  	_ =	shalt  }
0x71: {  	_ =	shalt  }
0x72: {  	_ =	shalt  }
0x73: {  	_ =	shalt  }
0x74: {  	_ =	shalt  }
0x75: {  	_ =	shalt  }
0x76: {  	_ =	shalt  }
0x77: {  	_ =	shalt  }
0x78: {  	_ =	shalt  }
0x79: {  	_ =	shalt  }
0x7a: {  	_ =	shalt  }
0x7b: {  	_ =	shalt  }
0x7c: {  	_ =	shalt  }
0x7d: {  	_ =	shalt  }
0x7e: {  	_ =	shalt  }
0x7f: {  	_ =	shalt  }
0x80: {  	_ =	shalt  }
0x81: {  	_ =	shalt  }
0x82: {  	_ =	shalt  }
0x83: {  	_ =	shalt  }
0x84: {  	_ =	shalt  }
0x85: {  	_ =	shalt  }
0x86: {  	_ =	shalt  }
0x87: {  	_ =	shalt  }
.Lfunc_end0:
.L_simem_size_0:
called_computation_lowered:
.L_overlay_start_0:
0x88: {  	s2 =	sld [smem:$0x3FD9]  }
0x89: {  	s3 =	sld [smem:$0x3FFE];
	_ =	sdelay $0x1  }
0x8a: {  	s1 =	srdreg.scid  }
0x8b: {  	s0 =	sand.u32 $0x1, s1  }
0x8c: {  	s16 =	sshll.u32 s0, $0xA;
	s2 =	sadd.s32 s3, s2  }
0x8d: {  	s2 =	sadd.s32 s2, s16  }
0x8e: {  	[smem:$0x3FC2] =	sst s2  }
0x8f: {  	_ = 	snop  }
0x90: {  	(tm) =	ssettm $0x1  }
0x91: {  	s17 =	sld [smem:$0x3FFB];
	_ =	sdelay $0x3  }
0x92: {  	_ =	strace s17  }
0x93: {  	s2 =	sld [smem:$0x3FFC];
	_ =	sdelay $0x3  }
0x94: {  	_ =	strace s2  }
0x95: {  	s2 =	sld [smem:$0x3FFD];
	_ =	sdelay $0x3  }
0x96: {  	_ =	strace s2  }
0x97: {  	_ =	strace $0x8FFFFFFF  }
0x98: {  	s18 =	sld [smem:$0x3FDB];
	_ =	sdelay $0x1  }
0x99: {  	s19 =	simm.s32 $_scs_section_size  }
0x9a: {  	s4 =	simm.s32 $_size__tile_overlayer_lowered;
	s5 =	simm.s32 $_tile_overlayer_lowered  }
0x9b: {  	s22 =	simm.s32 $0x1BFF;
	s21 =	sshll.u32 s5, $0x1;
	s2 =	sadd.s32 s19, s18  }
0x9c: {  	s6 =	simm.s32 $0x0;
	s20 =	sshll.u32 s4, $0x1;
	s4 =	sadd.s32 s21, s2  }
0x9d: {  	[timem:s6], [sflag:s22] =	dma.local [hbm:s4], s20  }
0x9e: {  	_ =	swait.ge [sflag:s22], s20  }
0x9f: {  	s3 =	ssub.s32 $0x0, s20;
	[sflag:s22] =	ssyncset.done $0x0  }
0xa0: {  	[sflag:s22] =	ssyncadd.s32 s3;
	_ =	sdelay $0x1  }
0xa1: {  	s23 =	simm.s32 $0x1B8B  }
0xa2: {  	_ =	swait.ge [sflag:s23], $0x1  }
0xa3: {  	[sflag:s23] =	ssyncset.done $0x0  }
0xa4: {  	s25 =	simm.s32 $0x1B8E;
	s24 =	sld [smem:$0x3FFE];
	[sflag:s23] =	ssyncadd.s32 $0xFFFFFFFF  }
0xa5: {  	s26 =	simm.s32 $execute0_lowered;
	[smem:$0x3FD2] =	sst s25  }
0xa6: {  	s4 =	sshll.u32 s26, $0x1;
	_ =	strace $0x80000046;
	[dreg:$0x1] =	wrdreg $0xFFFFFFFF  }
0xa7: {  	s28 =	simm.s32 $_size_execute0_lowered;
	s2 =	sadd.s32 s2, s4;
	[dreg:$0x0] =	wrdreg $0x0  }
0xa8: {  	s4 =	sshll.u32 s28, $0x1;
	[dreg:$0x2] =	wrdreg s2  }
0xa9: {  	[dreg:$0x3] =	wrdreg s4  }
0xaa: {  	[dreg:$0x4] =	wrdreg $0xC0  }
0xab: {  	_ =	task [dreg:s6], $0x5FFFF  }
0xac: {  	[dreg:$0x1] =	wrdreg $0xFFFFFFFF  }
0xad: {  	[dreg:$0x0] =	wrdreg $0x60  }
0xae: {  	[dreg:$0x2] =	wrdreg s24  }
0xaf: {  	[dreg:$0x3] =	wrdreg $0xC5300  }
0xb0: {  	[dreg:$0x4] =	wrdreg $0x9  }
0xb1: {  	_ =	task.clear_ibuf [dreg:s6], $0x5FFFF;
	_ =	strace $0x90000046  }
0xb2: {  	s29 =	simm.s32 $0x9;
	_ =	strace $0x80000048  }
0xb3: {  	_ =	swait.ge [sflag:s29], $0x1  }
0xb4: {  	[sflag:s29] =	ssyncadd.s32 $0xFFFFFFFF  }
0xb5: {  	_ =	strace $0x90000048  }
0xb6: {  	_ =	sfence  }
0xb7: {  	s30 =	sld [smem:$0x0];
	_ =	sdelay $0x2  }
0xb8: {  	s31 =	sshll.u32 s1, $0xD;
	s1 =	sshrl.u32 s1, $0x2  }
0xb9: {  	s3 =	sand.u32 $0x4000, s31;
	s1 =	sadd.s32 s1, s30  }
0xba: {  	s0 =	sor.u32 s3, s0;
	s1 =	sshll.u32 s1, $0x11  }
0xbb: {  	s0 =	sor.u32 s1, s0  }
0xbc: {  	s0 =	sadd.s32 $0x8F2B, s0  }
0xbd: {  	[sflag:s0] =	ssyncadd.remote.s32 $0x1  }
0xbe: {  	_ =	sfence.sel $0xFFFF  }
0xbf: {  	[dreg:$0x0] =	wrdreg $0xFFFFFFFF;
	(pc) =	sbr.abs _section_cstart, $3  }
0xc0: {  	[dreg:$0x1] =	wrdreg $0xFFFFFFFF  }
0xc1: {  	_ =	task.clear_ibuf [dreg:s6], $0x2FFFF;
	_ =	strace $0x9FFFFFFF  }
0xc2: {  	(tm) =	ssettm $0x7FFFFFFF  }
0xc3: {  	_ =	shalt  }
tec
execute0_lowered:
.L_overlay_start_1:
0x0: {  	(tag) =	ssettag $0x1  }
0x1: {  	s4 =	rddreg [dreg:$0x0];
	s0 =	srdreg.scid  }
0x2: {  	s8 =	stileid.u32;
	s1 =	rddreg [dreg:$0x1]  }
0x3: {  	s2 =	simm.s32 $0x0;
	s10 =	simm.s32 $0x2710;
	s11 =	simm.s32 $0x50  }
0x4: {  	s12 =	simm.s32 $0x4E20;
	s13 =	simm.s32 $0x6220;
	s14 =	simm.s32 $0x7620  }
0x5: {  	s15 =	simm.s32 $0x8A20;
	s16 =	simm.s32 $0x1;
	s17 =	simm.s32 $0x2  }
0x6: {  	s18 =	simm.s32 $0x9E20;
	s3 =	sand.u32 $0x1, s0;
	s5 =	sshll.u32 s8, $0x1  }
0x7: {  	s19 =	simm.s32 $0x0;
	s0 =	rddreg [dreg:$0x2];
	s5 =	sor.u32 s3, s5  }
0x8: {  	vm0 =	vmmov $0x1;
	vm1 =	vmmov $0x3;
	vm2 =	vmmov $0x7;
	[smem:$0x7FF] =	sst s2;
	p0 =	sne.s32 s8, $0x0;
	s5 =	smul.u32 $0x4E2, s5  }
0x9: {  	vm3 =	vmmov $0xf;
	vm4 =	vmmov $0x1f;
	vm5 =	vmmov $0x3f;
	_ =	strace $0x80000047;
	s6 =	ssub.s32 $0x2, s3;
	s3 =	sadd.s32 $0x200, s4  }
0xa: {  	vm6 =	vmmov $0x7f;
	vm7 =	vmmov $0xff;
	vm8 =	vmmov $0x1ff;
	s8 =	sshrl.u32 @!p0 s1, $0x3;
	s31 =	sshrl.u32 s6, $0x1;
	s7 =	sadd.s32 s5, s4  }
0xb: {  	vm9 =	vmmov $0x3ff;
	vm10 =	vmmov $0x7ff;
	vm11 =	vmmov $0xfff;
	s9 =	ssub.s32 s6, s31;
	s4 =	sadd.s32 $0x1DA00, s7;
	s5 =	sadd.s32 $0x13C00, s7  }
0xc: {  	vm12 =	vmmov $0x1fff;
	vm13 =	vmmov $0x3fff;
	vm14 =	vmmov $0x7fff;
	s6 =	sadd.s32 $0x27800, s7;
	s7 =	smax.u32 s9, $0x1;
	s9 =	simm.s32 $0x3  }
.LBB2_1:
0xd: {  	s20 =	simm.s32 @!p0 $0x1C03  }
0xe: {  	[spmem:s8], [sflag:s20] =	dma.local @!p0 [hbm:s3], $0x13880  }
0xf: {  	s20 =	simm.s32 @!p0 $0x3  }
0x10: {  	_ =	swait.ge @!p0 [sflag:s20], $0x13880  }
0x11: {  	[sflag:s20] =	ssyncset.done @!p0 $0x0  }
0x12: {  	[sflag:s20] =	ssyncadd.s32 @!p0 $0xFFFEC780  }
0x13: {  	[tilespmem:s2], [sflag:$0x3] =	stream.linear.gather [hbm4b:s4+s2], $0x2710, $0x38;
	[tilespmem:$0x16170] =	vst v63  }
0x14: {  	_ =	swait.ge [sflag:s9], $0x2710  }
0x15: {  	[sflag:s9] =	ssyncset.done $0x0  }
0x16: {  	[sflag:s9] =	ssyncadd.s32 $0xFFFFD8F0  }
0x17: {  	[tilespmem:s10], [sflag:$0x3] =	stream.linear.gather [hbm4b:s5+s2], $0x2710, $0x38;
	[tilespmem:$0x16170] =	vst v63  }
0x18: {  	_ =	swait.ge [sflag:s9], $0x2710  }
0x19: {  	[sflag:s9] =	ssyncset.done $0x0  }
0x1a: {  	[sflag:s9] =	ssyncadd.s32 $0xFFFFD8F0  }
0x1b: {  	[bflag:$0x0] =	sbarrier.arrive $0xFFFF  }
0x1c: {  	[tilespmem:s12], [sflag:$0x1] =	stream.indirect.gather [spmem:s1], $0x40, s2, s11, $0xb8;
	[tilespmem:$0x16170] =	vst v63  }
0x1d: {  	s21 =	simm.s32 $0x9E20;
	s22 =	simm.s32 $0x0;
	s20 =	simm.s32 $0x9E70  }
0x1e: {  	[tilespmem:s13], [sflag:$0x1] =	stream.indirect.gather [spmem:s1], $0x40, s10, s11, $0xb8;
	[tilespmem:$0x16170] =	vst v63  }
.LBB2_2:
0x1f: {  	s23 =	smul.u32 $0xA0, s22;
	_ =	sdelay $0x1  }
0x20: {  	s24 =	sadd.s32 $0x50, s23  }
0x21: {  	[tilespmem:s14], [sflag:$0x2] =	stream.indirect.gather [spmem:s1], $0x40, s24, s11, $0xb8;
	[tilespmem:$0x16170] =	vst v63  }
0x22: {  	s30 =	sadd.s32 $0x2760, s23  }
0x23: {  	[tilespmem:s15], [sflag:$0x2] =	stream.indirect.gather [spmem:s1], $0x40, s30, s11, $0xb8;
	[tilespmem:$0x16170] =	vst v63  }
0x24: {  	_ =	swait.ge [sflag:s16], $0x1400  }
0x25: {  	[sflag:s16] =	ssyncset.done $0x0  }
0x26: {  	[sflag:s16] =	ssyncadd.s32 $0xFFFFEC00  }
0x27: {  	_ =	swait.ge [sflag:s16], $0x1400  }
0x28: {  	[sflag:s16] =	ssyncset.done $0x0  }
0x29: {  	s31 =	simm.s32 $0x3F0;
	[sflag:s16] =	ssyncadd.s32 $0xFFFFEC00  }
0x2a: {  	v0 =	vld [tilespmem:s31+$0x61E0]  }
0x2b: {  	v1 =	vld [tilespmem:s31+$0x4DE0]  }
0x2c: {  	v2 =	vld [tilespmem:s31+$0x6210]  }
0x2d: {  	v3 =	vld [tilespmem:s31+$0x4E10]  }
0x2e: {  	v4 =	vld [tilespmem:s31+$0x61A0]  }
0x2f: {  	v5 =	vld [tilespmem:s31+$0x4DA0]  }
0x30: {  	v6 =	vld [tilespmem:s31+$0x6160]  }
0x31: {  	v7 =	vld [tilespmem:s31+$0x4D60]  }
0x32: {  	v8 =	vld [tilespmem:s31+$0x61D0]  }
0x33: {  	v9 =	vld [tilespmem:s31+$0x4DD0]  }
0x34: {  	v10 =	vld [tilespmem:s31+$0x6200]  }
0x35: {  	v11 =	vld [tilespmem:s31+$0x4E00]  }
0x36: {  	v12 =	vld [tilespmem:s31+$0x6120]  }
0x37: {  	v13 =	vld [tilespmem:s31+$0x4D20]  }
0x38: {  	v14 =	vld [tilespmem:s31+$0x6190]  }
0x39: {  	v15 =	vld [tilespmem:s31+$0x4D90]  }
0x3a: {  	v16 =	vld [tilespmem:s31+$0x60E0]  }
0x3b: {  	v17 =	vld [tilespmem:s31+$0x4CE0]  }
0x3c: {  	v18 =	vld [tilespmem:s31+$0x6150]  }
0x3d: {  	v19 =	vld [tilespmem:s31+$0x4D50]  }
0x3e: {  	v20 =	vld [tilespmem:s31+$0x61C0]  }
0x3f: {  	v22 =	vld [tilespmem:s31+$0x4DC0]  }
0x40: {  	v23 =	vld [tilespmem:s31+$0x61F0]  }
0x41: {  	v24 =	vld [tilespmem:s31+$0x4DF0]  }
0x42: {  	v25 =	vld [tilespmem:s31+$0x60A0]  }
0x43: {  	v26 =	vld [tilespmem:s31+$0x4CA0]  }
0x44: {  	v27 =	vld [tilespmem:s31+$0x6110]  }
0x45: {  	v28 =	vld [tilespmem:s31+$0x4D10]  }
0x46: {  	v29 =	vld [tilespmem:s31+$0x6180]  }
0x47: {  	v30 =	vld [tilespmem:s31+$0x4D80]  }
0x48: {  	v31 =	vld [tilespmem:s31+$0x6060]  }
0x49: {  	v32 =	vld [tilespmem:s31+$0x4C60]  }
0x4a: {  	v33 =	vld [tilespmem:s31+$0x60D0]  }
0x4b: {  	v34 =	vld [tilespmem:s31+$0x4CD0]  }
0x4c: {  	v35 =	vld [tilespmem:s31+$0x6140]  }
0x4d: {  	v36 =	vld [tilespmem:s31+$0x4D40]  }
0x4e: {  	v21 =	vld [tilespmem:s31+$0x61B0]  }
0x4f: {  	v37 =	vld [tilespmem:s31+$0x4DB0]  }
0x50: {  	v38 =	vld [tilespmem:s31+$0x6020]  }
0x51: {  	v39 =	vld [tilespmem:s31+$0x4C20]  }
0x52: {  	v40 =	vld [tilespmem:s31+$0x6090]  }
0x53: {  	v41 =	vld [tilespmem:s31+$0x4C90]  }
0x54: {  	v42 =	vld [tilespmem:s31+$0x6100]  }
0x55: {  	v43 =	vld [tilespmem:s31+$0x4D00]  }
0x56: {  	v44 =	vld [tilespmem:s31+$0x6170]  }
0x57: {  	v45 =	vld [tilespmem:s31+$0x4D70]  }
0x58: {  	v46 =	vld [tilespmem:s31+$0x5FE0]  }
0x59: {  	v47 =	vld [tilespmem:s31+$0x4BE0]  }
0x5a: {  	v48 =	vld [tilespmem:s31+$0x6050]  }
0x5b: {  	v49 =	vld [tilespmem:s31+$0x4C50];
	v1 =	vmul.bf16 v0, v1  }
0x5c: {  	v50 =	vld [tilespmem:s31+$0x60C0];
	v6 =	vmul.bf16 v6, v7;
	v0 =	vmul.bf16 v4, v5  }
0x5d: {  	v52 =	vld [tilespmem:s31+$0x4CC0];
	v5 =	vmul.bf16 v12, v13;
	v7 =	vmul.bf16 v18, v19  }
0x5e: {  	v54 =	vld [tilespmem:s31+$0x6130];
	v13 =	vmul.bf16 v20, v22;
	v40 =	vmul.bf16 v40, v41  }
0x5f: {  	v57 =	vld [tilespmem:s31+$0x4BA0];
	v51 =	vunpack.i.u.bf16.f32 v1;
	v53 =	vunpack.i.l.bf16.f32 v1;
	v1 =	vmul.bf16 v2, v3  }
0x60: {  	v19 =	vld [tilespmem:s31+$0x6080];
	v55 =	vunpack.i.u.bf16.f32 v6;
	v3 =	vmul.bf16 v8, v9;
	v2 =	vmul.bf16 v10, v11  }
0x61: {  	v22 =	vld [tilespmem:s31+$0x4C80];
	v56 =	vunpack.i.l.bf16.f32 v6;
	v6 =	vmul.bf16 v21, v37;
	v21 =	vunpack.i.u.bf16.f32 v5  }
0x62: {  	v59 =	vld [tilespmem:s31+$0x6010];
	v58 =	vunpack.i.l.bf16.f32 v5;
	v20 =	vunpack.i.l.bf16.f32 v7;
	v12 =	vunpack.i.u.bf16.f32 v3  }
0x63: {  	v60 =	vld [tilespmem:s31+$0x4B60];
	v8 =	vunpack.i.l.bf16.f32 v3;
	v4 =	vunpack.i.l.bf16.f32 v2;
	v5 =	vunpack.i.l.bf16.f32 v6  }
0x64: {  	v37 =	vld [tilespmem:s31+$0x5FA0];
	v3 =	vmul.bf16 v14, v15;
	v10 =	vunpack.i.u.bf16.f32 v6;
	v9 =	vadd.f32 $0.0e+00, v5  }
0x65: {  	v11 =	vld [tilespmem:s31+$0x4D30];
	v14 =	vmul.bf16 v23, v24;
	v15 =	vunpack.i.u.bf16.f32 v7;
	v24 =	vmul.bf16 v27, v28  }
0x66: {  	v62 =	vld [tilespmem:s31+$0x4BD0];
	v5 =	vmul.bf16 v16, v17;
	v19 =	vmul.bf16 v19, v22;
	v9 =	vadd.f32 v9, v10  }
0x67: {  	v18 =	vld [tilespmem:s31+$0x4C10];
	v16 =	vunpack.i.l.bf16.f32 v14;
	v14 =	vunpack.i.u.bf16.f32 v14;
	v10 =	vunpack.i.l.bf16.f32 v13  }
0x68: {  	v41 =	vld [tilespmem:s31+$0x4B20];
	v61 =	vunpack.i.u.bf16.f32 v24;
	v7 =	vadd.f32 v10, v9;
	v9 =	vadd.f32 $0.0e+00, v16  }
0x69: {  	v17 =	vld [tilespmem:s31+$0x60F0];
	v13 =	vunpack.i.u.bf16.f32 v13;
	v37 =	vmul.bf16 v37, v57;
	v10 =	vmul.bf16 v25, v26  }
0x6a: {  	v57 =	vld [tilespmem:s31+$0x5E60];
	v26 =	vmul.bf16 v54, v11;
	v13 =	vadd.f32 v7, v13;
	v7 =	vadd.f32 v9, v14  }
0x6b: {  	v16 =	vld [tilespmem:s31+$0x4CF0];
	v27 =	vunpack.i.u.bf16.f32 v10;
	v23 =	vunpack.i.l.bf16.f32 v10;
	v9 =	vmul.bf16 v29, v30  }
0x6c: {  	v25 =	vld [tilespmem:s31+$0x5F60];
	v30 =	vunpack.i.l.bf16.f32 v24;
	v14 =	vmul.bf16 v31, v32;
	v13 =	vadd.f32 v8, v13  }
0x6d: {  	v29 =	vld [tilespmem:s31+$0x5FD0];
	v8 =	vunpack.i.u.bf16.f32 v9;
	v10 =	vunpack.i.l.bf16.f32 v9;
	v9 =	vmul.bf16 v33, v34  }
0x6e: {  	v31 =	vld [tilespmem:s31+$0x6040];
	v24 =	vunpack.i.u.bf16.f32 v14;
	v28 =	vunpack.i.l.bf16.f32 v14;
	v14 =	vunpack.i.l.bf16.f32 v26  }
0x6f: {  	v32 =	vld [tilespmem:s31+$0x4C40];
	v26 =	vunpack.i.u.bf16.f32 v26;
	v33 =	vmul.bf16 v44, v45;
	v4 =	vadd.f32 v4, v7  }
0x70: {  	v34 =	vld [tilespmem:s31+$0x60B0];
	v63 =	vadd.f32 $0.0e+00, v14;
	v16 =	vmul.bf16 v17, v16;
	v12 =	vadd.f32 v13, v12  }
0x71: {  	v44 =	vld [tilespmem:s31+$0x6000];
	v13 =	vmul.bf16 v35, v36;
	v11 =	vunpack.i.l.bf16.f32 v9;
	v45 =	vunpack.i.l.bf16.f32 v33  }
0x72: {  	v35 =	vld [tilespmem:s31+$0x4CB0];
	v17 =	vadd.f32 v63, v26;
	v26 =	vmul.bf16 v42, v43;
	v54 =	vunpack.i.l.bf16.f32 v16  }
0x73: {  	v16 =	vunpack.i.u.bf16.f32 v16;
	v63 =	vmul.bf16 v46, v47;
	v46 =	vld [tilespmem:s31+$0x6070];
	v29 =	vmul.bf16 v29, v62  }
0x74: {  	v47 =	vld [tilespmem:s31+$0x4C70];
	v12 =	vadd.f32 v53, v12;
	v36 =	vunpack.i.u.bf16.f32 v13;
	v13 =	vunpack.i.l.bf16.f32 v13  }
0x75: {  	v42 =	vld [tilespmem:s31+$0x4B90];
	v13 =	vadd.f32 v13, v17;
	v17 =	vadd.f32 $0.0e+00, v54;
	v43 =	vunpack.i.u.bf16.f32 v26  }
0x76: {  	v53 =	vld [tilespmem:s31+$0x5F20];
	v54 =	vunpack.i.l.bf16.f32 v26;
	v26 =	vunpack.i.u.bf16.f32 v63;
	v62 =	vunpack.i.u.bf16.f32 v29  }
0x77: {  	v14 =	vadd.f32 v12, v51;
	v12 =	vmul.bf16 v38, v39;
	v38 =	vld [tilespmem:s31+$0x5F90];
	v39 =	vunpack.i.u.bf16.f32 v40  }
0x78: {  	v40 =	vunpack.i.l.bf16.f32 v40;
	v51 =	vld [tilespmem:s31+$0x4C00];
	v13 =	vadd.f32 v13, v36;
	v36 =	vadd.f32 $0.0e+00, v45  }
0x79: {  	v16 =	vadd.f32 v17, v16;
	v17 =	vunpack.i.u.bf16.f32 v33;
	v46 =	vmul.bf16 v46, v47;
	v47 =	vld [tilespmem:s31+$0x4BC0]  }
0x7a: {  	v20 =	vadd.f32 v20, v13;
	v13 =	vadd.f32 v36, v17;
	v36 =	vld [tilespmem:s31+$0x5EE0];
	v17 =	vmul.bf16 v48, v49  }
0x7b: {  	v33 =	vunpack.i.l.bf16.f32 v63;
	v63 =	vmul.bf16 v50, v52;
	v16 =	vadd.f32 v54, v16;
	v48 =	vld [tilespmem:s31+$0x4AE0]  }
0x7c: {  	v49 =	vld [tilespmem:s31+$0x5F50];
	v41 =	vmul.bf16 v53, v41;
	v20 =	vadd.f32 v20, v15;
	v50 =	vunpack.i.u.bf16.f32 v17  }
0x7d: {  	v54 =	vld [tilespmem:s31+$0x5FC0];
	v52 =	vunpack.i.l.bf16.f32 v17;
	v16 =	vadd.f32 v16, v43;
	v15 =	vunpack.i.u.bf16.f32 v63  }
0x7e: {  	v53 =	vld [tilespmem:s31+$0x5FB0];
	v17 =	vunpack.i.l.bf16.f32 v63;
	v63 =	vunpack.i.l.bf16.f32 v46;
	v46 =	vunpack.i.u.bf16.f32 v46  }
0x7f: {  	v43 =	vld [tilespmem:s31+$0x4B50];
	v38 =	vmul.bf16 v38, v42;
	v10 =	vadd.f32 v10, v13;
	v20 =	vadd.f32 v56, v20  }
0x80: {  	v42 =	vld [tilespmem:s31+$0x4BB0];
	v45 =	vadd.f32 v30, v16;
	v16 =	vmul.bf16 v59, v18;
	v56 =	vadd.f32 $0.0e+00, v63  }
0x81: {  	v59 =	vunpack.i.u.bf16.f32 v19;
	v36 =	vmul.bf16 v36, v48;
	v20 =	vadd.f32 v20, v55;
	v55 =	vld [tilespmem:s31+$0x6030]  }
0x82: {  	v47 =	vmul.bf16 v54, v47;
	v22 =	vadd.f32 v45, v61;
	v45 =	vld [tilespmem:s31+$0x4C30];
	v46 =	vadd.f32 v56, v46  }
0x83: {  	v48 =	vld [tilespmem:s31+$0x5FF0];
	v56 =	vunpack.i.l.bf16.f32 v19;
	v19 =	vmul.bf16 v25, v60;
	v25 =	vmul.bf16 v31, v32  }
0x84: {  	v30 =	vunpack.i.u.bf16.f32 v37;
	v37 =	vunpack.i.l.bf16.f32 v37;
	v61 =	vld [tilespmem:s31+$0x5EA0];
	v22 =	vadd.f32 v58, v22  }
0x85: {  	v31 =	vmul.bf16 v34, v35;
	v54 =	vunpack.i.u.bf16.f32 v47;
	v58 =	vld [tilespmem:s31+$0x4A60];
	v32 =	vunpack.i.u.bf16.f32 v25  }
0x86: {  	v60 =	vld [tilespmem:s31+$0x4AA0];
	v25 =	vunpack.i.l.bf16.f32 v25;
	v21 =	vadd.f32 v22, v21;
	v22 =	vadd.f32 v56, v46  }
0x87: {  	v34 =	vunpack.i.l.bf16.f32 v31;
	v46 =	vld [tilespmem:s31+$0x5F10];
	v56 =	vunpack.i.l.bf16.f32 v29;
	v29 =	vmul.bf16 v55, v45  }
0x88: {  	v31 =	vunpack.i.u.bf16.f32 v31;
	v34 =	vadd.f32 $0.0e+00, v34;
	v45 =	vld [tilespmem:s31+$0x4B10];
	v22 =	vadd.f32 v22, v59  }
0x89: {  	v55 =	vld [tilespmem:s31+$0x5F80];
	v63 =	vunpack.i.l.bf16.f32 v29;
	v59 =	vunpack.i.u.bf16.f32 v29;
	v29 =	vunpack.i.u.bf16.f32 v41  }
0x8a: {  	v57 =	vmul.bf16 v57, v58;
	v35 =	vadd.f32 $0.0e+00, v63;
	v40 =	vadd.f32 v40, v22;
	v63 =	vld [tilespmem:s31+$0x4B80]  }
0x8b: {  	v22 =	vadd.f32 v34, v31;
	v34 =	vunpack.i.l.bf16.f32 v41;
	v41 =	vmul.bf16 v53, v42;
	v42 =	vld [tilespmem:s31+$0x4BF0]  }
0x8c: {  	v31 =	vadd.f32 v35, v59;
	v35 =	vadd.f32 v40, v39;
	v39 =	vld [tilespmem:s31+$0x5F70];
	v40 =	vunpack.i.u.bf16.f32 v38  }
0x8d: {  	v59 =	vmul.bf16 v44, v51;
	v44 =	vld [tilespmem:s31+$0x4B70];
	v38 =	vunpack.i.l.bf16.f32 v38;
	v17 =	vadd.f32 v17, v22  }
0x8e: {  	v45 =	vmul.bf16 v46, v45;
	v31 =	vadd.f32 v25, v31;
	v35 =	vadd.f32 v23, v35  }
0x8f: {  	v53 =	vld [tilespmem:s31+$0x5F40];
	v23 =	vunpack.i.u.bf16.f32 v59;
	v25 =	vunpack.i.l.bf16.f32 v59;
	v59 =	vunpack.i.l.bf16.f32 v41  }
0x90: {  	v51 =	vld [tilespmem:s31+$0x5ED0];
	v41 =	vunpack.i.u.bf16.f32 v41;
	v55 =	vmul.bf16 v55, v63;
	v42 =	vmul.bf16 v48, v42  }
0x91: {  	v46 =	vld [tilespmem:s31+$0x5F30];
	v48 =	vmul.bf16 v61, v60;
	v31 =	vadd.f32 v31, v32;
	v32 =	vadd.f32 v35, v27  }
0x92: {  	v27 =	vmul.bf16 v49, v43;
	v43 =	vld [tilespmem:s31+$0x4AD0];
	v39 =	vmul.bf16 v39, v44;
	v44 =	vadd.f32 $0.0e+00, v59  }
0x93: {  	v60 =	vunpack.i.u.bf16.f32 v45;
	v45 =	vunpack.i.l.bf16.f32 v45;
	v49 =	vld [tilespmem:s31+$0x4B40];
	v52 =	vadd.f32 v52, v31  }
0x94: {  	v59 =	vunpack.i.l.bf16.f32 v39;
	v41 =	vadd.f32 v44, v41;
	v44 =	vunpack.i.l.bf16.f32 v47;
	v47 =	vld [tilespmem:s31+$0x4A50]  }
0x95: {  	v35 =	vunpack.i.u.bf16.f32 v36;
	v50 =	vadd.f32 v52, v50;
	v52 =	vld [tilespmem:s31+$0x5E50];
	v58 =	vadd.f32 $0.0e+00, v59  }
0x96: {  	v36 =	vunpack.i.l.bf16.f32 v36;
	v39 =	vunpack.i.u.bf16.f32 v39;
	v59 =	vld [tilespmem:s31+$0x4B00];
	v41 =	vadd.f32 v44, v41  }
0x97: {  	v63 =	vunpack.i.l.bf16.f32 v55;
	v28 =	vadd.f32 v28, v50;
	v50 =	vld [tilespmem:s31+$0x5F00];
	v39 =	vadd.f32 v58, v39  }
0x98: {  	v55 =	vunpack.i.u.bf16.f32 v55;
	v31 =	vunpack.i.l.bf16.f32 v27;
	v58 =	vld [tilespmem:s31+$0x5EF0];
	v41 =	vadd.f32 v41, v54  }
0x99: {  	v44 =	vunpack.i.l.bf16.f32 v57;
	v43 =	vmul.bf16 v51, v43;
	v54 =	vld [tilespmem:s31+$0x4AC0];
	v39 =	vadd.f32 v63, v39  }
0x9a: {  	v49 =	vmul.bf16 v53, v49;
	v24 =	vadd.f32 v28, v24;
	v63 =	vld [tilespmem:s31+$0x4AF0];
	v41 =	vadd.f32 v56, v41  }
0x9b: {  	v28 =	vld [tilespmem:s31+$0x5EC0];
	v56 =	vunpack.i.l.bf16.f32 v42;
	v42 =	vunpack.i.u.bf16.f32 v42;
	v39 =	vadd.f32 v39, v55  }
0x9c: {  	v61 =	vadd.f32 $0.0e+00, v56;
	v56 =	vld [tilespmem:s31+$0x4B30];
	v55 =	vunpack.i.u.bf16.f32 v43;
	v41 =	vadd.f32 v41, v62  }
0x9d: {  	v43 =	vunpack.i.l.bf16.f32 v43;
	v62 =	vld [tilespmem:s31+$0x4AB0];
	v50 =	vmul.bf16 v50, v59;
	v38 =	vadd.f32 v38, v39  }
0x9e: {  	v39 =	vadd.f32 v61, v42;
	v61 =	vld [tilespmem:s31+$0x5EB0];
	v33 =	vadd.f32 v33, v41;
	v41 =	vmul.bf16 v52, v47  }
0x9f: {  	v52 =	vunpack.i.l.bf16.f32 v49;
	v51 =	vmul.bf16 v58, v63;
	v58 =	vld [tilespmem:s31+$0x4A40];
	v38 =	vadd.f32 v38, v40  }
0xa0: {  	v28 =	vmul.bf16 v28, v54;
	v54 =	vunpack.i.u.bf16.f32 v50;
	v26 =	vadd.f32 v33, v26;
	v33 =	vld [tilespmem:s31+$0x5E30]  }
0xa1: {  	v50 =	vunpack.i.l.bf16.f32 v50;
	v25 =	vadd.f32 v25, v39;
	v37 =	vadd.f32 v37, v38;
	v38 =	vld [tilespmem:s31+$0x4A30]  }
0xa2: {  	v40 =	vld [tilespmem:s31+$0x5E40];
	v63 =	vunpack.i.l.bf16.f32 v51;
	v46 =	vmul.bf16 v46, v56;
	v47 =	vunpack.i.u.bf16.f32 v28  }
0xa3: {  	v59 =	vld [tilespmem:s31+$0x4A70];
	v28 =	vunpack.i.l.bf16.f32 v28;
	v56 =	vadd.f32 $0.0e+00, v63;
	v42 =	vmul.bf16 v61, v62  }
0xa4: {  	v51 =	vunpack.i.u.bf16.f32 v51;
	v61 =	vunpack.i.l.bf16.f32 v46;
	v30 =	vadd.f32 v37, v30;
	v37 =	vld [tilespmem:s31+$0x5E70]  }
0xa5: {  	v46 =	vunpack.i.u.bf16.f32 v46;
	v51 =	vadd.f32 v56, v51;
	v62 =	vunpack.i.l.bf16.f32 v42  }
0xa6: {  	v56 =	vadd.f32 $0.0e+00, v61;
	v61 =	vadd.f32 $0.0e+00, v62;
	v33 =	vmul.bf16 v33, v38  }
0xa7: {  	v42 =	vunpack.i.u.bf16.f32 v42;
	v40 =	vmul.bf16 v40, v58;
	v62 =	vld [tilespmem:s31+$0x4A80];
	v50 =	vadd.f32 v50, v51  }
0xa8: {  	v46 =	vadd.f32 v56, v46;
	v38 =	vld [tilespmem:s31+$0x5E80];
	v42 =	vadd.f32 v61, v42;
	v56 =	vunpack.i.l.bf16.f32 v33  }
0xa9: {  	v50 =	vadd.f32 v50, v54;
	v37 =	vmul.bf16 v37, v59;
	v51 =	vadd.f32 $0.0e+00, v56  }
0xaa: {  	v54 =	vunpack.i.l.bf16.f32 v40;
	v33 =	vunpack.i.u.bf16.f32 v33;
	v28 =	vadd.f32 v28, v42  }
0xab: {  	v63 =	vld [tilespmem:s31+$0x4A90];
	v45 =	vadd.f32 v45, v50;
	v61 =	vunpack.i.l.bf16.f32 v37;
	v33 =	vadd.f32 v51, v33  }
0xac: {  	v56 =	vld [tilespmem:s31+$0x5E90];
	v37 =	vunpack.i.u.bf16.f32 v37;
	v42 =	vadd.f32 $0.0e+00, v61;
	v28 =	vadd.f32 v28, v47  }
0xad: {  	v38 =	vmul.bf16 v38, v62;
	v45 =	vadd.f32 v45, v60;
	v33 =	vadd.f32 v54, v33  }
0xae: {  	v40 =	vunpack.i.u.bf16.f32 v40;
	v37 =	vadd.f32 v42, v37;
	v28 =	vadd.f32 v43, v28  }
0xaf: {  	v60 =	vadd.f32 v52, v46;
	v54 =	vunpack.i.l.bf16.f32 v38;
	v33 =	vadd.f32 v33, v40  }
0xb0: {  	v53 =	vunpack.i.l.bf16.f32 v41;
	v37 =	vadd.f32 v54, v37;
	v28 =	vadd.f32 v28, v55  }
0xb1: {  	v38 =	vunpack.i.u.bf16.f32 v38;
	v58 =	vmul.bf16 v56, v63;
	v33 =	vadd.f32 v53, v33  }
0xb2: {  	(xrf2) =	vadd.scan.msk.f32 $0xffff, v14;
	v14 =	vunpack.i.u.bf16.f32 v41;
	v59 =	vadd.f32 v37, v38;
	v28 =	vadd.f32 v36, v28  }
0xb3: {  	(xrf2) =	vadd.scan.msk.f32 $0xffff, v20;
	v34 =	vadd.f32 v34, v45;
	v20 =	vunpack.i.l.bf16.f32 v58;
	v14 =	vadd.f32 v33, v14  }
0xb4: {  	(xrf2) =	vadd.scan.msk.f32 $0xffff, v21;
	v20 =	vadd.f32 v20, v59;
	v21 =	vadd.f32 v28, v35;
	v28 =	vunpack.i.u.bf16.f32 v49  }
0xb5: {  	(xrf2) =	vadd.scan.msk.f32 $0xffff, v32;
	v61 =	vunpack.i.u.bf16.f32 v58;
	v28 =	vadd.f32 v60, v28;
	v14 =	vadd.f32 v44, v14  }
0xb6: {  	(xrf2) =	vadd.scan.msk.f32 $0xffff, v24;
	v24 =	vunpack.i.u.bf16.f32 v57;
	v29 =	vadd.f32 v34, v29;
	v20 =	vadd.f32 v20, v61  }
0xb7: {  	(xrf2) =	vadd.scan.msk.f32 $0xffff, v26;
	v26 =	vadd.f32 v31, v28;
	v14 =	vadd.f32 v14, v24;
	v24 =	vunpack.i.l.bf16.f32 v48  }
0xb8: {  	v23 =	vadd.f32 v25, v23;
	(xrf2) =	vadd.scan.msk.f32 $0xffff, v30;
	v20 =	vadd.f32 v24, v20;
	v24 =	vunpack.i.u.bf16.f32 v27  }
0xb9: {  	v18 =	vunpack.i.l.bf16.f32 v16;
	v15 =	vadd.f32 v17, v15;
	(xrf2) =	vadd.scan.msk.f32 $0xffff, v29;
	v24 =	vadd.f32 v26, v24  }
0xba: {  	v25 =	vunpack.i.u.bf16.f32 v48;
	v18 =	vadd.f32 v18, v23;
	(xrf2) =	vadd.scan.msk.f32 $0xffff, v21;
	v21 =	vunpack.i.l.bf16.f32 v19  }
0xbb: {  	v16 =	vunpack.i.u.bf16.f32 v16;
	(xrf2) =	vadd.scan.msk.f32 $0xffff, v14;
	v20 =	vadd.f32 v20, v25;
	v14 =	vadd.f32 v21, v24  }
0xbc: {  	v11 =	vadd.f32 v11, v15;
	v16 =	vadd.f32 v18, v16;
	v19 =	vunpack.i.u.bf16.f32 v19  }
0xbd: {  	v9 =	vunpack.i.u.bf16.f32 v9;
	v17, _, _ =	vpop (xrf2);
	v18 =	vunpack.i.l.bf16.f32 v12;
	(xrf2) =	vadd.scan.msk.f32 $0xffff, v20;
	v14 =	vadd.f32 v14, v19  }
0xbe: {  	v2 =	vunpack.i.u.bf16.f32 v2;
	v13, _, _ =	vpop (xrf2);
	v9 =	vadd.f32 v11, v9;
	v16 =	vadd.f32 v18, v16  }
0xbf: {  	v6 =	vunpack.i.l.bf16.f32 v3;
	v8 =	vadd.f32 v10, v8;
	v15, _, _ =	vpop (xrf2);
	(xrf2) =	vadd.scan.msk.f32 $0xffff, v14;
	v14 =	vunpack.i.l.bf16.f32 v5  }
0xc0: {  	v2 =	vadd.f32 v4, v2;
	v10, _, _ =	vpop (xrf2);
	v12 =	vunpack.i.u.bf16.f32 v12;
	v9 =	vadd.f32 v14, v9  }
0xc1: {  	v7 =	vld [tilespmem:s31+$0x6220];
	v6 =	vadd.f32 v6, v8;
	v11, _, _ =	vpop (xrf2);
	v12 =	vadd.f32 v16, v12;
	v5 =	vunpack.i.u.bf16.f32 v5  }
0xc2: {  	v3 =	vunpack.i.u.bf16.f32 v3;
	v8 =	vld [tilespmem:s31+$0x4E20];
	v16, _, _ =	vpop (xrf2);
	v5 =	vadd.f32 v9, v5;
	v9 =	vunpack.i.l.bf16.f32 v1  }
0xc3: {  	v3 =	vadd.f32 v6, v3;
	v6 =	vunpack.i.l.bf16.f32 v0;
	v14, _, _ =	vpop (xrf2);
	v2 =	vadd.f32 v9, v2  }
0xc4: {  	v4, _, _ =	vpop (xrf2)  }
0xc5: {  	(xrf2) =	vadd.scan.msk.f32 $0xffff, v12;
	v12, _, _ =	vpop (xrf2)  }
0xc6: {  	v3 =	vadd.f32 v6, v3;
	v1 =	vunpack.i.u.bf16.f32 v1;
	v6, _, _ =	vpop (xrf2)  }
0xc7: {  	v0 =	vunpack.i.u.bf16.f32 v0;
	v7 =	vmul.bf16 v7, v8;
	v1 =	vadd.f32 v2, v1;
	v2, _, _ =	vpop (xrf2)  }
0xc8: {  	v0 =	vadd.f32 v3, v0;
	(xrf2) =	vadd.scan.msk.f32 $0xffff, v5;
	v3 =	vbroadcast v6, $0xF;
	v2 =	vbroadcast v2, $0xF;
	_ =	sdelay $0x1  }
0xc9: {  	v5 =	vunpack.i.l.bf16.f32 v7;
	(xrf2) =	vadd.scan.msk.f32 $0xffff, v0;
	v0 =	vsel vm0, v3, v2;
	v2 =	vbroadcast v4, $0xF;
	v4, _, _ =	vpop (xrf2)  }
0xca: {  	v6 =	vbroadcast v12, $0xF;
	v1 =	vadd.f32 v5, v1;
	v4 =	vbroadcast v4, $0xF  }
0xcb: {  	v3 =	vunpack.i.u.bf16.f32 v7  }
0xcc: {  	v0 =	vsel vm1, v0, v6;
	v1 =	vadd.f32 v1, v3  }
0xcd: {  	v3 =	vbroadcast v16, $0xF;
	v0 =	vsel vm2, v0, v2;
	v2 =	vbroadcast v14, $0xF  }
0xce: {  	v0 =	vsel vm3, v0, v4;
	v4, _, _ =	vpop (xrf2)  }
0xcf: {  	(xrf2) =	vadd.scan.msk.f32 $0xffff, v1;
	v0 =	vsel vm4, v0, v2;
	v1 =	vbroadcast v4, $0xF  }
0xd0: {  	v2 =	vbroadcast v11, $0xF;
	v0 =	vsel vm5, v0, v3  }
0xd1: {  	v3, _, _ =	vpop (xrf2);
	v0 =	vsel vm6, v0, v1;
	v1 =	vbroadcast v10, $0xF  }
0xd2: {  	v0 =	vsel vm7, v0, v2;
	v2 =	vbroadcast v3, $0xF  }
0xd3: {  	v0 =	vsel vm8, v0, v1;
	v1 =	vbroadcast v15, $0xF  }
0xd4: {  	v3, _, _ =	vpop (xrf2);
	v0 =	vsel vm9, v0, v2  }
0xd5: {  	v2 =	vbroadcast v13, $0xF;
	v0 =	vsel vm10, v0, v1;
	v1 =	vbroadcast v3, $0xF;
	_ =	sdelay $0x1  }
0xd6: {  	v0 =	vsel vm11, v0, v2;
	v2 =	vbroadcast v17, $0xF  }
0xd7: {  	v0 =	vsel vm12, v0, v1  }
0xd8: {  	v0 =	vsel vm13, v0, v2;
	v1, _, _ =	vpop (xrf2)  }
0xd9: {  	v0 =	vsel vm14, v0, v1  }
0xda: {  	s24 =	simm.s32 $0x7F0;
	[tilespmem:s21+$0x0] =	vst v0  }
0xdb: {  	v0 =	vld [tilespmem:s24+$0x61E0]  }
0xdc: {  	v1 =	vld [tilespmem:s24+$0x4DE0]  }
0xdd: {  	v2 =	vld [tilespmem:s24+$0x6210]  }
0xde: {  	v3 =	vld [tilespmem:s24+$0x4E10]  }
0xdf: {  	v4 =	vld [tilespmem:s24+$0x61A0]  }
0xe0: {  	v5 =	vld [tilespmem:s24+$0x4DA0]  }
0xe1: {  	v6 =	vld [tilespmem:s24+$0x6160]  }
0xe2: {  	v7 =	vld [tilespmem:s24+$0x4D60]  }
0xe3: {  	v8 =	vld [tilespmem:s24+$0x61D0]  }
0xe4: {  	v9 =	vld [tilespmem:s24+$0x4DD0]  }
0xe5: {  	v10 =	vld [tilespmem:s24+$0x6200]  }
0xe6: {  	v11 =	vld [tilespmem:s24+$0x4E00]  }
0xe7: {  	v12 =	vld [tilespmem:s24+$0x6120]  }
0xe8: {  	v13 =	vld [tilespmem:s24+$0x4D20]  }
0xe9: {  	v14 =	vld [tilespmem:s24+$0x6190]  }
0xea: {  	v15 =	vld [tilespmem:s24+$0x4D90]  }
0xeb: {  	v16 =	vld [tilespmem:s24+$0x60E0]  }
0xec: {  	v17 =	vld [tilespmem:s24+$0x4CE0]  }
0xed: {  	v18 =	vld [tilespmem:s24+$0x6150]  }
0xee: {  	v20 =	vld [tilespmem:s24+$0x4D50]  }
0xef: {  	v21 =	vld [tilespmem:s24+$0x61C0]  }
0xf0: {  	v22 =	vld [tilespmem:s24+$0x4DC0]  }
0xf1: {  	v23 =	vld [tilespmem:s24+$0x61F0]  }
0xf2: {  	v24 =	vld [tilespmem:s24+$0x4DF0]  }
0xf3: {  	v25 =	vld [tilespmem:s24+$0x60A0]  }
0xf4: {  	v26 =	vld [tilespmem:s24+$0x4CA0]  }
0xf5: {  	v27 =	vld [tilespmem:s24+$0x6110]  }
0xf6: {  	v28 =	vld [tilespmem:s24+$0x4D10]  }
0xf7: {  	v29 =	vld [tilespmem:s24+$0x6180]  }
0xf8: {  	v30 =	vld [tilespmem:s24+$0x4D80]  }
0xf9: {  	v31 =	vld [tilespmem:s24+$0x6060]  }
0xfa: {  	v32 =	vld [tilespmem:s24+$0x4C60]  }
0xfb: {  	v33 =	vld [tilespmem:s24+$0x60D0]  }
0xfc: {  	v34 =	vld [tilespmem:s24+$0x4CD0]  }
0xfd: {  	v35 =	vld [tilespmem:s24+$0x6140]  }
0xfe: {  	v36 =	vld [tilespmem:s24+$0x4D40]  }
0xff: {  	v19 =	vld [tilespmem:s24+$0x61B0]  }
0x100: {  	v62 =	vld [tilespmem:s24+$0x4DB0]  }
0x101: {  	v38 =	vld [tilespmem:s24+$0x6020]  }
0x102: {  	v39 =	vld [tilespmem:s24+$0x4C20]  }
0x103: {  	v40 =	vld [tilespmem:s24+$0x6090]  }
0x104: {  	v41 =	vld [tilespmem:s24+$0x4C90]  }
0x105: {  	v42 =	vld [tilespmem:s24+$0x6100]  }
0x106: {  	v43 =	vld [tilespmem:s24+$0x4D00]  }
0x107: {  	v44 =	vld [tilespmem:s24+$0x6170]  }
0x108: {  	v45 =	vld [tilespmem:s24+$0x4D70]  }
0x109: {  	v46 =	vld [tilespmem:s24+$0x5FE0]  }
0x10a: {  	v47 =	vld [tilespmem:s24+$0x4BE0]  }
0x10b: {  	v48 =	vld [tilespmem:s24+$0x6050]  }
0x10c: {  	v49 =	vld [tilespmem:s24+$0x4C50]  }
0x10d: {  	v50 =	vld [tilespmem:s24+$0x60C0]  }
0x10e: {  	v52 =	vld [tilespmem:s24+$0x4CC0];
	v1 =	vmul.bf16 v0, v1;
	v6 =	vmul.bf16 v6, v7  }
0x10f: {  	v54 =	vld [tilespmem:s24+$0x6130];
	v0 =	vmul.bf16 v4, v5;
	v5 =	vmul.bf16 v12, v13  }
0x110: {  	v57 =	vld [tilespmem:s24+$0x5FA0];
	v7 =	vmul.bf16 v18, v20;
	v13 =	vmul.bf16 v21, v22  }
0x111: {  	v58 =	vld [tilespmem:s24+$0x4BA0];
	v40 =	vmul.bf16 v40, v41;
	v51 =	vunpack.i.u.bf16.f32 v1;
	v53 =	vunpack.i.l.bf16.f32 v1  }
0x112: {  	v60 =	vld [tilespmem:s24+$0x6010];
	v1 =	vmul.bf16 v2, v3;
	v55 =	vunpack.i.u.bf16.f32 v6;
	v3 =	vmul.bf16 v8, v9  }
0x113: {  	v18 =	vld [tilespmem:s24+$0x6080];
	v2 =	vmul.bf16 v10, v11;
	v56 =	vunpack.i.l.bf16.f32 v6;
	v6 =	vmul.bf16 v19, v62  }
0x114: {  	v21 =	vld [tilespmem:s24+$0x60F0];
	v19 =	vunpack.i.u.bf16.f32 v5;
	v59 =	vunpack.i.l.bf16.f32 v5;
	v12 =	vunpack.i.u.bf16.f32 v3  }
0x115: {  	v11 =	vld [tilespmem:s24+$0x4D30];
	v8 =	vunpack.i.l.bf16.f32 v3;
	v3 =	vunpack.i.l.bf16.f32 v2;
	v5 =	vunpack.i.l.bf16.f32 v6  }
0x116: {  	v48 =	vmul.bf16 v48, v49;
	[tilespmem:$0x1FFF0] =	vst v3;
	v3 =	vmul.bf16 v14, v15;
	v9 =	vadd.f32 $0.0e+00, v5;
	v15 =	vld [tilespmem:s24+$0x4C10]  }
0x117: {  	v10 =	vunpack.i.u.bf16.f32 v6;
	v14 =	vmul.bf16 v23, v24;
	v5 =	vmul.bf16 v16, v17;
	v24 =	vld [tilespmem:s24+$0x4CF0]  }
0x118: {  	v17 =	vld [tilespmem:s24+$0x4C80];
	v16 =	vunpack.i.u.bf16.f32 v7;
	v23 =	vunpack.i.l.bf16.f32 v7;
	v9 =	vadd.f32 v9, v10  }
0x119: {  	v61 =	vld [tilespmem:s24+$0x4BD0];
	v6 =	vunpack.i.l.bf16.f32 v3;
	v10 =	vunpack.i.l.bf16.f32 v13;
	v20 =	vunpack.i.l.bf16.f32 v14  }
0x11a: {  	v41 =	vld [tilespmem:s24+$0x4B20];
	v13 =	vunpack.i.u.bf16.f32 v13;
	v63 =	vmul.bf16 v54, v11;
	v7 =	vadd.f32 v10, v9  }
0x11b: {  	v54 =	vld [tilespmem:s24+$0x5F20];
	v9 =	vadd.f32 $0.0e+00, v20;
	v10 =	vmul.bf16 v25, v26;
	v26 =	vmul.bf16 v27, v28  }
0x11c: {  	v49 =	vld [tilespmem:s24+$0x4AE0];
	v14 =	vunpack.i.u.bf16.f32 v14;
	v21 =	vmul.bf16 v21, v24;
	v15 =	vmul.bf16 v60, v15  }
0x11d: {  	v25 =	vld [tilespmem:s24+$0x5F60];
	v18 =	vmul.bf16 v18, v17;
	v13 =	vadd.f32 v7, v13;
	v7 =	vadd.f32 v9, v14  }
0x11e: {  	v27 =	vld [tilespmem:s24+$0x4B60];
	v22 =	vunpack.i.u.bf16.f32 v10;
	v20 =	vunpack.i.l.bf16.f32 v10;
	v9 =	vmul.bf16 v29, v30  }
0x11f: {  	v28 =	vld [tilespmem:s24+$0x5FD0];
	v29 =	vunpack.i.u.bf16.f32 v26;
	v26 =	vunpack.i.l.bf16.f32 v26;
	v14 =	vmul.bf16 v31, v32  }
0x120: {  	v24 =	vld [tilespmem:s24+$0x5F90];
	v17 =	vunpack.i.l.bf16.f32 v15;
	v41 =	vmul.bf16 v54, v41;
	v13 =	vadd.f32 v8, v13  }
0x121: {  	v60 =	vld [tilespmem:s24+$0x5EA0];
	v8 =	vunpack.i.u.bf16.f32 v9;
	v10 =	vunpack.i.l.bf16.f32 v9;
	v9 =	vmul.bf16 v33, v34  }
0x122: {  	v31 =	vld [tilespmem:s24+$0x6040];
	v30 =	vunpack.i.u.bf16.f32 v14;
	v32 =	vunpack.i.l.bf16.f32 v14;
	v14 =	vunpack.i.l.bf16.f32 v63  }
0x123: {  	v54 =	vld [tilespmem:s24+$0x5FB0];
	v33 =	vunpack.i.u.bf16.f32 v63;
	v63 =	vunpack.i.l.bf16.f32 v21;
	v14 =	vadd.f32 $0.0e+00, v14  }
0x124: {  	v34 =	vld [tilespmem:s24+$0x4C40];
	v21 =	vunpack.i.u.bf16.f32 v21;
	v12 =	vadd.f32 v13, v12;
	v13 =	vmul.bf16 v35, v36  }
0x125: {  	v28 =	vmul.bf16 v28, v61;
	v61 =	vld [tilespmem:s24+$0x4AA0];
	v11 =	vunpack.i.l.bf16.f32 v9;
	v14 =	vadd.f32 v14, v33  }
0x126: {  	v36 =	vld [tilespmem:s24+$0x60B0];
	v12 =	vadd.f32 v53, v12;
	v62 =	vunpack.i.u.bf16.f32 v13;
	v13 =	vunpack.i.l.bf16.f32 v13  }
0x127: {  	v33 =	vunpack.i.u.bf16.f32 v40;
	v53 =	vld [tilespmem:s24+$0x4CB0];
	v13 =	vadd.f32 v13, v14;
	v14 =	vadd.f32 $0.0e+00, v63  }
0x128: {  	v63 =	vmul.bf16 v46, v47;
	v46 =	vld [tilespmem:s24+$0x6070];
	v4 =	vadd.f32 v12, v51;
	v12 =	vmul.bf16 v38, v39  }
0x129: {  	v40 =	vunpack.i.l.bf16.f32 v40;
	v47 =	vld [tilespmem:s24+$0x4C70];
	v38 =	vmul.bf16 v42, v43;
	v39 =	vmul.bf16 v44, v45  }
0x12a: {  	v42 =	vld [tilespmem:s24+$0x4B90];
	v13 =	vadd.f32 v13, v62;
	v14 =	vadd.f32 v14, v21;
	v37 =	vunpack.i.u.bf16.f32 v63  }
0x12b: {  	v45 =	vld [tilespmem:s24+$0x6000];
	v35 =	vunpack.i.u.bf16.f32 v38;
	v44 =	vunpack.i.l.bf16.f32 v39;
	v21 =	vunpack.i.u.bf16.f32 v39  }
0x12c: {  	v51 =	vld [tilespmem:s24+$0x4C00];
	v38 =	vunpack.i.l.bf16.f32 v38;
	v39 =	vunpack.i.l.bf16.f32 v63;
	v23 =	vadd.f32 v23, v13  }
0x12d: {  	v62 =	vadd.f32 $0.0e+00, v44;
	v14 =	vadd.f32 v38, v14;
	v38 =	vmul.bf16 v50, v52;
	v50 =	vld [tilespmem:s24+$0x5F50]  }
0x12e: {  	v52 =	vunpack.i.u.bf16.f32 v48;
	v44 =	vmul.bf16 v57, v58;
	v57 =	vld [tilespmem:s24+$0x5E60];
	v16 =	vadd.f32 v23, v16  }
0x12f: {  	v48 =	vunpack.i.l.bf16.f32 v48;
	v46 =	vmul.bf16 v46, v47;
	v47 =	vld [tilespmem:s24+$0x4BC0];
	v23 =	vadd.f32 v14, v35  }
0x130: {  	v58 =	vunpack.i.u.bf16.f32 v18;
	v13 =	vadd.f32 v62, v21;
	v21 =	vld [tilespmem:s24+$0x5EE0];
	v35 =	vadd.f32 v56, v16  }
0x131: {  	v14 =	vunpack.i.u.bf16.f32 v38;
	v42 =	vmul.bf16 v24, v42;
	v56 =	vld [tilespmem:s24+$0x5FC0];
	v23 =	vadd.f32 v26, v23  }
0x132: {  	v24 =	vunpack.i.u.bf16.f32 v41;
	v63 =	vunpack.i.l.bf16.f32 v46;
	v26 =	vld [tilespmem:s24+$0x6030];
	v43 =	vadd.f32 v35, v55  }
0x133: {  	v46 =	vunpack.i.u.bf16.f32 v46;
	v23 =	vadd.f32 v23, v29;
	v29 =	vld [tilespmem:s24+$0x4C30];
	v55 =	vadd.f32 $0.0e+00, v63  }
0x134: {  	v62 =	vld [tilespmem:s24+$0x4B50];
	v16 =	vunpack.i.l.bf16.f32 v38;
	v35 =	vunpack.i.l.bf16.f32 v18;
	v18 =	vmul.bf16 v25, v27  }
0x135: {  	v27 =	vmul.bf16 v36, v53;
	v36 =	vld [tilespmem:s24+$0x5F10];
	v23 =	vadd.f32 v59, v23;
	v46 =	vadd.f32 v55, v46  }
0x136: {  	v38 =	vunpack.i.u.bf16.f32 v44;
	v44 =	vunpack.i.l.bf16.f32 v44;
	v25 =	vmul.bf16 v31, v34;
	v53 =	vld [tilespmem:s24+$0x4B10]  }
0x137: {  	v63 =	vunpack.i.u.bf16.f32 v28;
	v34 =	vld [tilespmem:s24+$0x5F80];
	v23 =	vadd.f32 v23, v19;
	v19 =	vadd.f32 v35, v46  }
0x138: {  	v59 =	vld [tilespmem:s24+$0x4A60];
	v47 =	vmul.bf16 v56, v47;
	v46 =	vunpack.i.l.bf16.f32 v28;
	v26 =	vmul.bf16 v26, v29  }
0x139: {  	v55 =	vld [tilespmem:s24+$0x4BB0];
	v28 =	vunpack.i.u.bf16.f32 v25;
	v29 =	vunpack.i.l.bf16.f32 v27;
	v19 =	vadd.f32 v19, v58  }
0x13a: {  	v25 =	vunpack.i.l.bf16.f32 v25;
	v29 =	vadd.f32 $0.0e+00, v29;
	v58 =	vld [tilespmem:s24+$0x4B80];
	v31 =	vunpack.i.l.bf16.f32 v26  }
0x13b: {  	v56 =	vld [tilespmem:s24+$0x4B40];
	v27 =	vunpack.i.u.bf16.f32 v27;
	v31 =	vadd.f32 $0.0e+00, v31;
	v40 =	vadd.f32 v40, v19  }
0x13c: {  	v35 =	vld [tilespmem:s24+$0x4B70];
	v36 =	vmul.bf16 v36, v53;
	v26 =	vunpack.i.u.bf16.f32 v26;
	v19 =	vadd.f32 v29, v27  }
0x13d: {  	v27 =	vadd.f32 v31, v26;
	v29 =	vadd.f32 v40, v33;
	v26 =	vunpack.i.l.bf16.f32 v41;
	v33 =	vld [tilespmem:s24+$0x5F70]  }
0x13e: {  	v41 =	vunpack.i.u.bf16.f32 v42;
	v31 =	vmul.bf16 v45, v51;
	v42 =	vunpack.i.l.bf16.f32 v42;
	v45 =	vld [tilespmem:s24+$0x5FF0]  }
0x13f: {  	v51 =	vld [tilespmem:s24+$0x4BF0];
	v58 =	vmul.bf16 v34, v58;
	v25 =	vadd.f32 v25, v27;
	v27 =	vadd.f32 v20, v29  }
0x140: {  	v53 =	vld [tilespmem:s24+$0x4AF0];
	v29 =	vmul.bf16 v21, v49;
	v20 =	vunpack.i.u.bf16.f32 v31;
	v49 =	vmul.bf16 v54, v55  }
0x141: {  	v21 =	vunpack.i.l.bf16.f32 v31;
	v54 =	vld [tilespmem:s24+$0x5ED0];
	v25 =	vadd.f32 v25, v28;
	v31 =	vadd.f32 v27, v22  }
0x142: {  	v55 =	vld [tilespmem:s24+$0x5F40];
	v27 =	vunpack.i.u.bf16.f32 v29;
	v28 =	vunpack.i.l.bf16.f32 v29;
	v29 =	vunpack.i.l.bf16.f32 v49  }
0x143: {  	v22 =	vmul.bf16 v50, v62;
	v50 =	vld [tilespmem:s24+$0x4AD0];
	v33 =	vmul.bf16 v33, v35;
	v29 =	vadd.f32 $0.0e+00, v29  }
0x144: {  	v35 =	vunpack.i.u.bf16.f32 v49;
	v49 =	vunpack.i.u.bf16.f32 v47;
	v45 =	vmul.bf16 v45, v51;
	v51 =	vld [tilespmem:s24+$0x5EF0]  }
0x145: {  	v47 =	vunpack.i.l.bf16.f32 v47;
	v48 =	vadd.f32 v48, v25;
	v40 =	vadd.f32 v29, v35;
	v35 =	vld [tilespmem:s24+$0x4A50]  }
0x146: {  	v25 =	vunpack.i.l.bf16.f32 v22;
	v62 =	vunpack.i.l.bf16.f32 v33;
	v29 =	vmul.bf16 v57, v59;
	v59 =	vld [tilespmem:s24+$0x5F00]  }
0x147: {  	v33 =	vunpack.i.u.bf16.f32 v33;
	v48 =	vadd.f32 v48, v52;
	v52 =	vld [tilespmem:s24+$0x5E50];
	v57 =	vadd.f32 $0.0e+00, v62  }
0x148: {  	v62 =	vld [tilespmem:s24+$0x4B00];
	v40 =	vadd.f32 v47, v40;
	v47 =	vunpack.i.l.bf16.f32 v58;
	v58 =	vunpack.i.u.bf16.f32 v58  }
0x149: {  	v50 =	vmul.bf16 v54, v50;
	v54 =	vld [tilespmem:s24+$0x4B30];
	v48 =	vadd.f32 v32, v48;
	v33 =	vadd.f32 v57, v33  }
0x14a: {  	v32 =	vunpack.i.l.bf16.f32 v29;
	v57 =	vld [tilespmem:s24+$0x5EC0];
	v53 =	vmul.bf16 v51, v53;
	v40 =	vadd.f32 v40, v49  }
0x14b: {  	v49 =	vld [tilespmem:s24+$0x4AC0];
	v34 =	vadd.f32 v48, v30;
	v30 =	vmul.bf16 v60, v61;
	v33 =	vadd.f32 v47, v33  }
0x14c: {  	v60 =	vld [tilespmem:s24+$0x5F30];
	v61 =	vunpack.i.l.bf16.f32 v45;
	v45 =	vunpack.i.u.bf16.f32 v45;
	v46 =	vadd.f32 v46, v40  }
0x14d: {  	v48 =	vadd.f32 $0.0e+00, v61;
	v61 =	vld [tilespmem:s24+$0x5EB0];
	v62 =	vmul.bf16 v59, v62;
	v33 =	vadd.f32 v33, v58  }
0x14e: {  	v47 =	vunpack.i.l.bf16.f32 v36;
	v40 =	vunpack.i.u.bf16.f32 v36;
	v36 =	vmul.bf16 v55, v56;
	v55 =	vld [tilespmem:s24+$0x4AB0]  }
0x14f: {  	v46 =	vadd.f32 v46, v63;
	v51 =	vunpack.i.l.bf16.f32 v62;
	v58 =	vadd.f32 v42, v33  }
0x150: {  	(xrf2) =	vadd.scan.msk.f32 $0xffff, v4;
	v33 =	vadd.f32 v48, v45;
	v42 =	vunpack.i.u.bf16.f32 v50;
	v56 =	vmul.bf16 v57, v49  }
0x151: {  	(xrf2) =	vadd.scan.msk.f32 $0xffff, v43;
	v43 =	vld [tilespmem:s24+$0x5E70];
	v45 =	vadd.f32 v39, v46;
	v39 =	vmul.bf16 v52, v35;
	v63 =	vadd.f32 v58, v41  }
0x152: {  	v48 =	vld [tilespmem:s24+$0x5E40];
	v46 =	vunpack.i.l.bf16.f32 v50;
	v54 =	vmul.bf16 v60, v54;
	v41 =	vunpack.i.l.bf16.f32 v36  }
0x153: {  	v50 =	vld [tilespmem:s24+$0x5E30];
	v55 =	vmul.bf16 v61, v55;
	v37 =	vadd.f32 v45, v37;
	v35 =	vadd.f32 v44, v63  }
0x154: {  	v52 =	vld [tilespmem:s24+$0x4A30];
	v45 =	vunpack.i.l.bf16.f32 v39;
	v44 =	vunpack.i.u.bf16.f32 v62;
	v63 =	vunpack.i.l.bf16.f32 v53  }
0x155: {  	s26 =	simm.s32 $0x2FC0;
	s25 =	smov.u32 s21;
	v49 =	vld [tilespmem:s24+$0x4A40];
	v57 =	vadd.f32 $0.0e+00, v63;
	v35 =	vadd.f32 v35, v38;
	v38 =	vunpack.i.u.bf16.f32 v56  }
.LBB2_3:
0x156: {  	v56 =	vunpack.i.l.bf16.f32 v56;
	v53 =	vunpack.i.u.bf16.f32 v53;
	v21 =	vadd.f32 v21, v33  }
0x157: {  	v58 =	vld [tilespmem:s24+$0x4A70];
	(xrf2) =	vadd.scan.msk.f32 $0xffff, v23;
	v59 =	vunpack.i.l.bf16.f32 v54;
	v23 =	vunpack.i.l.bf16.f32 v55;
	v53 =	vadd.f32 v57, v53  }
0x158: {  	v60 =	vunpack.i.u.bf16.f32 v54;
	v63 =	vadd.f32 $0.0e+00, v59;
	v4 =	vadd.f32 $0.0e+00, v23  }
0x159: {  	v61 =	vunpack.i.u.bf16.f32 v55;
	v59 =	vld [tilespmem:s24+$0x4A80];
	v51 =	vadd.f32 v51, v53;
	v50 =	vmul.bf16 v50, v52  }
0x15a: {  	v39 =	vunpack.i.u.bf16.f32 v39;
	v52 =	vld [tilespmem:s24+$0x5E80];
	v53 =	vadd.f32 v63, v60;
	v62 =	vadd.f32 v4, v61  }
0x15b: {  	(xrf2) =	vadd.scan.msk.f32 $0xffff, v31;
	v48 =	vmul.bf16 v48, v49;
	v44 =	vadd.f32 v51, v44;
	v31 =	vunpack.i.l.bf16.f32 v50  }
0x15c: {  	v43 =	vmul.bf16 v43, v58;
	v49 =	vadd.f32 v56, v62;
	v4 =	vadd.f32 $0.0e+00, v31  }
0x15d: {  	v54 =	vld [tilespmem:s24+$0x5E90];
	v50 =	vunpack.i.u.bf16.f32 v50;
	v63 =	vunpack.i.l.bf16.f32 v48;
	v44 =	vadd.f32 v47, v44  }
0x15e: {  	v58 =	vld [tilespmem:s24+$0x4A90];
	v57 =	vunpack.i.l.bf16.f32 v43;
	v23, _, _ =	vpop (xrf2);
	(xrf2) =	vadd.scan.msk.f32 $0xffff, v34;
	v38 =	vadd.f32 v49, v38;
	v34 =	vadd.f32 v4, v50  }
0x15f: {  	v60 =	vadd.f32 $0.0e+00, v57;
	v61 =	vmul.bf16 v52, v59;
	v40 =	vadd.f32 v44, v40  }
0x160: {  	v4 =	vunpack.i.u.bf16.f32 v43;
	v38 =	vadd.f32 v46, v38;
	v62 =	vadd.f32 v63, v34  }
0x161: {  	v43 =	vadd.f32 v60, v4;
	v60 =	vadd.f32 v41, v53;
	v63 =	vunpack.i.u.bf16.f32 v48  }
0x162: {  	v31, _, _ =	vpop (xrf2);
	(xrf2) =	vadd.scan.msk.f32 $0xffff, v37;
	v51 =	vunpack.i.l.bf16.f32 v61;
	v38 =	vadd.f32 v38, v42;
	v37 =	vadd.f32 v62, v63  }
0x163: {  	v56 =	vmul.bf16 v54, v58;
	v26 =	vadd.f32 v26, v40;
	v52 =	vadd.f32 v51, v43  }
0x164: {  	v58 =	vunpack.i.u.bf16.f32 v61;
	v28 =	vadd.f32 v28, v38;
	v57 =	vadd.f32 v45, v37  }
0x165: {  	v48, _, _ =	vpop (xrf2);
	(xrf2) =	vadd.scan.msk.f32 $0xffff, v35;
	v59 =	vunpack.i.l.bf16.f32 v56;
	v26 =	vadd.f32 v26, v24;
	v37 =	vadd.f32 v52, v58  }
0x166: {  	v27 =	vadd.f32 v28, v27;
	v28 =	vunpack.i.u.bf16.f32 v36;
	v35 =	vadd.f32 v57, v39  }
0x167: {  	v29 =	vunpack.i.u.bf16.f32 v29;
	v24, _, _ =	vpop (xrf2);
	(xrf2) =	vadd.scan.msk.f32 $0xffff, v26;
	v26 =	vadd.f32 v59, v37;
	v4 =	vadd.f32 v60, v28  }
0x168: {  	v16 =	vadd.f32 v16, v19;
	v62 =	vunpack.i.u.bf16.f32 v56;
	v32 =	vadd.f32 v32, v35  }
0x169: {  	v22 =	vunpack.i.u.bf16.f32 v22;
	v26 =	vadd.f32 v26, v62;
	v25 =	vadd.f32 v25, v4  }
0x16a: {  	v61, _, _ =	vpop (xrf2);
	(xrf2) =	vadd.scan.msk.f32 $0xffff, v27;
	v4 =	vadd.f32 v21, v20;
	v27 =	vadd.f32 v32, v29;
	v29 =	vunpack.i.l.bf16.f32 v30  }
0x16b: {  	v22 =	vadd.f32 v25, v22;
	v26 =	vadd.f32 v29, v26  }
0x16c: {  	v21 =	vunpack.i.u.bf16.f32 v30;
	v17 =	vadd.f32 v17, v4;
	v4 =	vadd.f32 v16, v14  }
0x16d: {  	v10 =	vadd.f32 v10, v13;
	v19 =	vadd.f32 v26, v21;
	v21 =	vunpack.i.l.bf16.f32 v18  }
0x16e: {  	v15 =	vunpack.i.u.bf16.f32 v15;
	v28, _, _ =	vpop (xrf2);
	(xrf2) =	vadd.scan.msk.f32 $0xffff, v27;
	v11 =	vadd.f32 v11, v4;
	v4 =	vld [tilespmem:$0x1FFF0];
	v21 =	vadd.f32 v21, v22  }
0x16f: {  	v20, _, _ =	vpop (xrf2);
	v16 =	vunpack.i.u.bf16.f32 v18;
	v15 =	vadd.f32 v17, v15;
	(xrf2) =	vadd.scan.msk.f32 $0xffff, v19  }
0x170: {  	v8 =	vadd.f32 v10, v8;
	v13 =	vadd.f32 v21, v16;
	v16 =	vunpack.i.l.bf16.f32 v12  }
0x171: {  	v9 =	vunpack.i.u.bf16.f32 v9;
	v15 =	vadd.f32 v16, v15  }
0x172: {  	v10 =	vunpack.i.u.bf16.f32 v12;
	v6 =	vadd.f32 v6, v8;
	v8 =	vld [tilespmem:s24+$0x4E20];
	v14, _, _ =	vpop (xrf2);
	v9 =	vadd.f32 v11, v9;
	(xrf2) =	vadd.scan.msk.f32 $0xffff, v13  }
0x173: {  	v11 =	vunpack.i.l.bf16.f32 v5;
	v4 =	vadd.f32 v4, v7;
	v7 =	vld [tilespmem:s24+$0x6220];
	v10 =	vadd.f32 v15, v10  }
0x174: {  	v3 =	vunpack.i.u.bf16.f32 v3;
	v2 =	vunpack.i.u.bf16.f32 v2;
	v11 =	vadd.f32 v11, v9  }
0x175: {  	v3 =	vadd.f32 v6, v3;
	v5 =	vunpack.i.u.bf16.f32 v5;
	v12, _, _ =	vpop (xrf2);
	v2 =	vadd.f32 v4, v2;
	(xrf2) =	vadd.scan.msk.f32 $0xffff, v10  }
0x176: {  	v6 =	vunpack.i.l.bf16.f32 v1;
	v4 =	vadd.f32 v11, v5;
	v5 =	vunpack.i.l.bf16.f32 v0  }
0x177: {  	v3 =	vadd.f32 v5, v3;
	v6 =	vadd.f32 v6, v2  }
0x178: {  	v1 =	vunpack.i.u.bf16.f32 v1;
	v0 =	vunpack.i.u.bf16.f32 v0;
	v9, _, _ =	vpop (xrf2);
	v5 =	vmul.bf16 v7, v8;
	(xrf2) =	vadd.scan.msk.f32 $0xffff, v4  }
0x179: {  	v0 =	vadd.f32 v3, v0;
	v1 =	vadd.f32 v6, v1;
	v2, _, _ =	vpop (xrf2)  }
0x17a: {  	v3 =	vbroadcast v9, $0xF;
	v7 =	vunpack.i.l.bf16.f32 v5;
	v2 =	vbroadcast v2, $0xF  }
0x17b: {  	v6 =	vbroadcast v12, $0xF;
	v1 =	vadd.f32 v7, v1;
	(xrf2) =	vadd.scan.msk.f32 $0xffff, v0  }
0x17c: {  	v0 =	vsel vm0, v3, v2;
	v2 =	vbroadcast v14, $0xF;
	v3 =	vunpack.i.u.bf16.f32 v5;
	v4, _, _ =	vpop (xrf2)  }
0x17d: {  	v0 =	vsel vm1, v0, v6;
	v5 =	vbroadcast v4, $0xF;
	v1 =	vadd.f32 v1, v3  }
0x17e: {  	v0 =	vsel vm2, v0, v2;
	v2 =	vbroadcast v20, $0xF  }
0x17f: {  	v0 =	vsel vm3, v0, v5;
	v5 =	vbroadcast v28, $0xF;
	v4, _, _ =	vpop (xrf2);
	(xrf2) =	vadd.scan.msk.f32 $0xffff, v1  }
0x180: {  	v0 =	vsel vm4, v0, v2;
	v1 =	vbroadcast v4, $0xF  }
0x181: {  	v2 =	vbroadcast v61, $0xF;
	v0 =	vsel vm5, v0, v5  }
0x182: {  	v3, _, _ =	vpop (xrf2);
	v0 =	vsel vm6, v0, v1;
	v1 =	vbroadcast v24, $0xF  }
0x183: {  	v0 =	vsel vm7, v0, v2;
	v2 =	vbroadcast v3, $0xF  }
0x184: {  	v0 =	vsel vm8, v0, v1;
	v1 =	vbroadcast v48, $0xF  }
0x185: {  	v3, _, _ =	vpop (xrf2);
	v0 =	vsel vm9, v0, v2;
	v2 =	vbroadcast v31, $0xF  }
0x186: {  	v3 =	vbroadcast v3, $0xF;
	v0 =	vsel vm10, v0, v1  }
0x187: {  	v0 =	vsel vm11, v0, v2;
	v2 =	vbroadcast v23, $0xF  }
0x188: {  	v0 =	vsel vm12, v0, v3  }
0x189: {  	v0 =	vsel vm13, v0, v2;
	v1, _, _ =	vpop (xrf2)  }
0x18a: {  	s25 =	sadd.s32 $0x10, s25;
	v0 =	vsel vm14, v0, v1  }
0x18b: {  	s24 =	sshra.s32 s26, $0x2;
	[tilespmem:s25+$0x0] =	vst v0  }
0x18c: {  	v0 =	vld [tilespmem:s24+$0x61E0]  }
0x18d: {  	v1 =	vld [tilespmem:s24+$0x4DE0]  }
0x18e: {  	v2 =	vld [tilespmem:s24+$0x6210]  }
0x18f: {  	v3 =	vld [tilespmem:s24+$0x4E10]  }
0x190: {  	v4 =	vld [tilespmem:s24+$0x61A0]  }
0x191: {  	v5 =	vld [tilespmem:s24+$0x4DA0]  }
0x192: {  	v6 =	vld [tilespmem:s24+$0x6160]  }
0x193: {  	v7 =	vld [tilespmem:s24+$0x4D60]  }
0x194: {  	v8 =	vld [tilespmem:s24+$0x61D0]  }
0x195: {  	v9 =	vld [tilespmem:s24+$0x4DD0]  }
0x196: {  	v10 =	vld [tilespmem:s24+$0x6200]  }
0x197: {  	v11 =	vld [tilespmem:s24+$0x4E00]  }
0x198: {  	v18 =	vld [tilespmem:s24+$0x6120]  }
0x199: {  	v19 =	vld [tilespmem:s24+$0x4D20]  }
0x19a: {  	v20 =	vld [tilespmem:s24+$0x6190]  }
0x19b: {  	v22 =	vld [tilespmem:s24+$0x4D90]  }
0x19c: {  	v29 =	vld [tilespmem:s24+$0x60E0]  }
0x19d: {  	v30 =	vld [tilespmem:s24+$0x4CE0]  }
0x19e: {  	v27 =	vld [tilespmem:s24+$0x6150]  }
0x19f: {  	v28 =	vld [tilespmem:s24+$0x4D50]  }
0x1a0: {  	v63 =	vld [tilespmem:s24+$0x61C0]  }
0x1a1: {  	v60 =	vld [tilespmem:s24+$0x4DC0]  }
0x1a2: {  	v61 =	vld [tilespmem:s24+$0x61F0]  }
0x1a3: {  	v62 =	vld [tilespmem:s24+$0x4DF0]  }
0x1a4: {  	v36 =	vld [tilespmem:s24+$0x60A0]  }
0x1a5: {  	v37 =	vld [tilespmem:s24+$0x4CA0]  }
0x1a6: {  	v38 =	vld [tilespmem:s24+$0x6110]  }
0x1a7: {  	v39 =	vld [tilespmem:s24+$0x4D10]  }
0x1a8: {  	v40 =	vld [tilespmem:s24+$0x6180]  }
0x1a9: {  	v41 =	vld [tilespmem:s24+$0x4D80]  }
0x1aa: {  	v42 =	vld [tilespmem:s24+$0x6060]  }
0x1ab: {  	v43 =	vld [tilespmem:s24+$0x4C60]  }
0x1ac: {  	v44 =	vld [tilespmem:s24+$0x60D0]  }
0x1ad: {  	v45 =	vld [tilespmem:s24+$0x4CD0]  }
0x1ae: {  	v46 =	vld [tilespmem:s24+$0x6140]  }
0x1af: {  	v47 =	vld [tilespmem:s24+$0x4D40]  }
0x1b0: {  	v24 =	vld [tilespmem:s24+$0x61B0]  }
0x1b1: {  	v25 =	vld [tilespmem:s24+$0x4DB0]  }
0x1b2: {  	v12 =	vld [tilespmem:s24+$0x6020]  }
0x1b3: {  	v48 =	vld [tilespmem:s24+$0x4C20]  }
0x1b4: {  	v49 =	vld [tilespmem:s24+$0x6090]  }
0x1b5: {  	v50 =	vld [tilespmem:s24+$0x4C90]  }
0x1b6: {  	v51 =	vld [tilespmem:s24+$0x6100]  }
0x1b7: {  	v52 =	vld [tilespmem:s24+$0x4D00]  }
0x1b8: {  	v13 =	vld [tilespmem:s24+$0x5FE0]  }
0x1b9: {  	v26 =	vld [tilespmem:s24+$0x4BE0]  }
0x1ba: {  	v14 =	vld [tilespmem:s24+$0x6050]  }
0x1bb: {  	v16 =	vld [tilespmem:s24+$0x4C50]  }
0x1bc: {  	v15 =	vld [tilespmem:s24+$0x60C0]  }
0x1bd: {  	v21 =	vld [tilespmem:s24+$0x4CC0];
	v1 =	vmul.bf16 v0, v1  }
0x1be: {  	v53 =	vld [tilespmem:s24+$0x6170];
	v6 =	vmul.bf16 v6, v7;
	v0 =	vmul.bf16 v4, v5  }
0x1bf: {  	v54 =	vld [tilespmem:s24+$0x4D70];
	v5 =	vmul.bf16 v18, v19;
	v7 =	vmul.bf16 v27, v28  }
0x1c0: {  	v57 =	vld [tilespmem:s24+$0x6130];
	v49 =	vmul.bf16 v49, v50;
	v12 =	vmul.bf16 v12, v48  }
0x1c1: {  	v31 =	vld [tilespmem:s24+$0x4BA0];
	v26 =	vmul.bf16 v13, v26;
	v14 =	vmul.bf16 v14, v16  }
0x1c2: {  	v33 =	vld [tilespmem:s24+$0x4C80];
	v15 =	vmul.bf16 v15, v21;
	v55 =	vunpack.i.u.bf16.f32 v1;
	v56 =	vunpack.i.l.bf16.f32 v1  }
0x1c3: {  	v59 =	vld [tilespmem:s24+$0x60F0];
	v1 =	vmul.bf16 v2, v3;
	v17 =	vunpack.i.u.bf16.f32 v6;
	v3 =	vmul.bf16 v8, v9  }
0x1c4: {  	v27 =	vld [tilespmem:s24+$0x4C10];
	v2 =	vmul.bf16 v10, v11;
	v23 =	vunpack.i.l.bf16.f32 v6;
	v6 =	vmul.bf16 v24, v25  }
0x1c5: {  	v28 =	vld [tilespmem:s24+$0x6080];
	v19 =	vunpack.i.u.bf16.f32 v5;
	v18 =	vunpack.i.l.bf16.f32 v5;
	v34 =	vunpack.i.u.bf16.f32 v7  }
0x1c6: {  	v48 =	vld [tilespmem:s24+$0x5F90];
	v50 =	vunpack.i.u.bf16.f32 v49;
	v49 =	vunpack.i.l.bf16.f32 v49;
	v58 =	vunpack.i.u.bf16.f32 v3  }
0x1c7: {  	v4 =	vld [tilespmem:s24+$0x5FC0];
	v8 =	vunpack.i.l.bf16.f32 v3;
	v3 =	vunpack.i.l.bf16.f32 v2;
	v5 =	vunpack.i.l.bf16.f32 v6  }
0x1c8: {  	v11 =	vld [tilespmem:s24+$0x4D30];
	[tilespmem:$0x1FFF0] =	vst v3;
	v3 =	vmul.bf16 v20, v22;
	v9 =	vadd.f32 $0.0e+00, v5;
	v20 =	vmul.bf16 v63, v60  }
0x1c9: {  	v25 =	vld [tilespmem:s24+$0x5FA0];
	v10 =	vunpack.i.u.bf16.f32 v6;
	v22 =	vmul.bf16 v61, v62;
	v5 =	vmul.bf16 v29, v30  }
0x1ca: {  	v24 =	vld [tilespmem:s24+$0x6010];
	v60 =	vunpack.i.l.bf16.f32 v7;
	v30 =	vmul.bf16 v38, v39;
	v9 =	vadd.f32 v9, v10  }
0x1cb: {  	v61 =	vld [tilespmem:s24+$0x4B60];
	v63 =	vmul.bf16 v42, v43;
	v6 =	vunpack.i.l.bf16.f32 v3;
	v10 =	vunpack.i.l.bf16.f32 v20  }
0x1cc: {  	v62 =	vld [tilespmem:s24+$0x4BD0];
	v29 =	vunpack.i.l.bf16.f32 v22;
	v20 =	vunpack.i.u.bf16.f32 v20;
	v7 =	vadd.f32 v10, v9  }
0x1cd: {  	v42 =	vld [tilespmem:s24+$0x6040];
	v22 =	vunpack.i.u.bf16.f32 v22;
	v9 =	vadd.f32 $0.0e+00, v29;
	v10 =	vmul.bf16 v36, v37  }
0x1ce: {  	v38 =	vunpack.i.l.bf16.f32 v30;
	v35 =	vmul.bf16 v57, v11;
	v36 =	vld [tilespmem:s24+$0x4CF0];
	v32 =	vadd.f32 v7, v20  }
0x1cf: {  	v7 =	vadd.f32 v9, v22;
	v22 =	vunpack.i.u.bf16.f32 v10;
	v9 =	vmul.bf16 v40, v41;
	v40 =	vld [tilespmem:s24+$0x5FD0]  }
0x1d0: {  	v29 =	vld [tilespmem:s24+$0x5F60];
	v20 =	vunpack.i.l.bf16.f32 v10;
	v41 =	vunpack.i.u.bf16.f32 v30;
	v30 =	vadd.f32 v8, v32  }
0x1d1: {  	v8 =	vunpack.i.u.bf16.f32 v9;
	v10 =	vunpack.i.l.bf16.f32 v9;
	v9 =	vmul.bf16 v44, v45;
	v45 =	vld [tilespmem:s24+$0x4C40]  }
0x1d2: {  	v25 =	vmul.bf16 v25, v31;
	v57 =	vadd.f32 v30, v58;
	v58 =	vmul.bf16 v46, v47;
	v46 =	vld [tilespmem:s24+$0x60B0]  }
0x1d3: {  	v32 =	vunpack.i.l.bf16.f32 v63;
	v30 =	vunpack.i.u.bf16.f32 v63;
	v63 =	vunpack.i.l.bf16.f32 v35;
	v47 =	vld [tilespmem:s24+$0x4CB0]  }
0x1d4: {  	v36 =	vmul.bf16 v59, v36;
	v43 =	vadd.f32 $0.0e+00, v63;
	v31 =	vmul.bf16 v40, v62;
	v40 =	vld [tilespmem:s24+$0x5EA0]  }
0x1d5: {  	v37 =	vadd.f32 v56, v57;
	v44 =	vunpack.i.u.bf16.f32 v58;
	v56 =	vld [tilespmem:s24+$0x5F20];
	v57 =	vunpack.i.u.bf16.f32 v35  }
0x1d6: {  	v39 =	vunpack.i.l.bf16.f32 v58;
	v58 =	vadd.f32 v43, v57;
	v43 =	vmul.bf16 v51, v52;
	v52 =	vld [tilespmem:s24+$0x4B90]  }
0x1d7: {  	v11 =	vunpack.i.l.bf16.f32 v9;
	v59 =	vunpack.i.l.bf16.f32 v36;
	v51 =	vmul.bf16 v53, v54;
	v54 =	vld [tilespmem:s24+$0x6000]  }
0x1d8: {  	v36 =	vunpack.i.u.bf16.f32 v36;
	v57 =	vld [tilespmem:s24+$0x6070];
	v35 =	vadd.f32 v37, v55;
	v37 =	vadd.f32 v39, v58  }
0x1d9: {  	v39 =	vadd.f32 $0.0e+00, v59;
	v53 =	vunpack.i.u.bf16.f32 v43;
	v63 =	vunpack.i.l.bf16.f32 v51;
	v58 =	vld [tilespmem:s24+$0x4C00]  }
0x1da: {  	v55 =	vld [tilespmem:s24+$0x4B20];
	v13 =	vunpack.i.u.bf16.f32 v51;
	v37 =	vadd.f32 v37, v44;
	v44 =	vadd.f32 $0.0e+00, v63  }
0x1db: {  	v51 =	vld [tilespmem:s24+$0x4C70];
	v36 =	vadd.f32 v39, v36;
	v63 =	vunpack.i.l.bf16.f32 v43;
	v39 =	vunpack.i.l.bf16.f32 v26  }
0x1dc: {  	v59 =	vld [tilespmem:s24+$0x5EE0];
	v48 =	vmul.bf16 v48, v52;
	v60 =	vadd.f32 v60, v37;
	v13 =	vadd.f32 v44, v13  }
0x1dd: {  	v52 =	vld [tilespmem:s24+$0x4BB0];
	v37 =	vunpack.i.u.bf16.f32 v26;
	v16 =	vadd.f32 v63, v36;
	v63 =	vunpack.i.l.bf16.f32 v14  }
0x1de: {  	v36 =	vld [tilespmem:s24+$0x4AE0];
	v44 =	vunpack.i.l.bf16.f32 v25;
	v62 =	vmul.bf16 v54, v58;
	v21 =	vadd.f32 v60, v34  }
0x1df: {  	v54 =	vld [tilespmem:s24+$0x4B70];
	v60 =	vunpack.i.u.bf16.f32 v14;
	v26 =	vadd.f32 v16, v53;
	v14 =	vunpack.i.u.bf16.f32 v15  }
0x1e0: {  	v58 =	vld [tilespmem:s24+$0x5ED0];
	v16 =	vunpack.i.l.bf16.f32 v15;
	v21 =	vadd.f32 v23, v21;
	v23 =	vmul.bf16 v57, v51  }
0x1e1: {  	v34 =	vld [tilespmem:s24+$0x5F50];
	v15 =	vmul.bf16 v24, v27;
	v27 =	vmul.bf16 v28, v33;
	v26 =	vadd.f32 v38, v26  }
0x1e2: {  	v38 =	vunpack.i.u.bf16.f32 v25;
	v25 =	vld [tilespmem:s24+$0x4C30];
	v43 =	vadd.f32 v21, v17;
	v24 =	vunpack.i.l.bf16.f32 v23  }
0x1e3: {  	v28 =	vunpack.i.u.bf16.f32 v27;
	v21 =	vld [tilespmem:s24+$0x6030];
	v26 =	vadd.f32 v26, v41;
	v24 =	vadd.f32 $0.0e+00, v24  }
0x1e4: {  	v53 =	vld [tilespmem:s24+$0x4B50];
	v27 =	vunpack.i.l.bf16.f32 v27;
	v36 =	vmul.bf16 v59, v36;
	v23 =	vunpack.i.u.bf16.f32 v23  }
0x1e5: {  	v33 =	vld [tilespmem:s24+$0x5E60];
	v17 =	vunpack.i.l.bf16.f32 v15;
	v26 =	vadd.f32 v18, v26;
	v24 =	vadd.f32 v24, v23  }
0x1e6: {  	v51 =	vld [tilespmem:s24+$0x4BC0];
	v18 =	vmul.bf16 v29, v61;
	v29 =	vmul.bf16 v42, v45;
	v45 =	vunpack.i.u.bf16.f32 v31  }
0x1e7: {  	v57 =	vld [tilespmem:s24+$0x4B10];
	v23 =	vadd.f32 v26, v19;
	v19 =	vadd.f32 v27, v24;
	v24 =	vmul.bf16 v46, v47  }
0x1e8: {  	v61 =	vld [tilespmem:s24+$0x5F80];
	v47 =	vunpack.i.l.bf16.f32 v31;
	v21 =	vmul.bf16 v21, v25;
	v25 =	vunpack.i.u.bf16.f32 v29  }
0x1e9: {  	v27 =	vunpack.i.l.bf16.f32 v29;
	v29 =	vmul.bf16 v56, v55;
	v55 =	vld [tilespmem:s24+$0x4B80];
	v26 =	vunpack.i.l.bf16.f32 v24  }
0x1ea: {  	v31 =	vld [tilespmem:s24+$0x5FB0];
	v19 =	vadd.f32 v19, v28;
	v28 =	vunpack.i.l.bf16.f32 v21;
	v26 =	vadd.f32 $0.0e+00, v26  }
0x1eb: {  	v59 =	vld [tilespmem:s24+$0x4B40];
	v4 =	vmul.bf16 v4, v51;
	v24 =	vunpack.i.u.bf16.f32 v24;
	v28 =	vadd.f32 $0.0e+00, v28  }
0x1ec: {  	v41 =	vld [tilespmem:s24+$0x4A60];
	v21 =	vunpack.i.u.bf16.f32 v21;
	v49 =	vadd.f32 v49, v19;
	v19 =	vadd.f32 v26, v24  }
0x1ed: {  	v42 =	vld [tilespmem:s24+$0x4AA0];
	v24 =	vunpack.i.u.bf16.f32 v29;
	v21 =	vadd.f32 v28, v21;
	v26 =	vunpack.i.l.bf16.f32 v29  }
0x1ee: {  	v29 =	vld [tilespmem:s24+$0x5F70];
	v55 =	vmul.bf16 v61, v55;
	v28 =	vadd.f32 v49, v50;
	v49 =	vunpack.i.u.bf16.f32 v48  }
0x1ef: {  	v46 =	vld [tilespmem:s24+$0x5F10];
	v48 =	vunpack.i.l.bf16.f32 v48;
	v50 =	vmul.bf16 v31, v52;
	v27 =	vadd.f32 v27, v21  }
0x1f0: {  	v56 =	vld [tilespmem:s24+$0x5FF0];
	v21 =	vunpack.i.l.bf16.f32 v62;
	v28 =	vadd.f32 v20, v28;
	v20 =	vunpack.i.u.bf16.f32 v62  }
0x1f1: {  	v61 =	vld [tilespmem:s24+$0x4B00];
	v62 =	vunpack.i.l.bf16.f32 v50;
	v25 =	vadd.f32 v27, v25;
	v27 =	vunpack.i.u.bf16.f32 v36  }
0x1f2: {  	v52 =	vld [tilespmem:s24+$0x4BF0];
	v31 =	vadd.f32 v28, v22;
	v28 =	vunpack.i.l.bf16.f32 v36;
	v22 =	vmul.bf16 v34, v53  }
0x1f3: {  	v36 =	vld [tilespmem:s24+$0x4AD0];
	v54 =	vmul.bf16 v29, v54;
	v29 =	vadd.f32 $0.0e+00, v62;
	v63 =	vadd.f32 v63, v25  }
0x1f4: {  	v53 =	vld [tilespmem:s24+$0x5F40];
	v34 =	vunpack.i.u.bf16.f32 v50;
	v50 =	vunpack.i.u.bf16.f32 v4;
	v4 =	vunpack.i.l.bf16.f32 v4  }
0x1f5: {  	v62 =	vunpack.i.l.bf16.f32 v54;
	v34 =	vadd.f32 v29, v34;
	v51 =	vadd.f32 v63, v60;
	v60 =	vld [tilespmem:s24+$0x5E50]  }
0x1f6: {  	v25 =	vunpack.i.l.bf16.f32 v22;
	v29 =	vmul.bf16 v33, v41;
	v63 =	vld [tilespmem:s24+$0x4A50];
	v33 =	vadd.f32 $0.0e+00, v62  }
0x1f7: {  	v54 =	vunpack.i.u.bf16.f32 v54;
	v4 =	vadd.f32 v4, v34;
	v41 =	vadd.f32 v32, v51;
	v51 =	vld [tilespmem:s24+$0x5F00]  }
0x1f8: {  	v62 =	vunpack.i.l.bf16.f32 v55;
	v32 =	vunpack.i.l.bf16.f32 v29;
	v33 =	vadd.f32 v33, v54;
	v54 =	vld [tilespmem:s24+$0x5EC0]  }
0x1f9: {  	v4 =	vadd.f32 v4, v50;
	v50 =	vmul.bf16 v56, v52;
	v56 =	vld [tilespmem:s24+$0x4AC0];
	v34 =	vadd.f32 v41, v30  }
0x1fa: {  	v52 =	vld [tilespmem:s24+$0x5EF0];
	v30 =	vmul.bf16 v40, v42;
	v42 =	vmul.bf16 v46, v57;
	v33 =	vadd.f32 v62, v33  }
0x1fb: {  	v57 =	vld [tilespmem:s24+$0x5F30];
	v41 =	vunpack.i.u.bf16.f32 v55;
	v46 =	vmul.bf16 v58, v36;
	v36 =	vmul.bf16 v53, v59  }
0x1fc: {  	v55 =	vld [tilespmem:s24+$0x4AF0];
	v4 =	vadd.f32 v47, v4;
	v62 =	vunpack.i.l.bf16.f32 v50;
	v40 =	vunpack.i.u.bf16.f32 v42  }
0x1fd: {  	v58 =	vld [tilespmem:s24+$0x4B30];
	v33 =	vadd.f32 v33, v41;
	v41 =	vadd.f32 $0.0e+00, v62;
	v62 =	vunpack.i.u.bf16.f32 v50  }
0x1fe: {  	v47 =	vunpack.i.l.bf16.f32 v42;
	v42 =	vunpack.i.u.bf16.f32 v46;
	v4 =	vadd.f32 v4, v45  }
0x1ff: {  	v59 =	vld [tilespmem:s24+$0x4AB0];
	v46 =	vunpack.i.l.bf16.f32 v46;
	v50 =	vadd.f32 v48, v33;
	v33 =	vadd.f32 v41, v62  }
0x200: {  	p1 =	sne.s32 s26, $0x4FC0;
	(xrf2) =	vadd.scan.msk.f32 $0xffff, v35;
	v62 =	vld [tilespmem:s24+$0x5EB0];
	v41 =	vunpack.i.l.bf16.f32 v36;
	v56 =	vmul.bf16 v54, v56;
	v4 =	vadd.f32 v39, v4  }
.Ltmp0:
0x201: {  	(xrf2) =	vadd.scan.msk.f32 $0xffff, v43;
	v43 =	vld [tilespmem:s24+$0x5E70];
	v39 =	vmul.bf16 v60, v63;
	v53 =	vmul.bf16 v52, v55;
	v49 =	vadd.f32 v50, v49;
	(pc) =	sbr.rel @p1 .LBB2_3-.Ltmp0, $4  }
0x202: {  	v48 =	vld [tilespmem:s24+$0x5E40];
	v63 =	vmul.bf16 v51, v61;
	v54 =	vmul.bf16 v57, v58;
	v37 =	vadd.f32 v4, v37  }
0x203: {  	v52 =	vld [tilespmem:s24+$0x4A30];
	v45 =	vunpack.i.l.bf16.f32 v39;
	v60 =	vunpack.i.l.bf16.f32 v53;
	v4 =	vadd.f32 v44, v49  }
0x204: {  	v50 =	vld [tilespmem:s24+$0x5E30];
	v51 =	vunpack.i.l.bf16.f32 v63;
	v44 =	vunpack.i.u.bf16.f32 v63;
	v57 =	vadd.f32 $0.0e+00, v60  }
0x205: {  	s26 =	sadd.s32 $0x1000, s26;
	v49 =	vld [tilespmem:s24+$0x4A40];
	v55 =	vmul.bf16 v62, v59;
	v35 =	vadd.f32 v4, v38;
	v38 =	vunpack.i.u.bf16.f32 v56  }
0x206: {  	v56 =	vunpack.i.l.bf16.f32 v56;
	v53 =	vunpack.i.u.bf16.f32 v53;
	v58 =	vunpack.i.l.bf16.f32 v54  }
0x207: {  	v4 =	vld [tilespmem:s24+$0x4A70];
	v63 =	vunpack.i.u.bf16.f32 v54;
	v21 =	vadd.f32 v21, v33;
	v16 =	vadd.f32 v16, v19  }
0x208: {  	v10 =	vadd.f32 v10, v13;
	v59 =	vunpack.i.l.bf16.f32 v55;
	v53 =	vadd.f32 v57, v53  }
0x209: {  	v61 =	vadd.f32 $0.0e+00, v58;
	v60 =	vunpack.i.u.bf16.f32 v55;
	v62 =	vadd.f32 $0.0e+00, v59  }
0x20a: {  	v59 =	vld [tilespmem:s24+$0x4A80];
	v20 =	vadd.f32 v21, v20;
	v14 =	vadd.f32 v16, v14;
	v50 =	vmul.bf16 v50, v52  }
0x20b: {  	v52 =	vld [tilespmem:s24+$0x5E80];
	v51 =	vadd.f32 v51, v53;
	v53 =	vadd.f32 v61, v63;
	v48 =	vmul.bf16 v48, v49  }
0x20c: {  	v62 =	vadd.f32 v62, v60;
	v61 =	vunpack.i.l.bf16.f32 v50;
	v4 =	vmul.bf16 v43, v4  }
0x20d: {  	v63 =	vadd.f32 v51, v44;
	v57 =	vunpack.i.u.bf16.f32 v50;
	v54 =	vadd.f32 $0.0e+00, v61  }
0x20e: {  	v60 =	vld [tilespmem:s24+$0x5E90];
	v58 =	vunpack.i.l.bf16.f32 v48;
	v49 =	vadd.f32 v56, v62;
	v61 =	vunpack.i.l.bf16.f32 v4  }
0x20f: {  	v62 =	vld [tilespmem:s24+$0x4A90];
	v43 =	vadd.f32 v47, v63;
	v4 =	vunpack.i.u.bf16.f32 v4;
	v63 =	vadd.f32 $0.0e+00, v61  }
0x210: {  	v44 =	vadd.f32 v54, v57;
	v52 =	vmul.bf16 v52, v59;
	v38 =	vadd.f32 v49, v38  }
0x211: {  	v54 =	vunpack.i.u.bf16.f32 v48;
	v61 =	vadd.f32 v41, v53;
	v4 =	vadd.f32 v63, v4  }
0x212: {  	v40 =	vadd.f32 v43, v40;
	v38 =	vadd.f32 v46, v38;
	v56 =	vunpack.i.l.bf16.f32 v52  }
0x213: {  	v44 =	vadd.f32 v58, v44;
	v59 =	vunpack.i.u.bf16.f32 v52;
	v4 =	vadd.f32 v56, v4  }
0x214: {  	v26 =	vadd.f32 v26, v40;
	v57 =	vmul.bf16 v60, v62;
	v38 =	vadd.f32 v38, v42  }
0x215: {  	v43 =	vadd.f32 v44, v54;
	v4 =	vadd.f32 v4, v59  }
0x216: {  	v24 =	vadd.f32 v26, v24;
	v60 =	vunpack.i.l.bf16.f32 v57;
	v28 =	vadd.f32 v28, v38  }
0x217: {  	v29 =	vunpack.i.u.bf16.f32 v29;
	v58 =	vadd.f32 v45, v43;
	v4 =	vadd.f32 v60, v4  }
0x218: {  	(xrf2) =	vadd.scan.msk.f32 $0xffff, v23;
	v23 =	vadd.f32 v28, v27;
	v27 =	vunpack.i.u.bf16.f32 v36;
	v28 =	vunpack.i.u.bf16.f32 v57  }
0x219: {  	(xrf2) =	vadd.scan.msk.f32 $0xffff, v31;
	v26 =	vunpack.i.u.bf16.f32 v39;
	v27 =	vadd.f32 v61, v27;
	v4 =	vadd.f32 v4, v28  }
0x21a: {  	v17 =	vadd.f32 v17, v20;
	v26 =	vadd.f32 v58, v26;
	v28 =	vunpack.i.l.bf16.f32 v30  }
0x21b: {  	v22 =	vunpack.i.u.bf16.f32 v22;
	(xrf2) =	vadd.scan.msk.f32 $0xffff, v34;
	v25 =	vadd.f32 v25, v27;
	v4 =	vadd.f32 v28, v4  }
0x21c: {  	v21 =	vunpack.i.u.bf16.f32 v30;
	(xrf2) =	vadd.scan.msk.f32 $0xffff, v37;
	v11 =	vadd.f32 v11, v14;
	v26 =	vadd.f32 v32, v26  }
0x21d: {  	v9 =	vunpack.i.u.bf16.f32 v9;
	(xrf2) =	vadd.scan.msk.f32 $0xffff, v35;
	v22 =	vadd.f32 v25, v22;
	v4 =	vadd.f32 v4, v21  }
0x21e: {  	v19 =	vunpack.i.l.bf16.f32 v18;
	v9 =	vadd.f32 v11, v9;
	v11 =	vld [tilespmem:$0x1FFF0];
	(xrf2) =	vadd.scan.msk.f32 $0xffff, v24;
	v26 =	vadd.f32 v26, v29  }
0x21f: {  	v15 =	vunpack.i.u.bf16.f32 v15;
	(xrf2) =	vadd.scan.msk.f32 $0xffff, v23;
	v19 =	vadd.f32 v19, v22  }
0x220: {  	v18 =	vunpack.i.u.bf16.f32 v18;
	v8 =	vadd.f32 v10, v8;
	v16, _, _ =	vpop (xrf2);
	v15 =	vadd.f32 v17, v15;
	(xrf2) =	vadd.scan.msk.f32 $0xffff, v26  }
0x221: {  	v17 =	vunpack.i.l.bf16.f32 v12;
	(xrf2) =	vadd.scan.msk.f32 $0xffff, v4;
	v13 =	vadd.f32 v19, v18;
	v4, _, _ =	vpop (xrf2)  }
0x222: {  	v6 =	vadd.f32 v6, v8;
	v8 =	vld [tilespmem:s24+$0x4E20];
	v15 =	vadd.f32 v17, v15;
	v14, _, _ =	vpop (xrf2)  }
0x223: {  	v12 =	vunpack.i.u.bf16.f32 v12;
	v7 =	vadd.f32 v11, v7;
	v11 =	vld [tilespmem:s24+$0x6220];
	v10, _, _ =	vpop (xrf2);
	(xrf2) =	vadd.scan.msk.f32 $0xffff, v13  }
0x224: {  	v12 =	vadd.f32 v15, v12;
	v15 =	vunpack.i.l.bf16.f32 v5  }
0x225: {  	v2 =	vunpack.i.u.bf16.f32 v2;
	v9 =	vadd.f32 v15, v9  }
0x226: {  	v3 =	vunpack.i.u.bf16.f32 v3;
	v5 =	vunpack.i.u.bf16.f32 v5;
	v2 =	vadd.f32 v7, v2;
	v13, _, _ =	vpop (xrf2)  }
0x227: {  	v3 =	vadd.f32 v6, v3;
	v5 =	vadd.f32 v9, v5;
	v9 =	vunpack.i.l.bf16.f32 v1;
	v17, _, _ =	vpop (xrf2)  }
0x228: {  	v7 =	vunpack.i.l.bf16.f32 v0;
	v2 =	vadd.f32 v9, v2;
	v8 =	vmul.bf16 v11, v8;
	v15, _, _ =	vpop (xrf2);
	(xrf2) =	vadd.scan.msk.f32 $0xffff, v12  }
0x229: {  	v6, _, _ =	vpop (xrf2)  }
0x22a: {  	v1 =	vunpack.i.u.bf16.f32 v1;
	v3 =	vadd.f32 v7, v3;
	(xrf2) =	vadd.scan.msk.f32 $0xffff, v5;
	v5 =	vunpack.i.l.bf16.f32 v8;
	v12, _, _ =	vpop (xrf2)  }
0x22b: {  	v0 =	vunpack.i.u.bf16.f32 v0;
	v1 =	vadd.f32 v2, v1;
	v7, _, _ =	vpop (xrf2)  }
0x22c: {  	v0 =	vadd.f32 v3, v0;
	v2, _, _ =	vpop (xrf2)  }
0x22d: {  	v1 =	vadd.f32 v5, v1;
	v3 =	vbroadcast v7, $0xF;
	v2 =	vbroadcast v2, $0xF;
	v5, _, _ =	vpop (xrf2)  }
0x22e: {  	(xrf2) =	vadd.scan.msk.f32 $0xffff, v0;
	v7 =	vbroadcast v12, $0xF;
	v5 =	vbroadcast v5, $0xF  }
0x22f: {  	v0 =	vsel vm0, v3, v2;
	v2 =	vbroadcast v6, $0xF;
	v3 =	vunpack.i.u.bf16.f32 v8  }
0x230: {  	v0 =	vsel vm1, v0, v7;
	v1 =	vadd.f32 v1, v3  }
0x231: {  	v3 =	vbroadcast v17, $0xF;
	v0 =	vsel vm2, v0, v2;
	v2 =	vbroadcast v15, $0xF  }
0x232: {  	v0 =	vsel vm3, v0, v5;
	v5, _, _ =	vpop (xrf2)  }
0x233: {  	(xrf2) =	vadd.scan.msk.f32 $0xffff, v1;
	v0 =	vsel vm4, v0, v2;
	v1 =	vbroadcast v5, $0xF  }
0x234: {  	v2 =	vbroadcast v13, $0xF;
	v0 =	vsel vm5, v0, v3  }
0x235: {  	v3, _, _ =	vpop (xrf2);
	v0 =	vsel vm6, v0, v1;
	v1 =	vbroadcast v10, $0xF  }
0x236: {  	v0 =	vsel vm7, v0, v2;
	v2 =	vbroadcast v3, $0xF  }
0x237: {  	v0 =	vsel vm8, v0, v1;
	v1 =	vbroadcast v14, $0xF  }
0x238: {  	v3, _, _ =	vpop (xrf2);
	v0 =	vsel vm9, v0, v2  }
0x239: {  	v2 =	vbroadcast v4, $0xF;
	v0 =	vsel vm10, v0, v1;
	v1 =	vbroadcast v3, $0xF;
	_ =	sdelay $0x1  }
0x23a: {  	v0 =	vsel vm11, v0, v2;
	v2 =	vbroadcast v16, $0xF  }
0x23b: {  	v0 =	vsel vm12, v0, v1  }
0x23c: {  	v0 =	vsel vm13, v0, v2;
	v1, _, _ =	vpop (xrf2)  }
0x23d: {  	s28 =	sadd.s32 $0x10, s25;
	v0 =	vsel vm14, v0, v1  }
0x23e: {  	s29 =	sadd.s32 $0xA0, s23;
	[tilespmem:s28+$0x0] =	vst v0  }
0x23f: {  	[tilespmem:s12], [sflag:$0x1] =	stream.indirect.gather [spmem:s1], $0x40, s29, s11, $0xb8;
	[tilespmem:$0x16170] =	vst v63  }
0x240: {  	s30 =	sadd.s32 $0x27B0, s23  }
0x241: {  	[tilespmem:s13], [sflag:$0x1] =	stream.indirect.gather [spmem:s1], $0x40, s30, s11, $0xb8;
	[tilespmem:$0x16170] =	vst v63  }
0x242: {  	_ =	swait.ge [sflag:s17], $0x1400  }
0x243: {  	[sflag:s17] =	ssyncset.done $0x0  }
0x244: {  	[sflag:s17] =	ssyncadd.s32 $0xFFFFEC00  }
0x245: {  	_ =	swait.ge [sflag:s17], $0x1400  }
0x246: {  	[sflag:s17] =	ssyncset.done $0x0  }
0x247: {  	s31 =	simm.s32 $0x3F0;
	[sflag:s17] =	ssyncadd.s32 $0xFFFFEC00  }
0x248: {  	v0 =	vld [tilespmem:s31+$0x89E0]  }
0x249: {  	v1 =	vld [tilespmem:s31+$0x75E0]  }
0x24a: {  	v2 =	vld [tilespmem:s31+$0x8A10]  }
0x24b: {  	v3 =	vld [tilespmem:s31+$0x7610]  }
0x24c: {  	v4 =	vld [tilespmem:s31+$0x89A0]  }
0x24d: {  	v5 =	vld [tilespmem:s31+$0x75A0]  }
0x24e: {  	v6 =	vld [tilespmem:s31+$0x8960]  }
0x24f: {  	v7 =	vld [tilespmem:s31+$0x7560]  }
0x250: {  	v8 =	vld [tilespmem:s31+$0x89D0]  }
0x251: {  	v9 =	vld [tilespmem:s31+$0x75D0]  }
0x252: {  	v10 =	vld [tilespmem:s31+$0x8A00]  }
0x253: {  	v11 =	vld [tilespmem:s31+$0x7600]  }
0x254: {  	v12 =	vld [tilespmem:s31+$0x8920]  }
0x255: {  	v13 =	vld [tilespmem:s31+$0x7520]  }
0x256: {  	v14 =	vld [tilespmem:s31+$0x8990]  }
0x257: {  	v15 =	vld [tilespmem:s31+$0x7590]  }
0x258: {  	v16 =	vld [tilespmem:s31+$0x88E0]  }
0x259: {  	v17 =	vld [tilespmem:s31+$0x74E0]  }
0x25a: {  	v18 =	vld [tilespmem:s31+$0x8950]  }
0x25b: {  	v19 =	vld [tilespmem:s31+$0x7550]  }
0x25c: {  	v20 =	vld [tilespmem:s31+$0x89C0]  }
0x25d: {  	v22 =	vld [tilespmem:s31+$0x75C0]  }
0x25e: {  	v23 =	vld [tilespmem:s31+$0x89F0]  }
0x25f: {  	v24 =	vld [tilespmem:s31+$0x75F0]  }
0x260: {  	v25 =	vld [tilespmem:s31+$0x88A0]  }
0x261: {  	v26 =	vld [tilespmem:s31+$0x74A0]  }
0x262: {  	v27 =	vld [tilespmem:s31+$0x8910]  }
0x263: {  	v28 =	vld [tilespmem:s31+$0x7510]  }
0x264: {  	v29 =	vld [tilespmem:s31+$0x8980]  }
0x265: {  	v30 =	vld [tilespmem:s31+$0x7580]  }
0x266: {  	v31 =	vld [tilespmem:s31+$0x8860]  }
0x267: {  	v32 =	vld [tilespmem:s31+$0x7460]  }
0x268: {  	v33 =	vld [tilespmem:s31+$0x88D0]  }
0x269: {  	v34 =	vld [tilespmem:s31+$0x74D0]  }
0x26a: {  	v35 =	vld [tilespmem:s31+$0x8940]  }
0x26b: {  	v36 =	vld [tilespmem:s31+$0x7540]  }
0x26c: {  	v21 =	vld [tilespmem:s31+$0x89B0]  }
0x26d: {  	v62 =	vld [tilespmem:s31+$0x75B0]  }
0x26e: {  	v38 =	vld [tilespmem:s31+$0x8820]  }
0x26f: {  	v39 =	vld [tilespmem:s31+$0x7420]  }
0x270: {  	v40 =	vld [tilespmem:s31+$0x8890]  }
0x271: {  	v41 =	vld [tilespmem:s31+$0x7490]  }
0x272: {  	v42 =	vld [tilespmem:s31+$0x8900]  }
0x273: {  	v43 =	vld [tilespmem:s31+$0x7500]  }
0x274: {  	v44 =	vld [tilespmem:s31+$0x8970]  }
0x275: {  	v45 =	vld [tilespmem:s31+$0x7570]  }
0x276: {  	v46 =	vld [tilespmem:s31+$0x87E0]  }
0x277: {  	v37 =	vld [tilespmem:s31+$0x87A0]  }
0x278: {  	v57 =	vld [tilespmem:s31+$0x73A0]  }
0x279: {  	v47 =	vld [tilespmem:s31+$0x73E0];
	v1 =	vmul.bf16 v0, v1  }
0x27a: {  	v48 =	vld [tilespmem:s31+$0x8850];
	v6 =	vmul.bf16 v6, v7;
	v0 =	vmul.bf16 v4, v5  }
0x27b: {  	v49 =	vld [tilespmem:s31+$0x7450];
	v5 =	vmul.bf16 v12, v13;
	v7 =	vmul.bf16 v18, v19  }
0x27c: {  	v50 =	vld [tilespmem:s31+$0x88C0];
	v13 =	vmul.bf16 v20, v22;
	v40 =	vmul.bf16 v40, v41  }
0x27d: {  	v52 =	vld [tilespmem:s31+$0x74C0];
	v37 =	vmul.bf16 v37, v57;
	v51 =	vunpack.i.u.bf16.f32 v1;
	v53 =	vunpack.i.l.bf16.f32 v1  }
0x27e: {  	v54 =	vld [tilespmem:s31+$0x8930];
	v1 =	vmul.bf16 v2, v3;
	v55 =	vunpack.i.u.bf16.f32 v6;
	v3 =	vmul.bf16 v8, v9  }
0x27f: {  	v19 =	vld [tilespmem:s31+$0x8880];
	v2 =	vmul.bf16 v10, v11;
	v56 =	vunpack.i.l.bf16.f32 v6;
	v6 =	vmul.bf16 v21, v62  }
0x280: {  	v22 =	vld [tilespmem:s31+$0x7480];
	v21 =	vunpack.i.u.bf16.f32 v5;
	v58 =	vunpack.i.l.bf16.f32 v5;
	v20 =	vunpack.i.l.bf16.f32 v7  }
0x281: {  	v59 =	vld [tilespmem:s31+$0x8810];
	v12 =	vunpack.i.u.bf16.f32 v3;
	v8 =	vunpack.i.l.bf16.f32 v3;
	v5 =	vunpack.i.l.bf16.f32 v6  }
0x282: {  	v60 =	vld [tilespmem:s31+$0x7360];
	v4 =	vunpack.i.l.bf16.f32 v2;
	v3 =	vmul.bf16 v14, v15;
	v9 =	vadd.f32 $0.0e+00, v5  }
0x283: {  	v11 =	vld [tilespmem:s31+$0x7530];
	v10 =	vunpack.i.u.bf16.f32 v6;
	v14 =	vmul.bf16 v23, v24;
	v15 =	vunpack.i.u.bf16.f32 v7  }
0x284: {  	v18 =	vld [tilespmem:s31+$0x7410];
	v24 =	vmul.bf16 v27, v28;
	v5 =	vmul.bf16 v16, v17;
	v9 =	vadd.f32 v9, v10  }
0x285: {  	v41 =	vld [tilespmem:s31+$0x7320];
	v19 =	vmul.bf16 v19, v22;
	v16 =	vunpack.i.l.bf16.f32 v14;
	v10 =	vunpack.i.l.bf16.f32 v13  }
0x286: {  	v57 =	vld [tilespmem:s31+$0x8660];
	v14 =	vunpack.i.u.bf16.f32 v14;
	v7 =	vadd.f32 v10, v9;
	v9 =	vadd.f32 $0.0e+00, v16  }
0x287: {  	v62 =	vld [tilespmem:s31+$0x73D0];
	v61 =	vunpack.i.u.bf16.f32 v24;
	v13 =	vunpack.i.u.bf16.f32 v13;
	v10 =	vmul.bf16 v25, v26  }
0x288: {  	v17 =	vld [tilespmem:s31+$0x88F0];
	v26 =	vmul.bf16 v54, v11;
	v13 =	vadd.f32 v7, v13;
	v7 =	vadd.f32 v9, v14  }
0x289: {  	v16 =	vld [tilespmem:s31+$0x74F0];
	v27 =	vunpack.i.u.bf16.f32 v10;
	v23 =	vunpack.i.l.bf16.f32 v10;
	v9 =	vmul.bf16 v29, v30  }
0x28a: {  	v25 =	vld [tilespmem:s31+$0x8760];
	v30 =	vunpack.i.l.bf16.f32 v24;
	v14 =	vmul.bf16 v31, v32;
	v13 =	vadd.f32 v8, v13  }
0x28b: {  	v29 =	vld [tilespmem:s31+$0x87D0];
	v8 =	vunpack.i.u.bf16.f32 v9;
	v10 =	vunpack.i.l.bf16.f32 v9;
	v9 =	vmul.bf16 v33, v34  }
0x28c: {  	v31 =	vld [tilespmem:s31+$0x8840];
	v24 =	vunpack.i.u.bf16.f32 v14;
	v28 =	vunpack.i.l.bf16.f32 v14;
	v14 =	vunpack.i.l.bf16.f32 v26  }
0x28d: {  	v32 =	vld [tilespmem:s31+$0x7440];
	v26 =	vunpack.i.u.bf16.f32 v26;
	v33 =	vmul.bf16 v44, v45;
	v4 =	vadd.f32 v4, v7  }
0x28e: {  	v34 =	vld [tilespmem:s31+$0x88B0];
	v63 =	vadd.f32 $0.0e+00, v14;
	v16 =	vmul.bf16 v17, v16;
	v12 =	vadd.f32 v13, v12  }
0x28f: {  	v44 =	vld [tilespmem:s31+$0x8800];
	v13 =	vmul.bf16 v35, v36;
	v11 =	vunpack.i.l.bf16.f32 v9;
	v45 =	vunpack.i.l.bf16.f32 v33  }
0x290: {  	v35 =	vld [tilespmem:s31+$0x74B0];
	v17 =	vadd.f32 v63, v26;
	v26 =	vmul.bf16 v42, v43;
	v54 =	vunpack.i.l.bf16.f32 v16  }
0x291: {  	v16 =	vunpack.i.u.bf16.f32 v16;
	v63 =	vmul.bf16 v46, v47;
	v46 =	vld [tilespmem:s31+$0x8870];
	v29 =	vmul.bf16 v29, v62  }
0x292: {  	v47 =	vld [tilespmem:s31+$0x7470];
	v12 =	vadd.f32 v53, v12;
	v36 =	vunpack.i.u.bf16.f32 v13;
	v13 =	vunpack.i.l.bf16.f32 v13  }
0x293: {  	v42 =	vld [tilespmem:s31+$0x7390];
	v13 =	vadd.f32 v13, v17;
	v17 =	vadd.f32 $0.0e+00, v54;
	v43 =	vunpack.i.u.bf16.f32 v26  }
0x294: {  	v53 =	vld [tilespmem:s31+$0x8720];
	v54 =	vunpack.i.l.bf16.f32 v26;
	v26 =	vunpack.i.u.bf16.f32 v63;
	v62 =	vunpack.i.u.bf16.f32 v29  }
0x295: {  	v14 =	vadd.f32 v12, v51;
	v12 =	vmul.bf16 v38, v39;
	v38 =	vld [tilespmem:s31+$0x8790];
	v39 =	vunpack.i.u.bf16.f32 v40  }
0x296: {  	v40 =	vunpack.i.l.bf16.f32 v40;
	v51 =	vld [tilespmem:s31+$0x7400];
	v13 =	vadd.f32 v13, v36;
	v36 =	vadd.f32 $0.0e+00, v45  }
0x297: {  	v16 =	vadd.f32 v17, v16;
	v17 =	vunpack.i.u.bf16.f32 v33;
	v46 =	vmul.bf16 v46, v47;
	v47 =	vld [tilespmem:s31+$0x73C0]  }
0x298: {  	v20 =	vadd.f32 v20, v13;
	v13 =	vadd.f32 v36, v17;
	v36 =	vld [tilespmem:s31+$0x86E0];
	v17 =	vmul.bf16 v48, v49  }
0x299: {  	v33 =	vunpack.i.l.bf16.f32 v63;
	v63 =	vmul.bf16 v50, v52;
	v16 =	vadd.f32 v54, v16;
	v48 =	vld [tilespmem:s31+$0x72E0]  }
0x29a: {  	v49 =	vld [tilespmem:s31+$0x8750];
	v41 =	vmul.bf16 v53, v41;
	v20 =	vadd.f32 v20, v15;
	v50 =	vunpack.i.u.bf16.f32 v17  }
0x29b: {  	v54 =	vld [tilespmem:s31+$0x87C0];
	v52 =	vunpack.i.l.bf16.f32 v17;
	v16 =	vadd.f32 v16, v43;
	v15 =	vunpack.i.u.bf16.f32 v63  }
0x29c: {  	v53 =	vld [tilespmem:s31+$0x87B0];
	v17 =	vunpack.i.l.bf16.f32 v63;
	v63 =	vunpack.i.l.bf16.f32 v46;
	v46 =	vunpack.i.u.bf16.f32 v46  }
0x29d: {  	v43 =	vld [tilespmem:s31+$0x7350];
	v38 =	vmul.bf16 v38, v42;
	v10 =	vadd.f32 v10, v13;
	v20 =	vadd.f32 v56, v20  }
0x29e: {  	v42 =	vld [tilespmem:s31+$0x73B0];
	v45 =	vadd.f32 v30, v16;
	v16 =	vmul.bf16 v59, v18;
	v56 =	vadd.f32 $0.0e+00, v63  }
0x29f: {  	v59 =	vunpack.i.u.bf16.f32 v19;
	v36 =	vmul.bf16 v36, v48;
	v20 =	vadd.f32 v20, v55;
	v55 =	vld [tilespmem:s31+$0x8830]  }
0x2a0: {  	v47 =	vmul.bf16 v54, v47;
	v22 =	vadd.f32 v45, v61;
	v45 =	vld [tilespmem:s31+$0x7430];
	v46 =	vadd.f32 v56, v46  }
0x2a1: {  	v48 =	vld [tilespmem:s31+$0x87F0];
	v56 =	vunpack.i.l.bf16.f32 v19;
	v19 =	vmul.bf16 v25, v60;
	v25 =	vmul.bf16 v31, v32  }
0x2a2: {  	v30 =	vunpack.i.u.bf16.f32 v37;
	v37 =	vunpack.i.l.bf16.f32 v37;
	v61 =	vld [tilespmem:s31+$0x86A0];
	v22 =	vadd.f32 v58, v22  }
0x2a3: {  	v31 =	vmul.bf16 v34, v35;
	v54 =	vunpack.i.u.bf16.f32 v47;
	v58 =	vld [tilespmem:s31+$0x7260];
	v32 =	vunpack.i.u.bf16.f32 v25  }
0x2a4: {  	v60 =	vld [tilespmem:s31+$0x72A0];
	v25 =	vunpack.i.l.bf16.f32 v25;
	v21 =	vadd.f32 v22, v21;
	v22 =	vadd.f32 v56, v46  }
0x2a5: {  	v34 =	vunpack.i.l.bf16.f32 v31;
	v46 =	vld [tilespmem:s31+$0x8710];
	v56 =	vunpack.i.l.bf16.f32 v29;
	v29 =	vmul.bf16 v55, v45  }
0x2a6: {  	v31 =	vunpack.i.u.bf16.f32 v31;
	v34 =	vadd.f32 $0.0e+00, v34;
	v45 =	vld [tilespmem:s31+$0x7310];
	v22 =	vadd.f32 v22, v59  }
0x2a7: {  	v55 =	vld [tilespmem:s31+$0x8780];
	v63 =	vunpack.i.l.bf16.f32 v29;
	v59 =	vunpack.i.u.bf16.f32 v29;
	v29 =	vunpack.i.u.bf16.f32 v41  }
0x2a8: {  	v57 =	vmul.bf16 v57, v58;
	v35 =	vadd.f32 $0.0e+00, v63;
	v40 =	vadd.f32 v40, v22;
	v63 =	vld [tilespmem:s31+$0x7380]  }
0x2a9: {  	v22 =	vadd.f32 v34, v31;
	v34 =	vunpack.i.l.bf16.f32 v41;
	v41 =	vmul.bf16 v53, v42;
	v42 =	vld [tilespmem:s31+$0x73F0]  }
0x2aa: {  	v31 =	vadd.f32 v35, v59;
	v35 =	vadd.f32 v40, v39;
	v39 =	vld [tilespmem:s31+$0x8770];
	v40 =	vunpack.i.u.bf16.f32 v38  }
0x2ab: {  	v59 =	vmul.bf16 v44, v51;
	v44 =	vld [tilespmem:s31+$0x7370];
	v38 =	vunpack.i.l.bf16.f32 v38;
	v17 =	vadd.f32 v17, v22  }
0x2ac: {  	v45 =	vmul.bf16 v46, v45;
	v31 =	vadd.f32 v25, v31;
	v35 =	vadd.f32 v23, v35  }
0x2ad: {  	v53 =	vld [tilespmem:s31+$0x8740];
	v23 =	vunpack.i.u.bf16.f32 v59;
	v25 =	vunpack.i.l.bf16.f32 v59;
	v59 =	vunpack.i.l.bf16.f32 v41  }
0x2ae: {  	v51 =	vld [tilespmem:s31+$0x86D0];
	v41 =	vunpack.i.u.bf16.f32 v41;
	v55 =	vmul.bf16 v55, v63;
	v42 =	vmul.bf16 v48, v42  }
0x2af: {  	v46 =	vld [tilespmem:s31+$0x8730];
	v48 =	vmul.bf16 v61, v60;
	v31 =	vadd.f32 v31, v32;
	v32 =	vadd.f32 v35, v27  }
0x2b0: {  	v27 =	vmul.bf16 v49, v43;
	v43 =	vld [tilespmem:s31+$0x72D0];
	v39 =	vmul.bf16 v39, v44;
	v44 =	vadd.f32 $0.0e+00, v59  }
0x2b1: {  	v60 =	vunpack.i.u.bf16.f32 v45;
	v45 =	vunpack.i.l.bf16.f32 v45;
	v49 =	vld [tilespmem:s31+$0x7340];
	v52 =	vadd.f32 v52, v31  }
0x2b2: {  	v59 =	vunpack.i.l.bf16.f32 v39;
	v41 =	vadd.f32 v44, v41;
	v44 =	vunpack.i.l.bf16.f32 v47;
	v47 =	vld [tilespmem:s31+$0x7250]  }
0x2b3: {  	v35 =	vunpack.i.u.bf16.f32 v36;
	v50 =	vadd.f32 v52, v50;
	v52 =	vld [tilespmem:s31+$0x8650];
	v58 =	vadd.f32 $0.0e+00, v59  }
0x2b4: {  	v36 =	vunpack.i.l.bf16.f32 v36;
	v39 =	vunpack.i.u.bf16.f32 v39;
	v59 =	vld [tilespmem:s31+$0x7300];
	v41 =	vadd.f32 v44, v41  }
0x2b5: {  	v63 =	vunpack.i.l.bf16.f32 v55;
	v28 =	vadd.f32 v28, v50;
	v50 =	vld [tilespmem:s31+$0x8700];
	v39 =	vadd.f32 v58, v39  }
0x2b6: {  	v55 =	vunpack.i.u.bf16.f32 v55;
	v31 =	vunpack.i.l.bf16.f32 v27;
	v58 =	vld [tilespmem:s31+$0x86F0];
	v41 =	vadd.f32 v41, v54  }
0x2b7: {  	v44 =	vunpack.i.l.bf16.f32 v57;
	v43 =	vmul.bf16 v51, v43;
	v54 =	vld [tilespmem:s31+$0x72C0];
	v39 =	vadd.f32 v63, v39  }
0x2b8: {  	v49 =	vmul.bf16 v53, v49;
	v24 =	vadd.f32 v28, v24;
	v63 =	vld [tilespmem:s31+$0x72F0];
	v41 =	vadd.f32 v56, v41  }
0x2b9: {  	v28 =	vld [tilespmem:s31+$0x86C0];
	v56 =	vunpack.i.l.bf16.f32 v42;
	v42 =	vunpack.i.u.bf16.f32 v42;
	v39 =	vadd.f32 v39, v55  }
0x2ba: {  	v61 =	vadd.f32 $0.0e+00, v56;
	v56 =	vld [tilespmem:s31+$0x7330];
	v55 =	vunpack.i.u.bf16.f32 v43;
	v41 =	vadd.f32 v41, v62  }
0x2bb: {  	v43 =	vunpack.i.l.bf16.f32 v43;
	v62 =	vld [tilespmem:s31+$0x72B0];
	v50 =	vmul.bf16 v50, v59;
	v38 =	vadd.f32 v38, v39  }
0x2bc: {  	v39 =	vadd.f32 v61, v42;
	v61 =	vld [tilespmem:s31+$0x86B0];
	v33 =	vadd.f32 v33, v41;
	v41 =	vmul.bf16 v52, v47  }
0x2bd: {  	v52 =	vunpack.i.l.bf16.f32 v49;
	v51 =	vmul.bf16 v58, v63;
	v58 =	vld [tilespmem:s31+$0x7240];
	v38 =	vadd.f32 v38, v40  }
0x2be: {  	v28 =	vmul.bf16 v28, v54;
	v54 =	vunpack.i.u.bf16.f32 v50;
	v26 =	vadd.f32 v33, v26;
	v33 =	vld [tilespmem:s31+$0x8630]  }
0x2bf: {  	v50 =	vunpack.i.l.bf16.f32 v50;
	v25 =	vadd.f32 v25, v39;
	v37 =	vadd.f32 v37, v38;
	v38 =	vld [tilespmem:s31+$0x7230]  }
0x2c0: {  	v40 =	vld [tilespmem:s31+$0x8640];
	v63 =	vunpack.i.l.bf16.f32 v51;
	v46 =	vmul.bf16 v46, v56;
	v47 =	vunpack.i.u.bf16.f32 v28  }
0x2c1: {  	v59 =	vld [tilespmem:s31+$0x7270];
	v28 =	vunpack.i.l.bf16.f32 v28;
	v56 =	vadd.f32 $0.0e+00, v63;
	v42 =	vmul.bf16 v61, v62  }
0x2c2: {  	v51 =	vunpack.i.u.bf16.f32 v51;
	v61 =	vunpack.i.l.bf16.f32 v46;
	v30 =	vadd.f32 v37, v30;
	v37 =	vld [tilespmem:s31+$0x8670]  }
0x2c3: {  	v46 =	vunpack.i.u.bf16.f32 v46;
	v51 =	vadd.f32 v56, v51;
	v62 =	vunpack.i.l.bf16.f32 v42  }
0x2c4: {  	v56 =	vadd.f32 $0.0e+00, v61;
	v61 =	vadd.f32 $0.0e+00, v62;
	v33 =	vmul.bf16 v33, v38  }
0x2c5: {  	v42 =	vunpack.i.u.bf16.f32 v42;
	v40 =	vmul.bf16 v40, v58;
	v62 =	vld [tilespmem:s31+$0x7280];
	v50 =	vadd.f32 v50, v51  }
0x2c6: {  	v46 =	vadd.f32 v56, v46;
	v38 =	vld [tilespmem:s31+$0x8680];
	v42 =	vadd.f32 v61, v42;
	v56 =	vunpack.i.l.bf16.f32 v33  }
0x2c7: {  	v50 =	vadd.f32 v50, v54;
	v37 =	vmul.bf16 v37, v59;
	v51 =	vadd.f32 $0.0e+00, v56  }
0x2c8: {  	v54 =	vunpack.i.l.bf16.f32 v40;
	v33 =	vunpack.i.u.bf16.f32 v33;
	v28 =	vadd.f32 v28, v42  }
0x2c9: {  	v63 =	vld [tilespmem:s31+$0x7290];
	v45 =	vadd.f32 v45, v50;
	v61 =	vunpack.i.l.bf16.f32 v37;
	v33 =	vadd.f32 v51, v33  }
0x2ca: {  	v56 =	vld [tilespmem:s31+$0x8690];
	v37 =	vunpack.i.u.bf16.f32 v37;
	v42 =	vadd.f32 $0.0e+00, v61;
	v28 =	vadd.f32 v28, v47  }
0x2cb: {  	v38 =	vmul.bf16 v38, v62;
	v45 =	vadd.f32 v45, v60;
	v33 =	vadd.f32 v54, v33  }
0x2cc: {  	v40 =	vunpack.i.u.bf16.f32 v40;
	v37 =	vadd.f32 v42, v37;
	v28 =	vadd.f32 v43, v28  }
0x2cd: {  	v60 =	vadd.f32 v52, v46;
	v54 =	vunpack.i.l.bf16.f32 v38;
	v33 =	vadd.f32 v33, v40  }
0x2ce: {  	v53 =	vunpack.i.l.bf16.f32 v41;
	v37 =	vadd.f32 v54, v37;
	v28 =	vadd.f32 v28, v55  }
0x2cf: {  	v38 =	vunpack.i.u.bf16.f32 v38;
	v58 =	vmul.bf16 v56, v63;
	v33 =	vadd.f32 v53, v33  }
0x2d0: {  	(xrf2) =	vadd.scan.msk.f32 $0xffff, v14;
	v14 =	vunpack.i.u.bf16.f32 v41;
	v59 =	vadd.f32 v37, v38;
	v28 =	vadd.f32 v36, v28  }
0x2d1: {  	(xrf2) =	vadd.scan.msk.f32 $0xffff, v20;
	v34 =	vadd.f32 v34, v45;
	v20 =	vunpack.i.l.bf16.f32 v58;
	v14 =	vadd.f32 v33, v14  }
0x2d2: {  	(xrf2) =	vadd.scan.msk.f32 $0xffff, v21;
	v20 =	vadd.f32 v20, v59;
	v21 =	vadd.f32 v28, v35;
	v28 =	vunpack.i.u.bf16.f32 v49  }
0x2d3: {  	(xrf2) =	vadd.scan.msk.f32 $0xffff, v32;
	v61 =	vunpack.i.u.bf16.f32 v58;
	v28 =	vadd.f32 v60, v28;
	v14 =	vadd.f32 v44, v14  }
0x2d4: {  	(xrf2) =	vadd.scan.msk.f32 $0xffff, v24;
	v24 =	vunpack.i.u.bf16.f32 v57;
	v29 =	vadd.f32 v34, v29;
	v20 =	vadd.f32 v20, v61  }
0x2d5: {  	(xrf2) =	vadd.scan.msk.f32 $0xffff, v26;
	v26 =	vadd.f32 v31, v28;
	v14 =	vadd.f32 v14, v24;
	v24 =	vunpack.i.l.bf16.f32 v48  }
0x2d6: {  	v23 =	vadd.f32 v25, v23;
	(xrf2) =	vadd.scan.msk.f32 $0xffff, v30;
	v20 =	vadd.f32 v24, v20;
	v24 =	vunpack.i.u.bf16.f32 v27  }
0x2d7: {  	v18 =	vunpack.i.l.bf16.f32 v16;
	v15 =	vadd.f32 v17, v15;
	(xrf2) =	vadd.scan.msk.f32 $0xffff, v29;
	v24 =	vadd.f32 v26, v24  }
0x2d8: {  	v25 =	vunpack.i.u.bf16.f32 v48;
	v18 =	vadd.f32 v18, v23;
	(xrf2) =	vadd.scan.msk.f32 $0xffff, v21;
	v21 =	vunpack.i.l.bf16.f32 v19  }
0x2d9: {  	v16 =	vunpack.i.u.bf16.f32 v16;
	(xrf2) =	vadd.scan.msk.f32 $0xffff, v14;
	v20 =	vadd.f32 v20, v25;
	v14 =	vadd.f32 v21, v24  }
0x2da: {  	v11 =	vadd.f32 v11, v15;
	v16 =	vadd.f32 v18, v16;
	v19 =	vunpack.i.u.bf16.f32 v19  }
0x2db: {  	v9 =	vunpack.i.u.bf16.f32 v9;
	v17, _, _ =	vpop (xrf2);
	v18 =	vunpack.i.l.bf16.f32 v12;
	(xrf2) =	vadd.scan.msk.f32 $0xffff, v20;
	v14 =	vadd.f32 v14, v19  }
0x2dc: {  	v2 =	vunpack.i.u.bf16.f32 v2;
	v13, _, _ =	vpop (xrf2);
	v9 =	vadd.f32 v11, v9;
	v16 =	vadd.f32 v18, v16  }
0x2dd: {  	v6 =	vunpack.i.l.bf16.f32 v3;
	v8 =	vadd.f32 v10, v8;
	v15, _, _ =	vpop (xrf2);
	(xrf2) =	vadd.scan.msk.f32 $0xffff, v14;
	v14 =	vunpack.i.l.bf16.f32 v5  }
0x2de: {  	v2 =	vadd.f32 v4, v2;
	v10, _, _ =	vpop (xrf2);
	v12 =	vunpack.i.u.bf16.f32 v12;
	v9 =	vadd.f32 v14, v9  }
0x2df: {  	v7 =	vld [tilespmem:s31+$0x8A20];
	v6 =	vadd.f32 v6, v8;
	v11, _, _ =	vpop (xrf2);
	v12 =	vadd.f32 v16, v12;
	v5 =	vunpack.i.u.bf16.f32 v5  }
0x2e0: {  	v3 =	vunpack.i.u.bf16.f32 v3;
	v8 =	vld [tilespmem:s31+$0x7620];
	v16, _, _ =	vpop (xrf2);
	v5 =	vadd.f32 v9, v5;
	v9 =	vunpack.i.l.bf16.f32 v1  }
0x2e1: {  	v3 =	vadd.f32 v6, v3;
	v6 =	vunpack.i.l.bf16.f32 v0;
	v14, _, _ =	vpop (xrf2);
	v2 =	vadd.f32 v9, v2  }
0x2e2: {  	v4, _, _ =	vpop (xrf2)  }
0x2e3: {  	(xrf2) =	vadd.scan.msk.f32 $0xffff, v12;
	v12, _, _ =	vpop (xrf2)  }
0x2e4: {  	v3 =	vadd.f32 v6, v3;
	v1 =	vunpack.i.u.bf16.f32 v1;
	v6, _, _ =	vpop (xrf2)  }
0x2e5: {  	v0 =	vunpack.i.u.bf16.f32 v0;
	v7 =	vmul.bf16 v7, v8;
	v1 =	vadd.f32 v2, v1;
	v2, _, _ =	vpop (xrf2)  }
0x2e6: {  	v0 =	vadd.f32 v3, v0;
	(xrf2) =	vadd.scan.msk.f32 $0xffff, v5;
	v3 =	vbroadcast v6, $0xF;
	v2 =	vbroadcast v2, $0xF;
	_ =	sdelay $0x1  }
0x2e7: {  	v5 =	vunpack.i.l.bf16.f32 v7;
	(xrf2) =	vadd.scan.msk.f32 $0xffff, v0;
	v0 =	vsel vm0, v3, v2;
	v2 =	vbroadcast v4, $0xF;
	v4, _, _ =	vpop (xrf2)  }
0x2e8: {  	v6 =	vbroadcast v12, $0xF;
	v1 =	vadd.f32 v5, v1;
	v4 =	vbroadcast v4, $0xF  }
0x2e9: {  	v3 =	vunpack.i.u.bf16.f32 v7  }
0x2ea: {  	v0 =	vsel vm1, v0, v6;
	v1 =	vadd.f32 v1, v3  }
0x2eb: {  	v3 =	vbroadcast v16, $0xF;
	v0 =	vsel vm2, v0, v2;
	v2 =	vbroadcast v14, $0xF  }
0x2ec: {  	v0 =	vsel vm3, v0, v4;
	v4, _, _ =	vpop (xrf2)  }
0x2ed: {  	(xrf2) =	vadd.scan.msk.f32 $0xffff, v1;
	v0 =	vsel vm4, v0, v2;
	v1 =	vbroadcast v4, $0xF  }
0x2ee: {  	v2 =	vbroadcast v11, $0xF;
	v0 =	vsel vm5, v0, v3  }
0x2ef: {  	v3, _, _ =	vpop (xrf2);
	v0 =	vsel vm6, v0, v1;
	v1 =	vbroadcast v10, $0xF  }
0x2f0: {  	v0 =	vsel vm7, v0, v2;
	v2 =	vbroadcast v3, $0xF  }
0x2f1: {  	v0 =	vsel vm8, v0, v1;
	v1 =	vbroadcast v15, $0xF  }
0x2f2: {  	v3, _, _ =	vpop (xrf2);
	v0 =	vsel vm9, v0, v2  }
0x2f3: {  	v2 =	vbroadcast v13, $0xF;
	v0 =	vsel vm10, v0, v1;
	v1 =	vbroadcast v3, $0xF;
	_ =	sdelay $0x1  }
0x2f4: {  	v0 =	vsel vm11, v0, v2;
	v2 =	vbroadcast v17, $0xF  }
0x2f5: {  	v0 =	vsel vm12, v0, v1  }
0x2f6: {  	v0 =	vsel vm13, v0, v2;
	v1, _, _ =	vpop (xrf2)  }
0x2f7: {  	v0 =	vsel vm14, v0, v1  }
0x2f8: {  	s23 =	simm.s32 $0x7F0;
	[tilespmem:s20+$0x0] =	vst v0  }
0x2f9: {  	v0 =	vld [tilespmem:s23+$0x89E0]  }
0x2fa: {  	v1 =	vld [tilespmem:s23+$0x75E0]  }
0x2fb: {  	v2 =	vld [tilespmem:s23+$0x8A10]  }
0x2fc: {  	v3 =	vld [tilespmem:s23+$0x7610]  }
0x2fd: {  	v4 =	vld [tilespmem:s23+$0x89A0]  }
0x2fe: {  	v5 =	vld [tilespmem:s23+$0x75A0]  }
0x2ff: {  	v6 =	vld [tilespmem:s23+$0x8960]  }
0x300: {  	v7 =	vld [tilespmem:s23+$0x7560]  }
0x301: {  	v8 =	vld [tilespmem:s23+$0x89D0]  }
0x302: {  	v9 =	vld [tilespmem:s23+$0x75D0]  }
0x303: {  	v10 =	vld [tilespmem:s23+$0x8A00]  }
0x304: {  	v11 =	vld [tilespmem:s23+$0x7600]  }
0x305: {  	v12 =	vld [tilespmem:s23+$0x8920]  }
0x306: {  	v13 =	vld [tilespmem:s23+$0x7520]  }
0x307: {  	v14 =	vld [tilespmem:s23+$0x8990]  }
0x308: {  	v15 =	vld [tilespmem:s23+$0x7590]  }
0x309: {  	v16 =	vld [tilespmem:s23+$0x88E0]  }
0x30a: {  	v17 =	vld [tilespmem:s23+$0x74E0]  }
0x30b: {  	v18 =	vld [tilespmem:s23+$0x8950]  }
0x30c: {  	v20 =	vld [tilespmem:s23+$0x7550]  }
0x30d: {  	v21 =	vld [tilespmem:s23+$0x89C0]  }
0x30e: {  	v22 =	vld [tilespmem:s23+$0x75C0]  }
0x30f: {  	v23 =	vld [tilespmem:s23+$0x89F0]  }
0x310: {  	v24 =	vld [tilespmem:s23+$0x75F0]  }
0x311: {  	v25 =	vld [tilespmem:s23+$0x88A0]  }
0x312: {  	v26 =	vld [tilespmem:s23+$0x74A0]  }
0x313: {  	v27 =	vld [tilespmem:s23+$0x8910]  }
0x314: {  	v28 =	vld [tilespmem:s23+$0x7510]  }
0x315: {  	v29 =	vld [tilespmem:s23+$0x8980]  }
0x316: {  	v30 =	vld [tilespmem:s23+$0x7580]  }
0x317: {  	v31 =	vld [tilespmem:s23+$0x8860]  }
0x318: {  	v32 =	vld [tilespmem:s23+$0x7460]  }
0x319: {  	v33 =	vld [tilespmem:s23+$0x88D0]  }
0x31a: {  	v34 =	vld [tilespmem:s23+$0x74D0]  }
0x31b: {  	v35 =	vld [tilespmem:s23+$0x8940]  }
0x31c: {  	v36 =	vld [tilespmem:s23+$0x7540]  }
0x31d: {  	v19 =	vld [tilespmem:s23+$0x89B0]  }
0x31e: {  	v62 =	vld [tilespmem:s23+$0x75B0]  }
0x31f: {  	v38 =	vld [tilespmem:s23+$0x8820]  }
0x320: {  	v39 =	vld [tilespmem:s23+$0x7420]  }
0x321: {  	v40 =	vld [tilespmem:s23+$0x8890]  }
0x322: {  	v41 =	vld [tilespmem:s23+$0x7490]  }
0x323: {  	v42 =	vld [tilespmem:s23+$0x8900]  }
0x324: {  	v43 =	vld [tilespmem:s23+$0x7500]  }
0x325: {  	v44 =	vld [tilespmem:s23+$0x8970]  }
0x326: {  	v45 =	vld [tilespmem:s23+$0x7570]  }
0x327: {  	v46 =	vld [tilespmem:s23+$0x87E0]  }
0x328: {  	v47 =	vld [tilespmem:s23+$0x73E0]  }
0x329: {  	v48 =	vld [tilespmem:s23+$0x8850]  }
0x32a: {  	v49 =	vld [tilespmem:s23+$0x7450]  }
0x32b: {  	v50 =	vld [tilespmem:s23+$0x88C0]  }
0x32c: {  	v52 =	vld [tilespmem:s23+$0x74C0];
	v1 =	vmul.bf16 v0, v1;
	v6 =	vmul.bf16 v6, v7  }
0x32d: {  	v54 =	vld [tilespmem:s23+$0x8930];
	v0 =	vmul.bf16 v4, v5;
	v5 =	vmul.bf16 v12, v13  }
0x32e: {  	v57 =	vld [tilespmem:s23+$0x87A0];
	v7 =	vmul.bf16 v18, v20;
	v13 =	vmul.bf16 v21, v22  }
0x32f: {  	v58 =	vld [tilespmem:s23+$0x73A0];
	v40 =	vmul.bf16 v40, v41;
	v51 =	vunpack.i.u.bf16.f32 v1;
	v53 =	vunpack.i.l.bf16.f32 v1  }
0x330: {  	v60 =	vld [tilespmem:s23+$0x8810];
	v1 =	vmul.bf16 v2, v3;
	v55 =	vunpack.i.u.bf16.f32 v6;
	v3 =	vmul.bf16 v8, v9  }
0x331: {  	v18 =	vld [tilespmem:s23+$0x8880];
	v2 =	vmul.bf16 v10, v11;
	v56 =	vunpack.i.l.bf16.f32 v6;
	v6 =	vmul.bf16 v19, v62  }
0x332: {  	v21 =	vld [tilespmem:s23+$0x88F0];
	v19 =	vunpack.i.u.bf16.f32 v5;
	v59 =	vunpack.i.l.bf16.f32 v5;
	v12 =	vunpack.i.u.bf16.f32 v3  }
0x333: {  	v11 =	vld [tilespmem:s23+$0x7530];
	v8 =	vunpack.i.l.bf16.f32 v3;
	v3 =	vunpack.i.l.bf16.f32 v2;
	v5 =	vunpack.i.l.bf16.f32 v6  }
0x334: {  	v48 =	vmul.bf16 v48, v49;
	[tilespmem:$0x1FFE0] =	vst v3;
	v3 =	vmul.bf16 v14, v15;
	v9 =	vadd.f32 $0.0e+00, v5;
	v15 =	vld [tilespmem:s23+$0x7410]  }
0x335: {  	v10 =	vunpack.i.u.bf16.f32 v6;
	v14 =	vmul.bf16 v23, v24;
	v5 =	vmul.bf16 v16, v17;
	v24 =	vld [tilespmem:s23+$0x74F0]  }
0x336: {  	v17 =	vld [tilespmem:s23+$0x7480];
	v16 =	vunpack.i.u.bf16.f32 v7;
	v23 =	vunpack.i.l.bf16.f32 v7;
	v9 =	vadd.f32 v9, v10  }
0x337: {  	v61 =	vld [tilespmem:s23+$0x73D0];
	v6 =	vunpack.i.l.bf16.f32 v3;
	v10 =	vunpack.i.l.bf16.f32 v13;
	v20 =	vunpack.i.l.bf16.f32 v14  }
0x338: {  	v41 =	vld [tilespmem:s23+$0x7320];
	v13 =	vunpack.i.u.bf16.f32 v13;
	v63 =	vmul.bf16 v54, v11;
	v7 =	vadd.f32 v10, v9  }
0x339: {  	v54 =	vld [tilespmem:s23+$0x8720];
	v9 =	vadd.f32 $0.0e+00, v20;
	v10 =	vmul.bf16 v25, v26;
	v26 =	vmul.bf16 v27, v28  }
0x33a: {  	v49 =	vld [tilespmem:s23+$0x72E0];
	v14 =	vunpack.i.u.bf16.f32 v14;
	v21 =	vmul.bf16 v21, v24;
	v15 =	vmul.bf16 v60, v15  }
0x33b: {  	v25 =	vld [tilespmem:s23+$0x8760];
	v18 =	vmul.bf16 v18, v17;
	v13 =	vadd.f32 v7, v13;
	v7 =	vadd.f32 v9, v14  }
0x33c: {  	v27 =	vld [tilespmem:s23+$0x7360];
	v22 =	vunpack.i.u.bf16.f32 v10;
	v20 =	vunpack.i.l.bf16.f32 v10;
	v9 =	vmul.bf16 v29, v30  }
0x33d: {  	v28 =	vld [tilespmem:s23+$0x87D0];
	v29 =	vunpack.i.u.bf16.f32 v26;
	v26 =	vunpack.i.l.bf16.f32 v26;
	v14 =	vmul.bf16 v31, v32  }
0x33e: {  	v24 =	vld [tilespmem:s23+$0x8790];
	v17 =	vunpack.i.l.bf16.f32 v15;
	v41 =	vmul.bf16 v54, v41;
	v13 =	vadd.f32 v8, v13  }
0x33f: {  	v60 =	vld [tilespmem:s23+$0x86A0];
	v8 =	vunpack.i.u.bf16.f32 v9;
	v10 =	vunpack.i.l.bf16.f32 v9;
	v9 =	vmul.bf16 v33, v34  }
0x340: {  	v31 =	vld [tilespmem:s23+$0x8840];
	v30 =	vunpack.i.u.bf16.f32 v14;
	v32 =	vunpack.i.l.bf16.f32 v14;
	v14 =	vunpack.i.l.bf16.f32 v63  }
0x341: {  	v54 =	vld [tilespmem:s23+$0x87B0];
	v33 =	vunpack.i.u.bf16.f32 v63;
	v63 =	vunpack.i.l.bf16.f32 v21;
	v14 =	vadd.f32 $0.0e+00, v14  }
0x342: {  	v34 =	vld [tilespmem:s23+$0x7440];
	v21 =	vunpack.i.u.bf16.f32 v21;
	v12 =	vadd.f32 v13, v12;
	v13 =	vmul.bf16 v35, v36  }
0x343: {  	v28 =	vmul.bf16 v28, v61;
	v61 =	vld [tilespmem:s23+$0x72A0];
	v11 =	vunpack.i.l.bf16.f32 v9;
	v14 =	vadd.f32 v14, v33  }
0x344: {  	v36 =	vld [tilespmem:s23+$0x88B0];
	v12 =	vadd.f32 v53, v12;
	v62 =	vunpack.i.u.bf16.f32 v13;
	v13 =	vunpack.i.l.bf16.f32 v13  }
0x345: {  	v33 =	vunpack.i.u.bf16.f32 v40;
	v53 =	vld [tilespmem:s23+$0x74B0];
	v13 =	vadd.f32 v13, v14;
	v14 =	vadd.f32 $0.0e+00, v63  }
0x346: {  	v63 =	vmul.bf16 v46, v47;
	v46 =	vld [tilespmem:s23+$0x8870];
	v4 =	vadd.f32 v12, v51;
	v12 =	vmul.bf16 v38, v39  }
0x347: {  	v40 =	vunpack.i.l.bf16.f32 v40;
	v47 =	vld [tilespmem:s23+$0x7470];
	v38 =	vmul.bf16 v42, v43;
	v39 =	vmul.bf16 v44, v45  }
0x348: {  	v42 =	vld [tilespmem:s23+$0x7390];
	v13 =	vadd.f32 v13, v62;
	v14 =	vadd.f32 v14, v21;
	v37 =	vunpack.i.u.bf16.f32 v63  }
0x349: {  	v45 =	vld [tilespmem:s23+$0x8800];
	v35 =	vunpack.i.u.bf16.f32 v38;
	v44 =	vunpack.i.l.bf16.f32 v39;
	v21 =	vunpack.i.u.bf16.f32 v39  }
0x34a: {  	v51 =	vld [tilespmem:s23+$0x7400];
	v38 =	vunpack.i.l.bf16.f32 v38;
	v39 =	vunpack.i.l.bf16.f32 v63;
	v23 =	vadd.f32 v23, v13  }
0x34b: {  	v62 =	vadd.f32 $0.0e+00, v44;
	v14 =	vadd.f32 v38, v14;
	v38 =	vmul.bf16 v50, v52;
	v50 =	vld [tilespmem:s23+$0x8750]  }
0x34c: {  	v52 =	vunpack.i.u.bf16.f32 v48;
	v44 =	vmul.bf16 v57, v58;
	v57 =	vld [tilespmem:s23+$0x8660];
	v16 =	vadd.f32 v23, v16  }
0x34d: {  	v48 =	vunpack.i.l.bf16.f32 v48;
	v46 =	vmul.bf16 v46, v47;
	v47 =	vld [tilespmem:s23+$0x73C0];
	v23 =	vadd.f32 v14, v35  }
0x34e: {  	v58 =	vunpack.i.u.bf16.f32 v18;
	v13 =	vadd.f32 v62, v21;
	v21 =	vld [tilespmem:s23+$0x86E0];
	v35 =	vadd.f32 v56, v16  }
0x34f: {  	v14 =	vunpack.i.u.bf16.f32 v38;
	v42 =	vmul.bf16 v24, v42;
	v56 =	vld [tilespmem:s23+$0x87C0];
	v23 =	vadd.f32 v26, v23  }
0x350: {  	v24 =	vunpack.i.u.bf16.f32 v41;
	v63 =	vunpack.i.l.bf16.f32 v46;
	v26 =	vld [tilespmem:s23+$0x8830];
	v43 =	vadd.f32 v35, v55  }
0x351: {  	v46 =	vunpack.i.u.bf16.f32 v46;
	v23 =	vadd.f32 v23, v29;
	v29 =	vld [tilespmem:s23+$0x7430];
	v55 =	vadd.f32 $0.0e+00, v63  }
0x352: {  	v62 =	vld [tilespmem:s23+$0x7350];
	v16 =	vunpack.i.l.bf16.f32 v38;
	v35 =	vunpack.i.l.bf16.f32 v18;
	v18 =	vmul.bf16 v25, v27  }
0x353: {  	v27 =	vmul.bf16 v36, v53;
	v36 =	vld [tilespmem:s23+$0x8710];
	v23 =	vadd.f32 v59, v23;
	v46 =	vadd.f32 v55, v46  }
0x354: {  	v38 =	vunpack.i.u.bf16.f32 v44;
	v44 =	vunpack.i.l.bf16.f32 v44;
	v25 =	vmul.bf16 v31, v34;
	v53 =	vld [tilespmem:s23+$0x7310]  }
0x355: {  	v63 =	vunpack.i.u.bf16.f32 v28;
	v34 =	vld [tilespmem:s23+$0x8780];
	v23 =	vadd.f32 v23, v19;
	v19 =	vadd.f32 v35, v46  }
0x356: {  	v59 =	vld [tilespmem:s23+$0x7260];
	v47 =	vmul.bf16 v56, v47;
	v46 =	vunpack.i.l.bf16.f32 v28;
	v26 =	vmul.bf16 v26, v29  }
0x357: {  	v55 =	vld [tilespmem:s23+$0x73B0];
	v28 =	vunpack.i.u.bf16.f32 v25;
	v29 =	vunpack.i.l.bf16.f32 v27;
	v19 =	vadd.f32 v19, v58  }
0x358: {  	v25 =	vunpack.i.l.bf16.f32 v25;
	v29 =	vadd.f32 $0.0e+00, v29;
	v58 =	vld [tilespmem:s23+$0x7380];
	v31 =	vunpack.i.l.bf16.f32 v26  }
0x359: {  	v56 =	vld [tilespmem:s23+$0x7340];
	v27 =	vunpack.i.u.bf16.f32 v27;
	v31 =	vadd.f32 $0.0e+00, v31;
	v40 =	vadd.f32 v40, v19  }
0x35a: {  	v35 =	vld [tilespmem:s23+$0x7370];
	v36 =	vmul.bf16 v36, v53;
	v26 =	vunpack.i.u.bf16.f32 v26;
	v19 =	vadd.f32 v29, v27  }
0x35b: {  	v27 =	vadd.f32 v31, v26;
	v29 =	vadd.f32 v40, v33;
	v26 =	vunpack.i.l.bf16.f32 v41;
	v33 =	vld [tilespmem:s23+$0x8770]  }
0x35c: {  	v41 =	vunpack.i.u.bf16.f32 v42;
	v31 =	vmul.bf16 v45, v51;
	v42 =	vunpack.i.l.bf16.f32 v42;
	v45 =	vld [tilespmem:s23+$0x87F0]  }
0x35d: {  	v51 =	vld [tilespmem:s23+$0x73F0];
	v58 =	vmul.bf16 v34, v58;
	v25 =	vadd.f32 v25, v27;
	v27 =	vadd.f32 v20, v29  }
0x35e: {  	v53 =	vld [tilespmem:s23+$0x72F0];
	v29 =	vmul.bf16 v21, v49;
	v20 =	vunpack.i.u.bf16.f32 v31;
	v49 =	vmul.bf16 v54, v55  }
0x35f: {  	v21 =	vunpack.i.l.bf16.f32 v31;
	v54 =	vld [tilespmem:s23+$0x86D0];
	v25 =	vadd.f32 v25, v28;
	v31 =	vadd.f32 v27, v22  }
0x360: {  	v55 =	vld [tilespmem:s23+$0x8740];
	v27 =	vunpack.i.u.bf16.f32 v29;
	v28 =	vunpack.i.l.bf16.f32 v29;
	v29 =	vunpack.i.l.bf16.f32 v49  }
0x361: {  	v22 =	vmul.bf16 v50, v62;
	v50 =	vld [tilespmem:s23+$0x72D0];
	v33 =	vmul.bf16 v33, v35;
	v29 =	vadd.f32 $0.0e+00, v29  }
0x362: {  	v35 =	vunpack.i.u.bf16.f32 v49;
	v49 =	vunpack.i.u.bf16.f32 v47;
	v45 =	vmul.bf16 v45, v51;
	v51 =	vld [tilespmem:s23+$0x86F0]  }
0x363: {  	v47 =	vunpack.i.l.bf16.f32 v47;
	v48 =	vadd.f32 v48, v25;
	v40 =	vadd.f32 v29, v35;
	v35 =	vld [tilespmem:s23+$0x7250]  }
0x364: {  	v25 =	vunpack.i.l.bf16.f32 v22;
	v62 =	vunpack.i.l.bf16.f32 v33;
	v29 =	vmul.bf16 v57, v59;
	v59 =	vld [tilespmem:s23+$0x8700]  }
0x365: {  	v33 =	vunpack.i.u.bf16.f32 v33;
	v48 =	vadd.f32 v48, v52;
	v52 =	vld [tilespmem:s23+$0x8650];
	v57 =	vadd.f32 $0.0e+00, v62  }
0x366: {  	v62 =	vld [tilespmem:s23+$0x7300];
	v40 =	vadd.f32 v47, v40;
	v47 =	vunpack.i.l.bf16.f32 v58;
	v58 =	vunpack.i.u.bf16.f32 v58  }
0x367: {  	v50 =	vmul.bf16 v54, v50;
	v54 =	vld [tilespmem:s23+$0x7330];
	v48 =	vadd.f32 v32, v48;
	v33 =	vadd.f32 v57, v33  }
0x368: {  	v32 =	vunpack.i.l.bf16.f32 v29;
	v57 =	vld [tilespmem:s23+$0x86C0];
	v53 =	vmul.bf16 v51, v53;
	v40 =	vadd.f32 v40, v49  }
0x369: {  	v49 =	vld [tilespmem:s23+$0x72C0];
	v34 =	vadd.f32 v48, v30;
	v30 =	vmul.bf16 v60, v61;
	v33 =	vadd.f32 v47, v33  }
0x36a: {  	v60 =	vld [tilespmem:s23+$0x8730];
	v61 =	vunpack.i.l.bf16.f32 v45;
	v45 =	vunpack.i.u.bf16.f32 v45;
	v46 =	vadd.f32 v46, v40  }
0x36b: {  	v48 =	vadd.f32 $0.0e+00, v61;
	v61 =	vld [tilespmem:s23+$0x86B0];
	v62 =	vmul.bf16 v59, v62;
	v33 =	vadd.f32 v33, v58  }
0x36c: {  	v47 =	vunpack.i.l.bf16.f32 v36;
	v40 =	vunpack.i.u.bf16.f32 v36;
	v36 =	vmul.bf16 v55, v56;
	v55 =	vld [tilespmem:s23+$0x72B0]  }
0x36d: {  	v46 =	vadd.f32 v46, v63;
	v51 =	vunpack.i.l.bf16.f32 v62;
	v58 =	vadd.f32 v42, v33  }
0x36e: {  	(xrf2) =	vadd.scan.msk.f32 $0xffff, v4;
	v33 =	vadd.f32 v48, v45;
	v42 =	vunpack.i.u.bf16.f32 v50;
	v56 =	vmul.bf16 v57, v49  }
0x36f: {  	(xrf2) =	vadd.scan.msk.f32 $0xffff, v43;
	v43 =	vld [tilespmem:s23+$0x8670];
	v45 =	vadd.f32 v39, v46;
	v39 =	vmul.bf16 v52, v35;
	v63 =	vadd.f32 v58, v41  }
0x370: {  	v48 =	vld [tilespmem:s23+$0x8640];
	v46 =	vunpack.i.l.bf16.f32 v50;
	v54 =	vmul.bf16 v60, v54;
	v41 =	vunpack.i.l.bf16.f32 v36  }
0x371: {  	v50 =	vld [tilespmem:s23+$0x8630];
	v55 =	vmul.bf16 v61, v55;
	v37 =	vadd.f32 v45, v37;
	v35 =	vadd.f32 v44, v63  }
0x372: {  	v52 =	vld [tilespmem:s23+$0x7230];
	v45 =	vunpack.i.l.bf16.f32 v39;
	v44 =	vunpack.i.u.bf16.f32 v62;
	v63 =	vunpack.i.l.bf16.f32 v53  }
0x373: {  	s25 =	simm.s32 $0x2FC0;
	s24 =	smov.u32 s20;
	v49 =	vld [tilespmem:s23+$0x7240];
	v57 =	vadd.f32 $0.0e+00, v63;
	v35 =	vadd.f32 v35, v38;
	v38 =	vunpack.i.u.bf16.f32 v56  }
.LBB2_5:
0x374: {  	v56 =	vunpack.i.l.bf16.f32 v56;
	v53 =	vunpack.i.u.bf16.f32 v53;
	v21 =	vadd.f32 v21, v33  }
0x375: {  	v58 =	vld [tilespmem:s23+$0x7270];
	(xrf2) =	vadd.scan.msk.f32 $0xffff, v23;
	v59 =	vunpack.i.l.bf16.f32 v54;
	v23 =	vunpack.i.l.bf16.f32 v55;
	v53 =	vadd.f32 v57, v53  }
0x376: {  	v60 =	vunpack.i.u.bf16.f32 v54;
	v63 =	vadd.f32 $0.0e+00, v59;
	v4 =	vadd.f32 $0.0e+00, v23  }
0x377: {  	v61 =	vunpack.i.u.bf16.f32 v55;
	v59 =	vld [tilespmem:s23+$0x7280];
	v51 =	vadd.f32 v51, v53;
	v50 =	vmul.bf16 v50, v52  }
0x378: {  	v39 =	vunpack.i.u.bf16.f32 v39;
	v52 =	vld [tilespmem:s23+$0x8680];
	v53 =	vadd.f32 v63, v60;
	v62 =	vadd.f32 v4, v61  }
0x379: {  	(xrf2) =	vadd.scan.msk.f32 $0xffff, v31;
	v48 =	vmul.bf16 v48, v49;
	v44 =	vadd.f32 v51, v44;
	v31 =	vunpack.i.l.bf16.f32 v50  }
0x37a: {  	v43 =	vmul.bf16 v43, v58;
	v49 =	vadd.f32 v56, v62;
	v4 =	vadd.f32 $0.0e+00, v31  }
0x37b: {  	v54 =	vld [tilespmem:s23+$0x8690];
	v50 =	vunpack.i.u.bf16.f32 v50;
	v63 =	vunpack.i.l.bf16.f32 v48;
	v44 =	vadd.f32 v47, v44  }
0x37c: {  	v58 =	vld [tilespmem:s23+$0x7290];
	v57 =	vunpack.i.l.bf16.f32 v43;
	v23, _, _ =	vpop (xrf2);
	(xrf2) =	vadd.scan.msk.f32 $0xffff, v34;
	v38 =	vadd.f32 v49, v38;
	v34 =	vadd.f32 v4, v50  }
0x37d: {  	v60 =	vadd.f32 $0.0e+00, v57;
	v61 =	vmul.bf16 v52, v59;
	v40 =	vadd.f32 v44, v40  }
0x37e: {  	v4 =	vunpack.i.u.bf16.f32 v43;
	v38 =	vadd.f32 v46, v38;
	v62 =	vadd.f32 v63, v34  }
0x37f: {  	v43 =	vadd.f32 v60, v4;
	v60 =	vadd.f32 v41, v53;
	v63 =	vunpack.i.u.bf16.f32 v48  }
0x380: {  	v31, _, _ =	vpop (xrf2);
	(xrf2) =	vadd.scan.msk.f32 $0xffff, v37;
	v51 =	vunpack.i.l.bf16.f32 v61;
	v38 =	vadd.f32 v38, v42;
	v37 =	vadd.f32 v62, v63  }
0x381: {  	v56 =	vmul.bf16 v54, v58;
	v26 =	vadd.f32 v26, v40;
	v52 =	vadd.f32 v51, v43  }
0x382: {  	v58 =	vunpack.i.u.bf16.f32 v61;
	v28 =	vadd.f32 v28, v38;
	v57 =	vadd.f32 v45, v37  }
0x383: {  	v48, _, _ =	vpop (xrf2);
	(xrf2) =	vadd.scan.msk.f32 $0xffff, v35;
	v59 =	vunpack.i.l.bf16.f32 v56;
	v26 =	vadd.f32 v26, v24;
	v37 =	vadd.f32 v52, v58  }
0x384: {  	v27 =	vadd.f32 v28, v27;
	v28 =	vunpack.i.u.bf16.f32 v36;
	v35 =	vadd.f32 v57, v39  }
0x385: {  	v29 =	vunpack.i.u.bf16.f32 v29;
	v24, _, _ =	vpop (xrf2);
	(xrf2) =	vadd.scan.msk.f32 $0xffff, v26;
	v26 =	vadd.f32 v59, v37;
	v4 =	vadd.f32 v60, v28  }
0x386: {  	v16 =	vadd.f32 v16, v19;
	v62 =	vunpack.i.u.bf16.f32 v56;
	v32 =	vadd.f32 v32, v35  }
0x387: {  	v22 =	vunpack.i.u.bf16.f32 v22;
	v26 =	vadd.f32 v26, v62;
	v25 =	vadd.f32 v25, v4  }
0x388: {  	v61, _, _ =	vpop (xrf2);
	(xrf2) =	vadd.scan.msk.f32 $0xffff, v27;
	v4 =	vadd.f32 v21, v20;
	v27 =	vadd.f32 v32, v29;
	v29 =	vunpack.i.l.bf16.f32 v30  }
0x389: {  	v22 =	vadd.f32 v25, v22;
	v26 =	vadd.f32 v29, v26  }
0x38a: {  	v21 =	vunpack.i.u.bf16.f32 v30;
	v17 =	vadd.f32 v17, v4;
	v4 =	vadd.f32 v16, v14  }
0x38b: {  	v10 =	vadd.f32 v10, v13;
	v19 =	vadd.f32 v26, v21;
	v21 =	vunpack.i.l.bf16.f32 v18  }
0x38c: {  	v15 =	vunpack.i.u.bf16.f32 v15;
	v28, _, _ =	vpop (xrf2);
	(xrf2) =	vadd.scan.msk.f32 $0xffff, v27;
	v11 =	vadd.f32 v11, v4;
	v4 =	vld [tilespmem:$0x1FFE0];
	v21 =	vadd.f32 v21, v22  }
0x38d: {  	v20, _, _ =	vpop (xrf2);
	v16 =	vunpack.i.u.bf16.f32 v18;
	v15 =	vadd.f32 v17, v15;
	(xrf2) =	vadd.scan.msk.f32 $0xffff, v19  }
0x38e: {  	v8 =	vadd.f32 v10, v8;
	v13 =	vadd.f32 v21, v16;
	v16 =	vunpack.i.l.bf16.f32 v12  }
0x38f: {  	v9 =	vunpack.i.u.bf16.f32 v9;
	v15 =	vadd.f32 v16, v15  }
0x390: {  	v10 =	vunpack.i.u.bf16.f32 v12;
	v6 =	vadd.f32 v6, v8;
	v8 =	vld [tilespmem:s23+$0x7620];
	v14, _, _ =	vpop (xrf2);
	v9 =	vadd.f32 v11, v9;
	(xrf2) =	vadd.scan.msk.f32 $0xffff, v13  }
0x391: {  	v11 =	vunpack.i.l.bf16.f32 v5;
	v4 =	vadd.f32 v4, v7;
	v7 =	vld [tilespmem:s23+$0x8A20];
	v10 =	vadd.f32 v15, v10  }
0x392: {  	v3 =	vunpack.i.u.bf16.f32 v3;
	v2 =	vunpack.i.u.bf16.f32 v2;
	v11 =	vadd.f32 v11, v9  }
0x393: {  	v3 =	vadd.f32 v6, v3;
	v5 =	vunpack.i.u.bf16.f32 v5;
	v12, _, _ =	vpop (xrf2);
	v2 =	vadd.f32 v4, v2;
	(xrf2) =	vadd.scan.msk.f32 $0xffff, v10  }
0x394: {  	v6 =	vunpack.i.l.bf16.f32 v1;
	v4 =	vadd.f32 v11, v5;
	v5 =	vunpack.i.l.bf16.f32 v0  }
0x395: {  	v3 =	vadd.f32 v5, v3;
	v6 =	vadd.f32 v6, v2  }
0x396: {  	v1 =	vunpack.i.u.bf16.f32 v1;
	v0 =	vunpack.i.u.bf16.f32 v0;
	v9, _, _ =	vpop (xrf2);
	v5 =	vmul.bf16 v7, v8;
	(xrf2) =	vadd.scan.msk.f32 $0xffff, v4  }
0x397: {  	v0 =	vadd.f32 v3, v0;
	v1 =	vadd.f32 v6, v1;
	v2, _, _ =	vpop (xrf2)  }
0x398: {  	v3 =	vbroadcast v9, $0xF;
	v7 =	vunpack.i.l.bf16.f32 v5;
	v2 =	vbroadcast v2, $0xF  }
0x399: {  	v6 =	vbroadcast v12, $0xF;
	v1 =	vadd.f32 v7, v1;
	(xrf2) =	vadd.scan.msk.f32 $0xffff, v0  }
0x39a: {  	v0 =	vsel vm0, v3, v2;
	v2 =	vbroadcast v14, $0xF;
	v3 =	vunpack.i.u.bf16.f32 v5;
	v4, _, _ =	vpop (xrf2)  }
0x39b: {  	v0 =	vsel vm1, v0, v6;
	v5 =	vbroadcast v4, $0xF;
	v1 =	vadd.f32 v1, v3  }
0x39c: {  	v0 =	vsel vm2, v0, v2;
	v2 =	vbroadcast v20, $0xF  }
0x39d: {  	v0 =	vsel vm3, v0, v5;
	v5 =	vbroadcast v28, $0xF;
	v4, _, _ =	vpop (xrf2);
	(xrf2) =	vadd.scan.msk.f32 $0xffff, v1  }
0x39e: {  	v0 =	vsel vm4, v0, v2;
	v1 =	vbroadcast v4, $0xF  }
0x39f: {  	v2 =	vbroadcast v61, $0xF;
	v0 =	vsel vm5, v0, v5  }
0x3a0: {  	v3, _, _ =	vpop (xrf2);
	v0 =	vsel vm6, v0, v1;
	v1 =	vbroadcast v24, $0xF  }
0x3a1: {  	v0 =	vsel vm7, v0, v2;
	v2 =	vbroadcast v3, $0xF  }
0x3a2: {  	v0 =	vsel vm8, v0, v1;
	v1 =	vbroadcast v48, $0xF  }
0x3a3: {  	v3, _, _ =	vpop (xrf2);
	v0 =	vsel vm9, v0, v2;
	v2 =	vbroadcast v31, $0xF  }
0x3a4: {  	v3 =	vbroadcast v3, $0xF;
	v0 =	vsel vm10, v0, v1  }
0x3a5: {  	v0 =	vsel vm11, v0, v2;
	v2 =	vbroadcast v23, $0xF  }
0x3a6: {  	v0 =	vsel vm12, v0, v3  }
0x3a7: {  	v0 =	vsel vm13, v0, v2;
	v1, _, _ =	vpop (xrf2)  }
0x3a8: {  	s24 =	sadd.s32 $0x10, s24;
	v0 =	vsel vm14, v0, v1  }
0x3a9: {  	s23 =	sshra.s32 s25, $0x2;
	[tilespmem:s24+$0x0] =	vst v0  }
0x3aa: {  	v0 =	vld [tilespmem:s23+$0x89E0]  }
0x3ab: {  	v1 =	vld [tilespmem:s23+$0x75E0]  }
0x3ac: {  	v2 =	vld [tilespmem:s23+$0x8A10]  }
0x3ad: {  	v3 =	vld [tilespmem:s23+$0x7610]  }
0x3ae: {  	v4 =	vld [tilespmem:s23+$0x89A0]  }
0x3af: {  	v5 =	vld [tilespmem:s23+$0x75A0]  }
0x3b0: {  	v6 =	vld [tilespmem:s23+$0x8960]  }
0x3b1: {  	v7 =	vld [tilespmem:s23+$0x7560]  }
0x3b2: {  	v8 =	vld [tilespmem:s23+$0x89D0]  }
0x3b3: {  	v9 =	vld [tilespmem:s23+$0x75D0]  }
0x3b4: {  	v10 =	vld [tilespmem:s23+$0x8A00]  }
0x3b5: {  	v11 =	vld [tilespmem:s23+$0x7600]  }
0x3b6: {  	v18 =	vld [tilespmem:s23+$0x8920]  }
0x3b7: {  	v19 =	vld [tilespmem:s23+$0x7520]  }
0x3b8: {  	v20 =	vld [tilespmem:s23+$0x8990]  }
0x3b9: {  	v22 =	vld [tilespmem:s23+$0x7590]  }
0x3ba: {  	v29 =	vld [tilespmem:s23+$0x88E0]  }
0x3bb: {  	v30 =	vld [tilespmem:s23+$0x74E0]  }
0x3bc: {  	v27 =	vld [tilespmem:s23+$0x8950]  }
0x3bd: {  	v28 =	vld [tilespmem:s23+$0x7550]  }
0x3be: {  	v63 =	vld [tilespmem:s23+$0x89C0]  }
0x3bf: {  	v60 =	vld [tilespmem:s23+$0x75C0]  }
0x3c0: {  	v61 =	vld [tilespmem:s23+$0x89F0]  }
0x3c1: {  	v62 =	vld [tilespmem:s23+$0x75F0]  }
0x3c2: {  	v36 =	vld [tilespmem:s23+$0x88A0]  }
0x3c3: {  	v37 =	vld [tilespmem:s23+$0x74A0]  }
0x3c4: {  	v38 =	vld [tilespmem:s23+$0x8910]  }
0x3c5: {  	v39 =	vld [tilespmem:s23+$0x7510]  }
0x3c6: {  	v40 =	vld [tilespmem:s23+$0x8980]  }
0x3c7: {  	v41 =	vld [tilespmem:s23+$0x7580]  }
0x3c8: {  	v42 =	vld [tilespmem:s23+$0x8860]  }
0x3c9: {  	v43 =	vld [tilespmem:s23+$0x7460]  }
0x3ca: {  	v44 =	vld [tilespmem:s23+$0x88D0]  }
0x3cb: {  	v45 =	vld [tilespmem:s23+$0x74D0]  }
0x3cc: {  	v46 =	vld [tilespmem:s23+$0x8940]  }
0x3cd: {  	v47 =	vld [tilespmem:s23+$0x7540]  }
0x3ce: {  	v24 =	vld [tilespmem:s23+$0x89B0]  }
0x3cf: {  	v25 =	vld [tilespmem:s23+$0x75B0]  }
0x3d0: {  	v12 =	vld [tilespmem:s23+$0x8820]  }
0x3d1: {  	v48 =	vld [tilespmem:s23+$0x7420]  }
0x3d2: {  	v49 =	vld [tilespmem:s23+$0x8890]  }
0x3d3: {  	v50 =	vld [tilespmem:s23+$0x7490]  }
0x3d4: {  	v51 =	vld [tilespmem:s23+$0x8900]  }
0x3d5: {  	v52 =	vld [tilespmem:s23+$0x7500]  }
0x3d6: {  	v13 =	vld [tilespmem:s23+$0x87E0]  }
0x3d7: {  	v26 =	vld [tilespmem:s23+$0x73E0]  }
0x3d8: {  	v14 =	vld [tilespmem:s23+$0x8850]  }
0x3d9: {  	v16 =	vld [tilespmem:s23+$0x7450]  }
0x3da: {  	v15 =	vld [tilespmem:s23+$0x88C0]  }
0x3db: {  	v21 =	vld [tilespmem:s23+$0x74C0];
	v1 =	vmul.bf16 v0, v1  }
0x3dc: {  	v53 =	vld [tilespmem:s23+$0x8970];
	v6 =	vmul.bf16 v6, v7;
	v0 =	vmul.bf16 v4, v5  }
0x3dd: {  	v54 =	vld [tilespmem:s23+$0x7570];
	v5 =	vmul.bf16 v18, v19;
	v7 =	vmul.bf16 v27, v28  }
0x3de: {  	v57 =	vld [tilespmem:s23+$0x8930];
	v49 =	vmul.bf16 v49, v50;
	v12 =	vmul.bf16 v12, v48  }
0x3df: {  	v31 =	vld [tilespmem:s23+$0x73A0];
	v26 =	vmul.bf16 v13, v26;
	v14 =	vmul.bf16 v14, v16  }
0x3e0: {  	v33 =	vld [tilespmem:s23+$0x7480];
	v15 =	vmul.bf16 v15, v21;
	v55 =	vunpack.i.u.bf16.f32 v1;
	v56 =	vunpack.i.l.bf16.f32 v1  }
0x3e1: {  	v59 =	vld [tilespmem:s23+$0x88F0];
	v1 =	vmul.bf16 v2, v3;
	v17 =	vunpack.i.u.bf16.f32 v6;
	v3 =	vmul.bf16 v8, v9  }
0x3e2: {  	v27 =	vld [tilespmem:s23+$0x7410];
	v2 =	vmul.bf16 v10, v11;
	v23 =	vunpack.i.l.bf16.f32 v6;
	v6 =	vmul.bf16 v24, v25  }
0x3e3: {  	v28 =	vld [tilespmem:s23+$0x8880];
	v19 =	vunpack.i.u.bf16.f32 v5;
	v18 =	vunpack.i.l.bf16.f32 v5;
	v34 =	vunpack.i.u.bf16.f32 v7  }
0x3e4: {  	v48 =	vld [tilespmem:s23+$0x8790];
	v50 =	vunpack.i.u.bf16.f32 v49;
	v49 =	vunpack.i.l.bf16.f32 v49;
	v58 =	vunpack.i.u.bf16.f32 v3  }
0x3e5: {  	v4 =	vld [tilespmem:s23+$0x87C0];
	v8 =	vunpack.i.l.bf16.f32 v3;
	v3 =	vunpack.i.l.bf16.f32 v2;
	v5 =	vunpack.i.l.bf16.f32 v6  }
0x3e6: {  	v11 =	vld [tilespmem:s23+$0x7530];
	[tilespmem:$0x1FFE0] =	vst v3;
	v3 =	vmul.bf16 v20, v22;
	v9 =	vadd.f32 $0.0e+00, v5;
	v20 =	vmul.bf16 v63, v60  }
0x3e7: {  	v25 =	vld [tilespmem:s23+$0x87A0];
	v10 =	vunpack.i.u.bf16.f32 v6;
	v22 =	vmul.bf16 v61, v62;
	v5 =	vmul.bf16 v29, v30  }
0x3e8: {  	v24 =	vld [tilespmem:s23+$0x8810];
	v60 =	vunpack.i.l.bf16.f32 v7;
	v30 =	vmul.bf16 v38, v39;
	v9 =	vadd.f32 v9, v10  }
0x3e9: {  	v61 =	vld [tilespmem:s23+$0x7360];
	v63 =	vmul.bf16 v42, v43;
	v6 =	vunpack.i.l.bf16.f32 v3;
	v10 =	vunpack.i.l.bf16.f32 v20  }
0x3ea: {  	v62 =	vld [tilespmem:s23+$0x73D0];
	v29 =	vunpack.i.l.bf16.f32 v22;
	v20 =	vunpack.i.u.bf16.f32 v20;
	v7 =	vadd.f32 v10, v9  }
0x3eb: {  	v42 =	vld [tilespmem:s23+$0x8840];
	v22 =	vunpack.i.u.bf16.f32 v22;
	v9 =	vadd.f32 $0.0e+00, v29;
	v10 =	vmul.bf16 v36, v37  }
0x3ec: {  	v38 =	vunpack.i.l.bf16.f32 v30;
	v35 =	vmul.bf16 v57, v11;
	v36 =	vld [tilespmem:s23+$0x74F0];
	v32 =	vadd.f32 v7, v20  }
0x3ed: {  	v7 =	vadd.f32 v9, v22;
	v22 =	vunpack.i.u.bf16.f32 v10;
	v9 =	vmul.bf16 v40, v41;
	v40 =	vld [tilespmem:s23+$0x87D0]  }
0x3ee: {  	v29 =	vld [tilespmem:s23+$0x8760];
	v20 =	vunpack.i.l.bf16.f32 v10;
	v41 =	vunpack.i.u.bf16.f32 v30;
	v30 =	vadd.f32 v8, v32  }
0x3ef: {  	v8 =	vunpack.i.u.bf16.f32 v9;
	v10 =	vunpack.i.l.bf16.f32 v9;
	v9 =	vmul.bf16 v44, v45;
	v45 =	vld [tilespmem:s23+$0x7440]  }
0x3f0: {  	v25 =	vmul.bf16 v25, v31;
	v57 =	vadd.f32 v30, v58;
	v58 =	vmul.bf16 v46, v47;
	v46 =	vld [tilespmem:s23+$0x88B0]  }
0x3f1: {  	v32 =	vunpack.i.l.bf16.f32 v63;
	v30 =	vunpack.i.u.bf16.f32 v63;
	v63 =	vunpack.i.l.bf16.f32 v35;
	v47 =	vld [tilespmem:s23+$0x74B0]  }
0x3f2: {  	v36 =	vmul.bf16 v59, v36;
	v43 =	vadd.f32 $0.0e+00, v63;
	v31 =	vmul.bf16 v40, v62;
	v40 =	vld [tilespmem:s23+$0x86A0]  }
0x3f3: {  	v37 =	vadd.f32 v56, v57;
	v44 =	vunpack.i.u.bf16.f32 v58;
	v56 =	vld [tilespmem:s23+$0x8720];
	v57 =	vunpack.i.u.bf16.f32 v35  }
0x3f4: {  	v39 =	vunpack.i.l.bf16.f32 v58;
	v58 =	vadd.f32 v43, v57;
	v43 =	vmul.bf16 v51, v52;
	v52 =	vld [tilespmem:s23+$0x7390]  }
0x3f5: {  	v11 =	vunpack.i.l.bf16.f32 v9;
	v59 =	vunpack.i.l.bf16.f32 v36;
	v51 =	vmul.bf16 v53, v54;
	v54 =	vld [tilespmem:s23+$0x8800]  }
0x3f6: {  	v36 =	vunpack.i.u.bf16.f32 v36;
	v57 =	vld [tilespmem:s23+$0x8870];
	v35 =	vadd.f32 v37, v55;
	v37 =	vadd.f32 v39, v58  }
0x3f7: {  	v39 =	vadd.f32 $0.0e+00, v59;
	v53 =	vunpack.i.u.bf16.f32 v43;
	v63 =	vunpack.i.l.bf16.f32 v51;
	v58 =	vld [tilespmem:s23+$0x7400]  }
0x3f8: {  	v55 =	vld [tilespmem:s23+$0x7320];
	v13 =	vunpack.i.u.bf16.f32 v51;
	v37 =	vadd.f32 v37, v44;
	v44 =	vadd.f32 $0.0e+00, v63  }
0x3f9: {  	v51 =	vld [tilespmem:s23+$0x7470];
	v36 =	vadd.f32 v39, v36;
	v63 =	vunpack.i.l.bf16.f32 v43;
	v39 =	vunpack.i.l.bf16.f32 v26  }
0x3fa: {  	v59 =	vld [tilespmem:s23+$0x86E0];
	v48 =	vmul.bf16 v48, v52;
	v60 =	vadd.f32 v60, v37;
	v13 =	vadd.f32 v44, v13  }
0x3fb: {  	v52 =	vld [tilespmem:s23+$0x73B0];
	v37 =	vunpack.i.u.bf16.f32 v26;
	v16 =	vadd.f32 v63, v36;
	v63 =	vunpack.i.l.bf16.f32 v14  }
0x3fc: {  	v36 =	vld [tilespmem:s23+$0x72E0];
	v44 =	vunpack.i.l.bf16.f32 v25;
	v62 =	vmul.bf16 v54, v58;
	v21 =	vadd.f32 v60, v34  }
0x3fd: {  	v54 =	vld [tilespmem:s23+$0x7370];
	v60 =	vunpack.i.u.bf16.f32 v14;
	v26 =	vadd.f32 v16, v53;
	v14 =	vunpack.i.u.bf16.f32 v15  }
0x3fe: {  	v58 =	vld [tilespmem:s23+$0x86D0];
	v16 =	vunpack.i.l.bf16.f32 v15;
	v21 =	vadd.f32 v23, v21;
	v23 =	vmul.bf16 v57, v51  }
0x3ff: {  	v34 =	vld [tilespmem:s23+$0x8750];
	v15 =	vmul.bf16 v24, v27;
	v27 =	vmul.bf16 v28, v33;
	v26 =	vadd.f32 v38, v26  }
0x400: {  	v38 =	vunpack.i.u.bf16.f32 v25;
	v25 =	vld [tilespmem:s23+$0x7430];
	v43 =	vadd.f32 v21, v17;
	v24 =	vunpack.i.l.bf16.f32 v23  }
0x401: {  	v28 =	vunpack.i.u.bf16.f32 v27;
	v21 =	vld [tilespmem:s23+$0x8830];
	v26 =	vadd.f32 v26, v41;
	v24 =	vadd.f32 $0.0e+00, v24  }
0x402: {  	v53 =	vld [tilespmem:s23+$0x7350];
	v27 =	vunpack.i.l.bf16.f32 v27;
	v36 =	vmul.bf16 v59, v36;
	v23 =	vunpack.i.u.bf16.f32 v23  }
0x403: {  	v33 =	vld [tilespmem:s23+$0x8660];
	v17 =	vunpack.i.l.bf16.f32 v15;
	v26 =	vadd.f32 v18, v26;
	v24 =	vadd.f32 v24, v23  }
0x404: {  	v51 =	vld [tilespmem:s23+$0x73C0];
	v18 =	vmul.bf16 v29, v61;
	v29 =	vmul.bf16 v42, v45;
	v45 =	vunpack.i.u.bf16.f32 v31  }
0x405: {  	v57 =	vld [tilespmem:s23+$0x7310];
	v23 =	vadd.f32 v26, v19;
	v19 =	vadd.f32 v27, v24;
	v24 =	vmul.bf16 v46, v47  }
0x406: {  	v61 =	vld [tilespmem:s23+$0x8780];
	v47 =	vunpack.i.l.bf16.f32 v31;
	v21 =	vmul.bf16 v21, v25;
	v25 =	vunpack.i.u.bf16.f32 v29  }
0x407: {  	v27 =	vunpack.i.l.bf16.f32 v29;
	v29 =	vmul.bf16 v56, v55;
	v55 =	vld [tilespmem:s23+$0x7380];
	v26 =	vunpack.i.l.bf16.f32 v24  }
0x408: {  	v31 =	vld [tilespmem:s23+$0x87B0];
	v19 =	vadd.f32 v19, v28;
	v28 =	vunpack.i.l.bf16.f32 v21;
	v26 =	vadd.f32 $0.0e+00, v26  }
0x409: {  	v59 =	vld [tilespmem:s23+$0x7340];
	v4 =	vmul.bf16 v4, v51;
	v24 =	vunpack.i.u.bf16.f32 v24;
	v28 =	vadd.f32 $0.0e+00, v28  }
0x40a: {  	v41 =	vld [tilespmem:s23+$0x7260];
	v21 =	vunpack.i.u.bf16.f32 v21;
	v49 =	vadd.f32 v49, v19;
	v19 =	vadd.f32 v26, v24  }
0x40b: {  	v42 =	vld [tilespmem:s23+$0x72A0];
	v24 =	vunpack.i.u.bf16.f32 v29;
	v21 =	vadd.f32 v28, v21;
	v26 =	vunpack.i.l.bf16.f32 v29  }
0x40c: {  	v29 =	vld [tilespmem:s23+$0x8770];
	v55 =	vmul.bf16 v61, v55;
	v28 =	vadd.f32 v49, v50;
	v49 =	vunpack.i.u.bf16.f32 v48  }
0x40d: {  	v46 =	vld [tilespmem:s23+$0x8710];
	v48 =	vunpack.i.l.bf16.f32 v48;
	v50 =	vmul.bf16 v31, v52;
	v27 =	vadd.f32 v27, v21  }
0x40e: {  	v56 =	vld [tilespmem:s23+$0x87F0];
	v21 =	vunpack.i.l.bf16.f32 v62;
	v28 =	vadd.f32 v20, v28;
	v20 =	vunpack.i.u.bf16.f32 v62  }
0x40f: {  	v61 =	vld [tilespmem:s23+$0x7300];
	v62 =	vunpack.i.l.bf16.f32 v50;
	v25 =	vadd.f32 v27, v25;
	v27 =	vunpack.i.u.bf16.f32 v36  }
0x410: {  	v52 =	vld [tilespmem:s23+$0x73F0];
	v31 =	vadd.f32 v28, v22;
	v28 =	vunpack.i.l.bf16.f32 v36;
	v22 =	vmul.bf16 v34, v53  }
0x411: {  	v36 =	vld [tilespmem:s23+$0x72D0];
	v54 =	vmul.bf16 v29, v54;
	v29 =	vadd.f32 $0.0e+00, v62;
	v63 =	vadd.f32 v63, v25  }
0x412: {  	v53 =	vld [tilespmem:s23+$0x8740];
	v34 =	vunpack.i.u.bf16.f32 v50;
	v50 =	vunpack.i.u.bf16.f32 v4;
	v4 =	vunpack.i.l.bf16.f32 v4  }
0x413: {  	v62 =	vunpack.i.l.bf16.f32 v54;
	v34 =	vadd.f32 v29, v34;
	v51 =	vadd.f32 v63, v60;
	v60 =	vld [tilespmem:s23+$0x8650]  }
0x414: {  	v25 =	vunpack.i.l.bf16.f32 v22;
	v29 =	vmul.bf16 v33, v41;
	v63 =	vld [tilespmem:s23+$0x7250];
	v33 =	vadd.f32 $0.0e+00, v62  }
0x415: {  	v54 =	vunpack.i.u.bf16.f32 v54;
	v4 =	vadd.f32 v4, v34;
	v41 =	vadd.f32 v32, v51;
	v51 =	vld [tilespmem:s23+$0x8700]  }
0x416: {  	v62 =	vunpack.i.l.bf16.f32 v55;
	v32 =	vunpack.i.l.bf16.f32 v29;
	v33 =	vadd.f32 v33, v54;
	v54 =	vld [tilespmem:s23+$0x86C0]  }
0x417: {  	v4 =	vadd.f32 v4, v50;
	v50 =	vmul.bf16 v56, v52;
	v56 =	vld [tilespmem:s23+$0x72C0];
	v34 =	vadd.f32 v41, v30  }
0x418: {  	v52 =	vld [tilespmem:s23+$0x86F0];
	v30 =	vmul.bf16 v40, v42;
	v42 =	vmul.bf16 v46, v57;
	v33 =	vadd.f32 v62, v33  }
0x419: {  	v57 =	vld [tilespmem:s23+$0x8730];
	v41 =	vunpack.i.u.bf16.f32 v55;
	v46 =	vmul.bf16 v58, v36;
	v36 =	vmul.bf16 v53, v59  }
0x41a: {  	v55 =	vld [tilespmem:s23+$0x72F0];
	v4 =	vadd.f32 v47, v4;
	v62 =	vunpack.i.l.bf16.f32 v50;
	v40 =	vunpack.i.u.bf16.f32 v42  }
0x41b: {  	v58 =	vld [tilespmem:s23+$0x7330];
	v33 =	vadd.f32 v33, v41;
	v41 =	vadd.f32 $0.0e+00, v62;
	v62 =	vunpack.i.u.bf16.f32 v50  }
0x41c: {  	v47 =	vunpack.i.l.bf16.f32 v42;
	v42 =	vunpack.i.u.bf16.f32 v46;
	v4 =	vadd.f32 v4, v45  }
0x41d: {  	v59 =	vld [tilespmem:s23+$0x72B0];
	v46 =	vunpack.i.l.bf16.f32 v46;
	v50 =	vadd.f32 v48, v33;
	v33 =	vadd.f32 v41, v62  }
0x41e: {  	p1 =	sne.s32 s25, $0x4FC0;
	(xrf2) =	vadd.scan.msk.f32 $0xffff, v35;
	v62 =	vld [tilespmem:s23+$0x86B0];
	v41 =	vunpack.i.l.bf16.f32 v36;
	v56 =	vmul.bf16 v54, v56;
	v4 =	vadd.f32 v39, v4  }
.Ltmp1:
0x41f: {  	(xrf2) =	vadd.scan.msk.f32 $0xffff, v43;
	v43 =	vld [tilespmem:s23+$0x8670];
	v39 =	vmul.bf16 v60, v63;
	v53 =	vmul.bf16 v52, v55;
	v49 =	vadd.f32 v50, v49;
	(pc) =	sbr.rel @p1 .LBB2_5-.Ltmp1, $4  }
0x420: {  	v48 =	vld [tilespmem:s23+$0x8640];
	v63 =	vmul.bf16 v51, v61;
	v54 =	vmul.bf16 v57, v58;
	v37 =	vadd.f32 v4, v37  }
0x421: {  	v52 =	vld [tilespmem:s23+$0x7230];
	v45 =	vunpack.i.l.bf16.f32 v39;
	v60 =	vunpack.i.l.bf16.f32 v53;
	v4 =	vadd.f32 v44, v49  }
0x422: {  	v50 =	vld [tilespmem:s23+$0x8630];
	v51 =	vunpack.i.l.bf16.f32 v63;
	v44 =	vunpack.i.u.bf16.f32 v63;
	v57 =	vadd.f32 $0.0e+00, v60  }
0x423: {  	s25 =	sadd.s32 $0x1000, s25;
	v49 =	vld [tilespmem:s23+$0x7240];
	v55 =	vmul.bf16 v62, v59;
	v35 =	vadd.f32 v4, v38;
	v38 =	vunpack.i.u.bf16.f32 v56  }
0x424: {  	v4 =	vld [tilespmem:s23+$0x7270];
	v56 =	vunpack.i.l.bf16.f32 v56;
	v53 =	vunpack.i.u.bf16.f32 v53;
	v58 =	vunpack.i.l.bf16.f32 v54  }
0x425: {  	v61 =	vunpack.i.u.bf16.f32 v54;
	v21 =	vadd.f32 v21, v33;
	v16 =	vadd.f32 v16, v19  }
0x426: {  	v53 =	vadd.f32 v57, v53;
	v60 =	vunpack.i.l.bf16.f32 v55;
	v58 =	vadd.f32 $0.0e+00, v58  }
0x427: {  	v62 =	vunpack.i.u.bf16.f32 v55;
	v57 =	vadd.f32 $0.0e+00, v60;
	v50 =	vmul.bf16 v50, v52  }
0x428: {  	v52 =	vld [tilespmem:s23+$0x8680];
	v51 =	vadd.f32 v51, v53;
	v54 =	vadd.f32 v58, v61;
	v48 =	vmul.bf16 v48, v49  }
0x429: {  	v53 =	vld [tilespmem:s23+$0x7280];
	v60 =	vadd.f32 v57, v62;
	v63 =	vunpack.i.l.bf16.f32 v50;
	v4 =	vmul.bf16 v43, v4  }
0x42a: {  	v43 =	vadd.f32 v51, v44;
	v62 =	vunpack.i.u.bf16.f32 v50;
	v61 =	vadd.f32 $0.0e+00, v63  }
0x42b: {  	v55 =	vadd.f32 v41, v54;
	v63 =	vunpack.i.l.bf16.f32 v48;
	v49 =	vadd.f32 v56, v60  }
0x42c: {  	v51 =	vld [tilespmem:s23+$0x8690];
	v60 =	vunpack.i.l.bf16.f32 v4;
	v43 =	vadd.f32 v47, v43;
	v44 =	vadd.f32 v61, v62  }
0x42d: {  	v4 =	vunpack.i.u.bf16.f32 v4;
	v61 =	vld [tilespmem:s23+$0x7290];
	v62 =	vadd.f32 $0.0e+00, v60;
	v38 =	vadd.f32 v49, v38  }
0x42e: {  	v52 =	vmul.bf16 v52, v53;
	v40 =	vadd.f32 v43, v40;
	v44 =	vadd.f32 v63, v44  }
0x42f: {  	v63 =	vunpack.i.u.bf16.f32 v48;
	v4 =	vadd.f32 v62, v4;
	v38 =	vadd.f32 v46, v38  }
0x430: {  	v48 =	vunpack.i.l.bf16.f32 v52;
	v26 =	vadd.f32 v26, v40;
	v43 =	vadd.f32 v44, v63  }
0x431: {  	v4 =	vadd.f32 v48, v4;
	v38 =	vadd.f32 v38, v42  }
0x432: {  	v49 =	vmul.bf16 v51, v61;
	v51 =	vunpack.i.u.bf16.f32 v52;
	v24 =	vadd.f32 v26, v24  }
0x433: {  	v50 =	vadd.f32 v45, v43;
	v4 =	vadd.f32 v4, v51  }
0x434: {  	v52 =	vunpack.i.u.bf16.f32 v39;
	v28 =	vadd.f32 v28, v38;
	v53 =	vunpack.i.l.bf16.f32 v49  }
0x435: {  	(xrf2) =	vadd.scan.msk.f32 $0xffff, v23;
	v57 =	vunpack.i.u.bf16.f32 v36;
	v26 =	vadd.f32 v50, v52;
	v4 =	vadd.f32 v53, v4  }
0x436: {  	(xrf2) =	vadd.scan.msk.f32 $0xffff, v31;
	v58 =	vunpack.i.u.bf16.f32 v49;
	v56 =	vadd.f32 v28, v27;
	v27 =	vadd.f32 v55, v57  }
0x437: {  	v29 =	vunpack.i.u.bf16.f32 v29;
	v10 =	vadd.f32 v10, v13;
	(xrf2) =	vadd.scan.msk.f32 $0xffff, v34;
	v4 =	vadd.f32 v4, v58  }
0x438: {  	v59 =	vunpack.i.l.bf16.f32 v30;
	(xrf2) =	vadd.scan.msk.f32 $0xffff, v37;
	v26 =	vadd.f32 v32, v26;
	v25 =	vadd.f32 v25, v27  }
0x439: {  	v22 =	vunpack.i.u.bf16.f32 v22;
	v20 =	vadd.f32 v21, v20;
	(xrf2) =	vadd.scan.msk.f32 $0xffff, v35;
	v4 =	vadd.f32 v59, v4  }
0x43a: {  	v60 =	vunpack.i.u.bf16.f32 v30;
	(xrf2) =	vadd.scan.msk.f32 $0xffff, v24;
	v26 =	vadd.f32 v26, v29;
	v22 =	vadd.f32 v25, v22  }
0x43b: {  	v17 =	vadd.f32 v17, v20;
	v61 =	vunpack.i.l.bf16.f32 v18;
	(xrf2) =	vadd.scan.msk.f32 $0xffff, v56;
	v4 =	vadd.f32 v4, v60  }
0x43c: {  	v15 =	vunpack.i.u.bf16.f32 v15;
	v14 =	vadd.f32 v16, v14;
	v27 =	vld [tilespmem:$0x1FFE0];
	(xrf2) =	vadd.scan.msk.f32 $0xffff, v26;
	v19 =	vadd.f32 v61, v22  }
0x43d: {  	v8 =	vadd.f32 v10, v8;
	v15 =	vadd.f32 v17, v15;
	v62, _, _ =	vpop (xrf2);
	v63 =	vunpack.i.u.bf16.f32 v18;
	(xrf2) =	vadd.scan.msk.f32 $0xffff, v4  }
0x43e: {  	v23 =	vunpack.i.l.bf16.f32 v12;
	v11 =	vadd.f32 v11, v14;
	v21, _, _ =	vpop (xrf2);
	v22 =	vadd.f32 v19, v63  }
0x43f: {  	v9 =	vunpack.i.u.bf16.f32 v9;
	v15 =	vadd.f32 v23, v15;
	v24, _, _ =	vpop (xrf2)  }
0x440: {  	v31 =	vld [tilespmem:s23+$0x7620];
	v6 =	vadd.f32 v6, v8;
	v9 =	vadd.f32 v11, v9;
	v25, _, _ =	vpop (xrf2);
	v26 =	vunpack.i.u.bf16.f32 v12;
	(xrf2) =	vadd.scan.msk.f32 $0xffff, v22  }
0x441: {  	v30 =	vunpack.i.l.bf16.f32 v5;
	v28 =	vld [tilespmem:s23+$0x8A20];
	v7 =	vadd.f32 v27, v7;
	v29, _, _ =	vpop (xrf2);
	v12 =	vadd.f32 v15, v26  }
0x442: {  	v3 =	vunpack.i.u.bf16.f32 v3;
	v2 =	vunpack.i.u.bf16.f32 v2;
	v9 =	vadd.f32 v30, v9;
	v32, _, _ =	vpop (xrf2)  }
0x443: {  	v34 =	vunpack.i.u.bf16.f32 v5;
	v3 =	vadd.f32 v6, v3;
	v33, _, _ =	vpop (xrf2);
	v2 =	vadd.f32 v7, v2;
	(xrf2) =	vadd.scan.msk.f32 $0xffff, v12  }
0x444: {  	v37 =	vunpack.i.l.bf16.f32 v1;
	v36 =	vunpack.i.l.bf16.f32 v0;
	v5 =	vadd.f32 v9, v34;
	v35, _, _ =	vpop (xrf2)  }
0x445: {  	v3 =	vadd.f32 v36, v3;
	v2 =	vadd.f32 v37, v2;
	v38, _, _ =	vpop (xrf2)  }
0x446: {  	v41 =	vunpack.i.u.bf16.f32 v1;
	v40 =	vunpack.i.u.bf16.f32 v0;
	v8 =	vmul.bf16 v28, v31;
	(xrf2) =	vadd.scan.msk.f32 $0xffff, v5;
	v39, _, _ =	vpop (xrf2)  }
0x447: {  	v0 =	vadd.f32 v3, v40;
	v1 =	vadd.f32 v2, v41;
	v42, _, _ =	vpop (xrf2)  }
0x448: {  	v44 =	vunpack.i.l.bf16.f32 v8;
	v43 =	vbroadcast v39, $0xF;
	v2 =	vbroadcast v42, $0xF  }
0x449: {  	v45 =	vbroadcast v38, $0xF;
	v1 =	vadd.f32 v44, v1;
	(xrf2) =	vadd.scan.msk.f32 $0xffff, v0  }
0x44a: {  	v48 =	vunpack.i.u.bf16.f32 v8;
	v47 =	vbroadcast v35, $0xF;
	v49, _, _ =	vpop (xrf2);
	v46 =	vsel vm0, v43, v2  }
0x44b: {  	v1 =	vadd.f32 v1, v48;
	v5 =	vbroadcast v49, $0xF;
	v0 =	vsel vm1, v46, v45  }
0x44c: {  	v50 =	vbroadcast v33, $0xF;
	v0 =	vsel vm2, v0, v47  }
0x44d: {  	v51 =	vbroadcast v32, $0xF;
	(xrf2) =	vadd.scan.msk.f32 $0xffff, v1;
	v52, _, _ =	vpop (xrf2);
	v0 =	vsel vm3, v0, v5  }
0x44e: {  	v53 =	vbroadcast v52, $0xF;
	v0 =	vsel vm4, v0, v50  }
0x44f: {  	v54 =	vbroadcast v29, $0xF;
	v0 =	vsel vm5, v0, v51  }
0x450: {  	v55 =	vbroadcast v25, $0xF;
	v56, _, _ =	vpop (xrf2);
	v0 =	vsel vm6, v0, v53  }
0x451: {  	v57 =	vbroadcast v56, $0xF;
	v0 =	vsel vm7, v0, v54  }
0x452: {  	v58 =	vbroadcast v24, $0xF;
	v0 =	vsel vm8, v0, v55  }
0x453: {  	s22 =	sadd.s32 $0x1, s22;
	v59 =	vbroadcast v21, $0xF;
	v60, _, _ =	vpop (xrf2);
	v0 =	vsel vm9, v0, v57  }
0x454: {  	p1 =	sne.s32 s22, $0x3E;
	v61 =	vbroadcast v60, $0xF;
	v0 =	vsel vm10, v0, v58  }
.Ltmp2:
0x455: {  	v62 =	vbroadcast v62, $0xF;
	v0 =	vsel vm11, v0, v59;
	(pc) =	sbr.rel @p1 .LBB2_2-.Ltmp2, $4  }
0x456: {  	v0 =	vsel vm12, v0, v61  }
0x457: {  	v63, _, _ =	vpop (xrf2);
	v0 =	vsel vm13, v0, v62  }
0x458: {  	s31 =	sadd.s32 $0x10, s24;
	v0 =	vsel vm14, v0, v63  }
0x459: {  	s21 =	sadd.s32 $0xA0, s21;
	s20 =	sadd.s32 $0xA0, s20;
	[tilespmem:s31+$0x0] =	vst v0  }
0x45a: {  	_ =	swait.ge [sflag:s16], $0x1400  }
0x45b: {  	[sflag:s16] =	ssyncset.done $0x0  }
0x45c: {  	[sflag:s16] =	ssyncadd.s32 $0xFFFFEC00  }
0x45d: {  	_ =	swait.ge [sflag:s16], $0x1400  }
0x45e: {  	[sflag:s16] =	ssyncset.done $0x0  }
0x45f: {  	s20 =	simm.s32 $0x3F0;
	[sflag:s16] =	ssyncadd.s32 $0xFFFFEC00  }
0x460: {  	v0 =	vld [tilespmem:s20+$0x61E0]  }
0x461: {  	v1 =	vld [tilespmem:s20+$0x4DE0]  }
0x462: {  	v2 =	vld [tilespmem:s20+$0x6210]  }
0x463: {  	v3 =	vld [tilespmem:s20+$0x4E10]  }
0x464: {  	v4 =	vld [tilespmem:s20+$0x61A0]  }
0x465: {  	v5 =	vld [tilespmem:s20+$0x4DA0]  }
0x466: {  	v6 =	vld [tilespmem:s20+$0x6160]  }
0x467: {  	v7 =	vld [tilespmem:s20+$0x4D60]  }
0x468: {  	v8 =	vld [tilespmem:s20+$0x61D0]  }
0x469: {  	v9 =	vld [tilespmem:s20+$0x4DD0]  }
0x46a: {  	v10 =	vld [tilespmem:s20+$0x6200]  }
0x46b: {  	v11 =	vld [tilespmem:s20+$0x4E00]  }
0x46c: {  	v12 =	vld [tilespmem:s20+$0x6120]  }
0x46d: {  	v13 =	vld [tilespmem:s20+$0x4D20]  }
0x46e: {  	v14 =	vld [tilespmem:s20+$0x6190]  }
0x46f: {  	v15 =	vld [tilespmem:s20+$0x4D90]  }
0x470: {  	v16 =	vld [tilespmem:s20+$0x60E0]  }
0x471: {  	v17 =	vld [tilespmem:s20+$0x4CE0]  }
0x472: {  	v18 =	vld [tilespmem:s20+$0x6150]  }
0x473: {  	v19 =	vld [tilespmem:s20+$0x4D50]  }
0x474: {  	v20 =	vld [tilespmem:s20+$0x61C0]  }
0x475: {  	v22 =	vld [tilespmem:s20+$0x4DC0]  }
0x476: {  	v23 =	vld [tilespmem:s20+$0x61F0]  }
0x477: {  	v24 =	vld [tilespmem:s20+$0x4DF0]  }
0x478: {  	v25 =	vld [tilespmem:s20+$0x60A0]  }
0x479: {  	v26 =	vld [tilespmem:s20+$0x4CA0]  }
0x47a: {  	v27 =	vld [tilespmem:s20+$0x6110]  }
0x47b: {  	v28 =	vld [tilespmem:s20+$0x4D10]  }
0x47c: {  	v29 =	vld [tilespmem:s20+$0x6180]  }
0x47d: {  	v30 =	vld [tilespmem:s20+$0x4D80]  }
0x47e: {  	v31 =	vld [tilespmem:s20+$0x6060]  }
0x47f: {  	v32 =	vld [tilespmem:s20+$0x4C60]  }
0x480: {  	v33 =	vld [tilespmem:s20+$0x60D0]  }
0x481: {  	v34 =	vld [tilespmem:s20+$0x4CD0]  }
0x482: {  	v35 =	vld [tilespmem:s20+$0x6140]  }
0x483: {  	v36 =	vld [tilespmem:s20+$0x4D40]  }
0x484: {  	v21 =	vld [tilespmem:s20+$0x61B0]  }
0x485: {  	v37 =	vld [tilespmem:s20+$0x4DB0]  }
0x486: {  	v38 =	vld [tilespmem:s20+$0x6020]  }
0x487: {  	v39 =	vld [tilespmem:s20+$0x4C20]  }
0x488: {  	v40 =	vld [tilespmem:s20+$0x6090]  }
0x489: {  	v41 =	vld [tilespmem:s20+$0x4C90]  }
0x48a: {  	v42 =	vld [tilespmem:s20+$0x6100]  }
0x48b: {  	v43 =	vld [tilespmem:s20+$0x4D00]  }
0x48c: {  	v44 =	vld [tilespmem:s20+$0x6170]  }
0x48d: {  	v45 =	vld [tilespmem:s20+$0x4D70]  }
0x48e: {  	v46 =	vld [tilespmem:s20+$0x5FE0]  }
0x48f: {  	v47 =	vld [tilespmem:s20+$0x4BE0]  }
0x490: {  	v48 =	vld [tilespmem:s20+$0x6050]  }
0x491: {  	v49 =	vld [tilespmem:s20+$0x4C50];
	v1 =	vmul.bf16 v0, v1  }
0x492: {  	v50 =	vld [tilespmem:s20+$0x60C0];
	v6 =	vmul.bf16 v6, v7;
	v0 =	vmul.bf16 v4, v5  }
0x493: {  	v52 =	vld [tilespmem:s20+$0x4CC0];
	v5 =	vmul.bf16 v12, v13;
	v7 =	vmul.bf16 v18, v19  }
0x494: {  	v54 =	vld [tilespmem:s20+$0x6130];
	v13 =	vmul.bf16 v20, v22;
	v40 =	vmul.bf16 v40, v41  }
0x495: {  	v57 =	vld [tilespmem:s20+$0x4BA0];
	v51 =	vunpack.i.u.bf16.f32 v1;
	v53 =	vunpack.i.l.bf16.f32 v1;
	v1 =	vmul.bf16 v2, v3  }
0x496: {  	v19 =	vld [tilespmem:s20+$0x6080];
	v55 =	vunpack.i.u.bf16.f32 v6;
	v3 =	vmul.bf16 v8, v9;
	v2 =	vmul.bf16 v10, v11  }
0x497: {  	v22 =	vld [tilespmem:s20+$0x4C80];
	v56 =	vunpack.i.l.bf16.f32 v6;
	v6 =	vmul.bf16 v21, v37;
	v21 =	vunpack.i.u.bf16.f32 v5  }
0x498: {  	v59 =	vld [tilespmem:s20+$0x6010];
	v58 =	vunpack.i.l.bf16.f32 v5;
	v20 =	vunpack.i.l.bf16.f32 v7;
	v12 =	vunpack.i.u.bf16.f32 v3  }
0x499: {  	v60 =	vld [tilespmem:s20+$0x4B60];
	v8 =	vunpack.i.l.bf16.f32 v3;
	v4 =	vunpack.i.l.bf16.f32 v2;
	v5 =	vunpack.i.l.bf16.f32 v6  }
0x49a: {  	v37 =	vld [tilespmem:s20+$0x5FA0];
	v3 =	vmul.bf16 v14, v15;
	v10 =	vunpack.i.u.bf16.f32 v6;
	v9 =	vadd.f32 $0.0e+00, v5  }
0x49b: {  	v11 =	vld [tilespmem:s20+$0x4D30];
	v14 =	vmul.bf16 v23, v24;
	v15 =	vunpack.i.u.bf16.f32 v7;
	v24 =	vmul.bf16 v27, v28  }
0x49c: {  	v62 =	vld [tilespmem:s20+$0x4BD0];
	v5 =	vmul.bf16 v16, v17;
	v19 =	vmul.bf16 v19, v22;
	v9 =	vadd.f32 v9, v10  }
0x49d: {  	v18 =	vld [tilespmem:s20+$0x4C10];
	v16 =	vunpack.i.l.bf16.f32 v14;
	v14 =	vunpack.i.u.bf16.f32 v14;
	v10 =	vunpack.i.l.bf16.f32 v13  }
0x49e: {  	v41 =	vld [tilespmem:s20+$0x4B20];
	v61 =	vunpack.i.u.bf16.f32 v24;
	v7 =	vadd.f32 v10, v9;
	v9 =	vadd.f32 $0.0e+00, v16  }
0x49f: {  	v17 =	vld [tilespmem:s20+$0x60F0];
	v13 =	vunpack.i.u.bf16.f32 v13;
	v37 =	vmul.bf16 v37, v57;
	v10 =	vmul.bf16 v25, v26  }
0x4a0: {  	v57 =	vld [tilespmem:s20+$0x5E60];
	v26 =	vmul.bf16 v54, v11;
	v13 =	vadd.f32 v7, v13;
	v7 =	vadd.f32 v9, v14  }
0x4a1: {  	v16 =	vld [tilespmem:s20+$0x4CF0];
	v27 =	vunpack.i.u.bf16.f32 v10;
	v23 =	vunpack.i.l.bf16.f32 v10;
	v9 =	vmul.bf16 v29, v30  }
0x4a2: {  	v25 =	vld [tilespmem:s20+$0x5F60];
	v30 =	vunpack.i.l.bf16.f32 v24;
	v14 =	vmul.bf16 v31, v32;
	v13 =	vadd.f32 v8, v13  }
0x4a3: {  	v29 =	vld [tilespmem:s20+$0x5FD0];
	v8 =	vunpack.i.u.bf16.f32 v9;
	v10 =	vunpack.i.l.bf16.f32 v9;
	v9 =	vmul.bf16 v33, v34  }
0x4a4: {  	v31 =	vld [tilespmem:s20+$0x6040];
	v24 =	vunpack.i.u.bf16.f32 v14;
	v28 =	vunpack.i.l.bf16.f32 v14;
	v14 =	vunpack.i.l.bf16.f32 v26  }
0x4a5: {  	v32 =	vld [tilespmem:s20+$0x4C40];
	v26 =	vunpack.i.u.bf16.f32 v26;
	v33 =	vmul.bf16 v44, v45;
	v4 =	vadd.f32 v4, v7  }
0x4a6: {  	v34 =	vld [tilespmem:s20+$0x60B0];
	v63 =	vadd.f32 $0.0e+00, v14;
	v16 =	vmul.bf16 v17, v16;
	v12 =	vadd.f32 v13, v12  }
0x4a7: {  	v44 =	vld [tilespmem:s20+$0x6000];
	v13 =	vmul.bf16 v35, v36;
	v11 =	vunpack.i.l.bf16.f32 v9;
	v45 =	vunpack.i.l.bf16.f32 v33  }
0x4a8: {  	v35 =	vld [tilespmem:s20+$0x4CB0];
	v17 =	vadd.f32 v63, v26;
	v26 =	vmul.bf16 v42, v43;
	v54 =	vunpack.i.l.bf16.f32 v16  }
0x4a9: {  	v16 =	vunpack.i.u.bf16.f32 v16;
	v63 =	vmul.bf16 v46, v47;
	v46 =	vld [tilespmem:s20+$0x6070];
	v29 =	vmul.bf16 v29, v62  }
0x4aa: {  	v47 =	vld [tilespmem:s20+$0x4C70];
	v12 =	vadd.f32 v53, v12;
	v36 =	vunpack.i.u.bf16.f32 v13;
	v13 =	vunpack.i.l.bf16.f32 v13  }
0x4ab: {  	v42 =	vld [tilespmem:s20+$0x4B90];
	v13 =	vadd.f32 v13, v17;
	v17 =	vadd.f32 $0.0e+00, v54;
	v43 =	vunpack.i.u.bf16.f32 v26  }
0x4ac: {  	v53 =	vld [tilespmem:s20+$0x5F20];
	v54 =	vunpack.i.l.bf16.f32 v26;
	v26 =	vunpack.i.u.bf16.f32 v63;
	v62 =	vunpack.i.u.bf16.f32 v29  }
0x4ad: {  	v14 =	vadd.f32 v12, v51;
	v12 =	vmul.bf16 v38, v39;
	v38 =	vld [tilespmem:s20+$0x5F90];
	v39 =	vunpack.i.u.bf16.f32 v40  }
0x4ae: {  	v40 =	vunpack.i.l.bf16.f32 v40;
	v51 =	vld [tilespmem:s20+$0x4C00];
	v13 =	vadd.f32 v13, v36;
	v36 =	vadd.f32 $0.0e+00, v45  }
0x4af: {  	v16 =	vadd.f32 v17, v16;
	v17 =	vunpack.i.u.bf16.f32 v33;
	v46 =	vmul.bf16 v46, v47;
	v47 =	vld [tilespmem:s20+$0x4BC0]  }
0x4b0: {  	v20 =	vadd.f32 v20, v13;
	v13 =	vadd.f32 v36, v17;
	v36 =	vld [tilespmem:s20+$0x5EE0];
	v17 =	vmul.bf16 v48, v49  }
0x4b1: {  	v33 =	vunpack.i.l.bf16.f32 v63;
	v63 =	vmul.bf16 v50, v52;
	v16 =	vadd.f32 v54, v16;
	v48 =	vld [tilespmem:s20+$0x4AE0]  }
0x4b2: {  	v49 =	vld [tilespmem:s20+$0x5F50];
	v41 =	vmul.bf16 v53, v41;
	v20 =	vadd.f32 v20, v15;
	v50 =	vunpack.i.u.bf16.f32 v17  }
0x4b3: {  	v54 =	vld [tilespmem:s20+$0x5FC0];
	v52 =	vunpack.i.l.bf16.f32 v17;
	v16 =	vadd.f32 v16, v43;
	v15 =	vunpack.i.u.bf16.f32 v63  }
0x4b4: {  	v53 =	vld [tilespmem:s20+$0x5FB0];
	v17 =	vunpack.i.l.bf16.f32 v63;
	v63 =	vunpack.i.l.bf16.f32 v46;
	v46 =	vunpack.i.u.bf16.f32 v46  }
0x4b5: {  	v43 =	vld [tilespmem:s20+$0x4B50];
	v38 =	vmul.bf16 v38, v42;
	v10 =	vadd.f32 v10, v13;
	v20 =	vadd.f32 v56, v20  }
0x4b6: {  	v42 =	vld [tilespmem:s20+$0x4BB0];
	v45 =	vadd.f32 v30, v16;
	v16 =	vmul.bf16 v59, v18;
	v56 =	vadd.f32 $0.0e+00, v63  }
0x4b7: {  	v59 =	vunpack.i.u.bf16.f32 v19;
	v36 =	vmul.bf16 v36, v48;
	v20 =	vadd.f32 v20, v55;
	v55 =	vld [tilespmem:s20+$0x6030]  }
0x4b8: {  	v47 =	vmul.bf16 v54, v47;
	v22 =	vadd.f32 v45, v61;
	v45 =	vld [tilespmem:s20+$0x4C30];
	v46 =	vadd.f32 v56, v46  }
0x4b9: {  	v48 =	vld [tilespmem:s20+$0x5FF0];
	v56 =	vunpack.i.l.bf16.f32 v19;
	v19 =	vmul.bf16 v25, v60;
	v25 =	vmul.bf16 v31, v32  }
0x4ba: {  	v30 =	vunpack.i.u.bf16.f32 v37;
	v37 =	vunpack.i.l.bf16.f32 v37;
	v61 =	vld [tilespmem:s20+$0x5EA0];
	v22 =	vadd.f32 v58, v22  }
0x4bb: {  	v31 =	vmul.bf16 v34, v35;
	v54 =	vunpack.i.u.bf16.f32 v47;
	v58 =	vld [tilespmem:s20+$0x4A60];
	v32 =	vunpack.i.u.bf16.f32 v25  }
0x4bc: {  	v60 =	vld [tilespmem:s20+$0x4AA0];
	v25 =	vunpack.i.l.bf16.f32 v25;
	v21 =	vadd.f32 v22, v21;
	v22 =	vadd.f32 v56, v46  }
0x4bd: {  	v34 =	vunpack.i.l.bf16.f32 v31;
	v46 =	vld [tilespmem:s20+$0x5F10];
	v56 =	vunpack.i.l.bf16.f32 v29;
	v29 =	vmul.bf16 v55, v45  }
0x4be: {  	v31 =	vunpack.i.u.bf16.f32 v31;
	v34 =	vadd.f32 $0.0e+00, v34;
	v45 =	vld [tilespmem:s20+$0x4B10];
	v22 =	vadd.f32 v22, v59  }
0x4bf: {  	v55 =	vld [tilespmem:s20+$0x5F80];
	v63 =	vunpack.i.l.bf16.f32 v29;
	v59 =	vunpack.i.u.bf16.f32 v29;
	v29 =	vunpack.i.u.bf16.f32 v41  }
0x4c0: {  	v57 =	vmul.bf16 v57, v58;
	v35 =	vadd.f32 $0.0e+00, v63;
	v40 =	vadd.f32 v40, v22;
	v63 =	vld [tilespmem:s20+$0x4B80]  }
0x4c1: {  	v22 =	vadd.f32 v34, v31;
	v34 =	vunpack.i.l.bf16.f32 v41;
	v41 =	vmul.bf16 v53, v42;
	v42 =	vld [tilespmem:s20+$0x4BF0]  }
0x4c2: {  	v31 =	vadd.f32 v35, v59;
	v35 =	vadd.f32 v40, v39;
	v39 =	vld [tilespmem:s20+$0x5F70];
	v40 =	vunpack.i.u.bf16.f32 v38  }
0x4c3: {  	v59 =	vmul.bf16 v44, v51;
	v44 =	vld [tilespmem:s20+$0x4B70];
	v38 =	vunpack.i.l.bf16.f32 v38;
	v17 =	vadd.f32 v17, v22  }
0x4c4: {  	v45 =	vmul.bf16 v46, v45;
	v31 =	vadd.f32 v25, v31;
	v35 =	vadd.f32 v23, v35  }
0x4c5: {  	v53 =	vld [tilespmem:s20+$0x5F40];
	v23 =	vunpack.i.u.bf16.f32 v59;
	v25 =	vunpack.i.l.bf16.f32 v59;
	v59 =	vunpack.i.l.bf16.f32 v41  }
0x4c6: {  	v51 =	vld [tilespmem:s20+$0x5ED0];
	v41 =	vunpack.i.u.bf16.f32 v41;
	v55 =	vmul.bf16 v55, v63;
	v42 =	vmul.bf16 v48, v42  }
0x4c7: {  	v46 =	vld [tilespmem:s20+$0x5F30];
	v48 =	vmul.bf16 v61, v60;
	v31 =	vadd.f32 v31, v32;
	v32 =	vadd.f32 v35, v27  }
0x4c8: {  	v27 =	vmul.bf16 v49, v43;
	v43 =	vld [tilespmem:s20+$0x4AD0];
	v39 =	vmul.bf16 v39, v44;
	v44 =	vadd.f32 $0.0e+00, v59  }
0x4c9: {  	v60 =	vunpack.i.u.bf16.f32 v45;
	v45 =	vunpack.i.l.bf16.f32 v45;
	v49 =	vld [tilespmem:s20+$0x4B40];
	v52 =	vadd.f32 v52, v31  }
0x4ca: {  	v59 =	vunpack.i.l.bf16.f32 v39;
	v41 =	vadd.f32 v44, v41;
	v44 =	vunpack.i.l.bf16.f32 v47;
	v47 =	vld [tilespmem:s20+$0x4A50]  }
0x4cb: {  	v35 =	vunpack.i.u.bf16.f32 v36;
	v50 =	vadd.f32 v52, v50;
	v52 =	vld [tilespmem:s20+$0x5E50];
	v58 =	vadd.f32 $0.0e+00, v59  }
0x4cc: {  	v36 =	vunpack.i.l.bf16.f32 v36;
	v39 =	vunpack.i.u.bf16.f32 v39;
	v59 =	vld [tilespmem:s20+$0x4B00];
	v41 =	vadd.f32 v44, v41  }
0x4cd: {  	v63 =	vunpack.i.l.bf16.f32 v55;
	v28 =	vadd.f32 v28, v50;
	v50 =	vld [tilespmem:s20+$0x5F00];
	v39 =	vadd.f32 v58, v39  }
0x4ce: {  	v55 =	vunpack.i.u.bf16.f32 v55;
	v31 =	vunpack.i.l.bf16.f32 v27;
	v58 =	vld [tilespmem:s20+$0x5EF0];
	v41 =	vadd.f32 v41, v54  }
0x4cf: {  	v44 =	vunpack.i.l.bf16.f32 v57;
	v43 =	vmul.bf16 v51, v43;
	v54 =	vld [tilespmem:s20+$0x4AC0];
	v39 =	vadd.f32 v63, v39  }
0x4d0: {  	v49 =	vmul.bf16 v53, v49;
	v24 =	vadd.f32 v28, v24;
	v63 =	vld [tilespmem:s20+$0x4AF0];
	v41 =	vadd.f32 v56, v41  }
0x4d1: {  	v28 =	vld [tilespmem:s20+$0x5EC0];
	v56 =	vunpack.i.l.bf16.f32 v42;
	v42 =	vunpack.i.u.bf16.f32 v42;
	v39 =	vadd.f32 v39, v55  }
0x4d2: {  	v61 =	vadd.f32 $0.0e+00, v56;
	v56 =	vld [tilespmem:s20+$0x4B30];
	v55 =	vunpack.i.u.bf16.f32 v43;
	v41 =	vadd.f32 v41, v62  }
0x4d3: {  	v43 =	vunpack.i.l.bf16.f32 v43;
	v62 =	vld [tilespmem:s20+$0x4AB0];
	v50 =	vmul.bf16 v50, v59;
	v38 =	vadd.f32 v38, v39  }
0x4d4: {  	v39 =	vadd.f32 v61, v42;
	v61 =	vld [tilespmem:s20+$0x5EB0];
	v33 =	vadd.f32 v33, v41;
	v41 =	vmul.bf16 v52, v47  }
0x4d5: {  	v52 =	vunpack.i.l.bf16.f32 v49;
	v51 =	vmul.bf16 v58, v63;
	v58 =	vld [tilespmem:s20+$0x4A40];
	v38 =	vadd.f32 v38, v40  }
0x4d6: {  	v28 =	vmul.bf16 v28, v54;
	v54 =	vunpack.i.u.bf16.f32 v50;
	v26 =	vadd.f32 v33, v26;
	v33 =	vld [tilespmem:s20+$0x5E30]  }
0x4d7: {  	v50 =	vunpack.i.l.bf16.f32 v50;
	v25 =	vadd.f32 v25, v39;
	v37 =	vadd.f32 v37, v38;
	v38 =	vld [tilespmem:s20+$0x4A30]  }
0x4d8: {  	v40 =	vld [tilespmem:s20+$0x5E40];
	v63 =	vunpack.i.l.bf16.f32 v51;
	v46 =	vmul.bf16 v46, v56;
	v47 =	vunpack.i.u.bf16.f32 v28  }
0x4d9: {  	v59 =	vld [tilespmem:s20+$0x4A70];
	v28 =	vunpack.i.l.bf16.f32 v28;
	v56 =	vadd.f32 $0.0e+00, v63;
	v42 =	vmul.bf16 v61, v62  }
0x4da: {  	v51 =	vunpack.i.u.bf16.f32 v51;
	v61 =	vunpack.i.l.bf16.f32 v46;
	v30 =	vadd.f32 v37, v30;
	v37 =	vld [tilespmem:s20+$0x5E70]  }
0x4db: {  	v46 =	vunpack.i.u.bf16.f32 v46;
	v51 =	vadd.f32 v56, v51;
	v62 =	vunpack.i.l.bf16.f32 v42  }
0x4dc: {  	v56 =	vadd.f32 $0.0e+00, v61;
	v61 =	vadd.f32 $0.0e+00, v62;
	v33 =	vmul.bf16 v33, v38  }
0x4dd: {  	v42 =	vunpack.i.u.bf16.f32 v42;
	v40 =	vmul.bf16 v40, v58;
	v62 =	vld [tilespmem:s20+$0x4A80];
	v50 =	vadd.f32 v50, v51  }
0x4de: {  	v46 =	vadd.f32 v56, v46;
	v38 =	vld [tilespmem:s20+$0x5E80];
	v42 =	vadd.f32 v61, v42;
	v56 =	vunpack.i.l.bf16.f32 v33  }
0x4df: {  	v50 =	vadd.f32 v50, v54;
	v37 =	vmul.bf16 v37, v59;
	v51 =	vadd.f32 $0.0e+00, v56  }
0x4e0: {  	v54 =	vunpack.i.l.bf16.f32 v40;
	v33 =	vunpack.i.u.bf16.f32 v33;
	v28 =	vadd.f32 v28, v42  }
0x4e1: {  	v63 =	vld [tilespmem:s20+$0x4A90];
	v45 =	vadd.f32 v45, v50;
	v61 =	vunpack.i.l.bf16.f32 v37;
	v33 =	vadd.f32 v51, v33  }
0x4e2: {  	v56 =	vld [tilespmem:s20+$0x5E90];
	v37 =	vunpack.i.u.bf16.f32 v37;
	v42 =	vadd.f32 $0.0e+00, v61;
	v28 =	vadd.f32 v28, v47  }
0x4e3: {  	v38 =	vmul.bf16 v38, v62;
	v45 =	vadd.f32 v45, v60;
	v33 =	vadd.f32 v54, v33  }
0x4e4: {  	v40 =	vunpack.i.u.bf16.f32 v40;
	v37 =	vadd.f32 v42, v37;
	v28 =	vadd.f32 v43, v28  }
0x4e5: {  	v60 =	vadd.f32 v52, v46;
	v54 =	vunpack.i.l.bf16.f32 v38;
	v33 =	vadd.f32 v33, v40  }
0x4e6: {  	v53 =	vunpack.i.l.bf16.f32 v41;
	v37 =	vadd.f32 v54, v37;
	v28 =	vadd.f32 v28, v55  }
0x4e7: {  	v38 =	vunpack.i.u.bf16.f32 v38;
	v58 =	vmul.bf16 v56, v63;
	v33 =	vadd.f32 v53, v33  }
0x4e8: {  	(xrf2) =	vadd.scan.msk.f32 $0xffff, v14;
	v14 =	vunpack.i.u.bf16.f32 v41;
	v59 =	vadd.f32 v37, v38;
	v28 =	vadd.f32 v36, v28  }
0x4e9: {  	(xrf2) =	vadd.scan.msk.f32 $0xffff, v20;
	v34 =	vadd.f32 v34, v45;
	v20 =	vunpack.i.l.bf16.f32 v58;
	v14 =	vadd.f32 v33, v14  }
0x4ea: {  	(xrf2) =	vadd.scan.msk.f32 $0xffff, v21;
	v20 =	vadd.f32 v20, v59;
	v21 =	vadd.f32 v28, v35;
	v28 =	vunpack.i.u.bf16.f32 v49  }
0x4eb: {  	(xrf2) =	vadd.scan.msk.f32 $0xffff, v32;
	v61 =	vunpack.i.u.bf16.f32 v58;
	v28 =	vadd.f32 v60, v28;
	v14 =	vadd.f32 v44, v14  }
0x4ec: {  	(xrf2) =	vadd.scan.msk.f32 $0xffff, v24;
	v24 =	vunpack.i.u.bf16.f32 v57;
	v29 =	vadd.f32 v34, v29;
	v20 =	vadd.f32 v20, v61  }
0x4ed: {  	(xrf2) =	vadd.scan.msk.f32 $0xffff, v26;
	v26 =	vadd.f32 v31, v28;
	v14 =	vadd.f32 v14, v24;
	v24 =	vunpack.i.l.bf16.f32 v48  }
0x4ee: {  	v23 =	vadd.f32 v25, v23;
	(xrf2) =	vadd.scan.msk.f32 $0xffff, v30;
	v20 =	vadd.f32 v24, v20;
	v24 =	vunpack.i.u.bf16.f32 v27  }
0x4ef: {  	v18 =	vunpack.i.l.bf16.f32 v16;
	v15 =	vadd.f32 v17, v15;
	(xrf2) =	vadd.scan.msk.f32 $0xffff, v29;
	v24 =	vadd.f32 v26, v24  }
0x4f0: {  	v25 =	vunpack.i.u.bf16.f32 v48;
	v18 =	vadd.f32 v18, v23;
	(xrf2) =	vadd.scan.msk.f32 $0xffff, v21;
	v21 =	vunpack.i.l.bf16.f32 v19  }
0x4f1: {  	v16 =	vunpack.i.u.bf16.f32 v16;
	(xrf2) =	vadd.scan.msk.f32 $0xffff, v14;
	v20 =	vadd.f32 v20, v25;
	v14 =	vadd.f32 v21, v24  }
0x4f2: {  	v11 =	vadd.f32 v11, v15;
	v16 =	vadd.f32 v18, v16;
	v19 =	vunpack.i.u.bf16.f32 v19  }
0x4f3: {  	v9 =	vunpack.i.u.bf16.f32 v9;
	v17, _, _ =	vpop (xrf2);
	v18 =	vunpack.i.l.bf16.f32 v12;
	(xrf2) =	vadd.scan.msk.f32 $0xffff, v20;
	v14 =	vadd.f32 v14, v19  }
0x4f4: {  	v2 =	vunpack.i.u.bf16.f32 v2;
	v13, _, _ =	vpop (xrf2);
	v9 =	vadd.f32 v11, v9;
	v16 =	vadd.f32 v18, v16  }
0x4f5: {  	v6 =	vunpack.i.l.bf16.f32 v3;
	v8 =	vadd.f32 v10, v8;
	v15, _, _ =	vpop (xrf2);
	(xrf2) =	vadd.scan.msk.f32 $0xffff, v14;
	v14 =	vunpack.i.l.bf16.f32 v5  }
0x4f6: {  	v2 =	vadd.f32 v4, v2;
	v10, _, _ =	vpop (xrf2);
	v12 =	vunpack.i.u.bf16.f32 v12;
	v9 =	vadd.f32 v14, v9  }
0x4f7: {  	v7 =	vld [tilespmem:s20+$0x6220];
	v6 =	vadd.f32 v6, v8;
	v11, _, _ =	vpop (xrf2);
	v12 =	vadd.f32 v16, v12;
	v5 =	vunpack.i.u.bf16.f32 v5  }
0x4f8: {  	v3 =	vunpack.i.u.bf16.f32 v3;
	v8 =	vld [tilespmem:s20+$0x4E20];
	v16, _, _ =	vpop (xrf2);
	v5 =	vadd.f32 v9, v5;
	v9 =	vunpack.i.l.bf16.f32 v1  }
0x4f9: {  	v3 =	vadd.f32 v6, v3;
	v6 =	vunpack.i.l.bf16.f32 v0;
	v14, _, _ =	vpop (xrf2);
	v2 =	vadd.f32 v9, v2  }
0x4fa: {  	v4, _, _ =	vpop (xrf2)  }
0x4fb: {  	(xrf2) =	vadd.scan.msk.f32 $0xffff, v12;
	v12, _, _ =	vpop (xrf2)  }
0x4fc: {  	v3 =	vadd.f32 v6, v3;
	v1 =	vunpack.i.u.bf16.f32 v1;
	v6, _, _ =	vpop (xrf2)  }
0x4fd: {  	v0 =	vunpack.i.u.bf16.f32 v0;
	v7 =	vmul.bf16 v7, v8;
	v1 =	vadd.f32 v2, v1;
	v2, _, _ =	vpop (xrf2)  }
0x4fe: {  	v0 =	vadd.f32 v3, v0;
	(xrf2) =	vadd.scan.msk.f32 $0xffff, v5;
	v3 =	vbroadcast v6, $0xF;
	v2 =	vbroadcast v2, $0xF;
	_ =	sdelay $0x1  }
0x4ff: {  	v5 =	vunpack.i.l.bf16.f32 v7;
	(xrf2) =	vadd.scan.msk.f32 $0xffff, v0;
	v0 =	vsel vm0, v3, v2;
	v2 =	vbroadcast v4, $0xF;
	v4, _, _ =	vpop (xrf2)  }
0x500: {  	v6 =	vbroadcast v12, $0xF;
	v1 =	vadd.f32 v5, v1;
	v4 =	vbroadcast v4, $0xF  }
0x501: {  	v3 =	vunpack.i.u.bf16.f32 v7  }
0x502: {  	v0 =	vsel vm1, v0, v6;
	v1 =	vadd.f32 v1, v3  }
0x503: {  	v3 =	vbroadcast v16, $0xF;
	v0 =	vsel vm2, v0, v2;
	v2 =	vbroadcast v14, $0xF  }
0x504: {  	v0 =	vsel vm3, v0, v4;
	v4, _, _ =	vpop (xrf2)  }
0x505: {  	(xrf2) =	vadd.scan.msk.f32 $0xffff, v1;
	v0 =	vsel vm4, v0, v2;
	v1 =	vbroadcast v4, $0xF  }
0x506: {  	v2 =	vbroadcast v11, $0xF;
	v0 =	vsel vm5, v0, v3  }
0x507: {  	v3, _, _ =	vpop (xrf2);
	v0 =	vsel vm6, v0, v1;
	v1 =	vbroadcast v10, $0xF  }
0x508: {  	v0 =	vsel vm7, v0, v2;
	v2 =	vbroadcast v3, $0xF  }
0x509: {  	v0 =	vsel vm8, v0, v1;
	v1 =	vbroadcast v15, $0xF  }
0x50a: {  	v3, _, _ =	vpop (xrf2);
	v0 =	vsel vm9, v0, v2  }
0x50b: {  	v2 =	vbroadcast v13, $0xF;
	v0 =	vsel vm10, v0, v1;
	v1 =	vbroadcast v3, $0xF;
	_ =	sdelay $0x1  }
0x50c: {  	v0 =	vsel vm11, v0, v2;
	v2 =	vbroadcast v17, $0xF  }
0x50d: {  	v0 =	vsel vm12, v0, v1  }
0x50e: {  	v0 =	vsel vm13, v0, v2;
	v1, _, _ =	vpop (xrf2)  }
0x50f: {  	s20 =	simm.s32 $0xC4E0;
	v0 =	vsel vm14, v0, v1  }
0x510: {  	s21 =	simm.s32 $0x7F0;
	[tilespmem:s20+$0x0] =	vst v0  }
0x511: {  	v0 =	vld [tilespmem:s21+$0x61E0]  }
0x512: {  	v1 =	vld [tilespmem:s21+$0x4DE0]  }
0x513: {  	v2 =	vld [tilespmem:s21+$0x6210]  }
0x514: {  	v3 =	vld [tilespmem:s21+$0x4E10]  }
0x515: {  	v4 =	vld [tilespmem:s21+$0x61A0]  }
0x516: {  	v5 =	vld [tilespmem:s21+$0x4DA0]  }
0x517: {  	v6 =	vld [tilespmem:s21+$0x6160]  }
0x518: {  	v7 =	vld [tilespmem:s21+$0x4D60]  }
0x519: {  	v8 =	vld [tilespmem:s21+$0x61D0]  }
0x51a: {  	v9 =	vld [tilespmem:s21+$0x4DD0]  }
0x51b: {  	v10 =	vld [tilespmem:s21+$0x6200]  }
0x51c: {  	v11 =	vld [tilespmem:s21+$0x4E00]  }
0x51d: {  	v12 =	vld [tilespmem:s21+$0x6120]  }
0x51e: {  	v13 =	vld [tilespmem:s21+$0x4D20]  }
0x51f: {  	v14 =	vld [tilespmem:s21+$0x6190]  }
0x520: {  	v15 =	vld [tilespmem:s21+$0x4D90]  }
0x521: {  	v16 =	vld [tilespmem:s21+$0x60E0]  }
0x522: {  	v17 =	vld [tilespmem:s21+$0x4CE0]  }
0x523: {  	v18 =	vld [tilespmem:s21+$0x6150]  }
0x524: {  	v20 =	vld [tilespmem:s21+$0x4D50]  }
0x525: {  	v21 =	vld [tilespmem:s21+$0x61C0]  }
0x526: {  	v22 =	vld [tilespmem:s21+$0x4DC0]  }
0x527: {  	v23 =	vld [tilespmem:s21+$0x61F0]  }
0x528: {  	v24 =	vld [tilespmem:s21+$0x4DF0]  }
0x529: {  	v25 =	vld [tilespmem:s21+$0x60A0]  }
0x52a: {  	v26 =	vld [tilespmem:s21+$0x4CA0]  }
0x52b: {  	v27 =	vld [tilespmem:s21+$0x6110]  }
0x52c: {  	v28 =	vld [tilespmem:s21+$0x4D10]  }
0x52d: {  	v29 =	vld [tilespmem:s21+$0x6180]  }
0x52e: {  	v30 =	vld [tilespmem:s21+$0x4D80]  }
0x52f: {  	v31 =	vld [tilespmem:s21+$0x6060]  }
0x530: {  	v32 =	vld [tilespmem:s21+$0x4C60]  }
0x531: {  	v33 =	vld [tilespmem:s21+$0x60D0]  }
0x532: {  	v34 =	vld [tilespmem:s21+$0x4CD0]  }
0x533: {  	v35 =	vld [tilespmem:s21+$0x6140]  }
0x534: {  	v36 =	vld [tilespmem:s21+$0x4D40]  }
0x535: {  	v19 =	vld [tilespmem:s21+$0x61B0]  }
0x536: {  	v62 =	vld [tilespmem:s21+$0x4DB0]  }
0x537: {  	v38 =	vld [tilespmem:s21+$0x6020]  }
0x538: {  	v39 =	vld [tilespmem:s21+$0x4C20]  }
0x539: {  	v40 =	vld [tilespmem:s21+$0x6090]  }
0x53a: {  	v41 =	vld [tilespmem:s21+$0x4C90]  }
0x53b: {  	v42 =	vld [tilespmem:s21+$0x6100]  }
0x53c: {  	v43 =	vld [tilespmem:s21+$0x4D00]  }
0x53d: {  	v44 =	vld [tilespmem:s21+$0x6170]  }
0x53e: {  	v45 =	vld [tilespmem:s21+$0x4D70]  }
0x53f: {  	v46 =	vld [tilespmem:s21+$0x5FE0]  }
0x540: {  	v47 =	vld [tilespmem:s21+$0x4BE0]  }
0x541: {  	v48 =	vld [tilespmem:s21+$0x6050]  }
0x542: {  	v49 =	vld [tilespmem:s21+$0x4C50];
	v1 =	vmul.bf16 v0, v1;
	v6 =	vmul.bf16 v6, v7  }
0x543: {  	v50 =	vld [tilespmem:s21+$0x60C0];
	v0 =	vmul.bf16 v4, v5;
	v5 =	vmul.bf16 v12, v13  }
0x544: {  	v52 =	vld [tilespmem:s21+$0x4CC0];
	v7 =	vmul.bf16 v18, v20;
	v13 =	vmul.bf16 v21, v22  }
0x545: {  	v54 =	vld [tilespmem:s21+$0x6130];
	v40 =	vmul.bf16 v40, v41;
	v51 =	vunpack.i.u.bf16.f32 v1;
	v53 =	vunpack.i.l.bf16.f32 v1  }
0x546: {  	v60 =	vld [tilespmem:s21+$0x6010];
	v1 =	vmul.bf16 v2, v3;
	v55 =	vunpack.i.u.bf16.f32 v6;
	v3 =	vmul.bf16 v8, v9  }
0x547: {  	v18 =	vld [tilespmem:s21+$0x6080];
	v2 =	vmul.bf16 v10, v11;
	v56 =	vunpack.i.l.bf16.f32 v6;
	v6 =	vmul.bf16 v19, v62  }
0x548: {  	v21 =	vld [tilespmem:s21+$0x60F0];
	v19 =	vunpack.i.u.bf16.f32 v5;
	v59 =	vunpack.i.l.bf16.f32 v5;
	v12 =	vunpack.i.u.bf16.f32 v3  }
0x549: {  	v11 =	vld [tilespmem:s21+$0x4D30];
	v8 =	vunpack.i.l.bf16.f32 v3;
	v3 =	vunpack.i.l.bf16.f32 v2;
	v5 =	vunpack.i.l.bf16.f32 v6  }
0x54a: {  	v48 =	vmul.bf16 v48, v49;
	[tilespmem:$0x1FFD0] =	vst v3;
	v3 =	vmul.bf16 v14, v15;
	v9 =	vadd.f32 $0.0e+00, v5;
	v15 =	vld [tilespmem:s21+$0x4C10]  }
0x54b: {  	v10 =	vunpack.i.u.bf16.f32 v6;
	v14 =	vmul.bf16 v23, v24;
	v5 =	vmul.bf16 v16, v17;
	v24 =	vld [tilespmem:s21+$0x4CF0]  }
0x54c: {  	v17 =	vld [tilespmem:s21+$0x4C80];
	v16 =	vunpack.i.u.bf16.f32 v7;
	v23 =	vunpack.i.l.bf16.f32 v7;
	v9 =	vadd.f32 v9, v10  }
0x54d: {  	v57 =	vld [tilespmem:s21+$0x5FA0];
	v6 =	vunpack.i.l.bf16.f32 v3;
	v10 =	vunpack.i.l.bf16.f32 v13;
	v20 =	vunpack.i.l.bf16.f32 v14  }
0x54e: {  	v58 =	vld [tilespmem:s21+$0x4BA0];
	v13 =	vunpack.i.u.bf16.f32 v13;
	v63 =	vmul.bf16 v54, v11;
	v7 =	vadd.f32 v10, v9  }
0x54f: {  	v61 =	vld [tilespmem:s21+$0x4BD0];
	v9 =	vadd.f32 $0.0e+00, v20;
	v10 =	vmul.bf16 v25, v26;
	v26 =	vmul.bf16 v27, v28  }
0x550: {  	v41 =	vld [tilespmem:s21+$0x4B20];
	v14 =	vunpack.i.u.bf16.f32 v14;
	v21 =	vmul.bf16 v21, v24;
	v15 =	vmul.bf16 v60, v15  }
0x551: {  	v49 =	vld [tilespmem:s21+$0x4AE0];
	v18 =	vmul.bf16 v18, v17;
	v13 =	vadd.f32 v7, v13;
	v7 =	vadd.f32 v9, v14  }
0x552: {  	v54 =	vld [tilespmem:s21+$0x4C40];
	v22 =	vunpack.i.u.bf16.f32 v10;
	v20 =	vunpack.i.l.bf16.f32 v10;
	v9 =	vmul.bf16 v29, v30  }
0x553: {  	v28 =	vld [tilespmem:s21+$0x5FD0];
	v29 =	vunpack.i.u.bf16.f32 v26;
	v26 =	vunpack.i.l.bf16.f32 v26;
	v14 =	vmul.bf16 v31, v32  }
0x554: {  	v25 =	vld [tilespmem:s21+$0x5F60];
	v17 =	vunpack.i.l.bf16.f32 v15;
	v13 =	vadd.f32 v8, v13;
	v8 =	vunpack.i.u.bf16.f32 v9  }
0x555: {  	v27 =	vld [tilespmem:s21+$0x4B60];
	v10 =	vunpack.i.l.bf16.f32 v9;
	v9 =	vmul.bf16 v33, v34;
	v30 =	vunpack.i.u.bf16.f32 v14  }
0x556: {  	v24 =	vld [tilespmem:s21+$0x5F90];
	v32 =	vunpack.i.l.bf16.f32 v14;
	v14 =	vunpack.i.l.bf16.f32 v63;
	v33 =	vunpack.i.u.bf16.f32 v63  }
0x557: {  	v60 =	vld [tilespmem:s21+$0x5EA0];
	v63 =	vunpack.i.l.bf16.f32 v21;
	v21 =	vunpack.i.u.bf16.f32 v21;
	v14 =	vadd.f32 $0.0e+00, v14  }
0x558: {  	v31 =	vld [tilespmem:s21+$0x6040];
	v28 =	vmul.bf16 v28, v61;
	v12 =	vadd.f32 v13, v12;
	v13 =	vmul.bf16 v35, v36  }
0x559: {  	v35 =	vld [tilespmem:s21+$0x60B0];
	v11 =	vunpack.i.l.bf16.f32 v9;
	v14 =	vadd.f32 v14, v33;
	v33 =	vunpack.i.u.bf16.f32 v40  }
0x55a: {  	v36 =	vld [tilespmem:s21+$0x4CB0];
	v12 =	vadd.f32 v53, v12;
	v62 =	vunpack.i.u.bf16.f32 v13;
	v13 =	vunpack.i.l.bf16.f32 v13  }
0x55b: {  	v40 =	vunpack.i.l.bf16.f32 v40;
	v53 =	vld [tilespmem:s21+$0x5F20];
	v13 =	vadd.f32 v13, v14;
	v14 =	vadd.f32 $0.0e+00, v63  }
0x55c: {  	v63 =	vmul.bf16 v46, v47;
	v46 =	vld [tilespmem:s21+$0x6070];
	v4 =	vadd.f32 v12, v51;
	v12 =	vmul.bf16 v38, v39  }
0x55d: {  	v61 =	vunpack.i.u.bf16.f32 v28;
	v47 =	vld [tilespmem:s21+$0x4C70];
	v38 =	vmul.bf16 v42, v43;
	v39 =	vmul.bf16 v44, v45  }
0x55e: {  	v43 =	vld [tilespmem:s21+$0x4B90];
	v13 =	vadd.f32 v13, v62;
	v14 =	vadd.f32 v14, v21;
	v37 =	vunpack.i.u.bf16.f32 v63  }
0x55f: {  	v45 =	vld [tilespmem:s21+$0x6000];
	v34 =	vunpack.i.u.bf16.f32 v38;
	v44 =	vunpack.i.l.bf16.f32 v39;
	v21 =	vunpack.i.u.bf16.f32 v39  }
0x560: {  	v51 =	vld [tilespmem:s21+$0x4C00];
	v38 =	vunpack.i.l.bf16.f32 v38;
	v39 =	vunpack.i.l.bf16.f32 v63;
	v23 =	vadd.f32 v23, v13  }
0x561: {  	v62 =	vadd.f32 $0.0e+00, v44;
	v14 =	vadd.f32 v38, v14;
	v38 =	vmul.bf16 v50, v52;
	v50 =	vld [tilespmem:s21+$0x5F50]  }
0x562: {  	v52 =	vunpack.i.u.bf16.f32 v48;
	v44 =	vmul.bf16 v57, v58;
	v57 =	vld [tilespmem:s21+$0x5E60];
	v16 =	vadd.f32 v23, v16  }
0x563: {  	v48 =	vunpack.i.l.bf16.f32 v48;
	v41 =	vmul.bf16 v53, v41;
	v53 =	vld [tilespmem:s21+$0x5FB0];
	v23 =	vadd.f32 v14, v34  }
0x564: {  	v58 =	vunpack.i.u.bf16.f32 v18;
	v46 =	vmul.bf16 v46, v47;
	v47 =	vld [tilespmem:s21+$0x4BC0];
	v34 =	vadd.f32 v56, v16  }
0x565: {  	v13 =	vadd.f32 v62, v21;
	v14 =	vunpack.i.u.bf16.f32 v38;
	v56 =	vld [tilespmem:s21+$0x5FC0];
	v23 =	vadd.f32 v26, v23  }
0x566: {  	v43 =	vmul.bf16 v24, v43;
	v63 =	vunpack.i.l.bf16.f32 v46;
	v26 =	vld [tilespmem:s21+$0x6030];
	v42 =	vadd.f32 v34, v55  }
0x567: {  	v24 =	vunpack.i.u.bf16.f32 v41;
	v23 =	vadd.f32 v23, v29;
	v29 =	vld [tilespmem:s21+$0x4C30];
	v55 =	vadd.f32 $0.0e+00, v63  }
0x568: {  	v21 =	vld [tilespmem:s21+$0x5EE0];
	v46 =	vunpack.i.u.bf16.f32 v46;
	v16 =	vunpack.i.l.bf16.f32 v38;
	v38 =	vunpack.i.u.bf16.f32 v44  }
0x569: {  	v62 =	vld [tilespmem:s21+$0x4B50];
	v44 =	vunpack.i.l.bf16.f32 v44;
	v23 =	vadd.f32 v59, v23;
	v46 =	vadd.f32 v55, v46  }
0x56a: {  	v34 =	vunpack.i.l.bf16.f32 v18;
	v18 =	vmul.bf16 v25, v27;
	v27 =	vmul.bf16 v35, v36;
	v36 =	vld [tilespmem:s21+$0x5F10]  }
0x56b: {  	v25 =	vmul.bf16 v31, v54;
	v55 =	vld [tilespmem:s21+$0x4B10];
	v23 =	vadd.f32 v23, v19;
	v19 =	vadd.f32 v34, v46  }
0x56c: {  	v54 =	vld [tilespmem:s21+$0x4AA0];
	v47 =	vmul.bf16 v56, v47;
	v46 =	vunpack.i.l.bf16.f32 v28;
	v26 =	vmul.bf16 v26, v29  }
0x56d: {  	v35 =	vld [tilespmem:s21+$0x5F80];
	v28 =	vunpack.i.u.bf16.f32 v25;
	v29 =	vunpack.i.l.bf16.f32 v27;
	v19 =	vadd.f32 v19, v58  }
0x56e: {  	v63 =	vld [tilespmem:s21+$0x4B80];
	v25 =	vunpack.i.l.bf16.f32 v25;
	v29 =	vadd.f32 $0.0e+00, v29;
	v31 =	vunpack.i.l.bf16.f32 v26  }
0x56f: {  	v27 =	vunpack.i.u.bf16.f32 v27;
	v58 =	vld [tilespmem:s21+$0x4BB0];
	v31 =	vadd.f32 $0.0e+00, v31;
	v40 =	vadd.f32 v40, v19  }
0x570: {  	v59 =	vld [tilespmem:s21+$0x4A60];
	v26 =	vunpack.i.u.bf16.f32 v26;
	v36 =	vmul.bf16 v36, v55;
	v19 =	vadd.f32 v29, v27  }
0x571: {  	v34 =	vld [tilespmem:s21+$0x4B70];
	v27 =	vadd.f32 v31, v26;
	v29 =	vadd.f32 v40, v33;
	v26 =	vunpack.i.l.bf16.f32 v41  }
0x572: {  	v33 =	vld [tilespmem:s21+$0x5F70];
	v41 =	vunpack.i.u.bf16.f32 v43;
	v31 =	vmul.bf16 v45, v51;
	v43 =	vunpack.i.l.bf16.f32 v43  }
0x573: {  	v45 =	vld [tilespmem:s21+$0x5FF0];
	v25 =	vadd.f32 v25, v27;
	v27 =	vadd.f32 v20, v29;
	v29 =	vmul.bf16 v21, v49  }
0x574: {  	v51 =	vld [tilespmem:s21+$0x4BF0];
	v20 =	vunpack.i.u.bf16.f32 v31;
	v21 =	vunpack.i.l.bf16.f32 v31;
	v49 =	vmul.bf16 v53, v58  }
0x575: {  	v56 =	vld [tilespmem:s21+$0x5F40];
	v25 =	vadd.f32 v25, v28;
	v31 =	vadd.f32 v27, v22;
	v27 =	vunpack.i.u.bf16.f32 v29  }
0x576: {  	v53 =	vld [tilespmem:s21+$0x5ED0];
	v28 =	vunpack.i.l.bf16.f32 v29;
	v22 =	vmul.bf16 v50, v62;
	v29 =	vunpack.i.l.bf16.f32 v49  }
0x577: {  	v50 =	vld [tilespmem:s21+$0x4AD0];
	v33 =	vmul.bf16 v33, v34;
	v29 =	vadd.f32 $0.0e+00, v29;
	v34 =	vunpack.i.u.bf16.f32 v49  }
0x578: {  	v58 =	vld [tilespmem:s21+$0x4B40];
	v49 =	vunpack.i.u.bf16.f32 v47;
	v47 =	vunpack.i.l.bf16.f32 v47;
	v48 =	vadd.f32 v48, v25  }
0x579: {  	v45 =	vmul.bf16 v45, v51;
	v51 =	vld [tilespmem:s21+$0x5EF0];
	v25 =	vunpack.i.l.bf16.f32 v22;
	v62 =	vunpack.i.l.bf16.f32 v33  }
0x57a: {  	v40 =	vadd.f32 v29, v34;
	v34 =	vld [tilespmem:s21+$0x4A50];
	v29 =	vmul.bf16 v57, v59;
	v48 =	vadd.f32 v48, v52  }
0x57b: {  	v59 =	vld [tilespmem:s21+$0x5F00];
	v33 =	vunpack.i.u.bf16.f32 v33;
	v57 =	vadd.f32 $0.0e+00, v62;
	v62 =	vmul.bf16 v35, v63  }
0x57c: {  	v52 =	vld [tilespmem:s21+$0x5E50];
	v40 =	vadd.f32 v47, v40;
	v50 =	vmul.bf16 v53, v50;
	v48 =	vadd.f32 v32, v48  }
0x57d: {  	v53 =	vld [tilespmem:s21+$0x4AF0];
	v32 =	vunpack.i.l.bf16.f32 v29;
	v33 =	vadd.f32 v57, v33;
	v47 =	vunpack.i.l.bf16.f32 v62  }
0x57e: {  	v57 =	vld [tilespmem:s21+$0x5EC0];
	v55 =	vunpack.i.u.bf16.f32 v62;
	v40 =	vadd.f32 v40, v49;
	v35 =	vadd.f32 v48, v30  }
0x57f: {  	v49 =	vld [tilespmem:s21+$0x4AC0];
	v30 =	vmul.bf16 v60, v54;
	v33 =	vadd.f32 v47, v33;
	v60 =	vunpack.i.l.bf16.f32 v45  }
0x580: {  	v63 =	vld [tilespmem:s21+$0x4B00];
	v45 =	vunpack.i.u.bf16.f32 v45;
	v47 =	vunpack.i.l.bf16.f32 v36;
	v46 =	vadd.f32 v46, v40  }
0x581: {  	v54 =	vld [tilespmem:s21+$0x5F30];
	v40 =	vunpack.i.u.bf16.f32 v36;
	v48 =	vadd.f32 $0.0e+00, v60;
	v33 =	vadd.f32 v33, v55  }
0x582: {  	v36 =	vmul.bf16 v56, v58;
	v55 =	vld [tilespmem:s21+$0x4B30];
	v53 =	vmul.bf16 v51, v53;
	v46 =	vadd.f32 v46, v61  }
0x583: {  	v61 =	vld [tilespmem:s21+$0x5EB0];
	v60 =	vadd.f32 v43, v33;
	v33 =	vadd.f32 v48, v45;
	v43 =	vunpack.i.u.bf16.f32 v50  }
0x584: {  	(xrf2) =	vadd.scan.msk.f32 $0xffff, v4;
	v56 =	vmul.bf16 v57, v49;
	v45 =	vadd.f32 v39, v46;
	v39 =	vmul.bf16 v52, v34;
	v34 =	vld [tilespmem:s21+$0x4AB0]  }
0x585: {  	(xrf2) =	vadd.scan.msk.f32 $0xffff, v42;
	v42 =	vld [tilespmem:s21+$0x5E70];
	v46 =	vunpack.i.l.bf16.f32 v50;
	v62 =	vadd.f32 v60, v41;
	v60 =	vmul.bf16 v59, v63  }
0x586: {  	v48 =	vld [tilespmem:s21+$0x5E40];
	v41 =	vunpack.i.l.bf16.f32 v36;
	v63 =	vunpack.i.l.bf16.f32 v53;
	v37 =	vadd.f32 v45, v37  }
0x587: {  	v50 =	vld [tilespmem:s21+$0x5E30];
	v45 =	vunpack.i.l.bf16.f32 v39;
	v54 =	vmul.bf16 v54, v55;
	v62 =	vadd.f32 v44, v62  }
0x588: {  	v52 =	vld [tilespmem:s21+$0x4A30];
	v57 =	vadd.f32 $0.0e+00, v63;
	v44 =	vunpack.i.u.bf16.f32 v60;
	v51 =	vunpack.i.l.bf16.f32 v60  }
0x589: {  	s22 =	simm.s32 $0x2FC0;
	v49 =	vld [tilespmem:s21+$0x4A40];
	v38 =	vadd.f32 v62, v38;
	v55 =	vmul.bf16 v61, v34;
	v34 =	vunpack.i.u.bf16.f32 v56  }
.LBB2_8:
0x58a: {  	v58 =	vld [tilespmem:s21+$0x4A70];
	v56 =	vunpack.i.l.bf16.f32 v56;
	v53 =	vunpack.i.u.bf16.f32 v53;
	v21 =	vadd.f32 v21, v33  }
0x58b: {  	(xrf2) =	vadd.scan.msk.f32 $0xffff, v23;
	v59 =	vunpack.i.l.bf16.f32 v54;
	v23 =	vunpack.i.l.bf16.f32 v55;
	v53 =	vadd.f32 v57, v53  }
0x58c: {  	v61 =	vunpack.i.u.bf16.f32 v54;
	v60 =	vadd.f32 $0.0e+00, v59;
	v4 =	vadd.f32 $0.0e+00, v23  }
0x58d: {  	v62 =	vunpack.i.u.bf16.f32 v55;
	v57 =	vld [tilespmem:s21+$0x5E90];
	v51 =	vadd.f32 v51, v53;
	v50 =	vmul.bf16 v50, v52  }
0x58e: {  	v59 =	vld [tilespmem:s21+$0x4A80];
	v53 =	vadd.f32 v60, v61;
	v48 =	vmul.bf16 v48, v49;
	v63 =	vadd.f32 v4, v62  }
0x58f: {  	(xrf2) =	vadd.scan.msk.f32 $0xffff, v31;
	v52 =	vld [tilespmem:s21+$0x5E80];
	v42 =	vmul.bf16 v42, v58;
	v44 =	vadd.f32 v51, v44;
	v31 =	vunpack.i.l.bf16.f32 v50  }
0x590: {  	v61 =	vld [tilespmem:s21+$0x4A90];
	v50 =	vunpack.i.u.bf16.f32 v50;
	v49 =	vadd.f32 v56, v63;
	v4 =	vadd.f32 $0.0e+00, v31  }
0x591: {  	v51 =	vunpack.i.l.bf16.f32 v48;
	v48 =	vunpack.i.u.bf16.f32 v48;
	v44 =	vadd.f32 v47, v44  }
0x592: {  	v60 =	vunpack.i.l.bf16.f32 v42;
	v58 =	vadd.f32 v4, v50;
	v4 =	vadd.f32 v49, v34  }
0x593: {  	v42 =	vunpack.i.u.bf16.f32 v42;
	v62 =	vadd.f32 $0.0e+00, v60;
	v60 =	vadd.f32 v41, v53  }
0x594: {  	v23, _, _ =	vpop (xrf2);
	(xrf2) =	vadd.scan.msk.f32 $0xffff, v35;
	v63 =	vmul.bf16 v52, v59;
	v35 =	vadd.f32 v51, v58;
	v49 =	vadd.f32 v46, v4  }
0x595: {  	v40 =	vadd.f32 v44, v40;
	v56 =	vmul.bf16 v57, v61;
	v42 =	vadd.f32 v62, v42  }
0x596: {  	v52 =	vunpack.i.l.bf16.f32 v63;
	v35 =	vadd.f32 v35, v48;
	v57 =	vadd.f32 v49, v43  }
0x597: {  	v39 =	vunpack.i.u.bf16.f32 v39;
	v31, _, _ =	vpop (xrf2);
	(xrf2) =	vadd.scan.msk.f32 $0xffff, v37;
	v26 =	vadd.f32 v26, v40;
	v37 =	vadd.f32 v52, v42  }
0x598: {  	v58 =	vunpack.i.u.bf16.f32 v63;
	v35 =	vadd.f32 v45, v35;
	v28 =	vadd.f32 v28, v57  }
0x599: {  	v51, _, _ =	vpop (xrf2);
	(xrf2) =	vadd.scan.msk.f32 $0xffff, v38;
	v59 =	vunpack.i.l.bf16.f32 v56;
	v26 =	vadd.f32 v26, v24;
	v37 =	vadd.f32 v37, v58  }
0x59a: {  	v35 =	vadd.f32 v35, v39;
	v27 =	vadd.f32 v28, v27;
	v28 =	vunpack.i.u.bf16.f32 v36  }
0x59b: {  	v29 =	vunpack.i.u.bf16.f32 v29;
	v24, _, _ =	vpop (xrf2);
	(xrf2) =	vadd.scan.msk.f32 $0xffff, v26;
	v26 =	vadd.f32 v59, v37;
	v4 =	vadd.f32 v60, v28  }
0x59c: {  	v16 =	vadd.f32 v16, v19;
	v62 =	vunpack.i.u.bf16.f32 v56;
	v32 =	vadd.f32 v32, v35  }
0x59d: {  	v22 =	vunpack.i.u.bf16.f32 v22;
	v26 =	vadd.f32 v26, v62;
	v25 =	vadd.f32 v25, v4  }
0x59e: {  	v61, _, _ =	vpop (xrf2);
	(xrf2) =	vadd.scan.msk.f32 $0xffff, v27;
	v4 =	vadd.f32 v21, v20;
	v27 =	vadd.f32 v32, v29;
	v29 =	vunpack.i.l.bf16.f32 v30  }
0x59f: {  	v26 =	vadd.f32 v29, v26;
	v22 =	vadd.f32 v25, v22  }
0x5a0: {  	v21 =	vunpack.i.u.bf16.f32 v30;
	v17 =	vadd.f32 v17, v4;
	v4 =	vadd.f32 v16, v14  }
0x5a1: {  	v10 =	vadd.f32 v10, v13;
	v19 =	vadd.f32 v26, v21;
	v21 =	vunpack.i.l.bf16.f32 v18  }
0x5a2: {  	v15 =	vunpack.i.u.bf16.f32 v15;
	v28, _, _ =	vpop (xrf2);
	(xrf2) =	vadd.scan.msk.f32 $0xffff, v27;
	v11 =	vadd.f32 v11, v4;
	v4 =	vld [tilespmem:$0x1FFD0];
	v21 =	vadd.f32 v21, v22  }
0x5a3: {  	v20, _, _ =	vpop (xrf2);
	v16 =	vunpack.i.u.bf16.f32 v18;
	v15 =	vadd.f32 v17, v15;
	(xrf2) =	vadd.scan.msk.f32 $0xffff, v19  }
0x5a4: {  	v8 =	vadd.f32 v10, v8;
	v13 =	vadd.f32 v21, v16;
	v16 =	vunpack.i.l.bf16.f32 v12  }
0x5a5: {  	v9 =	vunpack.i.u.bf16.f32 v9;
	v15 =	vadd.f32 v16, v15  }
0x5a6: {  	v10 =	vunpack.i.u.bf16.f32 v12;
	v6 =	vadd.f32 v6, v8;
	v8 =	vld [tilespmem:s21+$0x4E20];
	v14, _, _ =	vpop (xrf2);
	v9 =	vadd.f32 v11, v9;
	(xrf2) =	vadd.scan.msk.f32 $0xffff, v13  }
0x5a7: {  	v11 =	vunpack.i.l.bf16.f32 v5;
	v4 =	vadd.f32 v4, v7;
	v7 =	vld [tilespmem:s21+$0x6220];
	v10 =	vadd.f32 v15, v10  }
0x5a8: {  	v3 =	vunpack.i.u.bf16.f32 v3;
	v2 =	vunpack.i.u.bf16.f32 v2;
	v11 =	vadd.f32 v11, v9  }
0x5a9: {  	v3 =	vadd.f32 v6, v3;
	v5 =	vunpack.i.u.bf16.f32 v5;
	v12, _, _ =	vpop (xrf2);
	v2 =	vadd.f32 v4, v2;
	(xrf2) =	vadd.scan.msk.f32 $0xffff, v10  }
0x5aa: {  	v6 =	vunpack.i.l.bf16.f32 v1;
	v4 =	vadd.f32 v11, v5;
	v5 =	vunpack.i.l.bf16.f32 v0  }
0x5ab: {  	v3 =	vadd.f32 v5, v3;
	v6 =	vadd.f32 v6, v2  }
0x5ac: {  	v1 =	vunpack.i.u.bf16.f32 v1;
	v0 =	vunpack.i.u.bf16.f32 v0;
	v9, _, _ =	vpop (xrf2);
	(xrf2) =	vadd.scan.msk.f32 $0xffff, v4;
	v5 =	vmul.bf16 v7, v8  }
0x5ad: {  	v0 =	vadd.f32 v3, v0;
	v1 =	vadd.f32 v6, v1;
	v2, _, _ =	vpop (xrf2)  }
0x5ae: {  	v3 =	vbroadcast v9, $0xF;
	v7 =	vunpack.i.l.bf16.f32 v5;
	v2 =	vbroadcast v2, $0xF  }
0x5af: {  	v6 =	vbroadcast v12, $0xF;
	(xrf2) =	vadd.scan.msk.f32 $0xffff, v0;
	v1 =	vadd.f32 v7, v1  }
0x5b0: {  	v0 =	vsel vm0, v3, v2;
	v2 =	vbroadcast v14, $0xF;
	v3 =	vunpack.i.u.bf16.f32 v5;
	v4, _, _ =	vpop (xrf2)  }
0x5b1: {  	v0 =	vsel vm1, v0, v6;
	v5 =	vbroadcast v4, $0xF;
	v1 =	vadd.f32 v1, v3  }
0x5b2: {  	v0 =	vsel vm2, v0, v2;
	v2 =	vbroadcast v20, $0xF  }
0x5b3: {  	v0 =	vsel vm3, v0, v5;
	v5 =	vbroadcast v28, $0xF;
	v4, _, _ =	vpop (xrf2);
	(xrf2) =	vadd.scan.msk.f32 $0xffff, v1  }
0x5b4: {  	v0 =	vsel vm4, v0, v2;
	v1 =	vbroadcast v4, $0xF  }
0x5b5: {  	v2 =	vbroadcast v61, $0xF;
	v0 =	vsel vm5, v0, v5  }
0x5b6: {  	v3, _, _ =	vpop (xrf2);
	v0 =	vsel vm6, v0, v1;
	v1 =	vbroadcast v24, $0xF  }
0x5b7: {  	v0 =	vsel vm7, v0, v2;
	v2 =	vbroadcast v3, $0xF  }
0x5b8: {  	v0 =	vsel vm8, v0, v1;
	v1 =	vbroadcast v51, $0xF  }
0x5b9: {  	v3, _, _ =	vpop (xrf2);
	v0 =	vsel vm9, v0, v2;
	v2 =	vbroadcast v31, $0xF  }
0x5ba: {  	v3 =	vbroadcast v3, $0xF;
	v0 =	vsel vm10, v0, v1  }
0x5bb: {  	v0 =	vsel vm11, v0, v2;
	v2 =	vbroadcast v23, $0xF  }
0x5bc: {  	v0 =	vsel vm12, v0, v3  }
0x5bd: {  	v0 =	vsel vm13, v0, v2;
	v1, _, _ =	vpop (xrf2)  }
0x5be: {  	s20 =	sadd.s32 $0x10, s20;
	v0 =	vsel vm14, v0, v1  }
0x5bf: {  	s21 =	sshra.s32 s22, $0x2;
	[tilespmem:s20+$0x0] =	vst v0  }
0x5c0: {  	v0 =	vld [tilespmem:s21+$0x61E0]  }
0x5c1: {  	v1 =	vld [tilespmem:s21+$0x4DE0]  }
0x5c2: {  	v2 =	vld [tilespmem:s21+$0x6210]  }
0x5c3: {  	v3 =	vld [tilespmem:s21+$0x4E10]  }
0x5c4: {  	v4 =	vld [tilespmem:s21+$0x61A0]  }
0x5c5: {  	v5 =	vld [tilespmem:s21+$0x4DA0]  }
0x5c6: {  	v6 =	vld [tilespmem:s21+$0x6160]  }
0x5c7: {  	v7 =	vld [tilespmem:s21+$0x4D60]  }
0x5c8: {  	v8 =	vld [tilespmem:s21+$0x61D0]  }
0x5c9: {  	v9 =	vld [tilespmem:s21+$0x4DD0]  }
0x5ca: {  	v10 =	vld [tilespmem:s21+$0x6200]  }
0x5cb: {  	v11 =	vld [tilespmem:s21+$0x4E00]  }
0x5cc: {  	v18 =	vld [tilespmem:s21+$0x6120]  }
0x5cd: {  	v19 =	vld [tilespmem:s21+$0x4D20]  }
0x5ce: {  	v20 =	vld [tilespmem:s21+$0x6190]  }
0x5cf: {  	v22 =	vld [tilespmem:s21+$0x4D90]  }
0x5d0: {  	v29 =	vld [tilespmem:s21+$0x60E0]  }
0x5d1: {  	v30 =	vld [tilespmem:s21+$0x4CE0]  }
0x5d2: {  	v27 =	vld [tilespmem:s21+$0x6150]  }
0x5d3: {  	v28 =	vld [tilespmem:s21+$0x4D50]  }
0x5d4: {  	v63 =	vld [tilespmem:s21+$0x61C0]  }
0x5d5: {  	v60 =	vld [tilespmem:s21+$0x4DC0]  }
0x5d6: {  	v61 =	vld [tilespmem:s21+$0x61F0]  }
0x5d7: {  	v62 =	vld [tilespmem:s21+$0x4DF0]  }
0x5d8: {  	v36 =	vld [tilespmem:s21+$0x60A0]  }
0x5d9: {  	v37 =	vld [tilespmem:s21+$0x4CA0]  }
0x5da: {  	v38 =	vld [tilespmem:s21+$0x6110]  }
0x5db: {  	v39 =	vld [tilespmem:s21+$0x4D10]  }
0x5dc: {  	v40 =	vld [tilespmem:s21+$0x6180]  }
0x5dd: {  	v41 =	vld [tilespmem:s21+$0x4D80]  }
0x5de: {  	v42 =	vld [tilespmem:s21+$0x6060]  }
0x5df: {  	v43 =	vld [tilespmem:s21+$0x4C60]  }
0x5e0: {  	v44 =	vld [tilespmem:s21+$0x60D0]  }
0x5e1: {  	v45 =	vld [tilespmem:s21+$0x4CD0]  }
0x5e2: {  	v46 =	vld [tilespmem:s21+$0x6140]  }
0x5e3: {  	v47 =	vld [tilespmem:s21+$0x4D40]  }
0x5e4: {  	v24 =	vld [tilespmem:s21+$0x61B0]  }
0x5e5: {  	v25 =	vld [tilespmem:s21+$0x4DB0]  }
0x5e6: {  	v12 =	vld [tilespmem:s21+$0x6020]  }
0x5e7: {  	v48 =	vld [tilespmem:s21+$0x4C20]  }
0x5e8: {  	v49 =	vld [tilespmem:s21+$0x6090]  }
0x5e9: {  	v50 =	vld [tilespmem:s21+$0x4C90]  }
0x5ea: {  	v51 =	vld [tilespmem:s21+$0x6100]  }
0x5eb: {  	v52 =	vld [tilespmem:s21+$0x4D00]  }
0x5ec: {  	v13 =	vld [tilespmem:s21+$0x5FE0]  }
0x5ed: {  	v26 =	vld [tilespmem:s21+$0x4BE0]  }
0x5ee: {  	v14 =	vld [tilespmem:s21+$0x6050]  }
0x5ef: {  	v16 =	vld [tilespmem:s21+$0x4C50]  }
0x5f0: {  	v15 =	vld [tilespmem:s21+$0x60C0]  }
0x5f1: {  	v21 =	vld [tilespmem:s21+$0x4CC0];
	v1 =	vmul.bf16 v0, v1  }
0x5f2: {  	v53 =	vld [tilespmem:s21+$0x6170];
	v6 =	vmul.bf16 v6, v7;
	v0 =	vmul.bf16 v4, v5  }
0x5f3: {  	v54 =	vld [tilespmem:s21+$0x4D70];
	v5 =	vmul.bf16 v18, v19;
	v7 =	vmul.bf16 v27, v28  }
0x5f4: {  	v57 =	vld [tilespmem:s21+$0x6130];
	v49 =	vmul.bf16 v49, v50;
	v12 =	vmul.bf16 v12, v48  }
0x5f5: {  	v31 =	vld [tilespmem:s21+$0x4BA0];
	v26 =	vmul.bf16 v13, v26;
	v14 =	vmul.bf16 v14, v16  }
0x5f6: {  	v33 =	vld [tilespmem:s21+$0x4C80];
	v15 =	vmul.bf16 v15, v21;
	v55 =	vunpack.i.u.bf16.f32 v1;
	v56 =	vunpack.i.l.bf16.f32 v1  }
0x5f7: {  	v59 =	vld [tilespmem:s21+$0x60F0];
	v1 =	vmul.bf16 v2, v3;
	v17 =	vunpack.i.u.bf16.f32 v6;
	v3 =	vmul.bf16 v8, v9  }
0x5f8: {  	v27 =	vld [tilespmem:s21+$0x4C10];
	v2 =	vmul.bf16 v10, v11;
	v23 =	vunpack.i.l.bf16.f32 v6;
	v6 =	vmul.bf16 v24, v25  }
0x5f9: {  	v28 =	vld [tilespmem:s21+$0x6080];
	v19 =	vunpack.i.u.bf16.f32 v5;
	v18 =	vunpack.i.l.bf16.f32 v5;
	v35 =	vunpack.i.u.bf16.f32 v7  }
0x5fa: {  	v48 =	vld [tilespmem:s21+$0x5F90];
	v50 =	vunpack.i.u.bf16.f32 v49;
	v49 =	vunpack.i.l.bf16.f32 v49;
	v58 =	vunpack.i.u.bf16.f32 v3  }
0x5fb: {  	v4 =	vld [tilespmem:s21+$0x5FC0];
	v8 =	vunpack.i.l.bf16.f32 v3;
	v3 =	vunpack.i.l.bf16.f32 v2;
	v5 =	vunpack.i.l.bf16.f32 v6  }
0x5fc: {  	v11 =	vld [tilespmem:s21+$0x4D30];
	[tilespmem:$0x1FFD0] =	vst v3;
	v3 =	vmul.bf16 v20, v22;
	v9 =	vadd.f32 $0.0e+00, v5;
	v20 =	vmul.bf16 v63, v60  }
0x5fd: {  	v25 =	vld [tilespmem:s21+$0x5FA0];
	v10 =	vunpack.i.u.bf16.f32 v6;
	v22 =	vmul.bf16 v61, v62;
	v5 =	vmul.bf16 v29, v30  }
0x5fe: {  	v24 =	vld [tilespmem:s21+$0x6010];
	v60 =	vunpack.i.l.bf16.f32 v7;
	v30 =	vmul.bf16 v38, v39;
	v9 =	vadd.f32 v9, v10  }
0x5ff: {  	v61 =	vld [tilespmem:s21+$0x4B60];
	v63 =	vmul.bf16 v42, v43;
	v6 =	vunpack.i.l.bf16.f32 v3;
	v10 =	vunpack.i.l.bf16.f32 v20  }
0x600: {  	v62 =	vld [tilespmem:s21+$0x4BD0];
	v29 =	vunpack.i.l.bf16.f32 v22;
	v20 =	vunpack.i.u.bf16.f32 v20;
	v7 =	vadd.f32 v10, v9  }
0x601: {  	v43 =	vld [tilespmem:s21+$0x6040];
	v22 =	vunpack.i.u.bf16.f32 v22;
	v9 =	vadd.f32 $0.0e+00, v29;
	v10 =	vmul.bf16 v36, v37  }
0x602: {  	v38 =	vunpack.i.l.bf16.f32 v30;
	v34 =	vmul.bf16 v57, v11;
	v36 =	vld [tilespmem:s21+$0x4CF0];
	v32 =	vadd.f32 v7, v20  }
0x603: {  	v7 =	vadd.f32 v9, v22;
	v22 =	vunpack.i.u.bf16.f32 v10;
	v9 =	vmul.bf16 v40, v41;
	v40 =	vld [tilespmem:s21+$0x5FD0]  }
0x604: {  	v29 =	vld [tilespmem:s21+$0x5F60];
	v20 =	vunpack.i.l.bf16.f32 v10;
	v41 =	vunpack.i.u.bf16.f32 v30;
	v30 =	vadd.f32 v8, v32  }
0x605: {  	v8 =	vunpack.i.u.bf16.f32 v9;
	v10 =	vunpack.i.l.bf16.f32 v9;
	v9 =	vmul.bf16 v44, v45;
	v45 =	vld [tilespmem:s21+$0x4C40]  }
0x606: {  	v25 =	vmul.bf16 v25, v31;
	v57 =	vadd.f32 v30, v58;
	v58 =	vmul.bf16 v46, v47;
	v46 =	vld [tilespmem:s21+$0x60B0]  }
0x607: {  	v32 =	vunpack.i.l.bf16.f32 v63;
	v30 =	vunpack.i.u.bf16.f32 v63;
	v63 =	vunpack.i.l.bf16.f32 v34;
	v47 =	vld [tilespmem:s21+$0x4CB0]  }
0x608: {  	v36 =	vmul.bf16 v59, v36;
	v42 =	vadd.f32 $0.0e+00, v63;
	v31 =	vmul.bf16 v40, v62;
	v40 =	vld [tilespmem:s21+$0x5EA0]  }
0x609: {  	v37 =	vadd.f32 v56, v57;
	v44 =	vunpack.i.u.bf16.f32 v58;
	v56 =	vld [tilespmem:s21+$0x5F20];
	v57 =	vunpack.i.u.bf16.f32 v34  }
0x60a: {  	v39 =	vunpack.i.l.bf16.f32 v58;
	v58 =	vadd.f32 v42, v57;
	v42 =	vmul.bf16 v51, v52;
	v52 =	vld [tilespmem:s21+$0x4B90]  }
0x60b: {  	v11 =	vunpack.i.l.bf16.f32 v9;
	v59 =	vunpack.i.l.bf16.f32 v36;
	v51 =	vmul.bf16 v53, v54;
	v54 =	vld [tilespmem:s21+$0x6000]  }
0x60c: {  	v36 =	vunpack.i.u.bf16.f32 v36;
	v57 =	vld [tilespmem:s21+$0x6070];
	v34 =	vadd.f32 v37, v55;
	v37 =	vadd.f32 v39, v58  }
0x60d: {  	v39 =	vadd.f32 $0.0e+00, v59;
	v53 =	vunpack.i.u.bf16.f32 v42;
	v63 =	vunpack.i.l.bf16.f32 v51;
	v58 =	vld [tilespmem:s21+$0x4C00]  }
0x60e: {  	v55 =	vld [tilespmem:s21+$0x4B20];
	v13 =	vunpack.i.u.bf16.f32 v51;
	v37 =	vadd.f32 v37, v44;
	v44 =	vadd.f32 $0.0e+00, v63  }
0x60f: {  	v51 =	vld [tilespmem:s21+$0x4C70];
	v36 =	vadd.f32 v39, v36;
	v63 =	vunpack.i.l.bf16.f32 v42;
	v39 =	vunpack.i.l.bf16.f32 v26  }
0x610: {  	v59 =	vld [tilespmem:s21+$0x5EE0];
	v48 =	vmul.bf16 v48, v52;
	v60 =	vadd.f32 v60, v37;
	v13 =	vadd.f32 v44, v13  }
0x611: {  	v52 =	vld [tilespmem:s21+$0x4BB0];
	v37 =	vunpack.i.u.bf16.f32 v26;
	v16 =	vadd.f32 v63, v36;
	v63 =	vunpack.i.l.bf16.f32 v14  }
0x612: {  	v36 =	vld [tilespmem:s21+$0x4AE0];
	v44 =	vunpack.i.l.bf16.f32 v25;
	v62 =	vmul.bf16 v54, v58;
	v21 =	vadd.f32 v60, v35  }
0x613: {  	v54 =	vld [tilespmem:s21+$0x4B70];
	v60 =	vunpack.i.u.bf16.f32 v14;
	v26 =	vadd.f32 v16, v53;
	v14 =	vunpack.i.u.bf16.f32 v15  }
0x614: {  	v58 =	vld [tilespmem:s21+$0x5ED0];
	v16 =	vunpack.i.l.bf16.f32 v15;
	v21 =	vadd.f32 v23, v21;
	v23 =	vmul.bf16 v57, v51  }
0x615: {  	v35 =	vld [tilespmem:s21+$0x5F50];
	v15 =	vmul.bf16 v24, v27;
	v27 =	vmul.bf16 v28, v33;
	v26 =	vadd.f32 v38, v26  }
0x616: {  	v38 =	vunpack.i.u.bf16.f32 v25;
	v25 =	vld [tilespmem:s21+$0x4C30];
	v42 =	vadd.f32 v21, v17;
	v24 =	vunpack.i.l.bf16.f32 v23  }
0x617: {  	v28 =	vunpack.i.u.bf16.f32 v27;
	v21 =	vld [tilespmem:s21+$0x6030];
	v26 =	vadd.f32 v26, v41;
	v24 =	vadd.f32 $0.0e+00, v24  }
0x618: {  	v53 =	vld [tilespmem:s21+$0x4B50];
	v27 =	vunpack.i.l.bf16.f32 v27;
	v36 =	vmul.bf16 v59, v36;
	v23 =	vunpack.i.u.bf16.f32 v23  }
0x619: {  	v33 =	vld [tilespmem:s21+$0x5E60];
	v17 =	vunpack.i.l.bf16.f32 v15;
	v26 =	vadd.f32 v18, v26;
	v24 =	vadd.f32 v24, v23  }
0x61a: {  	v51 =	vld [tilespmem:s21+$0x4BC0];
	v18 =	vmul.bf16 v29, v61;
	v29 =	vmul.bf16 v43, v45;
	v45 =	vunpack.i.u.bf16.f32 v31  }
0x61b: {  	v57 =	vld [tilespmem:s21+$0x4B10];
	v23 =	vadd.f32 v26, v19;
	v19 =	vadd.f32 v27, v24;
	v24 =	vmul.bf16 v46, v47  }
0x61c: {  	v61 =	vld [tilespmem:s21+$0x5F80];
	v47 =	vunpack.i.l.bf16.f32 v31;
	v21 =	vmul.bf16 v21, v25;
	v25 =	vunpack.i.u.bf16.f32 v29  }
0x61d: {  	v27 =	vunpack.i.l.bf16.f32 v29;
	v29 =	vmul.bf16 v56, v55;
	v55 =	vld [tilespmem:s21+$0x4B80];
	v26 =	vunpack.i.l.bf16.f32 v24  }
0x61e: {  	v31 =	vld [tilespmem:s21+$0x5FB0];
	v19 =	vadd.f32 v19, v28;
	v28 =	vunpack.i.l.bf16.f32 v21;
	v26 =	vadd.f32 $0.0e+00, v26  }
0x61f: {  	v59 =	vld [tilespmem:s21+$0x4B40];
	v4 =	vmul.bf16 v4, v51;
	v24 =	vunpack.i.u.bf16.f32 v24;
	v28 =	vadd.f32 $0.0e+00, v28  }
0x620: {  	v41 =	vld [tilespmem:s21+$0x4A60];
	v21 =	vunpack.i.u.bf16.f32 v21;
	v49 =	vadd.f32 v49, v19;
	v19 =	vadd.f32 v26, v24  }
0x621: {  	v43 =	vld [tilespmem:s21+$0x4AA0];
	v24 =	vunpack.i.u.bf16.f32 v29;
	v21 =	vadd.f32 v28, v21;
	v26 =	vunpack.i.l.bf16.f32 v29  }
0x622: {  	v29 =	vld [tilespmem:s21+$0x5F70];
	v55 =	vmul.bf16 v61, v55;
	v28 =	vadd.f32 v49, v50;
	v49 =	vunpack.i.u.bf16.f32 v48  }
0x623: {  	v46 =	vld [tilespmem:s21+$0x5F10];
	v48 =	vunpack.i.l.bf16.f32 v48;
	v50 =	vmul.bf16 v31, v52;
	v27 =	vadd.f32 v27, v21  }
0x624: {  	v56 =	vld [tilespmem:s21+$0x5FF0];
	v21 =	vunpack.i.l.bf16.f32 v62;
	v28 =	vadd.f32 v20, v28;
	v20 =	vunpack.i.u.bf16.f32 v62  }
0x625: {  	v61 =	vld [tilespmem:s21+$0x4B00];
	v62 =	vunpack.i.l.bf16.f32 v50;
	v25 =	vadd.f32 v27, v25;
	v27 =	vunpack.i.u.bf16.f32 v36  }
0x626: {  	v52 =	vld [tilespmem:s21+$0x4BF0];
	v31 =	vadd.f32 v28, v22;
	v28 =	vunpack.i.l.bf16.f32 v36;
	v22 =	vmul.bf16 v35, v53  }
0x627: {  	v36 =	vld [tilespmem:s21+$0x4AD0];
	v54 =	vmul.bf16 v29, v54;
	v29 =	vadd.f32 $0.0e+00, v62;
	v63 =	vadd.f32 v63, v25  }
0x628: {  	v53 =	vld [tilespmem:s21+$0x5F40];
	v35 =	vunpack.i.u.bf16.f32 v50;
	v50 =	vunpack.i.u.bf16.f32 v4;
	v4 =	vunpack.i.l.bf16.f32 v4  }
0x629: {  	v62 =	vunpack.i.l.bf16.f32 v54;
	v35 =	vadd.f32 v29, v35;
	v51 =	vadd.f32 v63, v60;
	v60 =	vld [tilespmem:s21+$0x5E50]  }
0x62a: {  	v25 =	vunpack.i.l.bf16.f32 v22;
	v29 =	vmul.bf16 v33, v41;
	v63 =	vld [tilespmem:s21+$0x4A50];
	v33 =	vadd.f32 $0.0e+00, v62  }
0x62b: {  	v54 =	vunpack.i.u.bf16.f32 v54;
	v4 =	vadd.f32 v4, v35;
	v41 =	vadd.f32 v32, v51;
	v51 =	vld [tilespmem:s21+$0x5F00]  }
0x62c: {  	v62 =	vunpack.i.l.bf16.f32 v55;
	v32 =	vunpack.i.l.bf16.f32 v29;
	v33 =	vadd.f32 v33, v54;
	v54 =	vld [tilespmem:s21+$0x5EC0]  }
0x62d: {  	v4 =	vadd.f32 v4, v50;
	v50 =	vmul.bf16 v56, v52;
	v56 =	vld [tilespmem:s21+$0x4AC0];
	v35 =	vadd.f32 v41, v30  }
0x62e: {  	v52 =	vld [tilespmem:s21+$0x5EF0];
	v30 =	vmul.bf16 v40, v43;
	v43 =	vmul.bf16 v46, v57;
	v33 =	vadd.f32 v62, v33  }
0x62f: {  	v57 =	vld [tilespmem:s21+$0x5F30];
	v41 =	vunpack.i.u.bf16.f32 v55;
	v46 =	vmul.bf16 v58, v36;
	v36 =	vmul.bf16 v53, v59  }
0x630: {  	v55 =	vld [tilespmem:s21+$0x4AF0];
	v4 =	vadd.f32 v47, v4;
	v62 =	vunpack.i.l.bf16.f32 v50;
	v40 =	vunpack.i.u.bf16.f32 v43  }
0x631: {  	v58 =	vld [tilespmem:s21+$0x4B30];
	v33 =	vadd.f32 v33, v41;
	v41 =	vadd.f32 $0.0e+00, v62;
	v62 =	vunpack.i.u.bf16.f32 v50  }
0x632: {  	v47 =	vunpack.i.l.bf16.f32 v43;
	v43 =	vunpack.i.u.bf16.f32 v46;
	v4 =	vadd.f32 v4, v45  }
0x633: {  	v59 =	vld [tilespmem:s21+$0x4AB0];
	v46 =	vunpack.i.l.bf16.f32 v46;
	v50 =	vadd.f32 v48, v33;
	v33 =	vadd.f32 v41, v62  }
0x634: {  	p1 =	sne.s32 s22, $0x4FC0;
	(xrf2) =	vadd.scan.msk.f32 $0xffff, v34;
	v62 =	vld [tilespmem:s21+$0x5EB0];
	v41 =	vunpack.i.l.bf16.f32 v36;
	v56 =	vmul.bf16 v54, v56;
	v4 =	vadd.f32 v39, v4  }
.Ltmp3:
0x635: {  	(xrf2) =	vadd.scan.msk.f32 $0xffff, v42;
	v42 =	vld [tilespmem:s21+$0x5E70];
	v39 =	vmul.bf16 v60, v63;
	v63 =	vmul.bf16 v51, v61;
	v49 =	vadd.f32 v50, v49;
	(pc) =	sbr.rel @p1 .LBB2_8-.Ltmp3, $4  }
0x636: {  	v48 =	vld [tilespmem:s21+$0x5E40];
	v53 =	vmul.bf16 v52, v55;
	v54 =	vmul.bf16 v57, v58;
	v34 =	vunpack.i.u.bf16.f32 v56  }
0x637: {  	v52 =	vld [tilespmem:s21+$0x4A30];
	v37 =	vadd.f32 v4, v37;
	v45 =	vunpack.i.l.bf16.f32 v39;
	v4 =	vadd.f32 v44, v49  }
0x638: {  	v50 =	vld [tilespmem:s21+$0x5E30];
	v51 =	vunpack.i.l.bf16.f32 v63;
	v60 =	vunpack.i.l.bf16.f32 v53;
	v44 =	vunpack.i.u.bf16.f32 v63  }
0x639: {  	s22 =	sadd.s32 $0x1000, s22;
	v49 =	vld [tilespmem:s21+$0x4A40];
	v57 =	vadd.f32 $0.0e+00, v60;
	v55 =	vmul.bf16 v62, v59;
	v38 =	vadd.f32 v4, v38  }
0x63a: {  	v56 =	vunpack.i.l.bf16.f32 v56  }
0x63b: {  	v4 =	vld [tilespmem:s21+$0x4A70];
	v53 =	vunpack.i.u.bf16.f32 v53;
	v58 =	vunpack.i.l.bf16.f32 v54;
	v21 =	vadd.f32 v21, v33  }
0x63c: {  	v16 =	vadd.f32 v16, v19;
	v53 =	vadd.f32 v57, v53;
	v61 =	vunpack.i.l.bf16.f32 v55  }
0x63d: {  	v62 =	vunpack.i.u.bf16.f32 v54;
	v58 =	vadd.f32 $0.0e+00, v58;
	v57 =	vadd.f32 $0.0e+00, v61  }
0x63e: {  	v63 =	vunpack.i.u.bf16.f32 v55;
	v50 =	vmul.bf16 v50, v52;
	v52 =	vld [tilespmem:s21+$0x5E80];
	v51 =	vadd.f32 v51, v53  }
0x63f: {  	v53 =	vld [tilespmem:s21+$0x4A80];
	v54 =	vadd.f32 v58, v62;
	v48 =	vmul.bf16 v48, v49;
	v61 =	vadd.f32 v57, v63  }
0x640: {  	v60 =	vunpack.i.l.bf16.f32 v50;
	v4 =	vmul.bf16 v42, v4;
	v63 =	vadd.f32 v51, v44  }
0x641: {  	v59 =	vunpack.i.u.bf16.f32 v50;
	v55 =	vadd.f32 v41, v54;
	v62 =	vadd.f32 $0.0e+00, v60  }
0x642: {  	v60 =	vld [tilespmem:s21+$0x5E90];
	v49 =	vadd.f32 v56, v61;
	v61 =	vunpack.i.l.bf16.f32 v4;
	v42 =	vadd.f32 v47, v63  }
0x643: {  	v50 =	vunpack.i.l.bf16.f32 v48;
	v44 =	vadd.f32 v62, v59;
	v62 =	vld [tilespmem:s21+$0x4A90];
	v63 =	vadd.f32 $0.0e+00, v61  }
0x644: {  	v4 =	vunpack.i.u.bf16.f32 v4;
	v52 =	vmul.bf16 v52, v53;
	v34 =	vadd.f32 v49, v34  }
0x645: {  	v48 =	vunpack.i.u.bf16.f32 v48;
	v44 =	vadd.f32 v50, v44;
	v4 =	vadd.f32 v63, v4  }
0x646: {  	v40 =	vadd.f32 v42, v40;
	v34 =	vadd.f32 v46, v34;
	v49 =	vunpack.i.l.bf16.f32 v52  }
0x647: {  	v51 =	vunpack.i.u.bf16.f32 v52;
	v42 =	vadd.f32 v44, v48;
	v4 =	vadd.f32 v49, v4  }
0x648: {  	v26 =	vadd.f32 v26, v40;
	v34 =	vadd.f32 v34, v43;
	v50 =	vmul.bf16 v60, v62  }
0x649: {  	v52 =	vunpack.i.u.bf16.f32 v39;
	v42 =	vadd.f32 v45, v42;
	v4 =	vadd.f32 v4, v51  }
0x64a: {  	v24 =	vadd.f32 v26, v24;
	v28 =	vadd.f32 v28, v34;
	v53 =	vunpack.i.l.bf16.f32 v50  }
0x64b: {  	(xrf2) =	vadd.scan.msk.f32 $0xffff, v23;
	v57 =	vunpack.i.u.bf16.f32 v36;
	v26 =	vadd.f32 v42, v52;
	v4 =	vadd.f32 v53, v4  }
0x64c: {  	(xrf2) =	vadd.scan.msk.f32 $0xffff, v31;
	v58 =	vunpack.i.u.bf16.f32 v50;
	v56 =	vadd.f32 v28, v27;
	v27 =	vadd.f32 v55, v57  }
0x64d: {  	v29 =	vunpack.i.u.bf16.f32 v29;
	v10 =	vadd.f32 v10, v13;
	(xrf2) =	vadd.scan.msk.f32 $0xffff, v35;
	v4 =	vadd.f32 v4, v58  }
0x64e: {  	(xrf2) =	vadd.scan.msk.f32 $0xffff, v37;
	v59 =	vunpack.i.l.bf16.f32 v30;
	v26 =	vadd.f32 v32, v26;
	v25 =	vadd.f32 v25, v27  }
0x64f: {  	v22 =	vunpack.i.u.bf16.f32 v22;
	v20 =	vadd.f32 v21, v20;
	(xrf2) =	vadd.scan.msk.f32 $0xffff, v38;
	v4 =	vadd.f32 v59, v4  }
0x650: {  	v60 =	vunpack.i.u.bf16.f32 v30;
	(xrf2) =	vadd.scan.msk.f32 $0xffff, v24;
	v26 =	vadd.f32 v26, v29;
	v22 =	vadd.f32 v25, v22  }
0x651: {  	v17 =	vadd.f32 v17, v20;
	v61 =	vunpack.i.l.bf16.f32 v18;
	(xrf2) =	vadd.scan.msk.f32 $0xffff, v56;
	v4 =	vadd.f32 v4, v60  }
0x652: {  	v15 =	vunpack.i.u.bf16.f32 v15;
	v14 =	vadd.f32 v16, v14;
	v27 =	vld [tilespmem:$0x1FFD0];
	(xrf2) =	vadd.scan.msk.f32 $0xffff, v26;
	v19 =	vadd.f32 v61, v22  }
0x653: {  	v8 =	vadd.f32 v10, v8;
	v15 =	vadd.f32 v17, v15;
	v63 =	vunpack.i.u.bf16.f32 v18;
	v62, _, _ =	vpop (xrf2);
	(xrf2) =	vadd.scan.msk.f32 $0xffff, v4  }
0x654: {  	v23 =	vunpack.i.l.bf16.f32 v12;
	v11 =	vadd.f32 v11, v14;
	v21, _, _ =	vpop (xrf2);
	v22 =	vadd.f32 v19, v63  }
0x655: {  	v9 =	vunpack.i.u.bf16.f32 v9;
	v15 =	vadd.f32 v23, v15;
	v24, _, _ =	vpop (xrf2)  }
0x656: {  	v31 =	vld [tilespmem:s21+$0x4E20];
	v6 =	vadd.f32 v6, v8;
	v9 =	vadd.f32 v11, v9;
	v25, _, _ =	vpop (xrf2);
	v26 =	vunpack.i.u.bf16.f32 v12;
	(xrf2) =	vadd.scan.msk.f32 $0xffff, v22  }
0x657: {  	v30 =	vunpack.i.l.bf16.f32 v5;
	v28 =	vld [tilespmem:s21+$0x6220];
	v7 =	vadd.f32 v27, v7;
	v29, _, _ =	vpop (xrf2);
	v12 =	vadd.f32 v15, v26  }
0x658: {  	v3 =	vunpack.i.u.bf16.f32 v3;
	v2 =	vunpack.i.u.bf16.f32 v2;
	v9 =	vadd.f32 v30, v9;
	v32, _, _ =	vpop (xrf2)  }
0x659: {  	v3 =	vadd.f32 v6, v3;
	v34 =	vunpack.i.u.bf16.f32 v5;
	v33, _, _ =	vpop (xrf2);
	v2 =	vadd.f32 v7, v2;
	(xrf2) =	vadd.scan.msk.f32 $0xffff, v12  }
0x65a: {  	v37 =	vunpack.i.l.bf16.f32 v1;
	v36 =	vunpack.i.l.bf16.f32 v0;
	v5 =	vadd.f32 v9, v34;
	v35, _, _ =	vpop (xrf2)  }
0x65b: {  	v3 =	vadd.f32 v36, v3;
	v2 =	vadd.f32 v37, v2;
	v38, _, _ =	vpop (xrf2)  }
0x65c: {  	v41 =	vunpack.i.u.bf16.f32 v1;
	v40 =	vunpack.i.u.bf16.f32 v0;
	v8 =	vmul.bf16 v28, v31;
	(xrf2) =	vadd.scan.msk.f32 $0xffff, v5;
	v39, _, _ =	vpop (xrf2)  }
0x65d: {  	v0 =	vadd.f32 v3, v40;
	v1 =	vadd.f32 v2, v41;
	v42, _, _ =	vpop (xrf2)  }
0x65e: {  	v44 =	vunpack.i.l.bf16.f32 v8;
	v43 =	vbroadcast v39, $0xF;
	v2 =	vbroadcast v42, $0xF  }
0x65f: {  	v45 =	vbroadcast v38, $0xF;
	v1 =	vadd.f32 v44, v1;
	(xrf2) =	vadd.scan.msk.f32 $0xffff, v0  }
0x660: {  	v48 =	vunpack.i.u.bf16.f32 v8;
	v47 =	vbroadcast v35, $0xF;
	v49, _, _ =	vpop (xrf2);
	v46 =	vsel vm0, v43, v2  }
0x661: {  	v1 =	vadd.f32 v1, v48;
	v5 =	vbroadcast v49, $0xF;
	v0 =	vsel vm1, v46, v45  }
0x662: {  	v50 =	vbroadcast v33, $0xF;
	v0 =	vsel vm2, v0, v47  }
0x663: {  	v51 =	vbroadcast v32, $0xF;
	(xrf2) =	vadd.scan.msk.f32 $0xffff, v1;
	v52, _, _ =	vpop (xrf2);
	v0 =	vsel vm3, v0, v5  }
0x664: {  	v53 =	vbroadcast v52, $0xF;
	v0 =	vsel vm4, v0, v50  }
0x665: {  	v54 =	vbroadcast v29, $0xF;
	v0 =	vsel vm5, v0, v51  }
0x666: {  	v55 =	vbroadcast v25, $0xF;
	v56, _, _ =	vpop (xrf2);
	v0 =	vsel vm6, v0, v53  }
0x667: {  	v57 =	vbroadcast v56, $0xF;
	v0 =	vsel vm7, v0, v54  }
0x668: {  	v58 =	vbroadcast v24, $0xF;
	v0 =	vsel vm8, v0, v55  }
0x669: {  	v59 =	vbroadcast v21, $0xF;
	v60, _, _ =	vpop (xrf2);
	v0 =	vsel vm9, v0, v57  }
0x66a: {  	v61 =	vbroadcast v60, $0xF;
	v0 =	vsel vm10, v0, v58  }
0x66b: {  	v62 =	vbroadcast v62, $0xF;
	v0 =	vsel vm11, v0, v59  }
0x66c: {  	v0 =	vsel vm12, v0, v61  }
0x66d: {  	s19 =	sadd.s32 $0x1, s19;
	v63, _, _ =	vpop (xrf2);
	v0 =	vsel vm13, v0, v62  }
0x66e: {  	s20 =	sadd.s32 $0x10, s20;
	p1 =	sne.s32 s19, s7;
	v0 =	vsel vm14, v0, v63  }
.Ltmp4:
0x66f: {  	[tilespmem:s20+$0x0] =	vst v0;
	(pc) =	sbr.rel @p1 .LBB2_1-.Ltmp4, $4  }
0x670: {  	[hbm4b:s6+s2] =	stream.linear.scatter [tilespmem:s18], [sflag:$0x3], $0x2710, $0x38;
	[tilespmem:$0x16170] =	vst v63  }
0x671: {  	_ =	swait.ge [sflag:s9], $0x2710  }
0x672: {  	[sflag:s9] =	ssyncset.done $0x0  }
0x673: {  	[sflag:s9] =	ssyncadd.s32 $0xFFFFD8F0  }
0x674: {  	_ =	sfence.sel $0x180000  }
0x675: {  	[bflag:$0x0] =	sbarrier.arrive $0xFFFF  }
0x676: {  	_ =	strace $0x90000047  }
0x677: {  	s0 =	sadd.s32 @!p0 $0x100000, s0;
	[bflag:$0x2] =	sbarrier.arrive $0xFFFF  }
0x678: {  	[sflag:s0] =	ssyncadd.tile.s32 @!p0 $0x1;
	_ =	shalt  }
.Lfunc_end2:
_tile_overlayer_lowered:
.L_overlay_start_2:
0x679: {  	(tag) =	ssettag $0x2  }
0x67a: {  	s0 =	rddreg [dreg:$0x0];
	s2 =	stileid.u32  }
0x67b: {  	s1 =	rddreg [dreg:$0x1];
	p0 =	sne.s32 s2, $0x0  }
0x67c: {  	s3 =	rddreg [dreg:$0x2];
	[bflag:$0x3] =	sbarrier.arrive $0xFFFF;
	s2 =	simm.s32 @!p0 $0x1C03  }
0x67d: {  	[timem:s3], [sflag:s2] =	dma.local @!p0 [hbm:s0], s1  }
0x67e: {  	s0 =	simm.s32 @!p0 $0x3  }
0x67f: {  	_ =	swait.ge @!p0 [sflag:s0], s1  }
0x680: {  	s1 =	ssub.s32 @!p0 $0x0, s1;
	[sflag:s0] =	ssyncset.done @!p0 $0x0  }
0x681: {  	[sflag:s0] =	ssyncadd.s32 @!p0 s1  }
0x682: {  	[bflag:$0x3] =	sbarrier.arrive $0xFFFF  }
0x683: {  	_ =	shalt  }

</sc_bundles>
